<compile_context>
chip_gen: v7x
topology: tpu7x:2x2x1
jax: 0.10.2.dev20260603
libtpu: 0.0.44.dev20260713+nightly
codegen_flags: <defaults>
</compile_context>

<pallas_src>
import functools

import jax
import jax.numpy as jnp
from jax import lax
from jax.experimental import pallas as pl
from jax.experimental.pallas import tpu as pltpu
from jax.experimental.pallas import tpu_sc as plsc

_NUM_BINS = 64
_LANES = 16
_NUM_CORES = 2
_NUM_SUBCORES = 16
_NUM_WORKERS = _NUM_CORES * _NUM_SUBCORES
_CHUNK = 20000
_UNROLL = 10


def _sc_histograms(y_pred_flat, y_true_flat):
    n = y_pred_flat.shape[0]
    per_worker = n // _NUM_WORKERS
    n_chunks = per_worker // _CHUNK
    tab_half = _LANES * _NUM_BINS

    mesh = plsc.VectorSubcoreMesh(core_axis_name="c", subcore_axis_name="s")

    @functools.partial(
        pl.kernel,
        mesh=mesh,
        compiler_params=pltpu.CompilerParams(needs_layout_passes=False),
        out_type=jax.ShapeDtypeStruct(
            (_NUM_WORKERS * 2 * tab_half,), jnp.float32),
        scratch_types=[
            pltpu.VMEM((_CHUNK,), jnp.float32),
            pltpu.VMEM((_CHUNK,), jnp.float32),
            pltpu.VMEM((_CHUNK,), jnp.float32),
            pltpu.VMEM((_CHUNK,), jnp.float32),
            pltpu.VMEM((tab_half,), jnp.float32),
            pltpu.VMEM((tab_half,), jnp.float32),
            pltpu.SemaphoreType.DMA,
            pltpu.SemaphoreType.DMA,
        ],
    )
    def hist_kernel(yp_hbm, yt_hbm, out_hbm, yp0, yp1, yt0, yt1, tab_s,
                    tab_c, sem0, sem1):
        wid = lax.axis_index("s") * _NUM_CORES + lax.axis_index("c")
        base = wid * per_worker
        zeros = jnp.zeros((_LANES,), jnp.float32)
        ones = jnp.ones((_LANES,), jnp.float32)
        lane_iota = lax.broadcasted_iota(jnp.int32, (_LANES,), 0)

        def zero_body(i, c):
            tab_s[pl.ds(i * _LANES, _LANES)] = zeros
            tab_c[pl.ds(i * _LANES, _LANES)] = zeros
            return c

        lax.fori_loop(0, tab_half // _LANES, zero_body, 0)

        bufs = ((yp0, yt0, sem0), (yp1, yt1, sem1))

        def start(g):
            bp, bt, sem = bufs[g % 2]
            src = pl.ds(base + g * _CHUNK, _CHUNK)
            return (pltpu.async_copy(yp_hbm.at[src], bp, sem),
                    pltpu.async_copy(yt_hbm.at[src], bt, sem))

        def process(g):
            bp, bt, _ = bufs[g % 2]

            def body(off):
                t = bt[pl.ds(off, _LANES)]
                p = bp[pl.ds(off, _LANES)]
                a = jnp.abs(t)
                idx = (a.astype(jnp.int32) << 4) + lane_iota
                diff = p - t
                plsc.addupdate_scatter(tab_s, [idx], diff * diff)
                plsc.addupdate_scatter(tab_c, [idx], ones)

            plsc.parallel_loop(0, _CHUNK, _LANES, unroll=_UNROLL)(body)

        pending = start(0)
        for g in range(n_chunks):
            nxt = start(g + 1) if g + 1 < n_chunks else None
            pending[0].wait()
            pending[1].wait()
            process(g)
            pending = nxt

        pltpu.sync_copy(tab_s, out_hbm.at[pl.ds(wid * 2 * tab_half, tab_half)])
        pltpu.sync_copy(tab_c, out_hbm.at[pl.ds(wid * 2 * tab_half + tab_half,
                                                tab_half)])

    return hist_kernel(y_pred_flat, y_true_flat)


def _combine(partials):
    def body(x_ref, o_ref):
        x = x_ref[...]
        y = jnp.sum(x, axis=(1, 4))
        s = y[:, 0, :]
        c = y[:, 1, :]
        mask = c > 0.0
        loss = jnp.sum(jnp.where(mask, s / jnp.where(mask, c, 1.0), 0.0))
        sumw = jnp.sum(jnp.where(mask, 1.0, 0.0))
        o_ref[...] = jnp.sqrt(loss / sumw).reshape(1, 1)

    return pl.pallas_call(
        body,
        out_shape=jax.ShapeDtypeStruct((1, 1), jnp.float32),
    )(partials)


def kernel(y_pred, y_true):
    num_samples = y_pred.shape[0]
    yp = y_pred.reshape(-1)
    yt = y_true.reshape(-1)
    partials = _sc_histograms(yp, yt)
    partials = partials.reshape(
        num_samples, _NUM_WORKERS // num_samples, 2, _NUM_BINS, _LANES)
    return _combine(partials)[0, 0]

# --- scband reference (transcript-rebuilt; emitter-appended) ---
"""Pipeline reference for scband-decade-weighted-loss-60421599920187 (READ-ONLY COPY).

The authoritative reference and input builder live on the scoring server;
editing this copy changes nothing except your own understanding.
"""

import jax, jax.numpy as jnp
import numpy as np

_NUM_DECADES = 64  # upper bound on floor(|y_true|) for randn-scale inputs (safe margin)


def setup_inputs(seed: int = 0) -> dict:
    key = jax.random.key(seed)
    k1, k2 = jax.random.split(key)
    y_pred = jax.random.normal(k1, (8, 2000000, 1), dtype=jnp.float32)
    y_true = jax.random.normal(k2, (8, 2000000, 1), dtype=jnp.float32)
    return {"y_pred": y_pred, "y_true": y_true}


def _sample_weights(abs_true_i):
    # abs_true_i: [N, 1]. Equivalent to torch unique+counts+searchsorted:
    # weight of each element = 1 / (count of elements in the same decade bin).
    decade_idx = jnp.floor(abs_true_i).astype(jnp.int32).reshape(-1)
    counts = jnp.bincount(decade_idx, length=_NUM_DECADES)
    w = 1.0 / counts[decade_idx].astype(jnp.float32)
    return w.reshape(abs_true_i.shape)


def reference(y_pred, y_true):
    eps = jnp.finfo(y_true.dtype).eps
    abs_true = jnp.maximum(jnp.abs(y_true), eps)
    abs_diff = jnp.abs(y_pred - y_true)
    # base_loss == 'L2' -> squared error per element
    loss_per_sample = jnp.square(abs_diff)
    # torch code builds weights = ones_like(y_true) then overwrites weights[i, :, -1];
    # since the last dim is 1, the entire weight tensor is the decade weights.
    weights = jax.vmap(_sample_weights)(abs_true)
    weighted_loss = jnp.sum(loss_per_sample * weights) / jnp.sum(weights)
    return jnp.sqrt(weighted_loss)

if __name__ == "__main__":
    import jax
    _d = setup_inputs()
    print(jax.jit(kernel)(*tuple(_d.values())))

</pallas_src>

<mosaic_0001>
#map = affine_map<(d0, d1) -> (0)>
module attributes {stable_mosaic.version = 14 : i64} {
  func.func @hist_kernel(%arg0: i32, %arg1: i32, %arg2: memref<16000000xf32, #tpu.memory_space<hbm>>, %arg3: memref<16000000xf32, #tpu.memory_space<hbm>>, %arg4: memref<65536xf32, #tpu.memory_space<hbm>>, %arg5: memref<20000xf32, #tpu.memory_space<vmem>>, %arg6: memref<20000xf32, #tpu.memory_space<vmem>>, %arg7: memref<20000xf32, #tpu.memory_space<vmem>>, %arg8: memref<20000xf32, #tpu.memory_space<vmem>>, %arg9: memref<1024xf32, #tpu.memory_space<vmem>>, %arg10: memref<1024xf32, #tpu.memory_space<vmem>>, %arg11: memref<!tpu.dma_semaphore, #tpu.memory_space<semaphore_mem>>, %arg12: memref<!tpu.dma_semaphore, #tpu.memory_space<semaphore_mem>>) attributes {dimension_semantics = [#tpu.dimension_semantics<core_parallel>, #tpu.dimension_semantics<subcore_parallel>], iteration_bounds = array<i64: 2, 16>, scalar_prefetch = 0 : i64, scratch_operands = 8 : i64, tpu.core_type = #tpu.core_type<sc_vector_subcore>, window_params = [{transform_indices = #map}, {transform_indices = #map}, {transform_indices = #map}]} {
    %mul3A = arith.constant 2 : i32
    %mul3A_0 = arith.muli %arg1, %mul3A : i32
    %add3A = arith.addi %mul3A_0, %arg0 : i32
    %mul3A_1 = arith.constant 500000 : i32
    %mul3A_2 = arith.muli %add3A, %mul3A_1 : i32
    %broadcast_in_dim3A = arith.constant 0.000000e+00 : f32
    %broadcast_in_dim3A_3 = vector.broadcast %broadcast_in_dim3A : f32 to vector<16xf32>
    %broadcast_in_dim3A_4 = arith.constant 1.000000e+00 : f32
    %broadcast_in_dim3A_5 = vector.broadcast %broadcast_in_dim3A_4 : f32 to vector<16xf32>
    %iota3A = tpu.iota {dimensions = array<i32: 0>} : vector<16xi32>
    %scan3A = arith.constant 0 : i32
    %scan3A_6 = arith.constant 0 : i32
    %scan3A_7 = arith.constant 64 : i32
    %scan3A_8 = arith.addi %scan3A_6, %scan3A_7 : i32
    %scan3A_9 = arith.constant 1 : i32
    scf.for %scan3A_343 = %scan3A_6 to %scan3A_8 step %scan3A_9  : i32 {
      %mul3A_344 = arith.constant 16 : i32
      %mul3A_345 = arith.muli %scan3A_343, %mul3A_344 : i32
      %swap3A = arith.index_cast %mul3A_345 : i32 to index
      %swap3A_346 = tpu.vector_load %arg9[%swap3A] {strides = array<i32>} : memref<1024xf32, #tpu.memory_space<vmem>>, vector<16xf32>,
      tpu.vector_store %arg9[%swap3A], %broadcast_in_dim3A_3 {strides = array<i32>} : memref<1024xf32, #tpu.memory_space<vmem>>, vector<16xf32>,
      %mul3A_347 = arith.constant 16 : i32
      %mul3A_348 = arith.muli %scan3A_343, %mul3A_347 : i32
      %swap3A_349 = arith.index_cast %mul3A_348 : i32 to index
      %swap3A_350 = tpu.vector_load %arg10[%swap3A_349] {strides = array<i32>} : memref<1024xf32, #tpu.memory_space<vmem>>, vector<16xf32>,
      tpu.vector_store %arg10[%swap3A_349], %broadcast_in_dim3A_3 {strides = array<i32>} : memref<1024xf32, #tpu.memory_space<vmem>>, vector<16xf32>,
    }
    %scan3A_10 = arith.constant 64 : i32
    %add3A_11 = arith.constant 0 : i32
    %add3A_12 = arith.addi %mul3A_2, %add3A_11 : i32
    %dma_start3A = tpu.memref_slice %arg2[%add3A_12] : memref<16000000xf32, #tpu.memory_space<hbm>> -> memref<20000xf32, #tpu.memory_space<hbm>>
    %dma_start3A_13 = tpu.memref_slice %arg2[%add3A_12] : memref<16000000xf32, #tpu.memory_space<hbm>> -> memref<20000xf32, #tpu.memory_space<hbm>>
    tpu.enqueue_dma source(%dma_start3A_13 : memref<20000xf32, #tpu.memory_space<hbm>>) target(%arg5 : memref<20000xf32, #tpu.memory_space<vmem>>) target_semaphore(%arg11 : memref<!tpu.dma_semaphore, #tpu.memory_space<semaphore_mem>>)
    %dma_start3A_14 = tpu.memref_slice %arg3[%add3A_12] : memref<16000000xf32, #tpu.memory_space<hbm>> -> memref<20000xf32, #tpu.memory_space<hbm>>
    %dma_start3A_15 = tpu.memref_slice %arg3[%add3A_12] : memref<16000000xf32, #tpu.memory_space<hbm>> -> memref<20000xf32, #tpu.memory_space<hbm>>
    tpu.enqueue_dma source(%dma_start3A_15 : memref<20000xf32, #tpu.memory_space<hbm>>) target(%arg7 : memref<20000xf32, #tpu.memory_space<vmem>>) target_semaphore(%arg11 : memref<!tpu.dma_semaphore, #tpu.memory_space<semaphore_mem>>)
    %add3A_16 = arith.constant 20000 : i32
    %add3A_17 = arith.addi %mul3A_2, %add3A_16 : i32
    %dma_start3A_18 = tpu.memref_slice %arg2[%add3A_17] : memref<16000000xf32, #tpu.memory_space<hbm>> -> memref<20000xf32, #tpu.memory_space<hbm>>
    %dma_start3A_19 = tpu.memref_slice %arg2[%add3A_17] : memref<16000000xf32, #tpu.memory_space<hbm>> -> memref<20000xf32, #tpu.memory_space<hbm>>
    tpu.enqueue_dma source(%dma_start3A_19 : memref<20000xf32, #tpu.memory_space<hbm>>) target(%arg6 : memref<20000xf32, #tpu.memory_space<vmem>>) target_semaphore(%arg12 : memref<!tpu.dma_semaphore, #tpu.memory_space<semaphore_mem>>)
    %dma_start3A_20 = tpu.memref_slice %arg3[%add3A_17] : memref<16000000xf32, #tpu.memory_space<hbm>> -> memref<20000xf32, #tpu.memory_space<hbm>>
    %dma_start3A_21 = tpu.memref_slice %arg3[%add3A_17] : memref<16000000xf32, #tpu.memory_space<hbm>> -> memref<20000xf32, #tpu.memory_space<hbm>>
    tpu.enqueue_dma source(%dma_start3A_21 : memref<20000xf32, #tpu.memory_space<hbm>>) target(%arg8 : memref<20000xf32, #tpu.memory_space<vmem>>) target_semaphore(%arg12 : memref<!tpu.dma_semaphore, #tpu.memory_space<semaphore_mem>>)
    %dma_wait3A = tpu.memref_slice %arg2[%add3A_12] : memref<16000000xf32, #tpu.memory_space<hbm>> -> memref<20000xf32, #tpu.memory_space<hbm>>
    %dma_wait3A_22 = tpu.memref_slice %arg2[%add3A_12] : memref<16000000xf32, #tpu.memory_space<hbm>> -> memref<20000xf32, #tpu.memory_space<hbm>>
    tpu.wait_dma2 semaphore(%arg11 : memref<!tpu.dma_semaphore, #tpu.memory_space<semaphore_mem>>) src(%dma_wait3A_22 : memref<20000xf32, #tpu.memory_space<hbm>>) dst(%arg5 : memref<20000xf32, #tpu.memory_space<vmem>>)
    %dma_wait3A_23 = tpu.memref_slice %arg3[%add3A_12] : memref<16000000xf32, #tpu.memory_space<hbm>> -> memref<20000xf32, #tpu.memory_space<hbm>>
    %dma_wait3A_24 = tpu.memref_slice %arg3[%add3A_12] : memref<16000000xf32, #tpu.memory_space<hbm>> -> memref<20000xf32, #tpu.memory_space<hbm>>
    tpu.wait_dma2 semaphore(%arg11 : memref<!tpu.dma_semaphore, #tpu.memory_space<semaphore_mem>>) src(%dma_wait3A_24 : memref<20000xf32, #tpu.memory_space<hbm>>) dst(%arg7 : memref<20000xf32, #tpu.memory_space<vmem>>)
    %parallel_loop3A = arith.constant 0 : i32
    %parallel_loop3A_25 = arith.constant 20000 : i32
    %parallel_loop3A_26 = arith.constant 16 : i32
    scf.for %parallel_loop3A_343 = %parallel_loop3A to %parallel_loop3A_25 step %parallel_loop3A_26  : i32 {
      %parallel_loop3A_344 = arith.index_cast %parallel_loop3A_343 : i32 to index
      %parallel_loop3A_345 = tpu.vector_load %arg7[%parallel_loop3A_344] {strides = array<i32>} : memref<20000xf32, #tpu.memory_space<vmem>>, vector<16xf32>,
      %parallel_loop3A_346 = arith.index_cast %parallel_loop3A_343 : i32 to index
      %parallel_loop3A_347 = tpu.vector_load %arg5[%parallel_loop3A_346] {strides = array<i32>} : memref<20000xf32, #tpu.memory_space<vmem>>, vector<16xf32>,
      %parallel_loop3A_348 = math.absf %parallel_loop3A_345 : vector<16xf32>
      %parallel_loop3A_349 = arith.fptosi %parallel_loop3A_348 : vector<16xf32> to vector<16xi32>
      %parallel_loop3A_350 = arith.constant 4 : i32
      %parallel_loop3A_351 = vector.broadcast %parallel_loop3A_350 : i32 to vector<16xi32>
      %parallel_loop3A_352 = arith.shli %parallel_loop3A_349, %parallel_loop3A_351 : vector<16xi32>
      %parallel_loop3A_353 = arith.addi %parallel_loop3A_352, %iota3A : vector<16xi32>
      %parallel_loop3A_354 = arith.subf %parallel_loop3A_347, %parallel_loop3A_345 : vector<16xf32>
      %parallel_loop3A_355 = arith.mulf %parallel_loop3A_354, %parallel_loop3A_354 : vector<16xf32>
      tpu.vector_store_idx %arg9[%parallel_loop3A_353], %parallel_loop3A_355 {add = true} : memref<1024xf32, #tpu.memory_space<vmem>>[vector<16xi32>], vector<16xf32>,
      tpu.vector_store_idx %arg10[%parallel_loop3A_353], %broadcast_in_dim3A_5 {add = true} : memref<1024xf32, #tpu.memory_space<vmem>>[vector<16xi32>], vector<16xf32>,
    } {sc.loop_unroll_factor = 10 : i64, sc.parallel_access}
    %add3A_27 = arith.constant 40000 : i32
    %add3A_28 = arith.addi %mul3A_2, %add3A_27 : i32
    %dma_start3A_29 = tpu.memref_slice %arg2[%add3A_28] : memref<16000000xf32, #tpu.memory_space<hbm>> -> memref<20000xf32, #tpu.memory_space<hbm>>
    %dma_start3A_30 = tpu.memref_slice %arg2[%add3A_28] : memref<16000000xf32, #tpu.memory_space<hbm>> -> memref<20000xf32, #tpu.memory_space<hbm>>
    tpu.enqueue_dma source(%dma_start3A_30 : memref<20000xf32, #tpu.memory_space<hbm>>) target(%arg5 : memref<20000xf32, #tpu.memory_space<vmem>>) target_semaphore(%arg11 : memref<!tpu.dma_semaphore, #tpu.memory_space<semaphore_mem>>)
    %dma_start3A_31 = tpu.memref_slice %arg3[%add3A_28] : memref<16000000xf32, #tpu.memory_space<hbm>> -> memref<20000xf32, #tpu.memory_space<hbm>>
    %dma_start3A_32 = tpu.memref_slice %arg3[%add3A_28] : memref<16000000xf32, #tpu.memory_space<hbm>> -> memref<20000xf32, #tpu.memory_space<hbm>>
    tpu.enqueue_dma source(%dma_start3A_32 : memref<20000xf32, #tpu.memory_space<hbm>>) target(%arg7 : memref<20000xf32, #tpu.memory_space<vmem>>) target_semaphore(%arg11 : memref<!tpu.dma_semaphore, #tpu.memory_space<semaphore_mem>>)
    %dma_wait3A_33 = tpu.memref_slice %arg2[%add3A_17] : memref<16000000xf32, #tpu.memory_space<hbm>> -> memref<20000xf32, #tpu.memory_space<hbm>>
    %dma_wait3A_34 = tpu.memref_slice %arg2[%add3A_17] : memref<16000000xf32, #tpu.memory_space<hbm>> -> memref<20000xf32, #tpu.memory_space<hbm>>
    tpu.wait_dma2 semaphore(%arg12 : memref<!tpu.dma_semaphore, #tpu.memory_space<semaphore_mem>>) src(%dma_wait3A_34 : memref<20000xf32, #tpu.memory_space<hbm>>) dst(%arg6 : memref<20000xf32, #tpu.memory_space<vmem>>)
    %dma_wait3A_35 = tpu.memref_slice %arg3[%add3A_17] : memref<16000000xf32, #tpu.memory_space<hbm>> -> memref<20000xf32, #tpu.memory_space<hbm>>
    %dma_wait3A_36 = tpu.memref_slice %arg3[%add3A_17] : memref<16000000xf32, #tpu.memory_space<hbm>> -> memref<20000xf32, #tpu.memory_space<hbm>>
    tpu.wait_dma2 semaphore(%arg12 : memref<!tpu.dma_semaphore, #tpu.memory_space<semaphore_mem>>) src(%dma_wait3A_36 : memref<20000xf32, #tpu.memory_space<hbm>>) dst(%arg8 : memref<20000xf32, #tpu.memory_space<vmem>>)
    %parallel_loop3A_37 = arith.constant 0 : i32
    %parallel_loop3A_38 = arith.constant 20000 : i32
    %parallel_loop3A_39 = arith.constant 16 : i32
    scf.for %parallel_loop3A_343 = %parallel_loop3A_37 to %parallel_loop3A_38 step %parallel_loop3A_39  : i32 {
      %parallel_loop3A_344 = arith.index_cast %parallel_loop3A_343 : i32 to index
      %parallel_loop3A_345 = tpu.vector_load %arg8[%parallel_loop3A_344] {strides = array<i32>} : memref<20000xf32, #tpu.memory_space<vmem>>, vector<16xf32>,
      %parallel_loop3A_346 = arith.index_cast %parallel_loop3A_343 : i32 to index
      %parallel_loop3A_347 = tpu.vector_load %arg6[%parallel_loop3A_346] {strides = array<i32>} : memref<20000xf32, #tpu.memory_space<vmem>>, vector<16xf32>,
      %parallel_loop3A_348 = math.absf %parallel_loop3A_345 : vector<16xf32>
      %parallel_loop3A_349 = arith.fptosi %parallel_loop3A_348 : vector<16xf32> to vector<16xi32>
      %parallel_loop3A_350 = arith.constant 4 : i32
      %parallel_loop3A_351 = vector.broadcast %parallel_loop3A_350 : i32 to vector<16xi32>
      %parallel_loop3A_352 = arith.shli %parallel_loop3A_349, %parallel_loop3A_351 : vector<16xi32>
      %parallel_loop3A_353 = arith.addi %parallel_loop3A_352, %iota3A : vector<16xi32>
      %parallel_loop3A_354 = arith.subf %parallel_loop3A_347, %parallel_loop3A_345 : vector<16xf32>
      %parallel_loop3A_355 = arith.mulf %parallel_loop3A_354, %parallel_loop3A_354 : vector<16xf32>
      tpu.vector_store_idx %arg9[%parallel_loop3A_353], %parallel_loop3A_355 {add = true} : memref<1024xf32, #tpu.memory_space<vmem>>[vector<16xi32>], vector<16xf32>,
      tpu.vector_store_idx %arg10[%parallel_loop3A_353], %broadcast_in_dim3A_5 {add = true} : memref<1024xf32, #tpu.memory_space<vmem>>[vector<16xi32>], vector<16xf32>,
    } {sc.loop_unroll_factor = 10 : i64, sc.parallel_access}
    %add3A_40 = arith.constant 60000 : i32
    %add3A_41 = arith.addi %mul3A_2, %add3A_40 : i32
    %dma_start3A_42 = tpu.memref_slice %arg2[%add3A_41] : memref<16000000xf32, #tpu.memory_space<hbm>> -> memref<20000xf32, #tpu.memory_space<hbm>>
    %dma_start3A_43 = tpu.memref_slice %arg2[%add3A_41] : memref<16000000xf32, #tpu.memory_space<hbm>> -> memref<20000xf32, #tpu.memory_space<hbm>>
    tpu.enqueue_dma source(%dma_start3A_43 : memref<20000xf32, #tpu.memory_space<hbm>>) target(%arg6 : memref<20000xf32, #tpu.memory_space<vmem>>) target_semaphore(%arg12 : memref<!tpu.dma_semaphore, #tpu.memory_space<semaphore_mem>>)
    %dma_start3A_44 = tpu.memref_slice %arg3[%add3A_41] : memref<16000000xf32, #tpu.memory_space<hbm>> -> memref<20000xf32, #tpu.memory_space<hbm>>
    %dma_start3A_45 = tpu.memref_slice %arg3[%add3A_41] : memref<16000000xf32, #tpu.memory_space<hbm>> -> memref<20000xf32, #tpu.memory_space<hbm>>
    tpu.enqueue_dma source(%dma_start3A_45 : memref<20000xf32, #tpu.memory_space<hbm>>) target(%arg8 : memref<20000xf32, #tpu.memory_space<vmem>>) target_semaphore(%arg12 : memref<!tpu.dma_semaphore, #tpu.memory_space<semaphore_mem>>)
    %dma_wait3A_46 = tpu.memref_slice %arg2[%add3A_28] : memref<16000000xf32, #tpu.memory_space<hbm>> -> memref<20000xf32, #tpu.memory_space<hbm>>
    %dma_wait3A_47 = tpu.memref_slice %arg2[%add3A_28] : memref<16000000xf32, #tpu.memory_space<hbm>> -> memref<20000xf32, #tpu.memory_space<hbm>>
    tpu.wait_dma2 semaphore(%arg11 : memref<!tpu.dma_semaphore, #tpu.memory_space<semaphore_mem>>) src(%dma_wait3A_47 : memref<20000xf32, #tpu.memory_space<hbm>>) dst(%arg5 : memref<20000xf32, #tpu.memory_space<vmem>>)
    %dma_wait3A_48 = tpu.memref_slice %arg3[%add3A_28] : memref<16000000xf32, #tpu.memory_space<hbm>> -> memref<20000xf32, #tpu.memory_space<hbm>>
    %dma_wait3A_49 = tpu.memref_slice %arg3[%add3A_28] : memref<16000000xf32, #tpu.memory_space<hbm>> -> memref<20000xf32, #tpu.memory_space<hbm>>
    tpu.wait_dma2 semaphore(%arg11 : memref<!tpu.dma_semaphore, #tpu.memory_space<semaphore_mem>>) src(%dma_wait3A_49 : memref<20000xf32, #tpu.memory_space<hbm>>) dst(%arg7 : memref<20000xf32, #tpu.memory_space<vmem>>)
    %parallel_loop3A_50 = arith.constant 0 : i32
    %parallel_loop3A_51 = arith.constant 20000 : i32
    %parallel_loop3A_52 = arith.constant 16 : i32
    scf.for %parallel_loop3A_343 = %parallel_loop3A_50 to %parallel_loop3A_51 step %parallel_loop3A_52  : i32 {
      %parallel_loop3A_344 = arith.index_cast %parallel_loop3A_343 : i32 to index
      %parallel_loop3A_345 = tpu.vector_load %arg7[%parallel_loop3A_344] {strides = array<i32>} : memref<20000xf32, #tpu.memory_space<vmem>>, vector<16xf32>,
      %parallel_loop3A_346 = arith.index_cast %parallel_loop3A_343 : i32 to index
      %parallel_loop3A_347 = tpu.vector_load %arg5[%parallel_loop3A_346] {strides = array<i32>} : memref<20000xf32, #tpu.memory_space<vmem>>, vector<16xf32>,
      %parallel_loop3A_348 = math.absf %parallel_loop3A_345 : vector<16xf32>
      %parallel_loop3A_349 = arith.fptosi %parallel_loop3A_348 : vector<16xf32> to vector<16xi32>
      %parallel_loop3A_350 = arith.constant 4 : i32
      %parallel_loop3A_351 = vector.broadcast %parallel_loop3A_350 : i32 to vector<16xi32>
      %parallel_loop3A_352 = arith.shli %parallel_loop3A_349, %parallel_loop3A_351 : vector<16xi32>
      %parallel_loop3A_353 = arith.addi %parallel_loop3A_352, %iota3A : vector<16xi32>
      %parallel_loop3A_354 = arith.subf %parallel_loop3A_347, %parallel_loop3A_345 : vector<16xf32>
      %parallel_loop3A_355 = arith.mulf %parallel_loop3A_354, %parallel_loop3A_354 : vector<16xf32>
      tpu.vector_store_idx %arg9[%parallel_loop3A_353], %parallel_loop3A_355 {add = true} : memref<1024xf32, #tpu.memory_space<vmem>>[vector<16xi32>], vector<16xf32>,
      tpu.vector_store_idx %arg10[%parallel_loop3A_353], %broadcast_in_dim3A_5 {add = true} : memref<1024xf32, #tpu.memory_space<vmem>>[vector<16xi32>], vector<16xf32>,
    } {sc.loop_unroll_factor = 10 : i64, sc.parallel_access}
    %add3A_53 = arith.constant 80000 : i32
    %add3A_54 = arith.addi %mul3A_2, %add3A_53 : i32
    %dma_start3A_55 = tpu.memref_slice %arg2[%add3A_54] : memref<16000000xf32, #tpu.memory_space<hbm>> -> memref<20000xf32, #tpu.memory_space<hbm>>
    %dma_start3A_56 = tpu.memref_slice %arg2[%add3A_54] : memref<16000000xf32, #tpu.memory_space<hbm>> -> memref<20000xf32, #tpu.memory_space<hbm>>
    tpu.enqueue_dma source(%dma_start3A_56 : memref<20000xf32, #tpu.memory_space<hbm>>) target(%arg5 : memref<20000xf32, #tpu.memory_space<vmem>>) target_semaphore(%arg11 : memref<!tpu.dma_semaphore, #tpu.memory_space<semaphore_mem>>)
    %dma_start3A_57 = tpu.memref_slice %arg3[%add3A_54] : memref<16000000xf32, #tpu.memory_space<hbm>> -> memref<20000xf32, #tpu.memory_space<hbm>>
    %dma_start3A_58 = tpu.memref_slice %arg3[%add3A_54] : memref<16000000xf32, #tpu.memory_space<hbm>> -> memref<20000xf32, #tpu.memory_space<hbm>>
    tpu.enqueue_dma source(%dma_start3A_58 : memref<20000xf32, #tpu.memory_space<hbm>>) target(%arg7 : memref<20000xf32, #tpu.memory_space<vmem>>) target_semaphore(%arg11 : memref<!tpu.dma_semaphore, #tpu.memory_space<semaphore_mem>>)
    %dma_wait3A_59 = tpu.memref_slice %arg2[%add3A_41] : memref<16000000xf32, #tpu.memory_space<hbm>> -> memref<20000xf32, #tpu.memory_space<hbm>>
    %dma_wait3A_60 = tpu.memref_slice %arg2[%add3A_41] : memref<16000000xf32, #tpu.memory_space<hbm>> -> memref<20000xf32, #tpu.memory_space<hbm>>
    tpu.wait_dma2 semaphore(%arg12 : memref<!tpu.dma_semaphore, #tpu.memory_space<semaphore_mem>>) src(%dma_wait3A_60 : memref<20000xf32, #tpu.memory_space<hbm>>) dst(%arg6 : memref<20000xf32, #tpu.memory_space<vmem>>)
    %dma_wait3A_61 = tpu.memref_slice %arg3[%add3A_41] : memref<16000000xf32, #tpu.memory_space<hbm>> -> memref<20000xf32, #tpu.memory_space<hbm>>
    %dma_wait3A_62 = tpu.memref_slice %arg3[%add3A_41] : memref<16000000xf32, #tpu.memory_space<hbm>> -> memref<20000xf32, #tpu.memory_space<hbm>>
    tpu.wait_dma2 semaphore(%arg12 : memref<!tpu.dma_semaphore, #tpu.memory_space<semaphore_mem>>) src(%dma_wait3A_62 : memref<20000xf32, #tpu.memory_space<hbm>>) dst(%arg8 : memref<20000xf32, #tpu.memory_space<vmem>>)
    %parallel_loop3A_63 = arith.constant 0 : i32
    %parallel_loop3A_64 = arith.constant 20000 : i32
    %parallel_loop3A_65 = arith.constant 16 : i32
    scf.for %parallel_loop3A_343 = %parallel_loop3A_63 to %parallel_loop3A_64 step %parallel_loop3A_65  : i32 {
      %parallel_loop3A_344 = arith.index_cast %parallel_loop3A_343 : i32 to index
      %parallel_loop3A_345 = tpu.vector_load %arg8[%parallel_loop3A_344] {strides = array<i32>} : memref<20000xf32, #tpu.memory_space<vmem>>, vector<16xf32>,
      %parallel_loop3A_346 = arith.index_cast %parallel_loop3A_343 : i32 to index
      %parallel_loop3A_347 = tpu.vector_load %arg6[%parallel_loop3A_346] {strides = array<i32>} : memref<20000xf32, #tpu.memory_space<vmem>>, vector<16xf32>,
      %parallel_loop3A_348 = math.absf %parallel_loop3A_345 : vector<16xf32>
      %parallel_loop3A_349 = arith.fptosi %parallel_loop3A_348 : vector<16xf32> to vector<16xi32>
      %parallel_loop3A_350 = arith.constant 4 : i32
      %parallel_loop3A_351 = vector.broadcast %parallel_loop3A_350 : i32 to vector<16xi32>
      %parallel_loop3A_352 = arith.shli %parallel_loop3A_349, %parallel_loop3A_351 : vector<16xi32>
      %parallel_loop3A_353 = arith.addi %parallel_loop3A_352, %iota3A : vector<16xi32>
      %parallel_loop3A_354 = arith.subf %parallel_loop3A_347, %parallel_loop3A_345 : vector<16xf32>
      %parallel_loop3A_355 = arith.mulf %parallel_loop3A_354, %parallel_loop3A_354 : vector<16xf32>
      tpu.vector_store_idx %arg9[%parallel_loop3A_353], %parallel_loop3A_355 {add = true} : memref<1024xf32, #tpu.memory_space<vmem>>[vector<16xi32>], vector<16xf32>,
      tpu.vector_store_idx %arg10[%parallel_loop3A_353], %broadcast_in_dim3A_5 {add = true} : memref<1024xf32, #tpu.memory_space<vmem>>[vector<16xi32>], vector<16xf32>,
    } {sc.loop_unroll_factor = 10 : i64, sc.parallel_access}
    %add3A_66 = arith.constant 100000 : i32
    %add3A_67 = arith.addi %mul3A_2, %add3A_66 : i32
    %dma_start3A_68 = tpu.memref_slice %arg2[%add3A_67] : memref<16000000xf32, #tpu.memory_space<hbm>> -> memref<20000xf32, #tpu.memory_space<hbm>>
    %dma_start3A_69 = tpu.memref_slice %arg2[%add3A_67] : memref<16000000xf32, #tpu.memory_space<hbm>> -> memref<20000xf32, #tpu.memory_space<hbm>>
    tpu.enqueue_dma source(%dma_start3A_69 : memref<20000xf32, #tpu.memory_space<hbm>>) target(%arg6 : memref<20000xf32, #tpu.memory_space<vmem>>) target_semaphore(%arg12 : memref<!tpu.dma_semaphore, #tpu.memory_space<semaphore_mem>>)
    %dma_start3A_70 = tpu.memref_slice %arg3[%add3A_67] : memref<16000000xf32, #tpu.memory_space<hbm>> -> memref<20000xf32, #tpu.memory_space<hbm>>
    %dma_start3A_71 = tpu.memref_slice %arg3[%add3A_67] : memref<16000000xf32, #tpu.memory_space<hbm>> -> memref<20000xf32, #tpu.memory_space<hbm>>
    tpu.enqueue_dma source(%dma_start3A_71 : memref<20000xf32, #tpu.memory_space<hbm>>) target(%arg8 : memref<20000xf32, #tpu.memory_space<vmem>>) target_semaphore(%arg12 : memref<!tpu.dma_semaphore, #tpu.memory_space<semaphore_mem>>)
    %dma_wait3A_72 = tpu.memref_slice %arg2[%add3A_54] : memref<16000000xf32, #tpu.memory_space<hbm>> -> memref<20000xf32, #tpu.memory_space<hbm>>
    %dma_wait3A_73 = tpu.memref_slice %arg2[%add3A_54] : memref<16000000xf32, #tpu.memory_space<hbm>> -> memref<20000xf32, #tpu.memory_space<hbm>>
    tpu.wait_dma2 semaphore(%arg11 : memref<!tpu.dma_semaphore, #tpu.memory_space<semaphore_mem>>) src(%dma_wait3A_73 : memref<20000xf32, #tpu.memory_space<hbm>>) dst(%arg5 : memref<20000xf32, #tpu.memory_space<vmem>>)
    %dma_wait3A_74 = tpu.memref_slice %arg3[%add3A_54] : memref<16000000xf32, #tpu.memory_space<hbm>> -> memref<20000xf32, #tpu.memory_space<hbm>>
    %dma_wait3A_75 = tpu.memref_slice %arg3[%add3A_54] : memref<16000000xf32, #tpu.memory_space<hbm>> -> memref<20000xf32, #tpu.memory_space<hbm>>
    tpu.wait_dma2 semaphore(%arg11 : memref<!tpu.dma_semaphore, #tpu.memory_space<semaphore_mem>>) src(%dma_wait3A_75 : memref<20000xf32, #tpu.memory_space<hbm>>) dst(%arg7 : memref<20000xf32, #tpu.memory_space<vmem>>)
    %parallel_loop3A_76 = arith.constant 0 : i32
    %parallel_loop3A_77 = arith.constant 20000 : i32
    %parallel_loop3A_78 = arith.constant 16 : i32
    scf.for %parallel_loop3A_343 = %parallel_loop3A_76 to %parallel_loop3A_77 step %parallel_loop3A_78  : i32 {
      %parallel_loop3A_344 = arith.index_cast %parallel_loop3A_343 : i32 to index
      %parallel_loop3A_345 = tpu.vector_load %arg7[%parallel_loop3A_344] {strides = array<i32>} : memref<20000xf32, #tpu.memory_space<vmem>>, vector<16xf32>,
      %parallel_loop3A_346 = arith.index_cast %parallel_loop3A_343 : i32 to index
      %parallel_loop3A_347 = tpu.vector_load %arg5[%parallel_loop3A_346] {strides = array<i32>} : memref<20000xf32, #tpu.memory_space<vmem>>, vector<16xf32>,
      %parallel_loop3A_348 = math.absf %parallel_loop3A_345 : vector<16xf32>
      %parallel_loop3A_349 = arith.fptosi %parallel_loop3A_348 : vector<16xf32> to vector<16xi32>
      %parallel_loop3A_350 = arith.constant 4 : i32
      %parallel_loop3A_351 = vector.broadcast %parallel_loop3A_350 : i32 to vector<16xi32>
      %parallel_loop3A_352 = arith.shli %parallel_loop3A_349, %parallel_loop3A_351 : vector<16xi32>
      %parallel_loop3A_353 = arith.addi %parallel_loop3A_352, %iota3A : vector<16xi32>
      %parallel_loop3A_354 = arith.subf %parallel_loop3A_347, %parallel_loop3A_345 : vector<16xf32>
      %parallel_loop3A_355 = arith.mulf %parallel_loop3A_354, %parallel_loop3A_354 : vector<16xf32>
      tpu.vector_store_idx %arg9[%parallel_loop3A_353], %parallel_loop3A_355 {add = true} : memref<1024xf32, #tpu.memory_space<vmem>>[vector<16xi32>], vector<16xf32>,
      tpu.vector_store_idx %arg10[%parallel_loop3A_353], %broadcast_in_dim3A_5 {add = true} : memref<1024xf32, #tpu.memory_space<vmem>>[vector<16xi32>], vector<16xf32>,
    } {sc.loop_unroll_factor = 10 : i64, sc.parallel_access}
    %add3A_79 = arith.constant 120000 : i32
    %add3A_80 = arith.addi %mul3A_2, %add3A_79 : i32
    %dma_start3A_81 = tpu.memref_slice %arg2[%add3A_80] : memref<16000000xf32, #tpu.memory_space<hbm>> -> memref<20000xf32, #tpu.memory_space<hbm>>
    %dma_start3A_82 = tpu.memref_slice %arg2[%add3A_80] : memref<16000000xf32, #tpu.memory_space<hbm>> -> memref<20000xf32, #tpu.memory_space<hbm>>
    tpu.enqueue_dma source(%dma_start3A_82 : memref<20000xf32, #tpu.memory_space<hbm>>) target(%arg5 : memref<20000xf32, #tpu.memory_space<vmem>>) target_semaphore(%arg11 : memref<!tpu.dma_semaphore, #tpu.memory_space<semaphore_mem>>)
    %dma_start3A_83 = tpu.memref_slice %arg3[%add3A_80] : memref<16000000xf32, #tpu.memory_space<hbm>> -> memref<20000xf32, #tpu.memory_space<hbm>>
    %dma_start3A_84 = tpu.memref_slice %arg3[%add3A_80] : memref<16000000xf32, #tpu.memory_space<hbm>> -> memref<20000xf32, #tpu.memory_space<hbm>>
    tpu.enqueue_dma source(%dma_start3A_84 : memref<20000xf32, #tpu.memory_space<hbm>>) target(%arg7 : memref<20000xf32, #tpu.memory_space<vmem>>) target_semaphore(%arg11 : memref<!tpu.dma_semaphore, #tpu.memory_space<semaphore_mem>>)
    %dma_wait3A_85 = tpu.memref_slice %arg2[%add3A_67] : memref<16000000xf32, #tpu.memory_space<hbm>> -> memref<20000xf32, #tpu.memory_space<hbm>>
    %dma_wait3A_86 = tpu.memref_slice %arg2[%add3A_67] : memref<16000000xf32, #tpu.memory_space<hbm>> -> memref<20000xf32, #tpu.memory_space<hbm>>
    tpu.wait_dma2 semaphore(%arg12 : memref<!tpu.dma_semaphore, #tpu.memory_space<semaphore_mem>>) src(%dma_wait3A_86 : memref<20000xf32, #tpu.memory_space<hbm>>) dst(%arg6 : memref<20000xf32, #tpu.memory_space<vmem>>)
    %dma_wait3A_87 = tpu.memref_slice %arg3[%add3A_67] : memref<16000000xf32, #tpu.memory_space<hbm>> -> memref<20000xf32, #tpu.memory_space<hbm>>
    %dma_wait3A_88 = tpu.memref_slice %arg3[%add3A_67] : memref<16000000xf32, #tpu.memory_space<hbm>> -> memref<20000xf32, #tpu.memory_space<hbm>>
    tpu.wait_dma2 semaphore(%arg12 : memref<!tpu.dma_semaphore, #tpu.memory_space<semaphore_mem>>) src(%dma_wait3A_88 : memref<20000xf32, #tpu.memory_space<hbm>>) dst(%arg8 : memref<20000xf32, #tpu.memory_space<vmem>>)
    %parallel_loop3A_89 = arith.constant 0 : i32
    %parallel_loop3A_90 = arith.constant 20000 : i32
    %parallel_loop3A_91 = arith.constant 16 : i32
    scf.for %parallel_loop3A_343 = %parallel_loop3A_89 to %parallel_loop3A_90 step %parallel_loop3A_91  : i32 {
      %parallel_loop3A_344 = arith.index_cast %parallel_loop3A_343 : i32 to index
      %parallel_loop3A_345 = tpu.vector_load %arg8[%parallel_loop3A_344] {strides = array<i32>} : memref<20000xf32, #tpu.memory_space<vmem>>, vector<16xf32>,
      %parallel_loop3A_346 = arith.index_cast %parallel_loop3A_343 : i32 to index
      %parallel_loop3A_347 = tpu.vector_load %arg6[%parallel_loop3A_346] {strides = array<i32>} : memref<20000xf32, #tpu.memory_space<vmem>>, vector<16xf32>,
      %parallel_loop3A_348 = math.absf %parallel_loop3A_345 : vector<16xf32>
      %parallel_loop3A_349 = arith.fptosi %parallel_loop3A_348 : vector<16xf32> to vector<16xi32>
      %parallel_loop3A_350 = arith.constant 4 : i32
      %parallel_loop3A_351 = vector.broadcast %parallel_loop3A_350 : i32 to vector<16xi32>
      %parallel_loop3A_352 = arith.shli %parallel_loop3A_349, %parallel_loop3A_351 : vector<16xi32>
      %parallel_loop3A_353 = arith.addi %parallel_loop3A_352, %iota3A : vector<16xi32>
      %parallel_loop3A_354 = arith.subf %parallel_loop3A_347, %parallel_loop3A_345 : vector<16xf32>
      %parallel_loop3A_355 = arith.mulf %parallel_loop3A_354, %parallel_loop3A_354 : vector<16xf32>
      tpu.vector_store_idx %arg9[%parallel_loop3A_353], %parallel_loop3A_355 {add = true} : memref<1024xf32, #tpu.memory_space<vmem>>[vector<16xi32>], vector<16xf32>,
      tpu.vector_store_idx %arg10[%parallel_loop3A_353], %broadcast_in_dim3A_5 {add = true} : memref<1024xf32, #tpu.memory_space<vmem>>[vector<16xi32>], vector<16xf32>,
    } {sc.loop_unroll_factor = 10 : i64, sc.parallel_access}
    %add3A_92 = arith.constant 140000 : i32
    %add3A_93 = arith.addi %mul3A_2, %add3A_92 : i32
    %dma_start3A_94 = tpu.memref_slice %arg2[%add3A_93] : memref<16000000xf32, #tpu.memory_space<hbm>> -> memref<20000xf32, #tpu.memory_space<hbm>>
    %dma_start3A_95 = tpu.memref_slice %arg2[%add3A_93] : memref<16000000xf32, #tpu.memory_space<hbm>> -> memref<20000xf32, #tpu.memory_space<hbm>>
    tpu.enqueue_dma source(%dma_start3A_95 : memref<20000xf32, #tpu.memory_space<hbm>>) target(%arg6 : memref<20000xf32, #tpu.memory_space<vmem>>) target_semaphore(%arg12 : memref<!tpu.dma_semaphore, #tpu.memory_space<semaphore_mem>>)
    %dma_start3A_96 = tpu.memref_slice %arg3[%add3A_93] : memref<16000000xf32, #tpu.memory_space<hbm>> -> memref<20000xf32, #tpu.memory_space<hbm>>
    %dma_start3A_97 = tpu.memref_slice %arg3[%add3A_93] : memref<16000000xf32, #tpu.memory_space<hbm>> -> memref<20000xf32, #tpu.memory_space<hbm>>
    tpu.enqueue_dma source(%dma_start3A_97 : memref<20000xf32, #tpu.memory_space<hbm>>) target(%arg8 : memref<20000xf32, #tpu.memory_space<vmem>>) target_semaphore(%arg12 : memref<!tpu.dma_semaphore, #tpu.memory_space<semaphore_mem>>)
    %dma_wait3A_98 = tpu.memref_slice %arg2[%add3A_80] : memref<16000000xf32, #tpu.memory_space<hbm>> -> memref<20000xf32, #tpu.memory_space<hbm>>
    %dma_wait3A_99 = tpu.memref_slice %arg2[%add3A_80] : memref<16000000xf32, #tpu.memory_space<hbm>> -> memref<20000xf32, #tpu.memory_space<hbm>>
    tpu.wait_dma2 semaphore(%arg11 : memref<!tpu.dma_semaphore, #tpu.memory_space<semaphore_mem>>) src(%dma_wait3A_99 : memref<20000xf32, #tpu.memory_space<hbm>>) dst(%arg5 : memref<20000xf32, #tpu.memory_space<vmem>>)
    %dma_wait3A_100 = tpu.memref_slice %arg3[%add3A_80] : memref<16000000xf32, #tpu.memory_space<hbm>> -> memref<20000xf32, #tpu.memory_space<hbm>>
    %dma_wait3A_101 = tpu.memref_slice %arg3[%add3A_80] : memref<16000000xf32, #tpu.memory_space<hbm>> -> memref<20000xf32, #tpu.memory_space<hbm>>
    tpu.wait_dma2 semaphore(%arg11 : memref<!tpu.dma_semaphore, #tpu.memory_space<semaphore_mem>>) src(%dma_wait3A_101 : memref<20000xf32, #tpu.memory_space<hbm>>) dst(%arg7 : memref<20000xf32, #tpu.memory_space<vmem>>)
    %parallel_loop3A_102 = arith.constant 0 : i32
    %parallel_loop3A_103 = arith.constant 20000 : i32
    %parallel_loop3A_104 = arith.constant 16 : i32
    scf.for %parallel_loop3A_343 = %parallel_loop3A_102 to %parallel_loop3A_103 step %parallel_loop3A_104  : i32 {
      %parallel_loop3A_344 = arith.index_cast %parallel_loop3A_343 : i32 to index
      %parallel_loop3A_345 = tpu.vector_load %arg7[%parallel_loop3A_344] {strides = array<i32>} : memref<20000xf32, #tpu.memory_space<vmem>>, vector<16xf32>,
      %parallel_loop3A_346 = arith.index_cast %parallel_loop3A_343 : i32 to index
      %parallel_loop3A_347 = tpu.vector_load %arg5[%parallel_loop3A_346] {strides = array<i32>} : memref<20000xf32, #tpu.memory_space<vmem>>, vector<16xf32>,
      %parallel_loop3A_348 = math.absf %parallel_loop3A_345 : vector<16xf32>
      %parallel_loop3A_349 = arith.fptosi %parallel_loop3A_348 : vector<16xf32> to vector<16xi32>
      %parallel_loop3A_350 = arith.constant 4 : i32
      %parallel_loop3A_351 = vector.broadcast %parallel_loop3A_350 : i32 to vector<16xi32>
      %parallel_loop3A_352 = arith.shli %parallel_loop3A_349, %parallel_loop3A_351 : vector<16xi32>
      %parallel_loop3A_353 = arith.addi %parallel_loop3A_352, %iota3A : vector<16xi32>
      %parallel_loop3A_354 = arith.subf %parallel_loop3A_347, %parallel_loop3A_345 : vector<16xf32>
      %parallel_loop3A_355 = arith.mulf %parallel_loop3A_354, %parallel_loop3A_354 : vector<16xf32>
      tpu.vector_store_idx %arg9[%parallel_loop3A_353], %parallel_loop3A_355 {add = true} : memref<1024xf32, #tpu.memory_space<vmem>>[vector<16xi32>], vector<16xf32>,
      tpu.vector_store_idx %arg10[%parallel_loop3A_353], %broadcast_in_dim3A_5 {add = true} : memref<1024xf32, #tpu.memory_space<vmem>>[vector<16xi32>], vector<16xf32>,
    } {sc.loop_unroll_factor = 10 : i64, sc.parallel_access}
    %add3A_105 = arith.constant 160000 : i32
    %add3A_106 = arith.addi %mul3A_2, %add3A_105 : i32
    %dma_start3A_107 = tpu.memref_slice %arg2[%add3A_106] : memref<16000000xf32, #tpu.memory_space<hbm>> -> memref<20000xf32, #tpu.memory_space<hbm>>
    %dma_start3A_108 = tpu.memref_slice %arg2[%add3A_106] : memref<16000000xf32, #tpu.memory_space<hbm>> -> memref<20000xf32, #tpu.memory_space<hbm>>
    tpu.enqueue_dma source(%dma_start3A_108 : memref<20000xf32, #tpu.memory_space<hbm>>) target(%arg5 : memref<20000xf32, #tpu.memory_space<vmem>>) target_semaphore(%arg11 : memref<!tpu.dma_semaphore, #tpu.memory_space<semaphore_mem>>)
    %dma_start3A_109 = tpu.memref_slice %arg3[%add3A_106] : memref<16000000xf32, #tpu.memory_space<hbm>> -> memref<20000xf32, #tpu.memory_space<hbm>>
    %dma_start3A_110 = tpu.memref_slice %arg3[%add3A_106] : memref<16000000xf32, #tpu.memory_space<hbm>> -> memref<20000xf32, #tpu.memory_space<hbm>>
    tpu.enqueue_dma source(%dma_start3A_110 : memref<20000xf32, #tpu.memory_space<hbm>>) target(%arg7 : memref<20000xf32, #tpu.memory_space<vmem>>) target_semaphore(%arg11 : memref<!tpu.dma_semaphore, #tpu.memory_space<semaphore_mem>>)
    %dma_wait3A_111 = tpu.memref_slice %arg2[%add3A_93] : memref<16000000xf32, #tpu.memory_space<hbm>> -> memref<20000xf32, #tpu.memory_space<hbm>>
    %dma_wait3A_112 = tpu.memref_slice %arg2[%add3A_93] : memref<16000000xf32, #tpu.memory_space<hbm>> -> memref<20000xf32, #tpu.memory_space<hbm>>
    tpu.wait_dma2 semaphore(%arg12 : memref<!tpu.dma_semaphore, #tpu.memory_space<semaphore_mem>>) src(%dma_wait3A_112 : memref<20000xf32, #tpu.memory_space<hbm>>) dst(%arg6 : memref<20000xf32, #tpu.memory_space<vmem>>)
    %dma_wait3A_113 = tpu.memref_slice %arg3[%add3A_93] : memref<16000000xf32, #tpu.memory_space<hbm>> -> memref<20000xf32, #tpu.memory_space<hbm>>
    %dma_wait3A_114 = tpu.memref_slice %arg3[%add3A_93] : memref<16000000xf32, #tpu.memory_space<hbm>> -> memref<20000xf32, #tpu.memory_space<hbm>>
    tpu.wait_dma2 semaphore(%arg12 : memref<!tpu.dma_semaphore, #tpu.memory_space<semaphore_mem>>) src(%dma_wait3A_114 : memref<20000xf32, #tpu.memory_space<hbm>>) dst(%arg8 : memref<20000xf32, #tpu.memory_space<vmem>>)
    %parallel_loop3A_115 = arith.constant 0 : i32
    %parallel_loop3A_116 = arith.constant 20000 : i32
    %parallel_loop3A_117 = arith.constant 16 : i32
    scf.for %parallel_loop3A_343 = %parallel_loop3A_115 to %parallel_loop3A_116 step %parallel_loop3A_117  : i32 {
      %parallel_loop3A_344 = arith.index_cast %parallel_loop3A_343 : i32 to index
      %parallel_loop3A_345 = tpu.vector_load %arg8[%parallel_loop3A_344] {strides = array<i32>} : memref<20000xf32, #tpu.memory_space<vmem>>, vector<16xf32>,
      %parallel_loop3A_346 = arith.index_cast %parallel_loop3A_343 : i32 to index
      %parallel_loop3A_347 = tpu.vector_load %arg6[%parallel_loop3A_346] {strides = array<i32>} : memref<20000xf32, #tpu.memory_space<vmem>>, vector<16xf32>,
      %parallel_loop3A_348 = math.absf %parallel_loop3A_345 : vector<16xf32>
      %parallel_loop3A_349 = arith.fptosi %parallel_loop3A_348 : vector<16xf32> to vector<16xi32>
      %parallel_loop3A_350 = arith.constant 4 : i32
      %parallel_loop3A_351 = vector.broadcast %parallel_loop3A_350 : i32 to vector<16xi32>
      %parallel_loop3A_352 = arith.shli %parallel_loop3A_349, %parallel_loop3A_351 : vector<16xi32>
      %parallel_loop3A_353 = arith.addi %parallel_loop3A_352, %iota3A : vector<16xi32>
      %parallel_loop3A_354 = arith.subf %parallel_loop3A_347, %parallel_loop3A_345 : vector<16xf32>
      %parallel_loop3A_355 = arith.mulf %parallel_loop3A_354, %parallel_loop3A_354 : vector<16xf32>
      tpu.vector_store_idx %arg9[%parallel_loop3A_353], %parallel_loop3A_355 {add = true} : memref<1024xf32, #tpu.memory_space<vmem>>[vector<16xi32>], vector<16xf32>,
      tpu.vector_store_idx %arg10[%parallel_loop3A_353], %broadcast_in_dim3A_5 {add = true} : memref<1024xf32, #tpu.memory_space<vmem>>[vector<16xi32>], vector<16xf32>,
    } {sc.loop_unroll_factor = 10 : i64, sc.parallel_access}
    %add3A_118 = arith.constant 180000 : i32
    %add3A_119 = arith.addi %mul3A_2, %add3A_118 : i32
    %dma_start3A_120 = tpu.memref_slice %arg2[%add3A_119] : memref<16000000xf32, #tpu.memory_space<hbm>> -> memref<20000xf32, #tpu.memory_space<hbm>>
    %dma_start3A_121 = tpu.memref_slice %arg2[%add3A_119] : memref<16000000xf32, #tpu.memory_space<hbm>> -> memref<20000xf32, #tpu.memory_space<hbm>>
    tpu.enqueue_dma source(%dma_start3A_121 : memref<20000xf32, #tpu.memory_space<hbm>>) target(%arg6 : memref<20000xf32, #tpu.memory_space<vmem>>) target_semaphore(%arg12 : memref<!tpu.dma_semaphore, #tpu.memory_space<semaphore_mem>>)
    %dma_start3A_122 = tpu.memref_slice %arg3[%add3A_119] : memref<16000000xf32, #tpu.memory_space<hbm>> -> memref<20000xf32, #tpu.memory_space<hbm>>
    %dma_start3A_123 = tpu.memref_slice %arg3[%add3A_119] : memref<16000000xf32, #tpu.memory_space<hbm>> -> memref<20000xf32, #tpu.memory_space<hbm>>
    tpu.enqueue_dma source(%dma_start3A_123 : memref<20000xf32, #tpu.memory_space<hbm>>) target(%arg8 : memref<20000xf32, #tpu.memory_space<vmem>>) target_semaphore(%arg12 : memref<!tpu.dma_semaphore, #tpu.memory_space<semaphore_mem>>)
    %dma_wait3A_124 = tpu.memref_slice %arg2[%add3A_106] : memref<16000000xf32, #tpu.memory_space<hbm>> -> memref<20000xf32, #tpu.memory_space<hbm>>
    %dma_wait3A_125 = tpu.memref_slice %arg2[%add3A_106] : memref<16000000xf32, #tpu.memory_space<hbm>> -> memref<20000xf32, #tpu.memory_space<hbm>>
    tpu.wait_dma2 semaphore(%arg11 : memref<!tpu.dma_semaphore, #tpu.memory_space<semaphore_mem>>) src(%dma_wait3A_125 : memref<20000xf32, #tpu.memory_space<hbm>>) dst(%arg5 : memref<20000xf32, #tpu.memory_space<vmem>>)
    %dma_wait3A_126 = tpu.memref_slice %arg3[%add3A_106] : memref<16000000xf32, #tpu.memory_space<hbm>> -> memref<20000xf32, #tpu.memory_space<hbm>>
    %dma_wait3A_127 = tpu.memref_slice %arg3[%add3A_106] : memref<16000000xf32, #tpu.memory_space<hbm>> -> memref<20000xf32, #tpu.memory_space<hbm>>
    tpu.wait_dma2 semaphore(%arg11 : memref<!tpu.dma_semaphore, #tpu.memory_space<semaphore_mem>>) src(%dma_wait3A_127 : memref<20000xf32, #tpu.memory_space<hbm>>) dst(%arg7 : memref<20000xf32, #tpu.memory_space<vmem>>)
    %parallel_loop3A_128 = arith.constant 0 : i32
    %parallel_loop3A_129 = arith.constant 20000 : i32
    %parallel_loop3A_130 = arith.constant 16 : i32
    scf.for %parallel_loop3A_343 = %parallel_loop3A_128 to %parallel_loop3A_129 step %parallel_loop3A_130  : i32 {
      %parallel_loop3A_344 = arith.index_cast %parallel_loop3A_343 : i32 to index
      %parallel_loop3A_345 = tpu.vector_load %arg7[%parallel_loop3A_344] {strides = array<i32>} : memref<20000xf32, #tpu.memory_space<vmem>>, vector<16xf32>,
      %parallel_loop3A_346 = arith.index_cast %parallel_loop3A_343 : i32 to index
      %parallel_loop3A_347 = tpu.vector_load %arg5[%parallel_loop3A_346] {strides = array<i32>} : memref<20000xf32, #tpu.memory_space<vmem>>, vector<16xf32>,
      %parallel_loop3A_348 = math.absf %parallel_loop3A_345 : vector<16xf32>
      %parallel_loop3A_349 = arith.fptosi %parallel_loop3A_348 : vector<16xf32> to vector<16xi32>
      %parallel_loop3A_350 = arith.constant 4 : i32
      %parallel_loop3A_351 = vector.broadcast %parallel_loop3A_350 : i32 to vector<16xi32>
      %parallel_loop3A_352 = arith.shli %parallel_loop3A_349, %parallel_loop3A_351 : vector<16xi32>
      %parallel_loop3A_353 = arith.addi %parallel_loop3A_352, %iota3A : vector<16xi32>
      %parallel_loop3A_354 = arith.subf %parallel_loop3A_347, %parallel_loop3A_345 : vector<16xf32>
      %parallel_loop3A_355 = arith.mulf %parallel_loop3A_354, %parallel_loop3A_354 : vector<16xf32>
      tpu.vector_store_idx %arg9[%parallel_loop3A_353], %parallel_loop3A_355 {add = true} : memref<1024xf32, #tpu.memory_space<vmem>>[vector<16xi32>], vector<16xf32>,
      tpu.vector_store_idx %arg10[%parallel_loop3A_353], %broadcast_in_dim3A_5 {add = true} : memref<1024xf32, #tpu.memory_space<vmem>>[vector<16xi32>], vector<16xf32>,
    } {sc.loop_unroll_factor = 10 : i64, sc.parallel_access}
    %add3A_131 = arith.constant 200000 : i32
    %add3A_132 = arith.addi %mul3A_2, %add3A_131 : i32
    %dma_start3A_133 = tpu.memref_slice %arg2[%add3A_132] : memref<16000000xf32, #tpu.memory_space<hbm>> -> memref<20000xf32, #tpu.memory_space<hbm>>
    %dma_start3A_134 = tpu.memref_slice %arg2[%add3A_132] : memref<16000000xf32, #tpu.memory_space<hbm>> -> memref<20000xf32, #tpu.memory_space<hbm>>
    tpu.enqueue_dma source(%dma_start3A_134 : memref<20000xf32, #tpu.memory_space<hbm>>) target(%arg5 : memref<20000xf32, #tpu.memory_space<vmem>>) target_semaphore(%arg11 : memref<!tpu.dma_semaphore, #tpu.memory_space<semaphore_mem>>)
    %dma_start3A_135 = tpu.memref_slice %arg3[%add3A_132] : memref<16000000xf32, #tpu.memory_space<hbm>> -> memref<20000xf32, #tpu.memory_space<hbm>>
    %dma_start3A_136 = tpu.memref_slice %arg3[%add3A_132] : memref<16000000xf32, #tpu.memory_space<hbm>> -> memref<20000xf32, #tpu.memory_space<hbm>>
    tpu.enqueue_dma source(%dma_start3A_136 : memref<20000xf32, #tpu.memory_space<hbm>>) target(%arg7 : memref<20000xf32, #tpu.memory_space<vmem>>) target_semaphore(%arg11 : memref<!tpu.dma_semaphore, #tpu.memory_space<semaphore_mem>>)
    %dma_wait3A_137 = tpu.memref_slice %arg2[%add3A_119] : memref<16000000xf32, #tpu.memory_space<hbm>> -> memref<20000xf32, #tpu.memory_space<hbm>>
    %dma_wait3A_138 = tpu.memref_slice %arg2[%add3A_119] : memref<16000000xf32, #tpu.memory_space<hbm>> -> memref<20000xf32, #tpu.memory_space<hbm>>
    tpu.wait_dma2 semaphore(%arg12 : memref<!tpu.dma_semaphore, #tpu.memory_space<semaphore_mem>>) src(%dma_wait3A_138 : memref<20000xf32, #tpu.memory_space<hbm>>) dst(%arg6 : memref<20000xf32, #tpu.memory_space<vmem>>)
    %dma_wait3A_139 = tpu.memref_slice %arg3[%add3A_119] : memref<16000000xf32, #tpu.memory_space<hbm>> -> memref<20000xf32, #tpu.memory_space<hbm>>
    %dma_wait3A_140 = tpu.memref_slice %arg3[%add3A_119] : memref<16000000xf32, #tpu.memory_space<hbm>> -> memref<20000xf32, #tpu.memory_space<hbm>>
    tpu.wait_dma2 semaphore(%arg12 : memref<!tpu.dma_semaphore, #tpu.memory_space<semaphore_mem>>) src(%dma_wait3A_140 : memref<20000xf32, #tpu.memory_space<hbm>>) dst(%arg8 : memref<20000xf32, #tpu.memory_space<vmem>>)
    %parallel_loop3A_141 = arith.constant 0 : i32
    %parallel_loop3A_142 = arith.constant 20000 : i32
    %parallel_loop3A_143 = arith.constant 16 : i32
    scf.for %parallel_loop3A_343 = %parallel_loop3A_141 to %parallel_loop3A_142 step %parallel_loop3A_143  : i32 {
      %parallel_loop3A_344 = arith.index_cast %parallel_loop3A_343 : i32 to index
      %parallel_loop3A_345 = tpu.vector_load %arg8[%parallel_loop3A_344] {strides = array<i32>} : memref<20000xf32, #tpu.memory_space<vmem>>, vector<16xf32>,
      %parallel_loop3A_346 = arith.index_cast %parallel_loop3A_343 : i32 to index
      %parallel_loop3A_347 = tpu.vector_load %arg6[%parallel_loop3A_346] {strides = array<i32>} : memref<20000xf32, #tpu.memory_space<vmem>>, vector<16xf32>,
      %parallel_loop3A_348 = math.absf %parallel_loop3A_345 : vector<16xf32>
      %parallel_loop3A_349 = arith.fptosi %parallel_loop3A_348 : vector<16xf32> to vector<16xi32>
      %parallel_loop3A_350 = arith.constant 4 : i32
      %parallel_loop3A_351 = vector.broadcast %parallel_loop3A_350 : i32 to vector<16xi32>
      %parallel_loop3A_352 = arith.shli %parallel_loop3A_349, %parallel_loop3A_351 : vector<16xi32>
      %parallel_loop3A_353 = arith.addi %parallel_loop3A_352, %iota3A : vector<16xi32>
      %parallel_loop3A_354 = arith.subf %parallel_loop3A_347, %parallel_loop3A_345 : vector<16xf32>
      %parallel_loop3A_355 = arith.mulf %parallel_loop3A_354, %parallel_loop3A_354 : vector<16xf32>
      tpu.vector_store_idx %arg9[%parallel_loop3A_353], %parallel_loop3A_355 {add = true} : memref<1024xf32, #tpu.memory_space<vmem>>[vector<16xi32>], vector<16xf32>,
      tpu.vector_store_idx %arg10[%parallel_loop3A_353], %broadcast_in_dim3A_5 {add = true} : memref<1024xf32, #tpu.memory_space<vmem>>[vector<16xi32>], vector<16xf32>,
    } {sc.loop_unroll_factor = 10 : i64, sc.parallel_access}
    %add3A_144 = arith.constant 220000 : i32
    %add3A_145 = arith.addi %mul3A_2, %add3A_144 : i32
    %dma_start3A_146 = tpu.memref_slice %arg2[%add3A_145] : memref<16000000xf32, #tpu.memory_space<hbm>> -> memref<20000xf32, #tpu.memory_space<hbm>>
    %dma_start3A_147 = tpu.memref_slice %arg2[%add3A_145] : memref<16000000xf32, #tpu.memory_space<hbm>> -> memref<20000xf32, #tpu.memory_space<hbm>>
    tpu.enqueue_dma source(%dma_start3A_147 : memref<20000xf32, #tpu.memory_space<hbm>>) target(%arg6 : memref<20000xf32, #tpu.memory_space<vmem>>) target_semaphore(%arg12 : memref<!tpu.dma_semaphore, #tpu.memory_space<semaphore_mem>>)
    %dma_start3A_148 = tpu.memref_slice %arg3[%add3A_145] : memref<16000000xf32, #tpu.memory_space<hbm>> -> memref<20000xf32, #tpu.memory_space<hbm>>
    %dma_start3A_149 = tpu.memref_slice %arg3[%add3A_145] : memref<16000000xf32, #tpu.memory_space<hbm>> -> memref<20000xf32, #tpu.memory_space<hbm>>
    tpu.enqueue_dma source(%dma_start3A_149 : memref<20000xf32, #tpu.memory_space<hbm>>) target(%arg8 : memref<20000xf32, #tpu.memory_space<vmem>>) target_semaphore(%arg12 : memref<!tpu.dma_semaphore, #tpu.memory_space<semaphore_mem>>)
    %dma_wait3A_150 = tpu.memref_slice %arg2[%add3A_132] : memref<16000000xf32, #tpu.memory_space<hbm>> -> memref<20000xf32, #tpu.memory_space<hbm>>
    %dma_wait3A_151 = tpu.memref_slice %arg2[%add3A_132] : memref<16000000xf32, #tpu.memory_space<hbm>> -> memref<20000xf32, #tpu.memory_space<hbm>>
    tpu.wait_dma2 semaphore(%arg11 : memref<!tpu.dma_semaphore, #tpu.memory_space<semaphore_mem>>) src(%dma_wait3A_151 : memref<20000xf32, #tpu.memory_space<hbm>>) dst(%arg5 : memref<20000xf32, #tpu.memory_space<vmem>>)
    %dma_wait3A_152 = tpu.memref_slice %arg3[%add3A_132] : memref<16000000xf32, #tpu.memory_space<hbm>> -> memref<20000xf32, #tpu.memory_space<hbm>>
    %dma_wait3A_153 = tpu.memref_slice %arg3[%add3A_132] : memref<16000000xf32, #tpu.memory_space<hbm>> -> memref<20000xf32, #tpu.memory_space<hbm>>
    tpu.wait_dma2 semaphore(%arg11 : memref<!tpu.dma_semaphore, #tpu.memory_space<semaphore_mem>>) src(%dma_wait3A_153 : memref<20000xf32, #tpu.memory_space<hbm>>) dst(%arg7 : memref<20000xf32, #tpu.memory_space<vmem>>)
    %parallel_loop3A_154 = arith.constant 0 : i32
    %parallel_loop3A_155 = arith.constant 20000 : i32
    %parallel_loop3A_156 = arith.constant 16 : i32
    scf.for %parallel_loop3A_343 = %parallel_loop3A_154 to %parallel_loop3A_155 step %parallel_loop3A_156  : i32 {
      %parallel_loop3A_344 = arith.index_cast %parallel_loop3A_343 : i32 to index
      %parallel_loop3A_345 = tpu.vector_load %arg7[%parallel_loop3A_344] {strides = array<i32>} : memref<20000xf32, #tpu.memory_space<vmem>>, vector<16xf32>,
      %parallel_loop3A_346 = arith.index_cast %parallel_loop3A_343 : i32 to index
      %parallel_loop3A_347 = tpu.vector_load %arg5[%parallel_loop3A_346] {strides = array<i32>} : memref<20000xf32, #tpu.memory_space<vmem>>, vector<16xf32>,
      %parallel_loop3A_348 = math.absf %parallel_loop3A_345 : vector<16xf32>
      %parallel_loop3A_349 = arith.fptosi %parallel_loop3A_348 : vector<16xf32> to vector<16xi32>
      %parallel_loop3A_350 = arith.constant 4 : i32
      %parallel_loop3A_351 = vector.broadcast %parallel_loop3A_350 : i32 to vector<16xi32>
      %parallel_loop3A_352 = arith.shli %parallel_loop3A_349, %parallel_loop3A_351 : vector<16xi32>
      %parallel_loop3A_353 = arith.addi %parallel_loop3A_352, %iota3A : vector<16xi32>
      %parallel_loop3A_354 = arith.subf %parallel_loop3A_347, %parallel_loop3A_345 : vector<16xf32>
      %parallel_loop3A_355 = arith.mulf %parallel_loop3A_354, %parallel_loop3A_354 : vector<16xf32>
      tpu.vector_store_idx %arg9[%parallel_loop3A_353], %parallel_loop3A_355 {add = true} : memref<1024xf32, #tpu.memory_space<vmem>>[vector<16xi32>], vector<16xf32>,
      tpu.vector_store_idx %arg10[%parallel_loop3A_353], %broadcast_in_dim3A_5 {add = true} : memref<1024xf32, #tpu.memory_space<vmem>>[vector<16xi32>], vector<16xf32>,
    } {sc.loop_unroll_factor = 10 : i64, sc.parallel_access}
    %add3A_157 = arith.constant 240000 : i32
    %add3A_158 = arith.addi %mul3A_2, %add3A_157 : i32
    %dma_start3A_159 = tpu.memref_slice %arg2[%add3A_158] : memref<16000000xf32, #tpu.memory_space<hbm>> -> memref<20000xf32, #tpu.memory_space<hbm>>
    %dma_start3A_160 = tpu.memref_slice %arg2[%add3A_158] : memref<16000000xf32, #tpu.memory_space<hbm>> -> memref<20000xf32, #tpu.memory_space<hbm>>
    tpu.enqueue_dma source(%dma_start3A_160 : memref<20000xf32, #tpu.memory_space<hbm>>) target(%arg5 : memref<20000xf32, #tpu.memory_space<vmem>>) target_semaphore(%arg11 : memref<!tpu.dma_semaphore, #tpu.memory_space<semaphore_mem>>)
    %dma_start3A_161 = tpu.memref_slice %arg3[%add3A_158] : memref<16000000xf32, #tpu.memory_space<hbm>> -> memref<20000xf32, #tpu.memory_space<hbm>>
    %dma_start3A_162 = tpu.memref_slice %arg3[%add3A_158] : memref<16000000xf32, #tpu.memory_space<hbm>> -> memref<20000xf32, #tpu.memory_space<hbm>>
    tpu.enqueue_dma source(%dma_start3A_162 : memref<20000xf32, #tpu.memory_space<hbm>>) target(%arg7 : memref<20000xf32, #tpu.memory_space<vmem>>) target_semaphore(%arg11 : memref<!tpu.dma_semaphore, #tpu.memory_space<semaphore_mem>>)
    %dma_wait3A_163 = tpu.memref_slice %arg2[%add3A_145] : memref<16000000xf32, #tpu.memory_space<hbm>> -> memref<20000xf32, #tpu.memory_space<hbm>>
    %dma_wait3A_164 = tpu.memref_slice %arg2[%add3A_145] : memref<16000000xf32, #tpu.memory_space<hbm>> -> memref<20000xf32, #tpu.memory_space<hbm>>
    tpu.wait_dma2 semaphore(%arg12 : memref<!tpu.dma_semaphore, #tpu.memory_space<semaphore_mem>>) src(%dma_wait3A_164 : memref<20000xf32, #tpu.memory_space<hbm>>) dst(%arg6 : memref<20000xf32, #tpu.memory_space<vmem>>)
    %dma_wait3A_165 = tpu.memref_slice %arg3[%add3A_145] : memref<16000000xf32, #tpu.memory_space<hbm>> -> memref<20000xf32, #tpu.memory_space<hbm>>
    %dma_wait3A_166 = tpu.memref_slice %arg3[%add3A_145] : memref<16000000xf32, #tpu.memory_space<hbm>> -> memref<20000xf32, #tpu.memory_space<hbm>>
    tpu.wait_dma2 semaphore(%arg12 : memref<!tpu.dma_semaphore, #tpu.memory_space<semaphore_mem>>) src(%dma_wait3A_166 : memref<20000xf32, #tpu.memory_space<hbm>>) dst(%arg8 : memref<20000xf32, #tpu.memory_space<vmem>>)
    %parallel_loop3A_167 = arith.constant 0 : i32
    %parallel_loop3A_168 = arith.constant 20000 : i32
    %parallel_loop3A_169 = arith.constant 16 : i32
    scf.for %parallel_loop3A_343 = %parallel_loop3A_167 to %parallel_loop3A_168 step %parallel_loop3A_169  : i32 {
      %parallel_loop3A_344 = arith.index_cast %parallel_loop3A_343 : i32 to index
      %parallel_loop3A_345 = tpu.vector_load %arg8[%parallel_loop3A_344] {strides = array<i32>} : memref<20000xf32, #tpu.memory_space<vmem>>, vector<16xf32>,
      %parallel_loop3A_346 = arith.index_cast %parallel_loop3A_343 : i32 to index
      %parallel_loop3A_347 = tpu.vector_load %arg6[%parallel_loop3A_346] {strides = array<i32>} : memref<20000xf32, #tpu.memory_space<vmem>>, vector<16xf32>,
      %parallel_loop3A_348 = math.absf %parallel_loop3A_345 : vector<16xf32>
      %parallel_loop3A_349 = arith.fptosi %parallel_loop3A_348 : vector<16xf32> to vector<16xi32>
      %parallel_loop3A_350 = arith.constant 4 : i32
      %parallel_loop3A_351 = vector.broadcast %parallel_loop3A_350 : i32 to vector<16xi32>
      %parallel_loop3A_352 = arith.shli %parallel_loop3A_349, %parallel_loop3A_351 : vector<16xi32>
      %parallel_loop3A_353 = arith.addi %parallel_loop3A_352, %iota3A : vector<16xi32>
      %parallel_loop3A_354 = arith.subf %parallel_loop3A_347, %parallel_loop3A_345 : vector<16xf32>
      %parallel_loop3A_355 = arith.mulf %parallel_loop3A_354, %parallel_loop3A_354 : vector<16xf32>
      tpu.vector_store_idx %arg9[%parallel_loop3A_353], %parallel_loop3A_355 {add = true} : memref<1024xf32, #tpu.memory_space<vmem>>[vector<16xi32>], vector<16xf32>,
      tpu.vector_store_idx %arg10[%parallel_loop3A_353], %broadcast_in_dim3A_5 {add = true} : memref<1024xf32, #tpu.memory_space<vmem>>[vector<16xi32>], vector<16xf32>,
    } {sc.loop_unroll_factor = 10 : i64, sc.parallel_access}
    %add3A_170 = arith.constant 260000 : i32
    %add3A_171 = arith.addi %mul3A_2, %add3A_170 : i32
    %dma_start3A_172 = tpu.memref_slice %arg2[%add3A_171] : memref<16000000xf32, #tpu.memory_space<hbm>> -> memref<20000xf32, #tpu.memory_space<hbm>>
    %dma_start3A_173 = tpu.memref_slice %arg2[%add3A_171] : memref<16000000xf32, #tpu.memory_space<hbm>> -> memref<20000xf32, #tpu.memory_space<hbm>>
    tpu.enqueue_dma source(%dma_start3A_173 : memref<20000xf32, #tpu.memory_space<hbm>>) target(%arg6 : memref<20000xf32, #tpu.memory_space<vmem>>) target_semaphore(%arg12 : memref<!tpu.dma_semaphore, #tpu.memory_space<semaphore_mem>>)
    %dma_start3A_174 = tpu.memref_slice %arg3[%add3A_171] : memref<16000000xf32, #tpu.memory_space<hbm>> -> memref<20000xf32, #tpu.memory_space<hbm>>
    %dma_start3A_175 = tpu.memref_slice %arg3[%add3A_171] : memref<16000000xf32, #tpu.memory_space<hbm>> -> memref<20000xf32, #tpu.memory_space<hbm>>
    tpu.enqueue_dma source(%dma_start3A_175 : memref<20000xf32, #tpu.memory_space<hbm>>) target(%arg8 : memref<20000xf32, #tpu.memory_space<vmem>>) target_semaphore(%arg12 : memref<!tpu.dma_semaphore, #tpu.memory_space<semaphore_mem>>)
    %dma_wait3A_176 = tpu.memref_slice %arg2[%add3A_158] : memref<16000000xf32, #tpu.memory_space<hbm>> -> memref<20000xf32, #tpu.memory_space<hbm>>
    %dma_wait3A_177 = tpu.memref_slice %arg2[%add3A_158] : memref<16000000xf32, #tpu.memory_space<hbm>> -> memref<20000xf32, #tpu.memory_space<hbm>>
    tpu.wait_dma2 semaphore(%arg11 : memref<!tpu.dma_semaphore, #tpu.memory_space<semaphore_mem>>) src(%dma_wait3A_177 : memref<20000xf32, #tpu.memory_space<hbm>>) dst(%arg5 : memref<20000xf32, #tpu.memory_space<vmem>>)
    %dma_wait3A_178 = tpu.memref_slice %arg3[%add3A_158] : memref<16000000xf32, #tpu.memory_space<hbm>> -> memref<20000xf32, #tpu.memory_space<hbm>>
    %dma_wait3A_179 = tpu.memref_slice %arg3[%add3A_158] : memref<16000000xf32, #tpu.memory_space<hbm>> -> memref<20000xf32, #tpu.memory_space<hbm>>
    tpu.wait_dma2 semaphore(%arg11 : memref<!tpu.dma_semaphore, #tpu.memory_space<semaphore_mem>>) src(%dma_wait3A_179 : memref<20000xf32, #tpu.memory_space<hbm>>) dst(%arg7 : memref<20000xf32, #tpu.memory_space<vmem>>)
    %parallel_loop3A_180 = arith.constant 0 : i32
    %parallel_loop3A_181 = arith.constant 20000 : i32
    %parallel_loop3A_182 = arith.constant 16 : i32
    scf.for %parallel_loop3A_343 = %parallel_loop3A_180 to %parallel_loop3A_181 step %parallel_loop3A_182  : i32 {
      %parallel_loop3A_344 = arith.index_cast %parallel_loop3A_343 : i32 to index
      %parallel_loop3A_345 = tpu.vector_load %arg7[%parallel_loop3A_344] {strides = array<i32>} : memref<20000xf32, #tpu.memory_space<vmem>>, vector<16xf32>,
      %parallel_loop3A_346 = arith.index_cast %parallel_loop3A_343 : i32 to index
      %parallel_loop3A_347 = tpu.vector_load %arg5[%parallel_loop3A_346] {strides = array<i32>} : memref<20000xf32, #tpu.memory_space<vmem>>, vector<16xf32>,
      %parallel_loop3A_348 = math.absf %parallel_loop3A_345 : vector<16xf32>
      %parallel_loop3A_349 = arith.fptosi %parallel_loop3A_348 : vector<16xf32> to vector<16xi32>
      %parallel_loop3A_350 = arith.constant 4 : i32
      %parallel_loop3A_351 = vector.broadcast %parallel_loop3A_350 : i32 to vector<16xi32>
      %parallel_loop3A_352 = arith.shli %parallel_loop3A_349, %parallel_loop3A_351 : vector<16xi32>
      %parallel_loop3A_353 = arith.addi %parallel_loop3A_352, %iota3A : vector<16xi32>
      %parallel_loop3A_354 = arith.subf %parallel_loop3A_347, %parallel_loop3A_345 : vector<16xf32>
      %parallel_loop3A_355 = arith.mulf %parallel_loop3A_354, %parallel_loop3A_354 : vector<16xf32>
      tpu.vector_store_idx %arg9[%parallel_loop3A_353], %parallel_loop3A_355 {add = true} : memref<1024xf32, #tpu.memory_space<vmem>>[vector<16xi32>], vector<16xf32>,
      tpu.vector_store_idx %arg10[%parallel_loop3A_353], %broadcast_in_dim3A_5 {add = true} : memref<1024xf32, #tpu.memory_space<vmem>>[vector<16xi32>], vector<16xf32>,
    } {sc.loop_unroll_factor = 10 : i64, sc.parallel_access}
    %add3A_183 = arith.constant 280000 : i32
    %add3A_184 = arith.addi %mul3A_2, %add3A_183 : i32
    %dma_start3A_185 = tpu.memref_slice %arg2[%add3A_184] : memref<16000000xf32, #tpu.memory_space<hbm>> -> memref<20000xf32, #tpu.memory_space<hbm>>
    %dma_start3A_186 = tpu.memref_slice %arg2[%add3A_184] : memref<16000000xf32, #tpu.memory_space<hbm>> -> memref<20000xf32, #tpu.memory_space<hbm>>
    tpu.enqueue_dma source(%dma_start3A_186 : memref<20000xf32, #tpu.memory_space<hbm>>) target(%arg5 : memref<20000xf32, #tpu.memory_space<vmem>>) target_semaphore(%arg11 : memref<!tpu.dma_semaphore, #tpu.memory_space<semaphore_mem>>)
    %dma_start3A_187 = tpu.memref_slice %arg3[%add3A_184] : memref<16000000xf32, #tpu.memory_space<hbm>> -> memref<20000xf32, #tpu.memory_space<hbm>>
    %dma_start3A_188 = tpu.memref_slice %arg3[%add3A_184] : memref<16000000xf32, #tpu.memory_space<hbm>> -> memref<20000xf32, #tpu.memory_space<hbm>>
    tpu.enqueue_dma source(%dma_start3A_188 : memref<20000xf32, #tpu.memory_space<hbm>>) target(%arg7 : memref<20000xf32, #tpu.memory_space<vmem>>) target_semaphore(%arg11 : memref<!tpu.dma_semaphore, #tpu.memory_space<semaphore_mem>>)
    %dma_wait3A_189 = tpu.memref_slice %arg2[%add3A_171] : memref<16000000xf32, #tpu.memory_space<hbm>> -> memref<20000xf32, #tpu.memory_space<hbm>>
    %dma_wait3A_190 = tpu.memref_slice %arg2[%add3A_171] : memref<16000000xf32, #tpu.memory_space<hbm>> -> memref<20000xf32, #tpu.memory_space<hbm>>
    tpu.wait_dma2 semaphore(%arg12 : memref<!tpu.dma_semaphore, #tpu.memory_space<semaphore_mem>>) src(%dma_wait3A_190 : memref<20000xf32, #tpu.memory_space<hbm>>) dst(%arg6 : memref<20000xf32, #tpu.memory_space<vmem>>)
    %dma_wait3A_191 = tpu.memref_slice %arg3[%add3A_171] : memref<16000000xf32, #tpu.memory_space<hbm>> -> memref<20000xf32, #tpu.memory_space<hbm>>
    %dma_wait3A_192 = tpu.memref_slice %arg3[%add3A_171] : memref<16000000xf32, #tpu.memory_space<hbm>> -> memref<20000xf32, #tpu.memory_space<hbm>>
    tpu.wait_dma2 semaphore(%arg12 : memref<!tpu.dma_semaphore, #tpu.memory_space<semaphore_mem>>) src(%dma_wait3A_192 : memref<20000xf32, #tpu.memory_space<hbm>>) dst(%arg8 : memref<20000xf32, #tpu.memory_space<vmem>>)
    %parallel_loop3A_193 = arith.constant 0 : i32
    %parallel_loop3A_194 = arith.constant 20000 : i32
    %parallel_loop3A_195 = arith.constant 16 : i32
    scf.for %parallel_loop3A_343 = %parallel_loop3A_193 to %parallel_loop3A_194 step %parallel_loop3A_195  : i32 {
      %parallel_loop3A_344 = arith.index_cast %parallel_loop3A_343 : i32 to index
      %parallel_loop3A_345 = tpu.vector_load %arg8[%parallel_loop3A_344] {strides = array<i32>} : memref<20000xf32, #tpu.memory_space<vmem>>, vector<16xf32>,
      %parallel_loop3A_346 = arith.index_cast %parallel_loop3A_343 : i32 to index
      %parallel_loop3A_347 = tpu.vector_load %arg6[%parallel_loop3A_346] {strides = array<i32>} : memref<20000xf32, #tpu.memory_space<vmem>>, vector<16xf32>,
      %parallel_loop3A_348 = math.absf %parallel_loop3A_345 : vector<16xf32>
      %parallel_loop3A_349 = arith.fptosi %parallel_loop3A_348 : vector<16xf32> to vector<16xi32>
      %parallel_loop3A_350 = arith.constant 4 : i32
      %parallel_loop3A_351 = vector.broadcast %parallel_loop3A_350 : i32 to vector<16xi32>
      %parallel_loop3A_352 = arith.shli %parallel_loop3A_349, %parallel_loop3A_351 : vector<16xi32>
      %parallel_loop3A_353 = arith.addi %parallel_loop3A_352, %iota3A : vector<16xi32>
      %parallel_loop3A_354 = arith.subf %parallel_loop3A_347, %parallel_loop3A_345 : vector<16xf32>
      %parallel_loop3A_355 = arith.mulf %parallel_loop3A_354, %parallel_loop3A_354 : vector<16xf32>
      tpu.vector_store_idx %arg9[%parallel_loop3A_353], %parallel_loop3A_355 {add = true} : memref<1024xf32, #tpu.memory_space<vmem>>[vector<16xi32>], vector<16xf32>,
      tpu.vector_store_idx %arg10[%parallel_loop3A_353], %broadcast_in_dim3A_5 {add = true} : memref<1024xf32, #tpu.memory_space<vmem>>[vector<16xi32>], vector<16xf32>,
    } {sc.loop_unroll_factor = 10 : i64, sc.parallel_access}
    %add3A_196 = arith.constant 300000 : i32
    %add3A_197 = arith.addi %mul3A_2, %add3A_196 : i32
    %dma_start3A_198 = tpu.memref_slice %arg2[%add3A_197] : memref<16000000xf32, #tpu.memory_space<hbm>> -> memref<20000xf32, #tpu.memory_space<hbm>>
    %dma_start3A_199 = tpu.memref_slice %arg2[%add3A_197] : memref<16000000xf32, #tpu.memory_space<hbm>> -> memref<20000xf32, #tpu.memory_space<hbm>>
    tpu.enqueue_dma source(%dma_start3A_199 : memref<20000xf32, #tpu.memory_space<hbm>>) target(%arg6 : memref<20000xf32, #tpu.memory_space<vmem>>) target_semaphore(%arg12 : memref<!tpu.dma_semaphore, #tpu.memory_space<semaphore_mem>>)
    %dma_start3A_200 = tpu.memref_slice %arg3[%add3A_197] : memref<16000000xf32, #tpu.memory_space<hbm>> -> memref<20000xf32, #tpu.memory_space<hbm>>
    %dma_start3A_201 = tpu.memref_slice %arg3[%add3A_197] : memref<16000000xf32, #tpu.memory_space<hbm>> -> memref<20000xf32, #tpu.memory_space<hbm>>
    tpu.enqueue_dma source(%dma_start3A_201 : memref<20000xf32, #tpu.memory_space<hbm>>) target(%arg8 : memref<20000xf32, #tpu.memory_space<vmem>>) target_semaphore(%arg12 : memref<!tpu.dma_semaphore, #tpu.memory_space<semaphore_mem>>)
    %dma_wait3A_202 = tpu.memref_slice %arg2[%add3A_184] : memref<16000000xf32, #tpu.memory_space<hbm>> -> memref<20000xf32, #tpu.memory_space<hbm>>
    %dma_wait3A_203 = tpu.memref_slice %arg2[%add3A_184] : memref<16000000xf32, #tpu.memory_space<hbm>> -> memref<20000xf32, #tpu.memory_space<hbm>>
    tpu.wait_dma2 semaphore(%arg11 : memref<!tpu.dma_semaphore, #tpu.memory_space<semaphore_mem>>) src(%dma_wait3A_203 : memref<20000xf32, #tpu.memory_space<hbm>>) dst(%arg5 : memref<20000xf32, #tpu.memory_space<vmem>>)
    %dma_wait3A_204 = tpu.memref_slice %arg3[%add3A_184] : memref<16000000xf32, #tpu.memory_space<hbm>> -> memref<20000xf32, #tpu.memory_space<hbm>>
    %dma_wait3A_205 = tpu.memref_slice %arg3[%add3A_184] : memref<16000000xf32, #tpu.memory_space<hbm>> -> memref<20000xf32, #tpu.memory_space<hbm>>
    tpu.wait_dma2 semaphore(%arg11 : memref<!tpu.dma_semaphore, #tpu.memory_space<semaphore_mem>>) src(%dma_wait3A_205 : memref<20000xf32, #tpu.memory_space<hbm>>) dst(%arg7 : memref<20000xf32, #tpu.memory_space<vmem>>)
    %parallel_loop3A_206 = arith.constant 0 : i32
    %parallel_loop3A_207 = arith.constant 20000 : i32
    %parallel_loop3A_208 = arith.constant 16 : i32
    scf.for %parallel_loop3A_343 = %parallel_loop3A_206 to %parallel_loop3A_207 step %parallel_loop3A_208  : i32 {
      %parallel_loop3A_344 = arith.index_cast %parallel_loop3A_343 : i32 to index
      %parallel_loop3A_345 = tpu.vector_load %arg7[%parallel_loop3A_344] {strides = array<i32>} : memref<20000xf32, #tpu.memory_space<vmem>>, vector<16xf32>,
      %parallel_loop3A_346 = arith.index_cast %parallel_loop3A_343 : i32 to index
      %parallel_loop3A_347 = tpu.vector_load %arg5[%parallel_loop3A_346] {strides = array<i32>} : memref<20000xf32, #tpu.memory_space<vmem>>, vector<16xf32>,
      %parallel_loop3A_348 = math.absf %parallel_loop3A_345 : vector<16xf32>
      %parallel_loop3A_349 = arith.fptosi %parallel_loop3A_348 : vector<16xf32> to vector<16xi32>
      %parallel_loop3A_350 = arith.constant 4 : i32
      %parallel_loop3A_351 = vector.broadcast %parallel_loop3A_350 : i32 to vector<16xi32>
      %parallel_loop3A_352 = arith.shli %parallel_loop3A_349, %parallel_loop3A_351 : vector<16xi32>
      %parallel_loop3A_353 = arith.addi %parallel_loop3A_352, %iota3A : vector<16xi32>
      %parallel_loop3A_354 = arith.subf %parallel_loop3A_347, %parallel_loop3A_345 : vector<16xf32>
      %parallel_loop3A_355 = arith.mulf %parallel_loop3A_354, %parallel_loop3A_354 : vector<16xf32>
      tpu.vector_store_idx %arg9[%parallel_loop3A_353], %parallel_loop3A_355 {add = true} : memref<1024xf32, #tpu.memory_space<vmem>>[vector<16xi32>], vector<16xf32>,
      tpu.vector_store_idx %arg10[%parallel_loop3A_353], %broadcast_in_dim3A_5 {add = true} : memref<1024xf32, #tpu.memory_space<vmem>>[vector<16xi32>], vector<16xf32>,
    } {sc.loop_unroll_factor = 10 : i64, sc.parallel_access}
    %add3A_209 = arith.constant 320000 : i32
    %add3A_210 = arith.addi %mul3A_2, %add3A_209 : i32
    %dma_start3A_211 = tpu.memref_slice %arg2[%add3A_210] : memref<16000000xf32, #tpu.memory_space<hbm>> -> memref<20000xf32, #tpu.memory_space<hbm>>
    %dma_start3A_212 = tpu.memref_slice %arg2[%add3A_210] : memref<16000000xf32, #tpu.memory_space<hbm>> -> memref<20000xf32, #tpu.memory_space<hbm>>
    tpu.enqueue_dma source(%dma_start3A_212 : memref<20000xf32, #tpu.memory_space<hbm>>) target(%arg5 : memref<20000xf32, #tpu.memory_space<vmem>>) target_semaphore(%arg11 : memref<!tpu.dma_semaphore, #tpu.memory_space<semaphore_mem>>)
    %dma_start3A_213 = tpu.memref_slice %arg3[%add3A_210] : memref<16000000xf32, #tpu.memory_space<hbm>> -> memref<20000xf32, #tpu.memory_space<hbm>>
    %dma_start3A_214 = tpu.memref_slice %arg3[%add3A_210] : memref<16000000xf32, #tpu.memory_space<hbm>> -> memref<20000xf32, #tpu.memory_space<hbm>>
    tpu.enqueue_dma source(%dma_start3A_214 : memref<20000xf32, #tpu.memory_space<hbm>>) target(%arg7 : memref<20000xf32, #tpu.memory_space<vmem>>) target_semaphore(%arg11 : memref<!tpu.dma_semaphore, #tpu.memory_space<semaphore_mem>>)
    %dma_wait3A_215 = tpu.memref_slice %arg2[%add3A_197] : memref<16000000xf32, #tpu.memory_space<hbm>> -> memref<20000xf32, #tpu.memory_space<hbm>>
    %dma_wait3A_216 = tpu.memref_slice %arg2[%add3A_197] : memref<16000000xf32, #tpu.memory_space<hbm>> -> memref<20000xf32, #tpu.memory_space<hbm>>
    tpu.wait_dma2 semaphore(%arg12 : memref<!tpu.dma_semaphore, #tpu.memory_space<semaphore_mem>>) src(%dma_wait3A_216 : memref<20000xf32, #tpu.memory_space<hbm>>) dst(%arg6 : memref<20000xf32, #tpu.memory_space<vmem>>)
    %dma_wait3A_217 = tpu.memref_slice %arg3[%add3A_197] : memref<16000000xf32, #tpu.memory_space<hbm>> -> memref<20000xf32, #tpu.memory_space<hbm>>
    %dma_wait3A_218 = tpu.memref_slice %arg3[%add3A_197] : memref<16000000xf32, #tpu.memory_space<hbm>> -> memref<20000xf32, #tpu.memory_space<hbm>>
    tpu.wait_dma2 semaphore(%arg12 : memref<!tpu.dma_semaphore, #tpu.memory_space<semaphore_mem>>) src(%dma_wait3A_218 : memref<20000xf32, #tpu.memory_space<hbm>>) dst(%arg8 : memref<20000xf32, #tpu.memory_space<vmem>>)
    %parallel_loop3A_219 = arith.constant 0 : i32
    %parallel_loop3A_220 = arith.constant 20000 : i32
    %parallel_loop3A_221 = arith.constant 16 : i32
    scf.for %parallel_loop3A_343 = %parallel_loop3A_219 to %parallel_loop3A_220 step %parallel_loop3A_221  : i32 {
      %parallel_loop3A_344 = arith.index_cast %parallel_loop3A_343 : i32 to index
      %parallel_loop3A_345 = tpu.vector_load %arg8[%parallel_loop3A_344] {strides = array<i32>} : memref<20000xf32, #tpu.memory_space<vmem>>, vector<16xf32>,
      %parallel_loop3A_346 = arith.index_cast %parallel_loop3A_343 : i32 to index
      %parallel_loop3A_347 = tpu.vector_load %arg6[%parallel_loop3A_346] {strides = array<i32>} : memref<20000xf32, #tpu.memory_space<vmem>>, vector<16xf32>,
      %parallel_loop3A_348 = math.absf %parallel_loop3A_345 : vector<16xf32>
      %parallel_loop3A_349 = arith.fptosi %parallel_loop3A_348 : vector<16xf32> to vector<16xi32>
      %parallel_loop3A_350 = arith.constant 4 : i32
      %parallel_loop3A_351 = vector.broadcast %parallel_loop3A_350 : i32 to vector<16xi32>
      %parallel_loop3A_352 = arith.shli %parallel_loop3A_349, %parallel_loop3A_351 : vector<16xi32>
      %parallel_loop3A_353 = arith.addi %parallel_loop3A_352, %iota3A : vector<16xi32>
      %parallel_loop3A_354 = arith.subf %parallel_loop3A_347, %parallel_loop3A_345 : vector<16xf32>
      %parallel_loop3A_355 = arith.mulf %parallel_loop3A_354, %parallel_loop3A_354 : vector<16xf32>
      tpu.vector_store_idx %arg9[%parallel_loop3A_353], %parallel_loop3A_355 {add = true} : memref<1024xf32, #tpu.memory_space<vmem>>[vector<16xi32>], vector<16xf32>,
      tpu.vector_store_idx %arg10[%parallel_loop3A_353], %broadcast_in_dim3A_5 {add = true} : memref<1024xf32, #tpu.memory_space<vmem>>[vector<16xi32>], vector<16xf32>,
    } {sc.loop_unroll_factor = 10 : i64, sc.parallel_access}
    %add3A_222 = arith.constant 340000 : i32
    %add3A_223 = arith.addi %mul3A_2, %add3A_222 : i32
    %dma_start3A_224 = tpu.memref_slice %arg2[%add3A_223] : memref<16000000xf32, #tpu.memory_space<hbm>> -> memref<20000xf32, #tpu.memory_space<hbm>>
    %dma_start3A_225 = tpu.memref_slice %arg2[%add3A_223] : memref<16000000xf32, #tpu.memory_space<hbm>> -> memref<20000xf32, #tpu.memory_space<hbm>>
    tpu.enqueue_dma source(%dma_start3A_225 : memref<20000xf32, #tpu.memory_space<hbm>>) target(%arg6 : memref<20000xf32, #tpu.memory_space<vmem>>) target_semaphore(%arg12 : memref<!tpu.dma_semaphore, #tpu.memory_space<semaphore_mem>>)
    %dma_start3A_226 = tpu.memref_slice %arg3[%add3A_223] : memref<16000000xf32, #tpu.memory_space<hbm>> -> memref<20000xf32, #tpu.memory_space<hbm>>
    %dma_start3A_227 = tpu.memref_slice %arg3[%add3A_223] : memref<16000000xf32, #tpu.memory_space<hbm>> -> memref<20000xf32, #tpu.memory_space<hbm>>
    tpu.enqueue_dma source(%dma_start3A_227 : memref<20000xf32, #tpu.memory_space<hbm>>) target(%arg8 : memref<20000xf32, #tpu.memory_space<vmem>>) target_semaphore(%arg12 : memref<!tpu.dma_semaphore, #tpu.memory_space<semaphore_mem>>)
    %dma_wait3A_228 = tpu.memref_slice %arg2[%add3A_210] : memref<16000000xf32, #tpu.memory_space<hbm>> -> memref<20000xf32, #tpu.memory_space<hbm>>
    %dma_wait3A_229 = tpu.memref_slice %arg2[%add3A_210] : memref<16000000xf32, #tpu.memory_space<hbm>> -> memref<20000xf32, #tpu.memory_space<hbm>>
    tpu.wait_dma2 semaphore(%arg11 : memref<!tpu.dma_semaphore, #tpu.memory_space<semaphore_mem>>) src(%dma_wait3A_229 : memref<20000xf32, #tpu.memory_space<hbm>>) dst(%arg5 : memref<20000xf32, #tpu.memory_space<vmem>>)
    %dma_wait3A_230 = tpu.memref_slice %arg3[%add3A_210] : memref<16000000xf32, #tpu.memory_space<hbm>> -> memref<20000xf32, #tpu.memory_space<hbm>>
    %dma_wait3A_231 = tpu.memref_slice %arg3[%add3A_210] : memref<16000000xf32, #tpu.memory_space<hbm>> -> memref<20000xf32, #tpu.memory_space<hbm>>
    tpu.wait_dma2 semaphore(%arg11 : memref<!tpu.dma_semaphore, #tpu.memory_space<semaphore_mem>>) src(%dma_wait3A_231 : memref<20000xf32, #tpu.memory_space<hbm>>) dst(%arg7 : memref<20000xf32, #tpu.memory_space<vmem>>)
    %parallel_loop3A_232 = arith.constant 0 : i32
    %parallel_loop3A_233 = arith.constant 20000 : i32
    %parallel_loop3A_234 = arith.constant 16 : i32
    scf.for %parallel_loop3A_343 = %parallel_loop3A_232 to %parallel_loop3A_233 step %parallel_loop3A_234  : i32 {
      %parallel_loop3A_344 = arith.index_cast %parallel_loop3A_343 : i32 to index
      %parallel_loop3A_345 = tpu.vector_load %arg7[%parallel_loop3A_344] {strides = array<i32>} : memref<20000xf32, #tpu.memory_space<vmem>>, vector<16xf32>,
      %parallel_loop3A_346 = arith.index_cast %parallel_loop3A_343 : i32 to index
      %parallel_loop3A_347 = tpu.vector_load %arg5[%parallel_loop3A_346] {strides = array<i32>} : memref<20000xf32, #tpu.memory_space<vmem>>, vector<16xf32>,
      %parallel_loop3A_348 = math.absf %parallel_loop3A_345 : vector<16xf32>
      %parallel_loop3A_349 = arith.fptosi %parallel_loop3A_348 : vector<16xf32> to vector<16xi32>
      %parallel_loop3A_350 = arith.constant 4 : i32
      %parallel_loop3A_351 = vector.broadcast %parallel_loop3A_350 : i32 to vector<16xi32>
      %parallel_loop3A_352 = arith.shli %parallel_loop3A_349, %parallel_loop3A_351 : vector<16xi32>
      %parallel_loop3A_353 = arith.addi %parallel_loop3A_352, %iota3A : vector<16xi32>
      %parallel_loop3A_354 = arith.subf %parallel_loop3A_347, %parallel_loop3A_345 : vector<16xf32>
      %parallel_loop3A_355 = arith.mulf %parallel_loop3A_354, %parallel_loop3A_354 : vector<16xf32>
      tpu.vector_store_idx %arg9[%parallel_loop3A_353], %parallel_loop3A_355 {add = true} : memref<1024xf32, #tpu.memory_space<vmem>>[vector<16xi32>], vector<16xf32>,
      tpu.vector_store_idx %arg10[%parallel_loop3A_353], %broadcast_in_dim3A_5 {add = true} : memref<1024xf32, #tpu.memory_space<vmem>>[vector<16xi32>], vector<16xf32>,
    } {sc.loop_unroll_factor = 10 : i64, sc.parallel_access}
    %add3A_235 = arith.constant 360000 : i32
    %add3A_236 = arith.addi %mul3A_2, %add3A_235 : i32
    %dma_start3A_237 = tpu.memref_slice %arg2[%add3A_236] : memref<16000000xf32, #tpu.memory_space<hbm>> -> memref<20000xf32, #tpu.memory_space<hbm>>
    %dma_start3A_238 = tpu.memref_slice %arg2[%add3A_236] : memref<16000000xf32, #tpu.memory_space<hbm>> -> memref<20000xf32, #tpu.memory_space<hbm>>
    tpu.enqueue_dma source(%dma_start3A_238 : memref<20000xf32, #tpu.memory_space<hbm>>) target(%arg5 : memref<20000xf32, #tpu.memory_space<vmem>>) target_semaphore(%arg11 : memref<!tpu.dma_semaphore, #tpu.memory_space<semaphore_mem>>)
    %dma_start3A_239 = tpu.memref_slice %arg3[%add3A_236] : memref<16000000xf32, #tpu.memory_space<hbm>> -> memref<20000xf32, #tpu.memory_space<hbm>>
    %dma_start3A_240 = tpu.memref_slice %arg3[%add3A_236] : memref<16000000xf32, #tpu.memory_space<hbm>> -> memref<20000xf32, #tpu.memory_space<hbm>>
    tpu.enqueue_dma source(%dma_start3A_240 : memref<20000xf32, #tpu.memory_space<hbm>>) target(%arg7 : memref<20000xf32, #tpu.memory_space<vmem>>) target_semaphore(%arg11 : memref<!tpu.dma_semaphore, #tpu.memory_space<semaphore_mem>>)
    %dma_wait3A_241 = tpu.memref_slice %arg2[%add3A_223] : memref<16000000xf32, #tpu.memory_space<hbm>> -> memref<20000xf32, #tpu.memory_space<hbm>>
    %dma_wait3A_242 = tpu.memref_slice %arg2[%add3A_223] : memref<16000000xf32, #tpu.memory_space<hbm>> -> memref<20000xf32, #tpu.memory_space<hbm>>
    tpu.wait_dma2 semaphore(%arg12 : memref<!tpu.dma_semaphore, #tpu.memory_space<semaphore_mem>>) src(%dma_wait3A_242 : memref<20000xf32, #tpu.memory_space<hbm>>) dst(%arg6 : memref<20000xf32, #tpu.memory_space<vmem>>)
    %dma_wait3A_243 = tpu.memref_slice %arg3[%add3A_223] : memref<16000000xf32, #tpu.memory_space<hbm>> -> memref<20000xf32, #tpu.memory_space<hbm>>
    %dma_wait3A_244 = tpu.memref_slice %arg3[%add3A_223] : memref<16000000xf32, #tpu.memory_space<hbm>> -> memref<20000xf32, #tpu.memory_space<hbm>>
    tpu.wait_dma2 semaphore(%arg12 : memref<!tpu.dma_semaphore, #tpu.memory_space<semaphore_mem>>) src(%dma_wait3A_244 : memref<20000xf32, #tpu.memory_space<hbm>>) dst(%arg8 : memref<20000xf32, #tpu.memory_space<vmem>>)
    %parallel_loop3A_245 = arith.constant 0 : i32
    %parallel_loop3A_246 = arith.constant 20000 : i32
    %parallel_loop3A_247 = arith.constant 16 : i32
    scf.for %parallel_loop3A_343 = %parallel_loop3A_245 to %parallel_loop3A_246 step %parallel_loop3A_247  : i32 {
      %parallel_loop3A_344 = arith.index_cast %parallel_loop3A_343 : i32 to index
      %parallel_loop3A_345 = tpu.vector_load %arg8[%parallel_loop3A_344] {strides = array<i32>} : memref<20000xf32, #tpu.memory_space<vmem>>, vector<16xf32>,
      %parallel_loop3A_346 = arith.index_cast %parallel_loop3A_343 : i32 to index
      %parallel_loop3A_347 = tpu.vector_load %arg6[%parallel_loop3A_346] {strides = array<i32>} : memref<20000xf32, #tpu.memory_space<vmem>>, vector<16xf32>,
      %parallel_loop3A_348 = math.absf %parallel_loop3A_345 : vector<16xf32>
      %parallel_loop3A_349 = arith.fptosi %parallel_loop3A_348 : vector<16xf32> to vector<16xi32>
      %parallel_loop3A_350 = arith.constant 4 : i32
      %parallel_loop3A_351 = vector.broadcast %parallel_loop3A_350 : i32 to vector<16xi32>
      %parallel_loop3A_352 = arith.shli %parallel_loop3A_349, %parallel_loop3A_351 : vector<16xi32>
      %parallel_loop3A_353 = arith.addi %parallel_loop3A_352, %iota3A : vector<16xi32>
      %parallel_loop3A_354 = arith.subf %parallel_loop3A_347, %parallel_loop3A_345 : vector<16xf32>
      %parallel_loop3A_355 = arith.mulf %parallel_loop3A_354, %parallel_loop3A_354 : vector<16xf32>
      tpu.vector_store_idx %arg9[%parallel_loop3A_353], %parallel_loop3A_355 {add = true} : memref<1024xf32, #tpu.memory_space<vmem>>[vector<16xi32>], vector<16xf32>,
      tpu.vector_store_idx %arg10[%parallel_loop3A_353], %broadcast_in_dim3A_5 {add = true} : memref<1024xf32, #tpu.memory_space<vmem>>[vector<16xi32>], vector<16xf32>,
    } {sc.loop_unroll_factor = 10 : i64, sc.parallel_access}
    %add3A_248 = arith.constant 380000 : i32
    %add3A_249 = arith.addi %mul3A_2, %add3A_248 : i32
    %dma_start3A_250 = tpu.memref_slice %arg2[%add3A_249] : memref<16000000xf32, #tpu.memory_space<hbm>> -> memref<20000xf32, #tpu.memory_space<hbm>>
    %dma_start3A_251 = tpu.memref_slice %arg2[%add3A_249] : memref<16000000xf32, #tpu.memory_space<hbm>> -> memref<20000xf32, #tpu.memory_space<hbm>>
    tpu.enqueue_dma source(%dma_start3A_251 : memref<20000xf32, #tpu.memory_space<hbm>>) target(%arg6 : memref<20000xf32, #tpu.memory_space<vmem>>) target_semaphore(%arg12 : memref<!tpu.dma_semaphore, #tpu.memory_space<semaphore_mem>>)
    %dma_start3A_252 = tpu.memref_slice %arg3[%add3A_249] : memref<16000000xf32, #tpu.memory_space<hbm>> -> memref<20000xf32, #tpu.memory_space<hbm>>
    %dma_start3A_253 = tpu.memref_slice %arg3[%add3A_249] : memref<16000000xf32, #tpu.memory_space<hbm>> -> memref<20000xf32, #tpu.memory_space<hbm>>
    tpu.enqueue_dma source(%dma_start3A_253 : memref<20000xf32, #tpu.memory_space<hbm>>) target(%arg8 : memref<20000xf32, #tpu.memory_space<vmem>>) target_semaphore(%arg12 : memref<!tpu.dma_semaphore, #tpu.memory_space<semaphore_mem>>)
    %dma_wait3A_254 = tpu.memref_slice %arg2[%add3A_236] : memref<16000000xf32, #tpu.memory_space<hbm>> -> memref<20000xf32, #tpu.memory_space<hbm>>
    %dma_wait3A_255 = tpu.memref_slice %arg2[%add3A_236] : memref<16000000xf32, #tpu.memory_space<hbm>> -> memref<20000xf32, #tpu.memory_space<hbm>>
    tpu.wait_dma2 semaphore(%arg11 : memref<!tpu.dma_semaphore, #tpu.memory_space<semaphore_mem>>) src(%dma_wait3A_255 : memref<20000xf32, #tpu.memory_space<hbm>>) dst(%arg5 : memref<20000xf32, #tpu.memory_space<vmem>>)
    %dma_wait3A_256 = tpu.memref_slice %arg3[%add3A_236] : memref<16000000xf32, #tpu.memory_space<hbm>> -> memref<20000xf32, #tpu.memory_space<hbm>>
    %dma_wait3A_257 = tpu.memref_slice %arg3[%add3A_236] : memref<16000000xf32, #tpu.memory_space<hbm>> -> memref<20000xf32, #tpu.memory_space<hbm>>
    tpu.wait_dma2 semaphore(%arg11 : memref<!tpu.dma_semaphore, #tpu.memory_space<semaphore_mem>>) src(%dma_wait3A_257 : memref<20000xf32, #tpu.memory_space<hbm>>) dst(%arg7 : memref<20000xf32, #tpu.memory_space<vmem>>)
    %parallel_loop3A_258 = arith.constant 0 : i32
    %parallel_loop3A_259 = arith.constant 20000 : i32
    %parallel_loop3A_260 = arith.constant 16 : i32
    scf.for %parallel_loop3A_343 = %parallel_loop3A_258 to %parallel_loop3A_259 step %parallel_loop3A_260  : i32 {
      %parallel_loop3A_344 = arith.index_cast %parallel_loop3A_343 : i32 to index
      %parallel_loop3A_345 = tpu.vector_load %arg7[%parallel_loop3A_344] {strides = array<i32>} : memref<20000xf32, #tpu.memory_space<vmem>>, vector<16xf32>,
      %parallel_loop3A_346 = arith.index_cast %parallel_loop3A_343 : i32 to index
      %parallel_loop3A_347 = tpu.vector_load %arg5[%parallel_loop3A_346] {strides = array<i32>} : memref<20000xf32, #tpu.memory_space<vmem>>, vector<16xf32>,
      %parallel_loop3A_348 = math.absf %parallel_loop3A_345 : vector<16xf32>
      %parallel_loop3A_349 = arith.fptosi %parallel_loop3A_348 : vector<16xf32> to vector<16xi32>
      %parallel_loop3A_350 = arith.constant 4 : i32
      %parallel_loop3A_351 = vector.broadcast %parallel_loop3A_350 : i32 to vector<16xi32>
      %parallel_loop3A_352 = arith.shli %parallel_loop3A_349, %parallel_loop3A_351 : vector<16xi32>
      %parallel_loop3A_353 = arith.addi %parallel_loop3A_352, %iota3A : vector<16xi32>
      %parallel_loop3A_354 = arith.subf %parallel_loop3A_347, %parallel_loop3A_345 : vector<16xf32>
      %parallel_loop3A_355 = arith.mulf %parallel_loop3A_354, %parallel_loop3A_354 : vector<16xf32>
      tpu.vector_store_idx %arg9[%parallel_loop3A_353], %parallel_loop3A_355 {add = true} : memref<1024xf32, #tpu.memory_space<vmem>>[vector<16xi32>], vector<16xf32>,
      tpu.vector_store_idx %arg10[%parallel_loop3A_353], %broadcast_in_dim3A_5 {add = true} : memref<1024xf32, #tpu.memory_space<vmem>>[vector<16xi32>], vector<16xf32>,
    } {sc.loop_unroll_factor = 10 : i64, sc.parallel_access}
    %add3A_261 = arith.constant 400000 : i32
    %add3A_262 = arith.addi %mul3A_2, %add3A_261 : i32
    %dma_start3A_263 = tpu.memref_slice %arg2[%add3A_262] : memref<16000000xf32, #tpu.memory_space<hbm>> -> memref<20000xf32, #tpu.memory_space<hbm>>
    %dma_start3A_264 = tpu.memref_slice %arg2[%add3A_262] : memref<16000000xf32, #tpu.memory_space<hbm>> -> memref<20000xf32, #tpu.memory_space<hbm>>
    tpu.enqueue_dma source(%dma_start3A_264 : memref<20000xf32, #tpu.memory_space<hbm>>) target(%arg5 : memref<20000xf32, #tpu.memory_space<vmem>>) target_semaphore(%arg11 : memref<!tpu.dma_semaphore, #tpu.memory_space<semaphore_mem>>)
    %dma_start3A_265 = tpu.memref_slice %arg3[%add3A_262] : memref<16000000xf32, #tpu.memory_space<hbm>> -> memref<20000xf32, #tpu.memory_space<hbm>>
    %dma_start3A_266 = tpu.memref_slice %arg3[%add3A_262] : memref<16000000xf32, #tpu.memory_space<hbm>> -> memref<20000xf32, #tpu.memory_space<hbm>>
    tpu.enqueue_dma source(%dma_start3A_266 : memref<20000xf32, #tpu.memory_space<hbm>>) target(%arg7 : memref<20000xf32, #tpu.memory_space<vmem>>) target_semaphore(%arg11 : memref<!tpu.dma_semaphore, #tpu.memory_space<semaphore_mem>>)
    %dma_wait3A_267 = tpu.memref_slice %arg2[%add3A_249] : memref<16000000xf32, #tpu.memory_space<hbm>> -> memref<20000xf32, #tpu.memory_space<hbm>>
    %dma_wait3A_268 = tpu.memref_slice %arg2[%add3A_249] : memref<16000000xf32, #tpu.memory_space<hbm>> -> memref<20000xf32, #tpu.memory_space<hbm>>
    tpu.wait_dma2 semaphore(%arg12 : memref<!tpu.dma_semaphore, #tpu.memory_space<semaphore_mem>>) src(%dma_wait3A_268 : memref<20000xf32, #tpu.memory_space<hbm>>) dst(%arg6 : memref<20000xf32, #tpu.memory_space<vmem>>)
    %dma_wait3A_269 = tpu.memref_slice %arg3[%add3A_249] : memref<16000000xf32, #tpu.memory_space<hbm>> -> memref<20000xf32, #tpu.memory_space<hbm>>
    %dma_wait3A_270 = tpu.memref_slice %arg3[%add3A_249] : memref<16000000xf32, #tpu.memory_space<hbm>> -> memref<20000xf32, #tpu.memory_space<hbm>>
    tpu.wait_dma2 semaphore(%arg12 : memref<!tpu.dma_semaphore, #tpu.memory_space<semaphore_mem>>) src(%dma_wait3A_270 : memref<20000xf32, #tpu.memory_space<hbm>>) dst(%arg8 : memref<20000xf32, #tpu.memory_space<vmem>>)
    %parallel_loop3A_271 = arith.constant 0 : i32
    %parallel_loop3A_272 = arith.constant 20000 : i32
    %parallel_loop3A_273 = arith.constant 16 : i32
    scf.for %parallel_loop3A_343 = %parallel_loop3A_271 to %parallel_loop3A_272 step %parallel_loop3A_273  : i32 {
      %parallel_loop3A_344 = arith.index_cast %parallel_loop3A_343 : i32 to index
      %parallel_loop3A_345 = tpu.vector_load %arg8[%parallel_loop3A_344] {strides = array<i32>} : memref<20000xf32, #tpu.memory_space<vmem>>, vector<16xf32>,
      %parallel_loop3A_346 = arith.index_cast %parallel_loop3A_343 : i32 to index
      %parallel_loop3A_347 = tpu.vector_load %arg6[%parallel_loop3A_346] {strides = array<i32>} : memref<20000xf32, #tpu.memory_space<vmem>>, vector<16xf32>,
      %parallel_loop3A_348 = math.absf %parallel_loop3A_345 : vector<16xf32>
      %parallel_loop3A_349 = arith.fptosi %parallel_loop3A_348 : vector<16xf32> to vector<16xi32>
      %parallel_loop3A_350 = arith.constant 4 : i32
      %parallel_loop3A_351 = vector.broadcast %parallel_loop3A_350 : i32 to vector<16xi32>
      %parallel_loop3A_352 = arith.shli %parallel_loop3A_349, %parallel_loop3A_351 : vector<16xi32>
      %parallel_loop3A_353 = arith.addi %parallel_loop3A_352, %iota3A : vector<16xi32>
      %parallel_loop3A_354 = arith.subf %parallel_loop3A_347, %parallel_loop3A_345 : vector<16xf32>
      %parallel_loop3A_355 = arith.mulf %parallel_loop3A_354, %parallel_loop3A_354 : vector<16xf32>
      tpu.vector_store_idx %arg9[%parallel_loop3A_353], %parallel_loop3A_355 {add = true} : memref<1024xf32, #tpu.memory_space<vmem>>[vector<16xi32>], vector<16xf32>,
      tpu.vector_store_idx %arg10[%parallel_loop3A_353], %broadcast_in_dim3A_5 {add = true} : memref<1024xf32, #tpu.memory_space<vmem>>[vector<16xi32>], vector<16xf32>,
    } {sc.loop_unroll_factor = 10 : i64, sc.parallel_access}
    %add3A_274 = arith.constant 420000 : i32
    %add3A_275 = arith.addi %mul3A_2, %add3A_274 : i32
    %dma_start3A_276 = tpu.memref_slice %arg2[%add3A_275] : memref<16000000xf32, #tpu.memory_space<hbm>> -> memref<20000xf32, #tpu.memory_space<hbm>>
    %dma_start3A_277 = tpu.memref_slice %arg2[%add3A_275] : memref<16000000xf32, #tpu.memory_space<hbm>> -> memref<20000xf32, #tpu.memory_space<hbm>>
    tpu.enqueue_dma source(%dma_start3A_277 : memref<20000xf32, #tpu.memory_space<hbm>>) target(%arg6 : memref<20000xf32, #tpu.memory_space<vmem>>) target_semaphore(%arg12 : memref<!tpu.dma_semaphore, #tpu.memory_space<semaphore_mem>>)
    %dma_start3A_278 = tpu.memref_slice %arg3[%add3A_275] : memref<16000000xf32, #tpu.memory_space<hbm>> -> memref<20000xf32, #tpu.memory_space<hbm>>
    %dma_start3A_279 = tpu.memref_slice %arg3[%add3A_275] : memref<16000000xf32, #tpu.memory_space<hbm>> -> memref<20000xf32, #tpu.memory_space<hbm>>
    tpu.enqueue_dma source(%dma_start3A_279 : memref<20000xf32, #tpu.memory_space<hbm>>) target(%arg8 : memref<20000xf32, #tpu.memory_space<vmem>>) target_semaphore(%arg12 : memref<!tpu.dma_semaphore, #tpu.memory_space<semaphore_mem>>)
    %dma_wait3A_280 = tpu.memref_slice %arg2[%add3A_262] : memref<16000000xf32, #tpu.memory_space<hbm>> -> memref<20000xf32, #tpu.memory_space<hbm>>
    %dma_wait3A_281 = tpu.memref_slice %arg2[%add3A_262] : memref<16000000xf32, #tpu.memory_space<hbm>> -> memref<20000xf32, #tpu.memory_space<hbm>>
    tpu.wait_dma2 semaphore(%arg11 : memref<!tpu.dma_semaphore, #tpu.memory_space<semaphore_mem>>) src(%dma_wait3A_281 : memref<20000xf32, #tpu.memory_space<hbm>>) dst(%arg5 : memref<20000xf32, #tpu.memory_space<vmem>>)
    %dma_wait3A_282 = tpu.memref_slice %arg3[%add3A_262] : memref<16000000xf32, #tpu.memory_space<hbm>> -> memref<20000xf32, #tpu.memory_space<hbm>>
    %dma_wait3A_283 = tpu.memref_slice %arg3[%add3A_262] : memref<16000000xf32, #tpu.memory_space<hbm>> -> memref<20000xf32, #tpu.memory_space<hbm>>
    tpu.wait_dma2 semaphore(%arg11 : memref<!tpu.dma_semaphore, #tpu.memory_space<semaphore_mem>>) src(%dma_wait3A_283 : memref<20000xf32, #tpu.memory_space<hbm>>) dst(%arg7 : memref<20000xf32, #tpu.memory_space<vmem>>)
    %parallel_loop3A_284 = arith.constant 0 : i32
    %parallel_loop3A_285 = arith.constant 20000 : i32
    %parallel_loop3A_286 = arith.constant 16 : i32
    scf.for %parallel_loop3A_343 = %parallel_loop3A_284 to %parallel_loop3A_285 step %parallel_loop3A_286  : i32 {
      %parallel_loop3A_344 = arith.index_cast %parallel_loop3A_343 : i32 to index
      %parallel_loop3A_345 = tpu.vector_load %arg7[%parallel_loop3A_344] {strides = array<i32>} : memref<20000xf32, #tpu.memory_space<vmem>>, vector<16xf32>,
      %parallel_loop3A_346 = arith.index_cast %parallel_loop3A_343 : i32 to index
      %parallel_loop3A_347 = tpu.vector_load %arg5[%parallel_loop3A_346] {strides = array<i32>} : memref<20000xf32, #tpu.memory_space<vmem>>, vector<16xf32>,
      %parallel_loop3A_348 = math.absf %parallel_loop3A_345 : vector<16xf32>
      %parallel_loop3A_349 = arith.fptosi %parallel_loop3A_348 : vector<16xf32> to vector<16xi32>
      %parallel_loop3A_350 = arith.constant 4 : i32
      %parallel_loop3A_351 = vector.broadcast %parallel_loop3A_350 : i32 to vector<16xi32>
      %parallel_loop3A_352 = arith.shli %parallel_loop3A_349, %parallel_loop3A_351 : vector<16xi32>
      %parallel_loop3A_353 = arith.addi %parallel_loop3A_352, %iota3A : vector<16xi32>
      %parallel_loop3A_354 = arith.subf %parallel_loop3A_347, %parallel_loop3A_345 : vector<16xf32>
      %parallel_loop3A_355 = arith.mulf %parallel_loop3A_354, %parallel_loop3A_354 : vector<16xf32>
      tpu.vector_store_idx %arg9[%parallel_loop3A_353], %parallel_loop3A_355 {add = true} : memref<1024xf32, #tpu.memory_space<vmem>>[vector<16xi32>], vector<16xf32>,
      tpu.vector_store_idx %arg10[%parallel_loop3A_353], %broadcast_in_dim3A_5 {add = true} : memref<1024xf32, #tpu.memory_space<vmem>>[vector<16xi32>], vector<16xf32>,
    } {sc.loop_unroll_factor = 10 : i64, sc.parallel_access}
    %add3A_287 = arith.constant 440000 : i32
    %add3A_288 = arith.addi %mul3A_2, %add3A_287 : i32
    %dma_start3A_289 = tpu.memref_slice %arg2[%add3A_288] : memref<16000000xf32, #tpu.memory_space<hbm>> -> memref<20000xf32, #tpu.memory_space<hbm>>
    %dma_start3A_290 = tpu.memref_slice %arg2[%add3A_288] : memref<16000000xf32, #tpu.memory_space<hbm>> -> memref<20000xf32, #tpu.memory_space<hbm>>
    tpu.enqueue_dma source(%dma_start3A_290 : memref<20000xf32, #tpu.memory_space<hbm>>) target(%arg5 : memref<20000xf32, #tpu.memory_space<vmem>>) target_semaphore(%arg11 : memref<!tpu.dma_semaphore, #tpu.memory_space<semaphore_mem>>)
    %dma_start3A_291 = tpu.memref_slice %arg3[%add3A_288] : memref<16000000xf32, #tpu.memory_space<hbm>> -> memref<20000xf32, #tpu.memory_space<hbm>>
    %dma_start3A_292 = tpu.memref_slice %arg3[%add3A_288] : memref<16000000xf32, #tpu.memory_space<hbm>> -> memref<20000xf32, #tpu.memory_space<hbm>>
    tpu.enqueue_dma source(%dma_start3A_292 : memref<20000xf32, #tpu.memory_space<hbm>>) target(%arg7 : memref<20000xf32, #tpu.memory_space<vmem>>) target_semaphore(%arg11 : memref<!tpu.dma_semaphore, #tpu.memory_space<semaphore_mem>>)
    %dma_wait3A_293 = tpu.memref_slice %arg2[%add3A_275] : memref<16000000xf32, #tpu.memory_space<hbm>> -> memref<20000xf32, #tpu.memory_space<hbm>>
    %dma_wait3A_294 = tpu.memref_slice %arg2[%add3A_275] : memref<16000000xf32, #tpu.memory_space<hbm>> -> memref<20000xf32, #tpu.memory_space<hbm>>
    tpu.wait_dma2 semaphore(%arg12 : memref<!tpu.dma_semaphore, #tpu.memory_space<semaphore_mem>>) src(%dma_wait3A_294 : memref<20000xf32, #tpu.memory_space<hbm>>) dst(%arg6 : memref<20000xf32, #tpu.memory_space<vmem>>)
    %dma_wait3A_295 = tpu.memref_slice %arg3[%add3A_275] : memref<16000000xf32, #tpu.memory_space<hbm>> -> memref<20000xf32, #tpu.memory_space<hbm>>
    %dma_wait3A_296 = tpu.memref_slice %arg3[%add3A_275] : memref<16000000xf32, #tpu.memory_space<hbm>> -> memref<20000xf32, #tpu.memory_space<hbm>>
    tpu.wait_dma2 semaphore(%arg12 : memref<!tpu.dma_semaphore, #tpu.memory_space<semaphore_mem>>) src(%dma_wait3A_296 : memref<20000xf32, #tpu.memory_space<hbm>>) dst(%arg8 : memref<20000xf32, #tpu.memory_space<vmem>>)
    %parallel_loop3A_297 = arith.constant 0 : i32
    %parallel_loop3A_298 = arith.constant 20000 : i32
    %parallel_loop3A_299 = arith.constant 16 : i32
    scf.for %parallel_loop3A_343 = %parallel_loop3A_297 to %parallel_loop3A_298 step %parallel_loop3A_299  : i32 {
      %parallel_loop3A_344 = arith.index_cast %parallel_loop3A_343 : i32 to index
      %parallel_loop3A_345 = tpu.vector_load %arg8[%parallel_loop3A_344] {strides = array<i32>} : memref<20000xf32, #tpu.memory_space<vmem>>, vector<16xf32>,
      %parallel_loop3A_346 = arith.index_cast %parallel_loop3A_343 : i32 to index
      %parallel_loop3A_347 = tpu.vector_load %arg6[%parallel_loop3A_346] {strides = array<i32>} : memref<20000xf32, #tpu.memory_space<vmem>>, vector<16xf32>,
      %parallel_loop3A_348 = math.absf %parallel_loop3A_345 : vector<16xf32>
      %parallel_loop3A_349 = arith.fptosi %parallel_loop3A_348 : vector<16xf32> to vector<16xi32>
      %parallel_loop3A_350 = arith.constant 4 : i32
      %parallel_loop3A_351 = vector.broadcast %parallel_loop3A_350 : i32 to vector<16xi32>
      %parallel_loop3A_352 = arith.shli %parallel_loop3A_349, %parallel_loop3A_351 : vector<16xi32>
      %parallel_loop3A_353 = arith.addi %parallel_loop3A_352, %iota3A : vector<16xi32>
      %parallel_loop3A_354 = arith.subf %parallel_loop3A_347, %parallel_loop3A_345 : vector<16xf32>
      %parallel_loop3A_355 = arith.mulf %parallel_loop3A_354, %parallel_loop3A_354 : vector<16xf32>
      tpu.vector_store_idx %arg9[%parallel_loop3A_353], %parallel_loop3A_355 {add = true} : memref<1024xf32, #tpu.memory_space<vmem>>[vector<16xi32>], vector<16xf32>,
      tpu.vector_store_idx %arg10[%parallel_loop3A_353], %broadcast_in_dim3A_5 {add = true} : memref<1024xf32, #tpu.memory_space<vmem>>[vector<16xi32>], vector<16xf32>,
    } {sc.loop_unroll_factor = 10 : i64, sc.parallel_access}
    %add3A_300 = arith.constant 460000 : i32
    %add3A_301 = arith.addi %mul3A_2, %add3A_300 : i32
    %dma_start3A_302 = tpu.memref_slice %arg2[%add3A_301] : memref<16000000xf32, #tpu.memory_space<hbm>> -> memref<20000xf32, #tpu.memory_space<hbm>>
    %dma_start3A_303 = tpu.memref_slice %arg2[%add3A_301] : memref<16000000xf32, #tpu.memory_space<hbm>> -> memref<20000xf32, #tpu.memory_space<hbm>>
    tpu.enqueue_dma source(%dma_start3A_303 : memref<20000xf32, #tpu.memory_space<hbm>>) target(%arg6 : memref<20000xf32, #tpu.memory_space<vmem>>) target_semaphore(%arg12 : memref<!tpu.dma_semaphore, #tpu.memory_space<semaphore_mem>>)
    %dma_start3A_304 = tpu.memref_slice %arg3[%add3A_301] : memref<16000000xf32, #tpu.memory_space<hbm>> -> memref<20000xf32, #tpu.memory_space<hbm>>
    %dma_start3A_305 = tpu.memref_slice %arg3[%add3A_301] : memref<16000000xf32, #tpu.memory_space<hbm>> -> memref<20000xf32, #tpu.memory_space<hbm>>
    tpu.enqueue_dma source(%dma_start3A_305 : memref<20000xf32, #tpu.memory_space<hbm>>) target(%arg8 : memref<20000xf32, #tpu.memory_space<vmem>>) target_semaphore(%arg12 : memref<!tpu.dma_semaphore, #tpu.memory_space<semaphore_mem>>)
    %dma_wait3A_306 = tpu.memref_slice %arg2[%add3A_288] : memref<16000000xf32, #tpu.memory_space<hbm>> -> memref<20000xf32, #tpu.memory_space<hbm>>
    %dma_wait3A_307 = tpu.memref_slice %arg2[%add3A_288] : memref<16000000xf32, #tpu.memory_space<hbm>> -> memref<20000xf32, #tpu.memory_space<hbm>>
    tpu.wait_dma2 semaphore(%arg11 : memref<!tpu.dma_semaphore, #tpu.memory_space<semaphore_mem>>) src(%dma_wait3A_307 : memref<20000xf32, #tpu.memory_space<hbm>>) dst(%arg5 : memref<20000xf32, #tpu.memory_space<vmem>>)
    %dma_wait3A_308 = tpu.memref_slice %arg3[%add3A_288] : memref<16000000xf32, #tpu.memory_space<hbm>> -> memref<20000xf32, #tpu.memory_space<hbm>>
    %dma_wait3A_309 = tpu.memref_slice %arg3[%add3A_288] : memref<16000000xf32, #tpu.memory_space<hbm>> -> memref<20000xf32, #tpu.memory_space<hbm>>
    tpu.wait_dma2 semaphore(%arg11 : memref<!tpu.dma_semaphore, #tpu.memory_space<semaphore_mem>>) src(%dma_wait3A_309 : memref<20000xf32, #tpu.memory_space<hbm>>) dst(%arg7 : memref<20000xf32, #tpu.memory_space<vmem>>)
    %parallel_loop3A_310 = arith.constant 0 : i32
    %parallel_loop3A_311 = arith.constant 20000 : i32
    %parallel_loop3A_312 = arith.constant 16 : i32
    scf.for %parallel_loop3A_343 = %parallel_loop3A_310 to %parallel_loop3A_311 step %parallel_loop3A_312  : i32 {
      %parallel_loop3A_344 = arith.index_cast %parallel_loop3A_343 : i32 to index
      %parallel_loop3A_345 = tpu.vector_load %arg7[%parallel_loop3A_344] {strides = array<i32>} : memref<20000xf32, #tpu.memory_space<vmem>>, vector<16xf32>,
      %parallel_loop3A_346 = arith.index_cast %parallel_loop3A_343 : i32 to index
      %parallel_loop3A_347 = tpu.vector_load %arg5[%parallel_loop3A_346] {strides = array<i32>} : memref<20000xf32, #tpu.memory_space<vmem>>, vector<16xf32>,
      %parallel_loop3A_348 = math.absf %parallel_loop3A_345 : vector<16xf32>
      %parallel_loop3A_349 = arith.fptosi %parallel_loop3A_348 : vector<16xf32> to vector<16xi32>
      %parallel_loop3A_350 = arith.constant 4 : i32
      %parallel_loop3A_351 = vector.broadcast %parallel_loop3A_350 : i32 to vector<16xi32>
      %parallel_loop3A_352 = arith.shli %parallel_loop3A_349, %parallel_loop3A_351 : vector<16xi32>
      %parallel_loop3A_353 = arith.addi %parallel_loop3A_352, %iota3A : vector<16xi32>
      %parallel_loop3A_354 = arith.subf %parallel_loop3A_347, %parallel_loop3A_345 : vector<16xf32>
      %parallel_loop3A_355 = arith.mulf %parallel_loop3A_354, %parallel_loop3A_354 : vector<16xf32>
      tpu.vector_store_idx %arg9[%parallel_loop3A_353], %parallel_loop3A_355 {add = true} : memref<1024xf32, #tpu.memory_space<vmem>>[vector<16xi32>], vector<16xf32>,
      tpu.vector_store_idx %arg10[%parallel_loop3A_353], %broadcast_in_dim3A_5 {add = true} : memref<1024xf32, #tpu.memory_space<vmem>>[vector<16xi32>], vector<16xf32>,
    } {sc.loop_unroll_factor = 10 : i64, sc.parallel_access}
    %add3A_313 = arith.constant 480000 : i32
    %add3A_314 = arith.addi %mul3A_2, %add3A_313 : i32
    %dma_start3A_315 = tpu.memref_slice %arg2[%add3A_314] : memref<16000000xf32, #tpu.memory_space<hbm>> -> memref<20000xf32, #tpu.memory_space<hbm>>
    %dma_start3A_316 = tpu.memref_slice %arg2[%add3A_314] : memref<16000000xf32, #tpu.memory_space<hbm>> -> memref<20000xf32, #tpu.memory_space<hbm>>
    tpu.enqueue_dma source(%dma_start3A_316 : memref<20000xf32, #tpu.memory_space<hbm>>) target(%arg5 : memref<20000xf32, #tpu.memory_space<vmem>>) target_semaphore(%arg11 : memref<!tpu.dma_semaphore, #tpu.memory_space<semaphore_mem>>)
    %dma_start3A_317 = tpu.memref_slice %arg3[%add3A_314] : memref<16000000xf32, #tpu.memory_space<hbm>> -> memref<20000xf32, #tpu.memory_space<hbm>>
    %dma_start3A_318 = tpu.memref_slice %arg3[%add3A_314] : memref<16000000xf32, #tpu.memory_space<hbm>> -> memref<20000xf32, #tpu.memory_space<hbm>>
    tpu.enqueue_dma source(%dma_start3A_318 : memref<20000xf32, #tpu.memory_space<hbm>>) target(%arg7 : memref<20000xf32, #tpu.memory_space<vmem>>) target_semaphore(%arg11 : memref<!tpu.dma_semaphore, #tpu.memory_space<semaphore_mem>>)
    %dma_wait3A_319 = tpu.memref_slice %arg2[%add3A_301] : memref<16000000xf32, #tpu.memory_space<hbm>> -> memref<20000xf32, #tpu.memory_space<hbm>>
    %dma_wait3A_320 = tpu.memref_slice %arg2[%add3A_301] : memref<16000000xf32, #tpu.memory_space<hbm>> -> memref<20000xf32, #tpu.memory_space<hbm>>
    tpu.wait_dma2 semaphore(%arg12 : memref<!tpu.dma_semaphore, #tpu.memory_space<semaphore_mem>>) src(%dma_wait3A_320 : memref<20000xf32, #tpu.memory_space<hbm>>) dst(%arg6 : memref<20000xf32, #tpu.memory_space<vmem>>)
    %dma_wait3A_321 = tpu.memref_slice %arg3[%add3A_301] : memref<16000000xf32, #tpu.memory_space<hbm>> -> memref<20000xf32, #tpu.memory_space<hbm>>
    %dma_wait3A_322 = tpu.memref_slice %arg3[%add3A_301] : memref<16000000xf32, #tpu.memory_space<hbm>> -> memref<20000xf32, #tpu.memory_space<hbm>>
    tpu.wait_dma2 semaphore(%arg12 : memref<!tpu.dma_semaphore, #tpu.memory_space<semaphore_mem>>) src(%dma_wait3A_322 : memref<20000xf32, #tpu.memory_space<hbm>>) dst(%arg8 : memref<20000xf32, #tpu.memory_space<vmem>>)
    %parallel_loop3A_323 = arith.constant 0 : i32
    %parallel_loop3A_324 = arith.constant 20000 : i32
    %parallel_loop3A_325 = arith.constant 16 : i32
    scf.for %parallel_loop3A_343 = %parallel_loop3A_323 to %parallel_loop3A_324 step %parallel_loop3A_325  : i32 {
      %parallel_loop3A_344 = arith.index_cast %parallel_loop3A_343 : i32 to index
      %parallel_loop3A_345 = tpu.vector_load %arg8[%parallel_loop3A_344] {strides = array<i32>} : memref<20000xf32, #tpu.memory_space<vmem>>, vector<16xf32>,
      %parallel_loop3A_346 = arith.index_cast %parallel_loop3A_343 : i32 to index
      %parallel_loop3A_347 = tpu.vector_load %arg6[%parallel_loop3A_346] {strides = array<i32>} : memref<20000xf32, #tpu.memory_space<vmem>>, vector<16xf32>,
      %parallel_loop3A_348 = math.absf %parallel_loop3A_345 : vector<16xf32>
      %parallel_loop3A_349 = arith.fptosi %parallel_loop3A_348 : vector<16xf32> to vector<16xi32>
      %parallel_loop3A_350 = arith.constant 4 : i32
      %parallel_loop3A_351 = vector.broadcast %parallel_loop3A_350 : i32 to vector<16xi32>
      %parallel_loop3A_352 = arith.shli %parallel_loop3A_349, %parallel_loop3A_351 : vector<16xi32>
      %parallel_loop3A_353 = arith.addi %parallel_loop3A_352, %iota3A : vector<16xi32>
      %parallel_loop3A_354 = arith.subf %parallel_loop3A_347, %parallel_loop3A_345 : vector<16xf32>
      %parallel_loop3A_355 = arith.mulf %parallel_loop3A_354, %parallel_loop3A_354 : vector<16xf32>
      tpu.vector_store_idx %arg9[%parallel_loop3A_353], %parallel_loop3A_355 {add = true} : memref<1024xf32, #tpu.memory_space<vmem>>[vector<16xi32>], vector<16xf32>,
      tpu.vector_store_idx %arg10[%parallel_loop3A_353], %broadcast_in_dim3A_5 {add = true} : memref<1024xf32, #tpu.memory_space<vmem>>[vector<16xi32>], vector<16xf32>,
    } {sc.loop_unroll_factor = 10 : i64, sc.parallel_access}
    %dma_wait3A_326 = tpu.memref_slice %arg2[%add3A_314] : memref<16000000xf32, #tpu.memory_space<hbm>> -> memref<20000xf32, #tpu.memory_space<hbm>>
    %dma_wait3A_327 = tpu.memref_slice %arg2[%add3A_314] : memref<16000000xf32, #tpu.memory_space<hbm>> -> memref<20000xf32, #tpu.memory_space<hbm>>
    tpu.wait_dma2 semaphore(%arg11 : memref<!tpu.dma_semaphore, #tpu.memory_space<semaphore_mem>>) src(%dma_wait3A_327 : memref<20000xf32, #tpu.memory_space<hbm>>) dst(%arg5 : memref<20000xf32, #tpu.memory_space<vmem>>)
    %dma_wait3A_328 = tpu.memref_slice %arg3[%add3A_314] : memref<16000000xf32, #tpu.memory_space<hbm>> -> memref<20000xf32, #tpu.memory_space<hbm>>
    %dma_wait3A_329 = tpu.memref_slice %arg3[%add3A_314] : memref<16000000xf32, #tpu.memory_space<hbm>> -> memref<20000xf32, #tpu.memory_space<hbm>>
    tpu.wait_dma2 semaphore(%arg11 : memref<!tpu.dma_semaphore, #tpu.memory_space<semaphore_mem>>) src(%dma_wait3A_329 : memref<20000xf32, #tpu.memory_space<hbm>>) dst(%arg7 : memref<20000xf32, #tpu.memory_space<vmem>>)
    %parallel_loop3A_330 = arith.constant 0 : i32
    %parallel_loop3A_331 = arith.constant 20000 : i32
    %parallel_loop3A_332 = arith.constant 16 : i32
    scf.for %parallel_loop3A_343 = %parallel_loop3A_330 to %parallel_loop3A_331 step %parallel_loop3A_332  : i32 {
      %parallel_loop3A_344 = arith.index_cast %parallel_loop3A_343 : i32 to index
      %parallel_loop3A_345 = tpu.vector_load %arg7[%parallel_loop3A_344] {strides = array<i32>} : memref<20000xf32, #tpu.memory_space<vmem>>, vector<16xf32>,
      %parallel_loop3A_346 = arith.index_cast %parallel_loop3A_343 : i32 to index
      %parallel_loop3A_347 = tpu.vector_load %arg5[%parallel_loop3A_346] {strides = array<i32>} : memref<20000xf32, #tpu.memory_space<vmem>>, vector<16xf32>,
      %parallel_loop3A_348 = math.absf %parallel_loop3A_345 : vector<16xf32>
      %parallel_loop3A_349 = arith.fptosi %parallel_loop3A_348 : vector<16xf32> to vector<16xi32>
      %parallel_loop3A_350 = arith.constant 4 : i32
      %parallel_loop3A_351 = vector.broadcast %parallel_loop3A_350 : i32 to vector<16xi32>
      %parallel_loop3A_352 = arith.shli %parallel_loop3A_349, %parallel_loop3A_351 : vector<16xi32>
      %parallel_loop3A_353 = arith.addi %parallel_loop3A_352, %iota3A : vector<16xi32>
      %parallel_loop3A_354 = arith.subf %parallel_loop3A_347, %parallel_loop3A_345 : vector<16xf32>
      %parallel_loop3A_355 = arith.mulf %parallel_loop3A_354, %parallel_loop3A_354 : vector<16xf32>
      tpu.vector_store_idx %arg9[%parallel_loop3A_353], %parallel_loop3A_355 {add = true} : memref<1024xf32, #tpu.memory_space<vmem>>[vector<16xi32>], vector<16xf32>,
      tpu.vector_store_idx %arg10[%parallel_loop3A_353], %broadcast_in_dim3A_5 {add = true} : memref<1024xf32, #tpu.memory_space<vmem>>[vector<16xi32>], vector<16xf32>,
    } {sc.loop_unroll_factor = 10 : i64, sc.parallel_access}
    %mul3A_333 = arith.constant 2 : i32
    %mul3A_334 = arith.muli %add3A, %mul3A_333 : i32
    %mul3A_335 = arith.constant 1024 : i32
    %mul3A_336 = arith.muli %mul3A_334, %mul3A_335 : i32
    "tpu.region"() ({
      %run_scoped3A = tpu.sem_alloc : memref<!tpu.dma_semaphore, #tpu.memory_space<semaphore_mem>>
      %dma_start3A_343 = tpu.memref_slice %arg4[%mul3A_336] : memref<65536xf32, #tpu.memory_space<hbm>> -> memref<1024xf32, #tpu.memory_space<hbm>>
      %dma_start3A_344 = tpu.memref_slice %arg4[%mul3A_336] : memref<65536xf32, #tpu.memory_space<hbm>> -> memref<1024xf32, #tpu.memory_space<hbm>>
      tpu.enqueue_dma source(%arg9 : memref<1024xf32, #tpu.memory_space<vmem>>) target(%dma_start3A_344 : memref<1024xf32, #tpu.memory_space<hbm>>) target_semaphore(%run_scoped3A : memref<!tpu.dma_semaphore, #tpu.memory_space<semaphore_mem>>)
      %dma_wait3A_345 = tpu.memref_slice %arg4[%mul3A_336] : memref<65536xf32, #tpu.memory_space<hbm>> -> memref<1024xf32, #tpu.memory_space<hbm>>
      %dma_wait3A_346 = tpu.memref_slice %arg4[%mul3A_336] : memref<65536xf32, #tpu.memory_space<hbm>> -> memref<1024xf32, #tpu.memory_space<hbm>>
      tpu.wait_dma2 semaphore(%run_scoped3A : memref<!tpu.dma_semaphore, #tpu.memory_space<semaphore_mem>>) src(%arg9 : memref<1024xf32, #tpu.memory_space<vmem>>) dst(%dma_wait3A_346 : memref<1024xf32, #tpu.memory_space<hbm>>)
      tpu.yield
    }) : () -> ()
    %mul3A_337 = arith.constant 2 : i32
    %mul3A_338 = arith.muli %add3A, %mul3A_337 : i32
    %mul3A_339 = arith.constant 1024 : i32
    %mul3A_340 = arith.muli %mul3A_338, %mul3A_339 : i32
    %add3A_341 = arith.constant 1024 : i32
    %add3A_342 = arith.addi %mul3A_340, %add3A_341 : i32
    "tpu.region"() ({
      %run_scoped3A = tpu.sem_alloc : memref<!tpu.dma_semaphore, #tpu.memory_space<semaphore_mem>>
      %dma_start3A_343 = tpu.memref_slice %arg4[%add3A_342] : memref<65536xf32, #tpu.memory_space<hbm>> -> memref<1024xf32, #tpu.memory_space<hbm>>
      %dma_start3A_344 = tpu.memref_slice %arg4[%add3A_342] : memref<65536xf32, #tpu.memory_space<hbm>> -> memref<1024xf32, #tpu.memory_space<hbm>>
      tpu.enqueue_dma source(%arg10 : memref<1024xf32, #tpu.memory_space<vmem>>) target(%dma_start3A_344 : memref<1024xf32, #tpu.memory_space<hbm>>) target_semaphore(%run_scoped3A : memref<!tpu.dma_semaphore, #tpu.memory_space<semaphore_mem>>)
      %dma_wait3A_345 = tpu.memref_slice %arg4[%add3A_342] : memref<65536xf32, #tpu.memory_space<hbm>> -> memref<1024xf32, #tpu.memory_space<hbm>>
      %dma_wait3A_346 = tpu.memref_slice %arg4[%add3A_342] : memref<65536xf32, #tpu.memory_space<hbm>> -> memref<1024xf32, #tpu.memory_space<hbm>>
      tpu.wait_dma2 semaphore(%run_scoped3A : memref<!tpu.dma_semaphore, #tpu.memory_space<semaphore_mem>>) src(%arg10 : memref<1024xf32, #tpu.memory_space<vmem>>) dst(%dma_wait3A_346 : memref<1024xf32, #tpu.memory_space<hbm>>)
      tpu.yield
    }) : () -> ()
    return
  }
}

module attributes {stable_mosaic.version = 14 : i64} {
  func.func @body(%arg0: memref<8x4x2x64x16xf32, #tpu.memory_space<vmem>>, %arg1: memref<1x1xf32, #tpu.memory_space<vmem>>) attributes {dimension_semantics = [], scalar_prefetch = 0 : i64, scratch_operands = 0 : i64, tpu.core_type = #tpu.core_type<tc>} {
    %get3A = arith.constant 0 : index
    %get3A_0 = arith.constant 0 : index
    %get3A_1 = arith.constant 0 : index
    %get3A_2 = arith.constant 0 : index
    %get3A_3 = arith.constant 0 : index
    %get3A_4 = vector.load %arg0[%get3A, %get3A_0, %get3A_1, %get3A_2, %get3A_3] : memref<8x4x2x64x16xf32, #tpu.memory_space<vmem>>, vector<8x4x2x64x16xf32>
    %reduce_sum3A = arith.constant dense<0.000000e+00> : vector<8x2x64xf32>
    %reduce_sum3A_5 = vector.multi_reduction <add>, %get3A_4, %reduce_sum3A [1, 4] : vector<8x4x2x64x16xf32> to vector<8x2x64xf32>
    %slice3A = vector.extract_strided_slice %reduce_sum3A_5 {offsets = [0, 0, 0], sizes = [8, 1, 64], strides = [1, 1, 1]} : vector<8x2x64xf32> to vector<8x1x64xf32>
    %squeeze3A = vector.shape_cast %slice3A : vector<8x1x64xf32> to vector<8x64xf32>
    %slice3A_6 = vector.extract_strided_slice %reduce_sum3A_5 {offsets = [0, 1, 0], sizes = [8, 1, 64], strides = [1, 1, 1]} : vector<8x2x64xf32> to vector<8x1x64xf32>
    %squeeze3A_7 = vector.shape_cast %slice3A_6 : vector<8x1x64xf32> to vector<8x64xf32>
    %gt3A = arith.constant 0.000000e+00 : f32
    %gt3A_8 = vector.broadcast %gt3A : f32 to vector<8x64xf32>
    %gt3A_9 = arith.cmpf ogt, %squeeze3A_7, %gt3A_8 : vector<8x64xf32>
    %jit3A = arith.constant 1.000000e+00 : f32
    %broadcast_in_dim3A = vector.broadcast %jit3A : f32 to vector<8x64xf32>
    %select_n3A = arith.select %gt3A_9, %squeeze3A_7, %broadcast_in_dim3A : vector<8x64xi1>, vector<8x64xf32>
    %div3A = arith.divf %squeeze3A, %select_n3A : vector<8x64xf32>
    %jit3A_10 = arith.constant 0.000000e+00 : f32
    %broadcast_in_dim3A_11 = vector.broadcast %jit3A_10 : f32 to vector<8x64xf32>
    %select_n3A_12 = arith.select %gt3A_9, %div3A, %broadcast_in_dim3A_11 : vector<8x64xi1>, vector<8x64xf32>
    %reduce_sum3A_13 = vector.shape_cast %select_n3A_12 : vector<8x64xf32> to vector<1x8x64xf32>
    %reduce_sum3A_14 = arith.constant dense<0.000000e+00> : vector<1xf32>
    %reduce_sum3A_15 = vector.multi_reduction <add>, %reduce_sum3A_13, %reduce_sum3A_14 [1, 2] : vector<1x8x64xf32> to vector<1xf32>
    %reduce_sum3A_16 = vector.shape_cast %reduce_sum3A_15 : vector<1xf32> to vector<1x1x1xf32>
    %reduce_sum3A_17 = vector.extract %reduce_sum3A_16[0, 0, 0] : f32 from vector<1x1x1xf32>
    %jit3A_18 = arith.constant 1.000000e+00 : f32
    %jit3A_19 = arith.constant 0.000000e+00 : f32
    %broadcast_in_dim3A_20 = vector.broadcast %jit3A_18 : f32 to vector<8x64xf32>
    %broadcast_in_dim3A_21 = vector.broadcast %jit3A_19 : f32 to vector<8x64xf32>
    %select_n3A_22 = arith.select %gt3A_9, %broadcast_in_dim3A_20, %broadcast_in_dim3A_21 : vector<8x64xi1>, vector<8x64xf32>
    %reduce_sum3A_23 = vector.shape_cast %select_n3A_22 : vector<8x64xf32> to vector<1x8x64xf32>
    %reduce_sum3A_24 = arith.constant dense<0.000000e+00> : vector<1xf32>
    %reduce_sum3A_25 = vector.multi_reduction <add>, %reduce_sum3A_23, %reduce_sum3A_24 [1, 2] : vector<1x8x64xf32> to vector<1xf32>
    %reduce_sum3A_26 = vector.shape_cast %reduce_sum3A_25 : vector<1xf32> to vector<1x1x1xf32>
    %reduce_sum3A_27 = vector.extract %reduce_sum3A_26[0, 0, 0] : f32 from vector<1x1x1xf32>
    %div3A_28 = arith.divf %reduce_sum3A_17, %reduce_sum3A_27 : f32
    %sqrt3A = math.sqrt %div3A_28 : f32
    %reshape3A = vector.broadcast %sqrt3A : f32 to vector<1x1xf32>
    %swap3A = arith.constant 0 : index
    %swap3A_29 = arith.constant 0 : index
    %swap3A_30 = vector.load %arg1[%swap3A, %swap3A_29] : memref<1x1xf32, #tpu.memory_space<vmem>>, vector<1x1xf32>
    tpu.vector_store %arg1[%swap3A, %swap3A_29], %reshape3A {strides = array<i32>} : memref<1x1xf32, #tpu.memory_space<vmem>>, vector<1x1xf32>,
    return
  }
}

</mosaic_0001>

<sc_bundles>
// kernel: kernel.4.cloned.1.call-start
scs
__scs_entry_jumppad:
0x0: {  	(pc) =	sbr.rel $0x88, $3  }
0x1: {  	(tag) =	ssettag $0x0;
	lr =	simm.s32 $0x1  }
0x2: {  	[smem:$0x3F9F] =	sst lr;
	_ =	strace $0xD0000000  }
0x3: {  	_ = 	snop  }
0x4: {  	_ = 	snop  }
0x5: {  	_ = 	snop  }
0x6: {  	_ = 	snop  }
0x7: {  	_ = 	snop  }
__scs_overlays_trampoline_lowered:
0x8: {  	[smem:$0x3FAE] =	sst s0  }
0x9: {  	[smem:$0x3FAF] =	sst s1  }
0xa: {  	[smem:$0x3FB0] =	sst s2  }
0xb: {  	[smem:$0x3FB1] =	sst s3  }
0xc: {  	[smem:$0x3FB2] =	sst s4  }
0xd: {  	[smem:$0x3FB3] =	sst s5  }
0xe: {  	[smem:$0x3FB4] =	sst s6  }
0xf: {  	[smem:$0x3FB5] =	sst s7  }
0x10: {  	[smem:$0x3FB6] =	sst s8  }
0x11: {  	[smem:$0x3FB7] =	sst s9;
	s0 =	simm.s32 @!p0 $0x0  }
0x12: {  	s1 =	sld [smem:$0x3F9D];
	s0 =	simm.s32 @p0 $0x1  }
0x13: {  	[smem:$0x3FB8] =	sst s0;
	s0 =	simm.s32 @!p1 $0x0  }
0x14: {  	s2 =	sld [smem:$0x3F9C];
	s0 =	simm.s32 @p1 $0x1  }
0x15: {  	[smem:$0x3FB9] =	sst s0;
	s0 =	simm.s32 @!p2 $0x0  }
0x16: {  	s3 =	sld [smem:$0x3FDB];
	s0 =	simm.s32 @p2 $0x1  }
0x17: {  	s4 =	simm.s32 $0x1BF5;
	[smem:$0x3FBB] =	sst s0  }
0x18: {  	s0 =	sld [smem:$0x3F9E];
	_ =	swait.ge [sflag:s4], $0x0  }
0x19: {  	s7 =	sld [smem:$0x3F9F]  }
0x1a: {  	s8 =	sadd.s32 $0xFFFFE003, lr  }
0x1b: {  	s9 =	sadd.s32 $0xFFFFFEF7, lr;
	s5 =	simm.s32 $0xFFFFFFFF;
	p2 =	slt.u32 s8, $0xFFFFF086  }
0x1c: {  	p1 =	slt.u32 s9, $0xF7A;
	s5 =	simm.s32 @!p2 $0x0  }
0x1d: {  	s5 =	simm.s32 @p1 $0x1;
	p0 =	seq.s32 s7, s2  }
0x1e: {  	s7 =	smul.u32 @!p0 $0xF7A, s2;
	p2 =	seq.s32 @!p0 s5, $0x0  }
0x1f: {  	s9 =	smul.u32 $0xF7A, s1;
	s8 =	simm.s32 @!p0 $0x1BF5;
	p2 =	por !p2, p0  }
0x20: {  	[sflag:s8] =	ssyncset.s32 @!p0 $0xFFFFF086;
	s6 =	sadd.s32 @!p0 s3, s7;
	s7 =	simm.s32 @!p0 $0x108  }
0x21: {  	s3 =	sadd.s32 s3, s9;
	s6 =	sadd.s32 @!p0 $0x88, s6;
	s7 =	simm.s32 @p2 $0x1082  }
0x22: {  	[simem:s7], [sflag:s8] =	dma.local @!p0 [hbm:s6], $0xF7A  }
0x23: {  	s9 =	sor.u32 $0xD0000000, s2;
	s6 =	simm.s32 $0x108;
	_ =	swait.ge @!p0 [sflag:s8], $0x0  }
0x24: {  	s3 =	sadd.s32 $0x88, s3;
	s6 =	simm.s32 @!p1 $0x1082;
	[sflag:s4] =	ssyncset.s32 $0xFFFFF086  }
0x25: {  	[simem:s6], [sflag:s4] =	dma.local [hbm:s3], $0xF7A  }
0x26: {  	[smem:$0x3F9F] =	sst s1;
	(tag) =	ssettag s2;
	_ =	strace s9  }
0x27: {  	s1 =	sld [smem:$0x3FAF]  }
0x28: {  	s2 =	sld [smem:$0x3FB0]  }
0x29: {  	s4 =	sld [smem:$0x3FB2]  }
0x2a: {  	p0 =	seq.s32 s5, $0x0;
	s5 =	sld [smem:$0x3FB3]  }
0x2b: {  	s6 =	sld [smem:$0x3FB4]  }
0x2c: {  	s7 =	sld [smem:$0x3FB5]  }
0x2d: {  	s3 =	simm.s32 $0x108;
	s8 =	sld [smem:$0x3FB6]  }
0x2e: {  	s3 =	simm.s32 @!p0 $0x1082;
	s9 =	sld [smem:$0x3FB7]  }
0x2f: {  	lr =	sadd.s32 s0, s3;
	s0 =	sld [smem:$0x3FAE]  }
0x30: {  	s3 =	sld [smem:$0x3FB1]  }
0x31: {  	[smem:$0x3FBA] =	sst s10  }
0x32: {  	s10 =	sld [smem:$0x3FB8];
	_ =	sdelay $0x3  }
0x33: {  	p0 =	seq.s32 s10, $0x1;
	s10 =	sld [smem:$0x3FBA];
	_ =	sdelay $0x3  }
0x34: {  	[smem:$0x3FBA] =	sst s10  }
0x35: {  	s10 =	sld [smem:$0x3FB9];
	_ =	sdelay $0x3  }
0x36: {  	p1 =	seq.s32 s10, $0x1;
	s10 =	sld [smem:$0x3FBA];
	_ =	sdelay $0x3  }
0x37: {  	[smem:$0x3FBA] =	sst s10  }
0x38: {  	s10 =	sld [smem:$0x3FBB]  }
0x39: {  	_ = 	snop;
	(pc) =	sbr.ind lr, $3  }
0x3a: {  	_ = 	snop  }
0x3b: {  	_ = 	snop  }
0x3c: {  	p2 =	seq.s32 s10, $0x1;
	s10 =	sld [smem:$0x3FBA]  }
0x3d: {  	_ =	shalt  }
0x3e: {  	_ =	shalt  }
0x3f: {  	_ =	shalt  }
0x40: {  	_ =	shalt  }
0x41: {  	_ =	shalt  }
0x42: {  	_ =	shalt  }
0x43: {  	_ =	shalt  }
0x44: {  	_ =	shalt  }
0x45: {  	_ =	shalt  }
0x46: {  	_ =	shalt  }
0x47: {  	_ =	shalt  }
0x48: {  	_ =	shalt  }
0x49: {  	_ =	shalt  }
0x4a: {  	_ =	shalt  }
0x4b: {  	_ =	shalt  }
0x4c: {  	_ =	shalt  }
0x4d: {  	_ =	shalt  }
0x4e: {  	_ =	shalt  }
0x4f: {  	_ =	shalt  }
0x50: {  	_ =	shalt  }
0x51: {  	_ =	shalt  }
0x52: {  	_ =	shalt  }
0x53: {  	_ =	shalt  }
0x54: {  	_ =	shalt  }
0x55: {  	_ =	shalt  }
0x56: {  	_ =	shalt  }
0x57: {  	_ =	shalt  }
0x58: {  	_ =	shalt  }
0x59: {  	_ =	shalt  }
0x5a: {  	_ =	shalt  }
0x5b: {  	_ =	shalt  }
0x5c: {  	_ =	shalt  }
0x5d: {  	_ =	shalt  }
0x5e: {  	_ =	shalt  }
0x5f: {  	_ =	shalt  }
0x60: {  	_ =	shalt  }
0x61: {  	_ =	shalt  }
0x62: {  	_ =	shalt  }
0x63: {  	_ =	shalt  }
0x64: {  	_ =	shalt  }
0x65: {  	_ =	shalt  }
0x66: {  	_ =	shalt  }
0x67: {  	_ =	shalt  }
0x68: {  	_ =	shalt  }
0x69: {  	_ =	shalt  }
0x6a: {  	_ =	shalt  }
0x6b: {  	_ =	shalt  }
0x6c: {  	_ =	shalt  }
0x6d: {  	_ =	shalt  }
0x6e: {  	_ =	shalt  }
0x6f: {  	_ =	shalt  }
0x70: {  	_ =	shalt  }
0x71: {  	_ =	shalt  }
0x72: {  	_ =	shalt  }
0x73: {  	_ =	shalt  }
0x74: {  	_ =	shalt  }
0x75: {  	_ =	shalt  }
0x76: {  	_ =	shalt  }
0x77: {  	_ =	shalt  }
0x78: {  	_ =	shalt  }
0x79: {  	_ =	shalt  }
0x7a: {  	_ =	shalt  }
0x7b: {  	_ =	shalt  }
0x7c: {  	_ =	shalt  }
0x7d: {  	_ =	shalt  }
0x7e: {  	_ =	shalt  }
0x7f: {  	_ =	shalt  }
0x80: {  	_ =	shalt  }
0x81: {  	_ =	shalt  }
0x82: {  	_ =	shalt  }
0x83: {  	_ =	shalt  }
0x84: {  	_ =	shalt  }
0x85: {  	_ =	shalt  }
0x86: {  	_ =	shalt  }
0x87: {  	_ =	shalt  }
.Lfunc_end0:
.L_simem_size_0:
called_computation_lowered:
.L_overlay_start_0:
0x88: {  	s2 =	sld [smem:$0x3FD9]  }
0x89: {  	s3 =	sld [smem:$0x3FFE];
	_ =	sdelay $0x1  }
0x8a: {  	s1 =	srdreg.scid  }
0x8b: {  	s0 =	sand.u32 $0x1, s1  }
0x8c: {  	s17 =	sshll.u32 s0, $0xA;
	s2 =	sadd.s32 s3, s2  }
0x8d: {  	s2 =	sadd.s32 s2, s17  }
0x8e: {  	[smem:$0x3FC6] =	sst s2  }
0x8f: {  	_ = 	snop  }
0x90: {  	s2 =	sld [smem:$0x3FC9]  }
0x91: {  	s18 =	sld [smem:$0x3FC8];
	(tm) =	ssettm $0x1  }
0x92: {  	s4 =	sld [smem:$0x3FFB];
	_ =	sdelay $0x3  }
0x93: {  	_ =	strace s4  }
0x94: {  	s4 =	sld [smem:$0x3FFC];
	_ =	sdelay $0x3  }
0x95: {  	_ =	strace s4  }
0x96: {  	s4 =	sld [smem:$0x3FFD];
	_ =	sdelay $0x3  }
0x97: {  	_ =	strace s4  }
0x98: {  	_ =	strace $0x8FFFFFFF  }
0x99: {  	s19 =	sld [smem:$0x3FDB];
	_ =	sdelay $0x1  }
0x9a: {  	s5 =	simm.s32 $_scs_section_size  }
0x9b: {  	s6 =	simm.s32 $_size__tile_overlayer_lowered;
	s7 =	simm.s32 $_tile_overlayer_lowered  }
0x9c: {  	s22 =	simm.s32 $0x1BFF;
	s21 =	sshll.u32 s7, $0x1;
	s4 =	sadd.s32 s5, s19  }
0x9d: {  	s8 =	simm.s32 $0x0;
	s20 =	sshll.u32 s6, $0x1;
	s6 =	sadd.s32 s21, s4  }
0x9e: {  	[timem:s8], [sflag:s22] =	dma.local [hbm:s6], s20  }
0x9f: {  	_ =	swait.ge [sflag:s22], s20  }
0xa0: {  	s5 =	ssub.s32 $0x0, s20;
	[sflag:s22] =	ssyncset.done $0x0  }
0xa1: {  	[sflag:s22] =	ssyncadd.s32 s5;
	_ =	sdelay $0x1  }
0xa2: {  	s23 =	simm.s32 $0x1B8B  }
0xa3: {  	_ =	swait.ge [sflag:s23], $0x1  }
0xa4: {  	[sflag:s23] =	ssyncset.done $0x0  }
0xa5: {  	s25 =	simm.s32 $0x1B8E;
	s24 =	sld [smem:$0x3FFE];
	[sflag:s23] =	ssyncadd.s32 $0xFFFFFFFF  }
0xa6: {  	s26 =	simm.s32 $execute0_lowered;
	[smem:$0x3FD2] =	sst s25  }
0xa7: {  	s6 =	sshll.u32 s26, $0x1;
	_ =	strace $0x80000046;
	[dreg:$0x1] =	wrdreg $0xFFFFFFFF  }
0xa8: {  	s28 =	simm.s32 $_size_execute0_lowered;
	s4 =	sadd.s32 s4, s6;
	[dreg:$0x0] =	wrdreg $0x0  }
0xa9: {  	s6 =	sshll.u32 s28, $0x1;
	[dreg:$0x2] =	wrdreg s4  }
0xaa: {  	[dreg:$0x3] =	wrdreg s6  }
0xab: {  	[dreg:$0x4] =	wrdreg $0xC0  }
0xac: {  	_ =	task [dreg:s8], $0x5FFFF  }
0xad: {  	[dreg:$0x1] =	wrdreg $0xFFFFFFFF  }
0xae: {  	[dreg:$0x0] =	wrdreg $0x60  }
0xaf: {  	[dreg:$0x2] =	wrdreg s2  }
0xb0: {  	[dreg:$0x3] =	wrdreg s18  }
0xb1: {  	[dreg:$0x4] =	wrdreg s24  }
0xb2: {  	[dreg:$0x5] =	wrdreg $0x9  }
0xb3: {  	_ =	task.clear_ibuf [dreg:s8], $0x6FFFF;
	_ =	strace $0x90000046  }
0xb4: {  	s29 =	simm.s32 $0x9;
	_ =	strace $0x80000048  }
0xb5: {  	_ =	swait.ge [sflag:s29], $0x1  }
0xb6: {  	[sflag:s29] =	ssyncadd.s32 $0xFFFFFFFF  }
0xb7: {  	_ =	strace $0x90000048  }
0xb8: {  	_ =	sfence  }
0xb9: {  	s30 =	sld [smem:$0x0];
	_ =	sdelay $0x2  }
0xba: {  	s31 =	sshll.u32 s1, $0xD;
	s1 =	sshrl.u32 s1, $0x2  }
0xbb: {  	s3 =	sand.u32 $0x4000, s31;
	s1 =	sadd.s32 s1, s30  }
0xbc: {  	s0 =	sor.u32 s3, s0;
	s1 =	sshll.u32 s1, $0x11  }
0xbd: {  	s0 =	sor.u32 s1, s0  }
0xbe: {  	s0 =	sadd.s32 $0x8F2B, s0  }
0xbf: {  	[sflag:s0] =	ssyncadd.remote.s32 $0x1  }
0xc0: {  	_ =	sfence.sel $0xFFFF  }
0xc1: {  	[dreg:$0x0] =	wrdreg $0xFFFFFFFF;
	(pc) =	sbr.abs _section_cstart, $3  }
0xc2: {  	[dreg:$0x1] =	wrdreg $0xFFFFFFFF  }
0xc3: {  	_ =	task.clear_ibuf [dreg:s8], $0x2FFFF;
	_ =	strace $0x9FFFFFFF  }
0xc4: {  	(tm) =	ssettm $0x7FFFFFFF  }
0xc5: {  	_ =	shalt  }
tec
execute0_lowered:
.L_overlay_start_1:
0x0: {  	(tag) =	ssettag $0x1  }
0x1: {  	s1 =	srdreg.scid;
	s2 =	stileid.u32  }
0x2: {  	s3 =	sand.u32 $0x1, s1;
	s21 =	sshll.u32 s2, $0x1  }
0x3: {  	s0 =	rddreg [dreg:$0x0];
	s4 =	sor.u32 s3, s21  }
0x4: {  	s6 =	rddreg [dreg:$0x2];
	s5 =	smul.u32 $0x7A120, s4  }
0x5: {  	s28 =	simm.s32 $0xEB80;
	s2 =	rddreg [dreg:$0x1];
	s1 =	simm.s32 $0x0  }
0x6: {  	[smem:$0x7FF] =	sst s1;
	s7 =	ssub.s32 $0x2, s3;
	s5 =	sshrl.u32 s5, $0x3  }
0x7: {  	s22 =	sshll.u32 s4, $0x8;
	s23 =	sshrl.u32 s7, $0x1;
	s24 =	sadd.s32 $0x9C4, s5  }
0x8: {  	s3 =	sadd.s32 s22, s6;
	s4 =	ssub.s32 s7, s23;
	s25 =	sadd.s32 s0, s24  }
0x9: {  	s26 =	sadd.s32 $0x1388, s5;
	s6 =	sadd.s32 s2, s24;
	[dreg:$0x4] =	wrdreg s25  }
0xa: {  	s9 =	sadd.s32 $0x1D4C, s5;
	s8 =	sadd.s32 s0, s26;
	[dreg:$0x5] =	wrdreg s6  }
0xb: {  	s11 =	sadd.s32 $0x2710, s5;
	s10 =	sadd.s32 s0, s9;
	[dreg:$0x6] =	wrdreg s8  }
0xc: {  	s13 =	sadd.s32 $0x30D4, s5;
	s12 =	sadd.s32 s0, s11;
	[dreg:$0x8] =	wrdreg s10  }
0xd: {  	s15 =	sadd.s32 $0x3A98, s5;
	s14 =	sadd.s32 s0, s13;
	[dreg:$0xa] =	wrdreg s12  }
0xe: {  	s17 =	sadd.s32 $0x445C, s5;
	s16 =	sadd.s32 s0, s15;
	[dreg:$0xc] =	wrdreg s14  }
0xf: {  	s19 =	sadd.s32 $0x4E20, s5;
	s18 =	sadd.s32 s0, s17;
	[dreg:$0xe] =	wrdreg s16  }
0x10: {  	s21 =	sadd.s32 $0x57E4, s5;
	s20 =	sadd.s32 s0, s19;
	[dreg:$0x10] =	wrdreg s18  }
0x11: {  	s23 =	sadd.s32 $0x61A8, s5;
	s22 =	sadd.s32 s0, s21;
	[dreg:$0x12] =	wrdreg s20  }
0x12: {  	s29 =	simm.s32 $0x1;
	s24 =	sadd.s32 s0, s23;
	[dreg:$0x14] =	wrdreg s22  }
0x13: {  	s30 =	simm.s32 $0x13A00;
	s6 =	sadd.s32 s2, s26;
	[dreg:$0x16] =	wrdreg s24  }
0x14: {  	s25 =	sadd.s32 $0x6B6C, s5;
	[dreg:$0x7] =	wrdreg s6;
	s6 =	sadd.s32 s2, s9  }
0x15: {  	s8 =	sadd.s32 $0x7530, s5;
	s26 =	sadd.s32 s0, s25;
	[dreg:$0x9] =	wrdreg s6  }
0x16: {  	s31 =	simm.s32 $0x13E00;
	s9 =	sadd.s32 s0, s8;
	[dreg:$0x18] =	wrdreg s26  }
0x17: {  	s10 =	sadd.s32 $0x7EF4, s5;
	s6 =	sadd.s32 s2, s11;
	[dreg:$0x1a] =	wrdreg s9  }
0x18: {  	s12 =	sadd.s32 $0x88B8, s5;
	s11 =	sadd.s32 s0, s10;
	[dreg:$0xb] =	wrdreg s6  }
0x19: {  	s14 =	sadd.s32 $0x927C, s5;
	s6 =	sadd.s32 s2, s13;
	[dreg:$0x1c] =	wrdreg s11  }
0x1a: {  	s16 =	sadd.s32 $0x9C40, s5;
	s13 =	sadd.s32 s0, s12;
	[dreg:$0xd] =	wrdreg s6  }
0x1b: {  	s18 =	sadd.s32 $0xA604, s5;
	s6 =	sadd.s32 s2, s15;
	[dreg:$0x1e] =	wrdreg s13  }
0x1c: {  	s20 =	sadd.s32 $0xAFC8, s5;
	s15 =	sadd.s32 s0, s14;
	[dreg:$0xf] =	wrdreg s6  }
0x1d: {  	s22 =	sadd.s32 $0xB98C, s5;
	s6 =	sadd.s32 s2, s17;
	[smem:$0x7F6] =	sst s15  }
0x1e: {  	s24 =	sadd.s32 $0xCD14, s5;
	s17 =	sadd.s32 s0, s16;
	[dreg:$0x11] =	wrdreg s6  }
0x1f: {  	s9 =	sadd.s32 s2, s22;
	s6 =	sadd.s32 s2, s19;
	[smem:$0x7F8] =	sst s17  }
0x20: {  	s26 =	sadd.s32 $0xE09C, s5;
	s19 =	sadd.s32 s0, s18;
	[dreg:$0x13] =	wrdreg s6  }
0x21: {  	s13 =	sadd.s32 s2, s24;
	s6 =	sadd.s32 s2, s21;
	[smem:$0x7FA] =	sst s19  }
0x22: {  	s17 =	sadd.s32 s2, s26;
	s21 =	sadd.s32 s0, s20;
	[dreg:$0x15] =	wrdreg s6  }
0x23: {  	s19 =	sadd.s32 s2, s5;
	s6 =	sadd.s32 s2, s23;
	[smem:$0x7FC] =	sst s21  }
0x24: {  	s23 =	sadd.s32 $0xC350, s5;
	[dreg:$0x17] =	wrdreg s6;
	s6 =	sadd.s32 s2, s25  }
0x25: {  	s11 =	sadd.s32 s2, s23;
	s25 =	sadd.s32 $0xD6D8, s5;
	[dreg:$0x19] =	wrdreg s6  }
0x26: {  	s6 =	sadd.s32 s2, s8;
	s8 =	sadd.s32 s0, s22;
	s15 =	sadd.s32 s2, s25  }
0x27: {  	s22 =	sadd.s32 $0x400, s3;
	[dreg:$0x1b] =	wrdreg s6;
	s6 =	sadd.s32 s2, s10  }
0x28: {  	s10 =	sadd.s32 s0, s23;
	s23 =	sadd.s32 $0x480, s3;
	s3 =	simm.s32 $0x0  }
0x29: {  	[dreg:$0x1d] =	wrdreg s6;
	s6 =	sadd.s32 s2, s12;
	s12 =	sadd.s32 s0, s24  }
0x2a: {  	s24 =	smax.u32 s4, $0x1;
	[dreg:$0x1f] =	wrdreg s6;
	s6 =	sadd.s32 s2, s14  }
0x2b: {  	s14 =	sadd.s32 s0, s25;
	s25 =	simm.s32 $0x9D00;
	[smem:$0x7F7] =	sst s6  }
0x2c: {  	s6 =	sadd.s32 s2, s16;
	s16 =	sadd.s32 s0, s26;
	s26 =	simm.s32 $0x4E80  }
0x2d: {  	[smem:$0x7F9] =	sst s6;
	s6 =	sadd.s32 s2, s18;
	s18 =	sadd.s32 s0, s5  }
0x2e: {  	s5 =	sadd.s32 $0xEA60, s5;
	[smem:$0x7FB] =	sst s6;
	s6 =	sadd.s32 s2, s20  }
0x2f: {  	s20 =	sadd.s32 s0, s5;
	s21 =	sadd.s32 s2, s5;
	[smem:$0x7FD] =	sst s6  }
0x30: {  	v0 =	vimm.f32 $0.0e+00;
	v1 =	vlaneseq.u32;
	v2 =	vimm.f32 $1.000000000e+00;
	s0 =	simm.s32 $0x2;
	s2 =	simm.s32 $0x3;
	_ =	strace $0x80000047  }
.LBB2_1:
0x31: {  	s4 =	simm.s32 $0x40;
	s5 =	simm.s32 $0x0  }
.LBB2_2:
0x32: {  	p0 =	sne.s32 s4, $0xFC0;
	[tilespmem:s5+$0x13A00] =	vst v0;
	s6 =	smov.u32 s4;
	s4 =	sadd.s32 $0x40, s4  }
.Ltmp0:
0x33: {  	[tilespmem:s5+$0x13E00] =	vst v0;
	(pc) =	sbr.rel @p0 .LBB2_2-.Ltmp0, $2  }
0x34: {  	_ =	sdelay $0x2  }
0x35: {  	s5 =	sshra.s32 s6, $0x2  }
0x36: {  	[tilespmem:s5+$0x13A00] =	vst v0  }
0x37: {  	[tilespmem:s5+$0x13E00] =	vst v0  }
0x38: {  	[tilespmem:s1], [sflag:$0x1] =	stream.linear.gather [hbm4b:s18+s1], $0x4E20, $0x38;
	[tilespmem:$0x14200] =	vst v63  }
0x39: {  	_ = 	snop  }
0x3a: {  	[tilespmem:s25], [sflag:$0x1] =	stream.linear.gather [hbm4b:s19+s1], $0x4E20, $0x38;
	[tilespmem:$0x14200] =	vst v63  }
0x3b: {  	s4 =	rddreg [dreg:$0x4]  }
0x3c: {  	[tilespmem:s26], [sflag:$0x2] =	stream.linear.gather [hbm4b:s4+s1], $0x4E20, $0x38;
	[tilespmem:$0x14200] =	vst v63  }
0x3d: {  	s7 =	rddreg [dreg:$0x5]  }
0x3e: {  	[tilespmem:s28], [sflag:$0x2] =	stream.linear.gather [hbm4b:s7+s1], $0x4E20, $0x38;
	[tilespmem:$0x14200] =	vst v63  }
0x3f: {  	_ =	swait.ge [sflag:s29], $0x4E20  }
0x40: {  	[sflag:s29] =	ssyncset.done $0x0  }
0x41: {  	[sflag:s29] =	ssyncadd.s32 $0xFFFFB1E0  }
0x42: {  	_ =	swait.ge [sflag:s29], $0x4E20  }
0x43: {  	[sflag:s29] =	ssyncset.done $0x0  }
0x44: {  	s4 =	simm.s32 $0x9D50;
	[sflag:s29] =	ssyncadd.s32 $0xFFFFB1E0  }
0x45: {  	v3 =	vld [tilespmem:s4+$0xFFFFFFD0]  }
0x46: {  	v4 =	vld [tilespmem:s4+$0x40]  }
0x47: {  	s6 =	simm.s32 $0x50;
	v5 =	vld [tilespmem:s4+$0x0]  }
0x48: {  	v6 =	vld [tilespmem:s6+$0x0]  }
0x49: {  	v8 =	vld [tilespmem:s4+$0x10]  }
0x4a: {  	v7 =	vld [tilespmem:s6+$0x40]  }
0x4b: {  	v12 =	vld [tilespmem:s6+$0xFFFFFFD0]  }
0x4c: {  	v9 =	vld [tilespmem:s4+$0x20]  }
0x4d: {  	v11 =	vld [tilespmem:s4+$0xFFFFFFE0];
	_ =	sdelay $0x1  }
0x4e: {  	v10 =	vld [tilespmem:s6+$0x20];
	v13 =	vand.u32 $0x7FFFFFFF, v8;
	v14 =	vand.u32 $0x7FFFFFFF, v4;
	v4 =	vsub.f32 v7, v4  }
0x4f: {  	v15 =	vld [tilespmem:s4+$0xFFFFFFC0];
	v12 =	vsub.f32 v12, v3;
	v17 =	vtrunc.f32 v13;
	v7 =	vtrunc.f32 v14  }
0x50: {  	v16 =	vld [tilespmem:s4+$0xFFFFFFB0];
	v13 =	vand.u32 $0x7FFFFFFF, v5;
	v5 =	vsub.f32 v6, v5;
	v6 =	vand.u32 $0x7FFFFFFF, v9  }
0x51: {  	v14 =	vand.u32 $0x7FFFFFFF, v11;
	v13 =	vtrunc.f32 v13;
	v6 =	vtrunc.f32 v6  }
0x52: {  	s5 =	simm.s32 $0x0;
	v19 =	vand.u32 $0x7FFFFFFF, v3;
	v7 =	vcvt.f32.s32 v7;
	v14 =	vtrunc.f32 v14  }
0x53: {  	s7 =	sand.u32 $0x7FE0, s5;
	v9 =	vsub.f32 v10, v9;
	v18 =	vmul.f32 v4, v4;
	v3 =	vmul.f32 v12, v12  }
0x54: {  	v21 =	vld [tilespmem:s7+$0x9D80];
	v4 =	vand.u32 $0x7FFFFFFF, v15;
	v17 =	vcvt.f32.s32 v17;
	v13 =	vcvt.f32.s32 v13  }
0x55: {  	v10 =	vld [tilespmem:s6+$0xFFFFFFC0];
	v20 =	vmul.f32 v5, v5;
	v5 =	vand.u32 $0x7FFFFFFF, v16;
	v4 =	vtrunc.f32 v4  }
0x56: {  	v24 =	vld [tilespmem:s6+$0x10];
	v6 =	vcvt.f32.s32 v6;
	v25 =	vcvt.f32.s32 v14;
	v7 =	vshll.u32 v7, $0x4  }
0x57: {  	v14 =	vtrunc.f32 v19;
	v12 =	vshll.u32 v13, $0x4;
	v13 =	vld [tilespmem:s6+$0xFFFFFFE0];
	v22 =	vor.u32 v1, v7  }
0x58: {  	v27 =	vld [tilespmem:s6+$0xFFFFFFB0];
	v4 =	vcvt.f32.s32 v4;
	v5 =	vtrunc.f32 v5  }
0x59: {  	v14 =	vcvt.f32.s32 v14;
	v7 =	vcvt.f32.s32 v5;
	v26 =	vor.u32 v1, v12;
	v12 =	vld [tilespmem:s7+$0x80]  }
0x5a: {  	v23 =	vsub.f32 v10, v15;
	v4 =	vshll.u32 v4, $0x4;
	v10 =	vshll.u32 v6, $0x4;
	v6 =	vld [tilespmem:s6+$0xFFFFFFF0]  }
0x5b: {  	v5 =	vor.u32 v1, v4;
	v4 =	vshll.u32 v7, $0x4;
	v7 =	vld [tilespmem:s4+$0xFFFFFFF0];
	v10 =	vor.u32 v1, v10  }
0x5c: {  	v15 =	vmul.f32 v9, v9;
	v19 =	vsub.f32 v13, v11;
	v13 =	vand.u32 $0x7FFFFFFF, v21;
	[tilespmem:v22+s30+$0x0] =	vst.idx.add.f32.msk $0xffff, v18  }
0x5d: {  	v4 =	vor.u32 v1, v4;
	v11 =	vsub.f32 v24, v8;
	v8 =	vtrunc.f32 v13;
	[tilespmem:v22+s31+$0x0] =	vst.idx.add.f32.msk $0xffff, v2  }
0x5e: {  	v9 =	vmul.f32 v23, v23;
	v13 =	vsub.f32 v27, v16;
	[tilespmem:v26+s30+$0x0] =	vst.idx.add.f32.msk $0xffff, v20;
	v18 =	vcvt.f32.s32 v8  }
0x5f: {  	s6 =	simm.s32 $0xF0;
	v16 =	vsub.f32 v12, v21;
	v12 =	vshll.u32 v25, $0x4;
	v8 =	vmul.f32 v19, v19;
	[tilespmem:v26+s31+$0x0] =	vst.idx.add.f32.msk $0xffff, v2  }
.LBB2_4:
0x60: {  	s5 =	sadd.s32 $0xA0, s5;
	v14 =	vshll.u32 v14, $0x4;
	[tilespmem:v10+s30+$0x0] =	vst.idx.add.f32.msk $0xffff, v15;
	v15 =	vshll.u32 v18, $0x4;
	s4 =	sadd.s32 $0xA0, s4  }
0x61: {  	v16 =	vmul.f32 v16, v16;
	v18 =	vld [tilespmem:s6+$0xFFFFFFC0];
	s7 =	sand.u32 $0x7FE0, s5;
	p0 =	slt.u32 s5, $0x4D80;
	v14 =	vor.u32 v1, v14;
	v15 =	vor.u32 v1, v15  }
0x62: {  	v13 =	vmul.f32 v13, v13;
	v17 =	vshll.u32 v17, $0x4;
	[tilespmem:v10+s31+$0x0] =	vst.idx.add.f32.msk $0xffff, v2  }
0x63: {  	v10 =	vor.u32 v1, v17;
	v19 =	vld [tilespmem:s4+$0xFFFFFFB0]  }
0x64: {  	v17 =	vld [tilespmem:s4+$0xFFFFFFC0]  }
0x65: {  	v20 =	vld [tilespmem:s4+$0xFFFFFFD0]  }
0x66: {  	v11 =	vmul.f32 v11, v11;
	[tilespmem:v15+s30+$0x0] =	vst.idx.add.f32.msk $0xffff, v16  }
0x67: {  	[tilespmem:v15+s31+$0x0] =	vst.idx.add.f32.msk $0xffff, v2  }
0x68: {  	[tilespmem:v10+s30+$0x0] =	vst.idx.add.f32.msk $0xffff, v11  }
0x69: {  	v11 =	vld [tilespmem:s4+$0x40]  }
0x6a: {  	[tilespmem:v10+s31+$0x0] =	vst.idx.add.f32.msk $0xffff, v2  }
0x6b: {  	v12 =	vor.u32 v1, v12;
	v10 =	vld [tilespmem:s4+$0xFFFFFFE0]  }
0x6c: {  	v16 =	vand.u32 $0x7FFFFFFF, v7;
	v15 =	vld [tilespmem:s4+$0x0]  }
0x6d: {  	v16 =	vtrunc.f32 v16;
	v21 =	vld [tilespmem:s6+$0x0]  }
0x6e: {  	v16 =	vcvt.f32.s32 v16;
	v22 =	vld [tilespmem:s6+$0x20]  }
0x6f: {  	[tilespmem:v5+s30+$0x0] =	vst.idx.add.f32.msk $0xffff, v9  }
0x70: {  	v16 =	vshll.u32 v16, $0x4;
	v9 =	vld [tilespmem:s6+$0x40]  }
0x71: {  	v16 =	vor.u32 v1, v16;
	v23 =	vld [tilespmem:s4+$0x10]  }
0x72: {  	v6 =	vsub.f32 v6, v7;
	v24 =	vld [tilespmem:s6+$0xFFFFFFD0]  }
0x73: {  	v7 =	vld [tilespmem:s4+$0x20]  }
0x74: {  	[tilespmem:v5+s31+$0x0] =	vst.idx.add.f32.msk $0xffff, v2;
	v5 =	vmul.f32 v6, v6  }
0x75: {  	[tilespmem:v12+s30+$0x0] =	vst.idx.add.f32.msk $0xffff, v8  }
0x76: {  	v8 =	vand.u32 $0x7FFFFFFF, v11;
	v9 =	vsub.f32 v9, v11;
	v6 =	vand.u32 $0x7FFFFFFF, v23;
	[tilespmem:v16+s30+$0x0] =	vst.idx.add.f32.msk $0xffff, v5  }
0x77: {  	v5 =	vtrunc.f32 v8;
	v25 =	vtrunc.f32 v6;
	[tilespmem:v12+s31+$0x0] =	vst.idx.add.f32.msk $0xffff, v2  }
0x78: {  	v8 =	vsub.f32 v21, v15;
	v6 =	vand.u32 $0x7FFFFFFF, v15;
	v11 =	vand.u32 $0x7FFFFFFF, v7;
	[tilespmem:v16+s31+$0x0] =	vst.idx.add.f32.msk $0xffff, v2  }
0x79: {  	v6 =	vtrunc.f32 v6;
	v7 =	vsub.f32 v22, v7;
	v11 =	vtrunc.f32 v11;
	[tilespmem:v4+s30+$0x0] =	vst.idx.add.f32.msk $0xffff, v13  }
0x7a: {  	v12 =	vand.u32 $0x7FFFFFFF, v10;
	v5 =	vcvt.f32.s32 v5;
	v6 =	vcvt.f32.s32 v6;
	[tilespmem:v14+s30+$0x0] =	vst.idx.add.f32.msk $0xffff, v3  }
0x7b: {  	v9 =	vmul.f32 v9, v9;
	v12 =	vtrunc.f32 v12;
	v3 =	vsub.f32 v24, v20;
	[tilespmem:v14+s31+$0x0] =	vst.idx.add.f32.msk $0xffff, v2  }
0x7c: {  	v13 =	vand.u32 $0x7FFFFFFF, v17;
	v5 =	vshll.u32 v5, $0x4;
	v14 =	vand.u32 $0x7FFFFFFF, v20;
	[tilespmem:v4+s31+$0x0] =	vst.idx.add.f32.msk $0xffff, v2  }
0x7d: {  	v8 =	vmul.f32 v8, v8;
	v3 =	vmul.f32 v3, v3;
	v4 =	vshll.u32 v6, $0x4;
	v16 =	vld [tilespmem:s7+$0x9D80]  }
0x7e: {  	v13 =	vtrunc.f32 v13;
	v21 =	vor.u32 v1, v5;
	v6 =	vand.u32 $0x7FFFFFFF, v19;
	v20 =	vld [tilespmem:s6+$0xFFFFFFE0]  }
0x7f: {  	v11 =	vcvt.f32.s32 v11;
	v5 =	vcvt.f32.s32 v13;
	v13 =	vsub.f32 v18, v17;
	v17 =	vld [tilespmem:s6+$0x10]  }
0x80: {  	v12 =	vcvt.f32.s32 v12;
	v6 =	vtrunc.f32 v6;
	v22 =	vor.u32 v1, v4;
	v24 =	vld [tilespmem:s7+$0x80]  }
0x81: {  	v11 =	vshll.u32 v11, $0x4;
	v5 =	vshll.u32 v5, $0x4;
	v4 =	vcvt.f32.s32 v6;
	v18 =	vld [tilespmem:s6+$0xFFFFFFB0]  }
0x82: {  	v15 =	vmul.f32 v7, v7;
	v14 =	vtrunc.f32 v14;
	v5 =	vor.u32 v1, v5;
	v6 =	vld [tilespmem:s6+$0xFFFFFFF0]  }
.Ltmp1:
0x83: {  	v4 =	vshll.u32 v4, $0x4;
	v20 =	vsub.f32 v20, v10;
	v7 =	vld [tilespmem:s4+$0xFFFFFFF0];
	v10 =	vor.u32 v1, v11;
	(pc) =	sbr.rel @p0 .LBB2_4-.Ltmp1, $4  }
0x84: {  	v14 =	vcvt.f32.s32 v14;
	v4 =	vor.u32 v1, v4;
	v26 =	vand.u32 $0x7FFFFFFF, v16;
	[tilespmem:v21+s30+$0x0] =	vst.idx.add.f32.msk $0xffff, v9  }
0x85: {  	v9 =	vmul.f32 v13, v13;
	v11 =	vsub.f32 v17, v23;
	v17 =	vtrunc.f32 v26;
	[tilespmem:v21+s31+$0x0] =	vst.idx.add.f32.msk $0xffff, v2  }
0x86: {  	v16 =	vsub.f32 v24, v16;
	v13 =	vsub.f32 v18, v19;
	[tilespmem:v22+s30+$0x0] =	vst.idx.add.f32.msk $0xffff, v8;
	v18 =	vcvt.f32.s32 v17  }
0x87: {  	v12 =	vshll.u32 v12, $0x4;
	s6 =	sadd.s32 $0xA0, s6;
	v8 =	vmul.f32 v20, v20;
	v17 =	vcvt.f32.s32 v25;
	[tilespmem:v22+s31+$0x0] =	vst.idx.add.f32.msk $0xffff, v2  }
0x88: {  	_ =	sdelay $0x2  }
0x89: {  	v18 =	vshll.u32 v18, $0x4;
	v12 =	vor.u32 v1, v12  }
0x8a: {  	[tilespmem:v10+s30+$0x0] =	vst.idx.add.f32.msk $0xffff, v15;
	v18 =	vor.u32 v1, v18  }
0x8b: {  	v19 =	vand.u32 $0x7FFFFFFF, v7;
	[tilespmem:v5+s30+$0x0] =	vst.idx.add.f32.msk $0xffff, v9  }
0x8c: {  	v15 =	vmul.f32 v16, v16;
	v6 =	vsub.f32 v6, v7;
	v17 =	vshll.u32 v17, $0x4;
	[tilespmem:v10+s31+$0x0] =	vst.idx.add.f32.msk $0xffff, v2  }
0x8d: {  	v7 =	vshll.u32 v14, $0x4;
	v16 =	vtrunc.f32 v19;
	[tilespmem:v5+s31+$0x0] =	vst.idx.add.f32.msk $0xffff, v2;
	v17 =	vor.u32 v1, v17  }
0x8e: {  	v10 =	vcvt.f32.s32 v16;
	v5 =	vmul.f32 v6, v6;
	v6 =	vor.u32 v1, v7;
	[tilespmem:v12+s30+$0x0] =	vst.idx.add.f32.msk $0xffff, v8  }
0x8f: {  	[tilespmem:v18+s30+$0x0] =	vst.idx.add.f32.msk $0xffff, v15  }
0x90: {  	v11 =	vmul.f32 v11, v11;
	v10 =	vshll.u32 v10, $0x4;
	[tilespmem:v12+s31+$0x0] =	vst.idx.add.f32.msk $0xffff, v2  }
0x91: {  	v10 =	vor.u32 v1, v10;
	[tilespmem:v18+s31+$0x0] =	vst.idx.add.f32.msk $0xffff, v2  }
0x92: {  	[tilespmem:v17+s30+$0x0] =	vst.idx.add.f32.msk $0xffff, v11  }
0x93: {  	[tilespmem:v6+s30+$0x0] =	vst.idx.add.f32.msk $0xffff, v3  }
0x94: {  	[tilespmem:v17+s31+$0x0] =	vst.idx.add.f32.msk $0xffff, v2  }
0x95: {  	[tilespmem:v6+s31+$0x0] =	vst.idx.add.f32.msk $0xffff, v2  }
0x96: {  	[tilespmem:v10+s30+$0x0] =	vst.idx.add.f32.msk $0xffff, v5;
	v5 =	vmul.f32 v13, v13  }
0x97: {  	[tilespmem:v10+s31+$0x0] =	vst.idx.add.f32.msk $0xffff, v2  }
0x98: {  	[tilespmem:v4+s30+$0x0] =	vst.idx.add.f32.msk $0xffff, v5  }
0x99: {  	[tilespmem:v4+s31+$0x0] =	vst.idx.add.f32.msk $0xffff, v2  }
0x9a: {  	s4 =	rddreg [dreg:$0x6]  }
0x9b: {  	[tilespmem:s1], [sflag:$0x1] =	stream.linear.gather [hbm4b:s4+s1], $0x4E20, $0x38;
	[tilespmem:$0x14200] =	vst v63  }
0x9c: {  	s7 =	rddreg [dreg:$0x7]  }
0x9d: {  	[tilespmem:s25], [sflag:$0x1] =	stream.linear.gather [hbm4b:s7+s1], $0x4E20, $0x38;
	[tilespmem:$0x14200] =	vst v63  }
0x9e: {  	_ =	swait.ge [sflag:s0], $0x4E20  }
0x9f: {  	[sflag:s0] =	ssyncset.done $0x0  }
0xa0: {  	[sflag:s0] =	ssyncadd.s32 $0xFFFFB1E0  }
0xa1: {  	_ =	swait.ge [sflag:s0], $0x4E20  }
0xa2: {  	[sflag:s0] =	ssyncset.done $0x0  }
0xa3: {  	s4 =	simm.s32 $0xEBD0;
	[sflag:s0] =	ssyncadd.s32 $0xFFFFB1E0  }
0xa4: {  	v3 =	vld [tilespmem:s4+$0xFFFFFFD0]  }
0xa5: {  	v4 =	vld [tilespmem:s4+$0x40]  }
0xa6: {  	s6 =	simm.s32 $0x4ED0;
	v5 =	vld [tilespmem:s4+$0x0]  }
0xa7: {  	v6 =	vld [tilespmem:s6+$0x0]  }
0xa8: {  	v8 =	vld [tilespmem:s4+$0x10]  }
0xa9: {  	v7 =	vld [tilespmem:s6+$0x40]  }
0xaa: {  	v12 =	vld [tilespmem:s6+$0xFFFFFFD0]  }
0xab: {  	v9 =	vld [tilespmem:s4+$0x20]  }
0xac: {  	v11 =	vld [tilespmem:s4+$0xFFFFFFE0];
	_ =	sdelay $0x1  }
0xad: {  	v10 =	vld [tilespmem:s6+$0x20];
	v13 =	vand.u32 $0x7FFFFFFF, v8;
	v14 =	vand.u32 $0x7FFFFFFF, v4;
	v4 =	vsub.f32 v7, v4  }
0xae: {  	v15 =	vld [tilespmem:s4+$0xFFFFFFC0];
	v12 =	vsub.f32 v12, v3;
	v17 =	vtrunc.f32 v13;
	v7 =	vtrunc.f32 v14  }
0xaf: {  	v16 =	vld [tilespmem:s4+$0xFFFFFFB0];
	v13 =	vand.u32 $0x7FFFFFFF, v5;
	v5 =	vsub.f32 v6, v5;
	v6 =	vand.u32 $0x7FFFFFFF, v9  }
0xb0: {  	v14 =	vand.u32 $0x7FFFFFFF, v11;
	v13 =	vtrunc.f32 v13;
	v6 =	vtrunc.f32 v6  }
0xb1: {  	s5 =	simm.s32 $0x0;
	v19 =	vand.u32 $0x7FFFFFFF, v3;
	v7 =	vcvt.f32.s32 v7;
	v14 =	vtrunc.f32 v14  }
0xb2: {  	s7 =	sand.u32 $0x7FE0, s5;
	v9 =	vsub.f32 v10, v9;
	v18 =	vmul.f32 v4, v4;
	v3 =	vmul.f32 v12, v12  }
0xb3: {  	v21 =	vld [tilespmem:s7+$0xEC00];
	v4 =	vand.u32 $0x7FFFFFFF, v15;
	v17 =	vcvt.f32.s32 v17;
	v13 =	vcvt.f32.s32 v13  }
0xb4: {  	v10 =	vld [tilespmem:s6+$0xFFFFFFC0];
	v20 =	vmul.f32 v5, v5;
	v5 =	vand.u32 $0x7FFFFFFF, v16;
	v4 =	vtrunc.f32 v4  }
0xb5: {  	v24 =	vld [tilespmem:s6+$0x10];
	v6 =	vcvt.f32.s32 v6;
	v25 =	vcvt.f32.s32 v14;
	v7 =	vshll.u32 v7, $0x4  }
0xb6: {  	v14 =	vtrunc.f32 v19;
	v12 =	vshll.u32 v13, $0x4;
	v13 =	vld [tilespmem:s6+$0xFFFFFFE0];
	v22 =	vor.u32 v1, v7  }
0xb7: {  	v27 =	vld [tilespmem:s6+$0xFFFFFFB0];
	v4 =	vcvt.f32.s32 v4;
	v5 =	vtrunc.f32 v5  }
0xb8: {  	v14 =	vcvt.f32.s32 v14;
	v7 =	vcvt.f32.s32 v5;
	v26 =	vor.u32 v1, v12;
	v12 =	vld [tilespmem:s7+$0x4F00]  }
0xb9: {  	v23 =	vsub.f32 v10, v15;
	v4 =	vshll.u32 v4, $0x4;
	v10 =	vshll.u32 v6, $0x4;
	v6 =	vld [tilespmem:s6+$0xFFFFFFF0]  }
0xba: {  	v5 =	vor.u32 v1, v4;
	v4 =	vshll.u32 v7, $0x4;
	v7 =	vld [tilespmem:s4+$0xFFFFFFF0];
	v10 =	vor.u32 v1, v10  }
0xbb: {  	v15 =	vmul.f32 v9, v9;
	v19 =	vsub.f32 v13, v11;
	v13 =	vand.u32 $0x7FFFFFFF, v21;
	[tilespmem:v22+s30+$0x0] =	vst.idx.add.f32.msk $0xffff, v18  }
0xbc: {  	v4 =	vor.u32 v1, v4;
	v11 =	vsub.f32 v24, v8;
	v8 =	vtrunc.f32 v13;
	[tilespmem:v22+s31+$0x0] =	vst.idx.add.f32.msk $0xffff, v2  }
0xbd: {  	v9 =	vmul.f32 v23, v23;
	v13 =	vsub.f32 v27, v16;
	[tilespmem:v26+s30+$0x0] =	vst.idx.add.f32.msk $0xffff, v20;
	v18 =	vcvt.f32.s32 v8  }
0xbe: {  	s6 =	simm.s32 $0x4F70;
	v16 =	vsub.f32 v12, v21;
	v12 =	vshll.u32 v25, $0x4;
	v8 =	vmul.f32 v19, v19;
	[tilespmem:v26+s31+$0x0] =	vst.idx.add.f32.msk $0xffff, v2  }
.LBB2_6:
0xbf: {  	s5 =	sadd.s32 $0xA0, s5;
	v14 =	vshll.u32 v14, $0x4;
	[tilespmem:v10+s30+$0x0] =	vst.idx.add.f32.msk $0xffff, v15;
	v15 =	vshll.u32 v18, $0x4;
	s4 =	sadd.s32 $0xA0, s4  }
0xc0: {  	v16 =	vmul.f32 v16, v16;
	v18 =	vld [tilespmem:s6+$0xFFFFFFC0];
	s7 =	sand.u32 $0x7FE0, s5;
	p0 =	slt.u32 s5, $0x4D80;
	v14 =	vor.u32 v1, v14;
	v15 =	vor.u32 v1, v15  }
0xc1: {  	v13 =	vmul.f32 v13, v13;
	v17 =	vshll.u32 v17, $0x4;
	[tilespmem:v10+s31+$0x0] =	vst.idx.add.f32.msk $0xffff, v2  }
0xc2: {  	v10 =	vor.u32 v1, v17;
	v19 =	vld [tilespmem:s4+$0xFFFFFFB0]  }
0xc3: {  	v17 =	vld [tilespmem:s4+$0xFFFFFFC0]  }
0xc4: {  	v20 =	vld [tilespmem:s4+$0xFFFFFFD0]  }
0xc5: {  	v11 =	vmul.f32 v11, v11;
	[tilespmem:v15+s30+$0x0] =	vst.idx.add.f32.msk $0xffff, v16  }
0xc6: {  	[tilespmem:v15+s31+$0x0] =	vst.idx.add.f32.msk $0xffff, v2  }
0xc7: {  	[tilespmem:v10+s30+$0x0] =	vst.idx.add.f32.msk $0xffff, v11  }
0xc8: {  	v11 =	vld [tilespmem:s4+$0x40]  }
0xc9: {  	[tilespmem:v10+s31+$0x0] =	vst.idx.add.f32.msk $0xffff, v2  }
0xca: {  	v12 =	vor.u32 v1, v12;
	v10 =	vld [tilespmem:s4+$0xFFFFFFE0]  }
0xcb: {  	v16 =	vand.u32 $0x7FFFFFFF, v7;
	v15 =	vld [tilespmem:s4+$0x0]  }
0xcc: {  	v16 =	vtrunc.f32 v16;
	v21 =	vld [tilespmem:s6+$0x0]  }
0xcd: {  	v16 =	vcvt.f32.s32 v16;
	v22 =	vld [tilespmem:s6+$0x20]  }
0xce: {  	[tilespmem:v5+s30+$0x0] =	vst.idx.add.f32.msk $0xffff, v9  }
0xcf: {  	v16 =	vshll.u32 v16, $0x4;
	v9 =	vld [tilespmem:s6+$0x40]  }
0xd0: {  	v16 =	vor.u32 v1, v16;
	v23 =	vld [tilespmem:s4+$0x10]  }
0xd1: {  	v6 =	vsub.f32 v6, v7;
	v24 =	vld [tilespmem:s6+$0xFFFFFFD0]  }
0xd2: {  	v7 =	vld [tilespmem:s4+$0x20]  }
0xd3: {  	[tilespmem:v5+s31+$0x0] =	vst.idx.add.f32.msk $0xffff, v2;
	v5 =	vmul.f32 v6, v6  }
0xd4: {  	[tilespmem:v12+s30+$0x0] =	vst.idx.add.f32.msk $0xffff, v8  }
0xd5: {  	v8 =	vand.u32 $0x7FFFFFFF, v11;
	v9 =	vsub.f32 v9, v11;
	v6 =	vand.u32 $0x7FFFFFFF, v23;
	[tilespmem:v16+s30+$0x0] =	vst.idx.add.f32.msk $0xffff, v5  }
0xd6: {  	v5 =	vtrunc.f32 v8;
	v25 =	vtrunc.f32 v6;
	[tilespmem:v12+s31+$0x0] =	vst.idx.add.f32.msk $0xffff, v2  }
0xd7: {  	v8 =	vsub.f32 v21, v15;
	v6 =	vand.u32 $0x7FFFFFFF, v15;
	v11 =	vand.u32 $0x7FFFFFFF, v7;
	[tilespmem:v16+s31+$0x0] =	vst.idx.add.f32.msk $0xffff, v2  }
0xd8: {  	v6 =	vtrunc.f32 v6;
	v7 =	vsub.f32 v22, v7;
	v11 =	vtrunc.f32 v11;
	[tilespmem:v4+s30+$0x0] =	vst.idx.add.f32.msk $0xffff, v13  }
0xd9: {  	v12 =	vand.u32 $0x7FFFFFFF, v10;
	v5 =	vcvt.f32.s32 v5;
	v6 =	vcvt.f32.s32 v6;
	[tilespmem:v14+s30+$0x0] =	vst.idx.add.f32.msk $0xffff, v3  }
0xda: {  	v9 =	vmul.f32 v9, v9;
	v12 =	vtrunc.f32 v12;
	v3 =	vsub.f32 v24, v20;
	[tilespmem:v14+s31+$0x0] =	vst.idx.add.f32.msk $0xffff, v2  }
0xdb: {  	v13 =	vand.u32 $0x7FFFFFFF, v17;
	v5 =	vshll.u32 v5, $0x4;
	v14 =	vand.u32 $0x7FFFFFFF, v20;
	[tilespmem:v4+s31+$0x0] =	vst.idx.add.f32.msk $0xffff, v2  }
0xdc: {  	v8 =	vmul.f32 v8, v8;
	v3 =	vmul.f32 v3, v3;
	v4 =	vshll.u32 v6, $0x4;
	v16 =	vld [tilespmem:s7+$0xEC00]  }
0xdd: {  	v13 =	vtrunc.f32 v13;
	v21 =	vor.u32 v1, v5;
	v6 =	vand.u32 $0x7FFFFFFF, v19;
	v20 =	vld [tilespmem:s6+$0xFFFFFFE0]  }
0xde: {  	v11 =	vcvt.f32.s32 v11;
	v5 =	vcvt.f32.s32 v13;
	v13 =	vsub.f32 v18, v17;
	v17 =	vld [tilespmem:s6+$0x10]  }
0xdf: {  	v12 =	vcvt.f32.s32 v12;
	v6 =	vtrunc.f32 v6;
	v22 =	vor.u32 v1, v4;
	v24 =	vld [tilespmem:s7+$0x4F00]  }
0xe0: {  	v11 =	vshll.u32 v11, $0x4;
	v5 =	vshll.u32 v5, $0x4;
	v4 =	vcvt.f32.s32 v6;
	v18 =	vld [tilespmem:s6+$0xFFFFFFB0]  }
0xe1: {  	v15 =	vmul.f32 v7, v7;
	v14 =	vtrunc.f32 v14;
	v5 =	vor.u32 v1, v5;
	v6 =	vld [tilespmem:s6+$0xFFFFFFF0]  }
.Ltmp2:
0xe2: {  	v4 =	vshll.u32 v4, $0x4;
	v20 =	vsub.f32 v20, v10;
	v7 =	vld [tilespmem:s4+$0xFFFFFFF0];
	v10 =	vor.u32 v1, v11;
	(pc) =	sbr.rel @p0 .LBB2_6-.Ltmp2, $4  }
0xe3: {  	v14 =	vcvt.f32.s32 v14;
	v4 =	vor.u32 v1, v4;
	v26 =	vand.u32 $0x7FFFFFFF, v16;
	[tilespmem:v21+s30+$0x0] =	vst.idx.add.f32.msk $0xffff, v9  }
0xe4: {  	v9 =	vmul.f32 v13, v13;
	v11 =	vsub.f32 v17, v23;
	v17 =	vtrunc.f32 v26;
	[tilespmem:v21+s31+$0x0] =	vst.idx.add.f32.msk $0xffff, v2  }
0xe5: {  	v16 =	vsub.f32 v24, v16;
	v13 =	vsub.f32 v18, v19;
	[tilespmem:v22+s30+$0x0] =	vst.idx.add.f32.msk $0xffff, v8;
	v18 =	vcvt.f32.s32 v17  }
0xe6: {  	v12 =	vshll.u32 v12, $0x4;
	s6 =	sadd.s32 $0xA0, s6;
	v8 =	vmul.f32 v20, v20;
	v17 =	vcvt.f32.s32 v25;
	[tilespmem:v22+s31+$0x0] =	vst.idx.add.f32.msk $0xffff, v2  }
0xe7: {  	_ =	sdelay $0x2  }
0xe8: {  	v18 =	vshll.u32 v18, $0x4;
	v12 =	vor.u32 v1, v12  }
0xe9: {  	[tilespmem:v10+s30+$0x0] =	vst.idx.add.f32.msk $0xffff, v15;
	v18 =	vor.u32 v1, v18  }
0xea: {  	v19 =	vand.u32 $0x7FFFFFFF, v7;
	[tilespmem:v5+s30+$0x0] =	vst.idx.add.f32.msk $0xffff, v9  }
0xeb: {  	v15 =	vmul.f32 v16, v16;
	v6 =	vsub.f32 v6, v7;
	v17 =	vshll.u32 v17, $0x4;
	[tilespmem:v10+s31+$0x0] =	vst.idx.add.f32.msk $0xffff, v2  }
0xec: {  	v7 =	vshll.u32 v14, $0x4;
	v16 =	vtrunc.f32 v19;
	[tilespmem:v5+s31+$0x0] =	vst.idx.add.f32.msk $0xffff, v2;
	v17 =	vor.u32 v1, v17  }
0xed: {  	v10 =	vcvt.f32.s32 v16;
	v5 =	vmul.f32 v6, v6;
	v6 =	vor.u32 v1, v7;
	[tilespmem:v12+s30+$0x0] =	vst.idx.add.f32.msk $0xffff, v8  }
0xee: {  	[tilespmem:v18+s30+$0x0] =	vst.idx.add.f32.msk $0xffff, v15  }
0xef: {  	v11 =	vmul.f32 v11, v11;
	v10 =	vshll.u32 v10, $0x4;
	[tilespmem:v12+s31+$0x0] =	vst.idx.add.f32.msk $0xffff, v2  }
0xf0: {  	v10 =	vor.u32 v1, v10;
	[tilespmem:v18+s31+$0x0] =	vst.idx.add.f32.msk $0xffff, v2  }
0xf1: {  	[tilespmem:v17+s30+$0x0] =	vst.idx.add.f32.msk $0xffff, v11  }
0xf2: {  	[tilespmem:v6+s30+$0x0] =	vst.idx.add.f32.msk $0xffff, v3  }
0xf3: {  	[tilespmem:v17+s31+$0x0] =	vst.idx.add.f32.msk $0xffff, v2  }
0xf4: {  	[tilespmem:v6+s31+$0x0] =	vst.idx.add.f32.msk $0xffff, v2  }
0xf5: {  	[tilespmem:v10+s30+$0x0] =	vst.idx.add.f32.msk $0xffff, v5;
	v5 =	vmul.f32 v13, v13  }
0xf6: {  	[tilespmem:v10+s31+$0x0] =	vst.idx.add.f32.msk $0xffff, v2  }
0xf7: {  	[tilespmem:v4+s30+$0x0] =	vst.idx.add.f32.msk $0xffff, v5  }
0xf8: {  	[tilespmem:v4+s31+$0x0] =	vst.idx.add.f32.msk $0xffff, v2  }
0xf9: {  	s4 =	rddreg [dreg:$0x8]  }
0xfa: {  	[tilespmem:s26], [sflag:$0x2] =	stream.linear.gather [hbm4b:s4+s1], $0x4E20, $0x38;
	[tilespmem:$0x14200] =	vst v63  }
0xfb: {  	s7 =	rddreg [dreg:$0x9]  }
0xfc: {  	[tilespmem:s28], [sflag:$0x2] =	stream.linear.gather [hbm4b:s7+s1], $0x4E20, $0x38;
	[tilespmem:$0x14200] =	vst v63  }
0xfd: {  	_ =	swait.ge [sflag:s29], $0x4E20  }
0xfe: {  	[sflag:s29] =	ssyncset.done $0x0  }
0xff: {  	[sflag:s29] =	ssyncadd.s32 $0xFFFFB1E0  }
0x100: {  	_ =	swait.ge [sflag:s29], $0x4E20  }
0x101: {  	[sflag:s29] =	ssyncset.done $0x0  }
0x102: {  	s4 =	simm.s32 $0x9D50;
	[sflag:s29] =	ssyncadd.s32 $0xFFFFB1E0  }
0x103: {  	v3 =	vld [tilespmem:s4+$0xFFFFFFD0]  }
0x104: {  	v4 =	vld [tilespmem:s4+$0x40]  }
0x105: {  	s6 =	simm.s32 $0x50;
	v5 =	vld [tilespmem:s4+$0x0]  }
0x106: {  	v6 =	vld [tilespmem:s6+$0x0]  }
0x107: {  	v8 =	vld [tilespmem:s4+$0x10]  }
0x108: {  	v7 =	vld [tilespmem:s6+$0x40]  }
0x109: {  	v12 =	vld [tilespmem:s6+$0xFFFFFFD0]  }
0x10a: {  	v9 =	vld [tilespmem:s4+$0x20]  }
0x10b: {  	v11 =	vld [tilespmem:s4+$0xFFFFFFE0];
	_ =	sdelay $0x1  }
0x10c: {  	v10 =	vld [tilespmem:s6+$0x20];
	v13 =	vand.u32 $0x7FFFFFFF, v8;
	v14 =	vand.u32 $0x7FFFFFFF, v4;
	v4 =	vsub.f32 v7, v4  }
0x10d: {  	v15 =	vld [tilespmem:s4+$0xFFFFFFC0];
	v12 =	vsub.f32 v12, v3;
	v17 =	vtrunc.f32 v13;
	v7 =	vtrunc.f32 v14  }
0x10e: {  	v16 =	vld [tilespmem:s4+$0xFFFFFFB0];
	v13 =	vand.u32 $0x7FFFFFFF, v5;
	v5 =	vsub.f32 v6, v5;
	v6 =	vand.u32 $0x7FFFFFFF, v9  }
0x10f: {  	v14 =	vand.u32 $0x7FFFFFFF, v11;
	v13 =	vtrunc.f32 v13;
	v6 =	vtrunc.f32 v6  }
0x110: {  	s5 =	simm.s32 $0x0;
	v19 =	vand.u32 $0x7FFFFFFF, v3;
	v7 =	vcvt.f32.s32 v7;
	v14 =	vtrunc.f32 v14  }
0x111: {  	s7 =	sand.u32 $0x7FE0, s5;
	v9 =	vsub.f32 v10, v9;
	v18 =	vmul.f32 v4, v4;
	v3 =	vmul.f32 v12, v12  }
0x112: {  	v21 =	vld [tilespmem:s7+$0x9D80];
	v4 =	vand.u32 $0x7FFFFFFF, v15;
	v17 =	vcvt.f32.s32 v17;
	v13 =	vcvt.f32.s32 v13  }
0x113: {  	v10 =	vld [tilespmem:s6+$0xFFFFFFC0];
	v20 =	vmul.f32 v5, v5;
	v5 =	vand.u32 $0x7FFFFFFF, v16;
	v4 =	vtrunc.f32 v4  }
0x114: {  	v24 =	vld [tilespmem:s6+$0x10];
	v6 =	vcvt.f32.s32 v6;
	v25 =	vcvt.f32.s32 v14;
	v7 =	vshll.u32 v7, $0x4  }
0x115: {  	v14 =	vtrunc.f32 v19;
	v12 =	vshll.u32 v13, $0x4;
	v13 =	vld [tilespmem:s6+$0xFFFFFFE0];
	v22 =	vor.u32 v1, v7  }
0x116: {  	v27 =	vld [tilespmem:s6+$0xFFFFFFB0];
	v4 =	vcvt.f32.s32 v4;
	v5 =	vtrunc.f32 v5  }
0x117: {  	v14 =	vcvt.f32.s32 v14;
	v7 =	vcvt.f32.s32 v5;
	v26 =	vor.u32 v1, v12;
	v12 =	vld [tilespmem:s7+$0x80]  }
0x118: {  	v23 =	vsub.f32 v10, v15;
	v4 =	vshll.u32 v4, $0x4;
	v10 =	vshll.u32 v6, $0x4;
	v6 =	vld [tilespmem:s6+$0xFFFFFFF0]  }
0x119: {  	v5 =	vor.u32 v1, v4;
	v4 =	vshll.u32 v7, $0x4;
	v7 =	vld [tilespmem:s4+$0xFFFFFFF0];
	v10 =	vor.u32 v1, v10  }
0x11a: {  	v15 =	vmul.f32 v9, v9;
	v19 =	vsub.f32 v13, v11;
	v13 =	vand.u32 $0x7FFFFFFF, v21;
	[tilespmem:v22+s30+$0x0] =	vst.idx.add.f32.msk $0xffff, v18  }
0x11b: {  	v4 =	vor.u32 v1, v4;
	v11 =	vsub.f32 v24, v8;
	v8 =	vtrunc.f32 v13;
	[tilespmem:v22+s31+$0x0] =	vst.idx.add.f32.msk $0xffff, v2  }
0x11c: {  	v9 =	vmul.f32 v23, v23;
	v13 =	vsub.f32 v27, v16;
	[tilespmem:v26+s30+$0x0] =	vst.idx.add.f32.msk $0xffff, v20;
	v18 =	vcvt.f32.s32 v8  }
0x11d: {  	s6 =	simm.s32 $0xF0;
	v16 =	vsub.f32 v12, v21;
	v12 =	vshll.u32 v25, $0x4;
	v8 =	vmul.f32 v19, v19;
	[tilespmem:v26+s31+$0x0] =	vst.idx.add.f32.msk $0xffff, v2  }
.LBB2_8:
0x11e: {  	s5 =	sadd.s32 $0xA0, s5;
	v14 =	vshll.u32 v14, $0x4;
	[tilespmem:v10+s30+$0x0] =	vst.idx.add.f32.msk $0xffff, v15;
	v15 =	vshll.u32 v18, $0x4;
	s4 =	sadd.s32 $0xA0, s4  }
0x11f: {  	v16 =	vmul.f32 v16, v16;
	v18 =	vld [tilespmem:s6+$0xFFFFFFC0];
	s7 =	sand.u32 $0x7FE0, s5;
	p0 =	slt.u32 s5, $0x4D80;
	v14 =	vor.u32 v1, v14;
	v15 =	vor.u32 v1, v15  }
0x120: {  	v13 =	vmul.f32 v13, v13;
	v17 =	vshll.u32 v17, $0x4;
	[tilespmem:v10+s31+$0x0] =	vst.idx.add.f32.msk $0xffff, v2  }
0x121: {  	v10 =	vor.u32 v1, v17;
	v19 =	vld [tilespmem:s4+$0xFFFFFFB0]  }
0x122: {  	v17 =	vld [tilespmem:s4+$0xFFFFFFC0]  }
0x123: {  	v20 =	vld [tilespmem:s4+$0xFFFFFFD0]  }
0x124: {  	v11 =	vmul.f32 v11, v11;
	[tilespmem:v15+s30+$0x0] =	vst.idx.add.f32.msk $0xffff, v16  }
0x125: {  	[tilespmem:v15+s31+$0x0] =	vst.idx.add.f32.msk $0xffff, v2  }
0x126: {  	[tilespmem:v10+s30+$0x0] =	vst.idx.add.f32.msk $0xffff, v11  }
0x127: {  	v11 =	vld [tilespmem:s4+$0x40]  }
0x128: {  	[tilespmem:v10+s31+$0x0] =	vst.idx.add.f32.msk $0xffff, v2  }
0x129: {  	v12 =	vor.u32 v1, v12;
	v10 =	vld [tilespmem:s4+$0xFFFFFFE0]  }
0x12a: {  	v16 =	vand.u32 $0x7FFFFFFF, v7;
	v15 =	vld [tilespmem:s4+$0x0]  }
0x12b: {  	v16 =	vtrunc.f32 v16;
	v21 =	vld [tilespmem:s6+$0x0]  }
0x12c: {  	v16 =	vcvt.f32.s32 v16;
	v22 =	vld [tilespmem:s6+$0x20]  }
0x12d: {  	[tilespmem:v5+s30+$0x0] =	vst.idx.add.f32.msk $0xffff, v9  }
0x12e: {  	v16 =	vshll.u32 v16, $0x4;
	v9 =	vld [tilespmem:s6+$0x40]  }
0x12f: {  	v16 =	vor.u32 v1, v16;
	v23 =	vld [tilespmem:s4+$0x10]  }
0x130: {  	v6 =	vsub.f32 v6, v7;
	v24 =	vld [tilespmem:s6+$0xFFFFFFD0]  }
0x131: {  	v7 =	vld [tilespmem:s4+$0x20]  }
0x132: {  	[tilespmem:v5+s31+$0x0] =	vst.idx.add.f32.msk $0xffff, v2;
	v5 =	vmul.f32 v6, v6  }
0x133: {  	[tilespmem:v12+s30+$0x0] =	vst.idx.add.f32.msk $0xffff, v8  }
0x134: {  	v8 =	vand.u32 $0x7FFFFFFF, v11;
	v9 =	vsub.f32 v9, v11;
	v6 =	vand.u32 $0x7FFFFFFF, v23;
	[tilespmem:v16+s30+$0x0] =	vst.idx.add.f32.msk $0xffff, v5  }
0x135: {  	v5 =	vtrunc.f32 v8;
	v25 =	vtrunc.f32 v6;
	[tilespmem:v12+s31+$0x0] =	vst.idx.add.f32.msk $0xffff, v2  }
0x136: {  	v8 =	vsub.f32 v21, v15;
	v6 =	vand.u32 $0x7FFFFFFF, v15;
	v11 =	vand.u32 $0x7FFFFFFF, v7;
	[tilespmem:v16+s31+$0x0] =	vst.idx.add.f32.msk $0xffff, v2  }
0x137: {  	v6 =	vtrunc.f32 v6;
	v7 =	vsub.f32 v22, v7;
	v11 =	vtrunc.f32 v11;
	[tilespmem:v4+s30+$0x0] =	vst.idx.add.f32.msk $0xffff, v13  }
0x138: {  	v12 =	vand.u32 $0x7FFFFFFF, v10;
	v5 =	vcvt.f32.s32 v5;
	v6 =	vcvt.f32.s32 v6;
	[tilespmem:v14+s30+$0x0] =	vst.idx.add.f32.msk $0xffff, v3  }
0x139: {  	v9 =	vmul.f32 v9, v9;
	v12 =	vtrunc.f32 v12;
	v3 =	vsub.f32 v24, v20;
	[tilespmem:v14+s31+$0x0] =	vst.idx.add.f32.msk $0xffff, v2  }
0x13a: {  	v13 =	vand.u32 $0x7FFFFFFF, v17;
	v5 =	vshll.u32 v5, $0x4;
	v14 =	vand.u32 $0x7FFFFFFF, v20;
	[tilespmem:v4+s31+$0x0] =	vst.idx.add.f32.msk $0xffff, v2  }
0x13b: {  	v8 =	vmul.f32 v8, v8;
	v3 =	vmul.f32 v3, v3;
	v4 =	vshll.u32 v6, $0x4;
	v16 =	vld [tilespmem:s7+$0x9D80]  }
0x13c: {  	v13 =	vtrunc.f32 v13;
	v21 =	vor.u32 v1, v5;
	v6 =	vand.u32 $0x7FFFFFFF, v19;
	v20 =	vld [tilespmem:s6+$0xFFFFFFE0]  }
0x13d: {  	v11 =	vcvt.f32.s32 v11;
	v5 =	vcvt.f32.s32 v13;
	v13 =	vsub.f32 v18, v17;
	v17 =	vld [tilespmem:s6+$0x10]  }
0x13e: {  	v12 =	vcvt.f32.s32 v12;
	v6 =	vtrunc.f32 v6;
	v22 =	vor.u32 v1, v4;
	v24 =	vld [tilespmem:s7+$0x80]  }
0x13f: {  	v11 =	vshll.u32 v11, $0x4;
	v5 =	vshll.u32 v5, $0x4;
	v4 =	vcvt.f32.s32 v6;
	v18 =	vld [tilespmem:s6+$0xFFFFFFB0]  }
0x140: {  	v15 =	vmul.f32 v7, v7;
	v14 =	vtrunc.f32 v14;
	v5 =	vor.u32 v1, v5;
	v6 =	vld [tilespmem:s6+$0xFFFFFFF0]  }
.Ltmp3:
0x141: {  	v4 =	vshll.u32 v4, $0x4;
	v20 =	vsub.f32 v20, v10;
	v7 =	vld [tilespmem:s4+$0xFFFFFFF0];
	v10 =	vor.u32 v1, v11;
	(pc) =	sbr.rel @p0 .LBB2_8-.Ltmp3, $4  }
0x142: {  	v14 =	vcvt.f32.s32 v14;
	v4 =	vor.u32 v1, v4;
	v26 =	vand.u32 $0x7FFFFFFF, v16;
	[tilespmem:v21+s30+$0x0] =	vst.idx.add.f32.msk $0xffff, v9  }
0x143: {  	v9 =	vmul.f32 v13, v13;
	v11 =	vsub.f32 v17, v23;
	v17 =	vtrunc.f32 v26;
	[tilespmem:v21+s31+$0x0] =	vst.idx.add.f32.msk $0xffff, v2  }
0x144: {  	v16 =	vsub.f32 v24, v16;
	v13 =	vsub.f32 v18, v19;
	[tilespmem:v22+s30+$0x0] =	vst.idx.add.f32.msk $0xffff, v8;
	v18 =	vcvt.f32.s32 v17  }
0x145: {  	v12 =	vshll.u32 v12, $0x4;
	s6 =	sadd.s32 $0xA0, s6;
	v8 =	vmul.f32 v20, v20;
	v17 =	vcvt.f32.s32 v25;
	[tilespmem:v22+s31+$0x0] =	vst.idx.add.f32.msk $0xffff, v2  }
0x146: {  	_ =	sdelay $0x2  }
0x147: {  	v18 =	vshll.u32 v18, $0x4;
	v12 =	vor.u32 v1, v12  }
0x148: {  	[tilespmem:v10+s30+$0x0] =	vst.idx.add.f32.msk $0xffff, v15;
	v18 =	vor.u32 v1, v18  }
0x149: {  	v19 =	vand.u32 $0x7FFFFFFF, v7;
	[tilespmem:v5+s30+$0x0] =	vst.idx.add.f32.msk $0xffff, v9  }
0x14a: {  	v15 =	vmul.f32 v16, v16;
	v6 =	vsub.f32 v6, v7;
	v17 =	vshll.u32 v17, $0x4;
	[tilespmem:v10+s31+$0x0] =	vst.idx.add.f32.msk $0xffff, v2  }
0x14b: {  	v7 =	vshll.u32 v14, $0x4;
	v16 =	vtrunc.f32 v19;
	[tilespmem:v5+s31+$0x0] =	vst.idx.add.f32.msk $0xffff, v2;
	v17 =	vor.u32 v1, v17  }
0x14c: {  	v10 =	vcvt.f32.s32 v16;
	v5 =	vmul.f32 v6, v6;
	v6 =	vor.u32 v1, v7;
	[tilespmem:v12+s30+$0x0] =	vst.idx.add.f32.msk $0xffff, v8  }
0x14d: {  	[tilespmem:v18+s30+$0x0] =	vst.idx.add.f32.msk $0xffff, v15  }
0x14e: {  	v11 =	vmul.f32 v11, v11;
	v10 =	vshll.u32 v10, $0x4;
	[tilespmem:v12+s31+$0x0] =	vst.idx.add.f32.msk $0xffff, v2  }
0x14f: {  	v10 =	vor.u32 v1, v10;
	[tilespmem:v18+s31+$0x0] =	vst.idx.add.f32.msk $0xffff, v2  }
0x150: {  	[tilespmem:v17+s30+$0x0] =	vst.idx.add.f32.msk $0xffff, v11  }
0x151: {  	[tilespmem:v6+s30+$0x0] =	vst.idx.add.f32.msk $0xffff, v3  }
0x152: {  	[tilespmem:v17+s31+$0x0] =	vst.idx.add.f32.msk $0xffff, v2  }
0x153: {  	[tilespmem:v6+s31+$0x0] =	vst.idx.add.f32.msk $0xffff, v2  }
0x154: {  	[tilespmem:v10+s30+$0x0] =	vst.idx.add.f32.msk $0xffff, v5;
	v5 =	vmul.f32 v13, v13  }
0x155: {  	[tilespmem:v10+s31+$0x0] =	vst.idx.add.f32.msk $0xffff, v2  }
0x156: {  	[tilespmem:v4+s30+$0x0] =	vst.idx.add.f32.msk $0xffff, v5  }
0x157: {  	[tilespmem:v4+s31+$0x0] =	vst.idx.add.f32.msk $0xffff, v2  }
0x158: {  	s4 =	rddreg [dreg:$0xa]  }
0x159: {  	[tilespmem:s1], [sflag:$0x1] =	stream.linear.gather [hbm4b:s4+s1], $0x4E20, $0x38;
	[tilespmem:$0x14200] =	vst v63  }
0x15a: {  	s7 =	rddreg [dreg:$0xb]  }
0x15b: {  	[tilespmem:s25], [sflag:$0x1] =	stream.linear.gather [hbm4b:s7+s1], $0x4E20, $0x38;
	[tilespmem:$0x14200] =	vst v63  }
0x15c: {  	_ =	swait.ge [sflag:s0], $0x4E20  }
0x15d: {  	[sflag:s0] =	ssyncset.done $0x0  }
0x15e: {  	[sflag:s0] =	ssyncadd.s32 $0xFFFFB1E0  }
0x15f: {  	_ =	swait.ge [sflag:s0], $0x4E20  }
0x160: {  	[sflag:s0] =	ssyncset.done $0x0  }
0x161: {  	s4 =	simm.s32 $0xEBD0;
	[sflag:s0] =	ssyncadd.s32 $0xFFFFB1E0  }
0x162: {  	v3 =	vld [tilespmem:s4+$0xFFFFFFD0]  }
0x163: {  	v4 =	vld [tilespmem:s4+$0x40]  }
0x164: {  	s6 =	simm.s32 $0x4ED0;
	v5 =	vld [tilespmem:s4+$0x0]  }
0x165: {  	v6 =	vld [tilespmem:s6+$0x0]  }
0x166: {  	v8 =	vld [tilespmem:s4+$0x10]  }
0x167: {  	v7 =	vld [tilespmem:s6+$0x40]  }
0x168: {  	v12 =	vld [tilespmem:s6+$0xFFFFFFD0]  }
0x169: {  	v9 =	vld [tilespmem:s4+$0x20]  }
0x16a: {  	v11 =	vld [tilespmem:s4+$0xFFFFFFE0];
	_ =	sdelay $0x1  }
0x16b: {  	v10 =	vld [tilespmem:s6+$0x20];
	v13 =	vand.u32 $0x7FFFFFFF, v8;
	v14 =	vand.u32 $0x7FFFFFFF, v4;
	v4 =	vsub.f32 v7, v4  }
0x16c: {  	v15 =	vld [tilespmem:s4+$0xFFFFFFC0];
	v12 =	vsub.f32 v12, v3;
	v17 =	vtrunc.f32 v13;
	v7 =	vtrunc.f32 v14  }
0x16d: {  	v16 =	vld [tilespmem:s4+$0xFFFFFFB0];
	v13 =	vand.u32 $0x7FFFFFFF, v5;
	v5 =	vsub.f32 v6, v5;
	v6 =	vand.u32 $0x7FFFFFFF, v9  }
0x16e: {  	v14 =	vand.u32 $0x7FFFFFFF, v11;
	v13 =	vtrunc.f32 v13;
	v6 =	vtrunc.f32 v6  }
0x16f: {  	s5 =	simm.s32 $0x0;
	v19 =	vand.u32 $0x7FFFFFFF, v3;
	v7 =	vcvt.f32.s32 v7;
	v14 =	vtrunc.f32 v14  }
0x170: {  	s7 =	sand.u32 $0x7FE0, s5;
	v9 =	vsub.f32 v10, v9;
	v18 =	vmul.f32 v4, v4;
	v3 =	vmul.f32 v12, v12  }
0x171: {  	v21 =	vld [tilespmem:s7+$0xEC00];
	v4 =	vand.u32 $0x7FFFFFFF, v15;
	v17 =	vcvt.f32.s32 v17;
	v13 =	vcvt.f32.s32 v13  }
0x172: {  	v10 =	vld [tilespmem:s6+$0xFFFFFFC0];
	v20 =	vmul.f32 v5, v5;
	v5 =	vand.u32 $0x7FFFFFFF, v16;
	v4 =	vtrunc.f32 v4  }
0x173: {  	v24 =	vld [tilespmem:s6+$0x10];
	v6 =	vcvt.f32.s32 v6;
	v25 =	vcvt.f32.s32 v14;
	v7 =	vshll.u32 v7, $0x4  }
0x174: {  	v14 =	vtrunc.f32 v19;
	v12 =	vshll.u32 v13, $0x4;
	v13 =	vld [tilespmem:s6+$0xFFFFFFE0];
	v22 =	vor.u32 v1, v7  }
0x175: {  	v27 =	vld [tilespmem:s6+$0xFFFFFFB0];
	v4 =	vcvt.f32.s32 v4;
	v5 =	vtrunc.f32 v5  }
0x176: {  	v14 =	vcvt.f32.s32 v14;
	v7 =	vcvt.f32.s32 v5;
	v26 =	vor.u32 v1, v12;
	v12 =	vld [tilespmem:s7+$0x4F00]  }
0x177: {  	v23 =	vsub.f32 v10, v15;
	v4 =	vshll.u32 v4, $0x4;
	v10 =	vshll.u32 v6, $0x4;
	v6 =	vld [tilespmem:s6+$0xFFFFFFF0]  }
0x178: {  	v5 =	vor.u32 v1, v4;
	v4 =	vshll.u32 v7, $0x4;
	v7 =	vld [tilespmem:s4+$0xFFFFFFF0];
	v10 =	vor.u32 v1, v10  }
0x179: {  	v15 =	vmul.f32 v9, v9;
	v19 =	vsub.f32 v13, v11;
	v13 =	vand.u32 $0x7FFFFFFF, v21;
	[tilespmem:v22+s30+$0x0] =	vst.idx.add.f32.msk $0xffff, v18  }
0x17a: {  	v4 =	vor.u32 v1, v4;
	v11 =	vsub.f32 v24, v8;
	v8 =	vtrunc.f32 v13;
	[tilespmem:v22+s31+$0x0] =	vst.idx.add.f32.msk $0xffff, v2  }
0x17b: {  	v9 =	vmul.f32 v23, v23;
	v13 =	vsub.f32 v27, v16;
	[tilespmem:v26+s30+$0x0] =	vst.idx.add.f32.msk $0xffff, v20;
	v18 =	vcvt.f32.s32 v8  }
0x17c: {  	s6 =	simm.s32 $0x4F70;
	v16 =	vsub.f32 v12, v21;
	v12 =	vshll.u32 v25, $0x4;
	v8 =	vmul.f32 v19, v19;
	[tilespmem:v26+s31+$0x0] =	vst.idx.add.f32.msk $0xffff, v2  }
.LBB2_10:
0x17d: {  	s5 =	sadd.s32 $0xA0, s5;
	v14 =	vshll.u32 v14, $0x4;
	[tilespmem:v10+s30+$0x0] =	vst.idx.add.f32.msk $0xffff, v15;
	v15 =	vshll.u32 v18, $0x4;
	s4 =	sadd.s32 $0xA0, s4  }
0x17e: {  	v16 =	vmul.f32 v16, v16;
	v18 =	vld [tilespmem:s6+$0xFFFFFFC0];
	s7 =	sand.u32 $0x7FE0, s5;
	p0 =	slt.u32 s5, $0x4D80;
	v14 =	vor.u32 v1, v14;
	v15 =	vor.u32 v1, v15  }
0x17f: {  	v13 =	vmul.f32 v13, v13;
	v17 =	vshll.u32 v17, $0x4;
	[tilespmem:v10+s31+$0x0] =	vst.idx.add.f32.msk $0xffff, v2  }
0x180: {  	v10 =	vor.u32 v1, v17;
	v19 =	vld [tilespmem:s4+$0xFFFFFFB0]  }
0x181: {  	v17 =	vld [tilespmem:s4+$0xFFFFFFC0]  }
0x182: {  	v20 =	vld [tilespmem:s4+$0xFFFFFFD0]  }
0x183: {  	v11 =	vmul.f32 v11, v11;
	[tilespmem:v15+s30+$0x0] =	vst.idx.add.f32.msk $0xffff, v16  }
0x184: {  	[tilespmem:v15+s31+$0x0] =	vst.idx.add.f32.msk $0xffff, v2  }
0x185: {  	[tilespmem:v10+s30+$0x0] =	vst.idx.add.f32.msk $0xffff, v11  }
0x186: {  	v11 =	vld [tilespmem:s4+$0x40]  }
0x187: {  	[tilespmem:v10+s31+$0x0] =	vst.idx.add.f32.msk $0xffff, v2  }
0x188: {  	v12 =	vor.u32 v1, v12;
	v10 =	vld [tilespmem:s4+$0xFFFFFFE0]  }
0x189: {  	v16 =	vand.u32 $0x7FFFFFFF, v7;
	v15 =	vld [tilespmem:s4+$0x0]  }
0x18a: {  	v16 =	vtrunc.f32 v16;
	v21 =	vld [tilespmem:s6+$0x0]  }
0x18b: {  	v16 =	vcvt.f32.s32 v16;
	v22 =	vld [tilespmem:s6+$0x20]  }
0x18c: {  	[tilespmem:v5+s30+$0x0] =	vst.idx.add.f32.msk $0xffff, v9  }
0x18d: {  	v16 =	vshll.u32 v16, $0x4;
	v9 =	vld [tilespmem:s6+$0x40]  }
0x18e: {  	v16 =	vor.u32 v1, v16;
	v23 =	vld [tilespmem:s4+$0x10]  }
0x18f: {  	v6 =	vsub.f32 v6, v7;
	v24 =	vld [tilespmem:s6+$0xFFFFFFD0]  }
0x190: {  	v7 =	vld [tilespmem:s4+$0x20]  }
0x191: {  	[tilespmem:v5+s31+$0x0] =	vst.idx.add.f32.msk $0xffff, v2;
	v5 =	vmul.f32 v6, v6  }
0x192: {  	[tilespmem:v12+s30+$0x0] =	vst.idx.add.f32.msk $0xffff, v8  }
0x193: {  	v8 =	vand.u32 $0x7FFFFFFF, v11;
	v9 =	vsub.f32 v9, v11;
	v6 =	vand.u32 $0x7FFFFFFF, v23;
	[tilespmem:v16+s30+$0x0] =	vst.idx.add.f32.msk $0xffff, v5  }
0x194: {  	v5 =	vtrunc.f32 v8;
	v25 =	vtrunc.f32 v6;
	[tilespmem:v12+s31+$0x0] =	vst.idx.add.f32.msk $0xffff, v2  }
0x195: {  	v8 =	vsub.f32 v21, v15;
	v6 =	vand.u32 $0x7FFFFFFF, v15;
	v11 =	vand.u32 $0x7FFFFFFF, v7;
	[tilespmem:v16+s31+$0x0] =	vst.idx.add.f32.msk $0xffff, v2  }
0x196: {  	v6 =	vtrunc.f32 v6;
	v7 =	vsub.f32 v22, v7;
	v11 =	vtrunc.f32 v11;
	[tilespmem:v4+s30+$0x0] =	vst.idx.add.f32.msk $0xffff, v13  }
0x197: {  	v12 =	vand.u32 $0x7FFFFFFF, v10;
	v5 =	vcvt.f32.s32 v5;
	v6 =	vcvt.f32.s32 v6;
	[tilespmem:v14+s30+$0x0] =	vst.idx.add.f32.msk $0xffff, v3  }
0x198: {  	v9 =	vmul.f32 v9, v9;
	v12 =	vtrunc.f32 v12;
	v3 =	vsub.f32 v24, v20;
	[tilespmem:v14+s31+$0x0] =	vst.idx.add.f32.msk $0xffff, v2  }
0x199: {  	v13 =	vand.u32 $0x7FFFFFFF, v17;
	v5 =	vshll.u32 v5, $0x4;
	v14 =	vand.u32 $0x7FFFFFFF, v20;
	[tilespmem:v4+s31+$0x0] =	vst.idx.add.f32.msk $0xffff, v2  }
0x19a: {  	v8 =	vmul.f32 v8, v8;
	v3 =	vmul.f32 v3, v3;
	v4 =	vshll.u32 v6, $0x4;
	v16 =	vld [tilespmem:s7+$0xEC00]  }
0x19b: {  	v13 =	vtrunc.f32 v13;
	v21 =	vor.u32 v1, v5;
	v6 =	vand.u32 $0x7FFFFFFF, v19;
	v20 =	vld [tilespmem:s6+$0xFFFFFFE0]  }
0x19c: {  	v11 =	vcvt.f32.s32 v11;
	v5 =	vcvt.f32.s32 v13;
	v13 =	vsub.f32 v18, v17;
	v17 =	vld [tilespmem:s6+$0x10]  }
0x19d: {  	v12 =	vcvt.f32.s32 v12;
	v6 =	vtrunc.f32 v6;
	v22 =	vor.u32 v1, v4;
	v24 =	vld [tilespmem:s7+$0x4F00]  }
0x19e: {  	v11 =	vshll.u32 v11, $0x4;
	v5 =	vshll.u32 v5, $0x4;
	v4 =	vcvt.f32.s32 v6;
	v18 =	vld [tilespmem:s6+$0xFFFFFFB0]  }
0x19f: {  	v15 =	vmul.f32 v7, v7;
	v14 =	vtrunc.f32 v14;
	v5 =	vor.u32 v1, v5;
	v6 =	vld [tilespmem:s6+$0xFFFFFFF0]  }
.Ltmp4:
0x1a0: {  	v4 =	vshll.u32 v4, $0x4;
	v20 =	vsub.f32 v20, v10;
	v7 =	vld [tilespmem:s4+$0xFFFFFFF0];
	v10 =	vor.u32 v1, v11;
	(pc) =	sbr.rel @p0 .LBB2_10-.Ltmp4, $4  }
0x1a1: {  	v14 =	vcvt.f32.s32 v14;
	v4 =	vor.u32 v1, v4;
	v26 =	vand.u32 $0x7FFFFFFF, v16;
	[tilespmem:v21+s30+$0x0] =	vst.idx.add.f32.msk $0xffff, v9  }
0x1a2: {  	v9 =	vmul.f32 v13, v13;
	v11 =	vsub.f32 v17, v23;
	v17 =	vtrunc.f32 v26;
	[tilespmem:v21+s31+$0x0] =	vst.idx.add.f32.msk $0xffff, v2  }
0x1a3: {  	v16 =	vsub.f32 v24, v16;
	v13 =	vsub.f32 v18, v19;
	[tilespmem:v22+s30+$0x0] =	vst.idx.add.f32.msk $0xffff, v8;
	v18 =	vcvt.f32.s32 v17  }
0x1a4: {  	v12 =	vshll.u32 v12, $0x4;
	s6 =	sadd.s32 $0xA0, s6;
	v8 =	vmul.f32 v20, v20;
	v17 =	vcvt.f32.s32 v25;
	[tilespmem:v22+s31+$0x0] =	vst.idx.add.f32.msk $0xffff, v2  }
0x1a5: {  	_ =	sdelay $0x2  }
0x1a6: {  	v18 =	vshll.u32 v18, $0x4;
	v12 =	vor.u32 v1, v12  }
0x1a7: {  	[tilespmem:v10+s30+$0x0] =	vst.idx.add.f32.msk $0xffff, v15;
	v18 =	vor.u32 v1, v18  }
0x1a8: {  	v19 =	vand.u32 $0x7FFFFFFF, v7;
	[tilespmem:v5+s30+$0x0] =	vst.idx.add.f32.msk $0xffff, v9  }
0x1a9: {  	v15 =	vmul.f32 v16, v16;
	v6 =	vsub.f32 v6, v7;
	v17 =	vshll.u32 v17, $0x4;
	[tilespmem:v10+s31+$0x0] =	vst.idx.add.f32.msk $0xffff, v2  }
0x1aa: {  	v7 =	vshll.u32 v14, $0x4;
	v16 =	vtrunc.f32 v19;
	[tilespmem:v5+s31+$0x0] =	vst.idx.add.f32.msk $0xffff, v2;
	v17 =	vor.u32 v1, v17  }
0x1ab: {  	v10 =	vcvt.f32.s32 v16;
	v5 =	vmul.f32 v6, v6;
	v6 =	vor.u32 v1, v7;
	[tilespmem:v12+s30+$0x0] =	vst.idx.add.f32.msk $0xffff, v8  }
0x1ac: {  	[tilespmem:v18+s30+$0x0] =	vst.idx.add.f32.msk $0xffff, v15  }
0x1ad: {  	v11 =	vmul.f32 v11, v11;
	v10 =	vshll.u32 v10, $0x4;
	[tilespmem:v12+s31+$0x0] =	vst.idx.add.f32.msk $0xffff, v2  }
0x1ae: {  	v10 =	vor.u32 v1, v10;
	[tilespmem:v18+s31+$0x0] =	vst.idx.add.f32.msk $0xffff, v2  }
0x1af: {  	[tilespmem:v17+s30+$0x0] =	vst.idx.add.f32.msk $0xffff, v11  }
0x1b0: {  	[tilespmem:v6+s30+$0x0] =	vst.idx.add.f32.msk $0xffff, v3  }
0x1b1: {  	[tilespmem:v17+s31+$0x0] =	vst.idx.add.f32.msk $0xffff, v2  }
0x1b2: {  	[tilespmem:v6+s31+$0x0] =	vst.idx.add.f32.msk $0xffff, v2  }
0x1b3: {  	[tilespmem:v10+s30+$0x0] =	vst.idx.add.f32.msk $0xffff, v5;
	v5 =	vmul.f32 v13, v13  }
0x1b4: {  	[tilespmem:v10+s31+$0x0] =	vst.idx.add.f32.msk $0xffff, v2  }
0x1b5: {  	[tilespmem:v4+s30+$0x0] =	vst.idx.add.f32.msk $0xffff, v5  }
0x1b6: {  	[tilespmem:v4+s31+$0x0] =	vst.idx.add.f32.msk $0xffff, v2  }
0x1b7: {  	s4 =	rddreg [dreg:$0xc]  }
0x1b8: {  	[tilespmem:s26], [sflag:$0x2] =	stream.linear.gather [hbm4b:s4+s1], $0x4E20, $0x38;
	[tilespmem:$0x14200] =	vst v63  }
0x1b9: {  	s7 =	rddreg [dreg:$0xd]  }
0x1ba: {  	[tilespmem:s28], [sflag:$0x2] =	stream.linear.gather [hbm4b:s7+s1], $0x4E20, $0x38;
	[tilespmem:$0x14200] =	vst v63  }
0x1bb: {  	_ =	swait.ge [sflag:s29], $0x4E20  }
0x1bc: {  	[sflag:s29] =	ssyncset.done $0x0  }
0x1bd: {  	[sflag:s29] =	ssyncadd.s32 $0xFFFFB1E0  }
0x1be: {  	_ =	swait.ge [sflag:s29], $0x4E20  }
0x1bf: {  	[sflag:s29] =	ssyncset.done $0x0  }
0x1c0: {  	s4 =	simm.s32 $0x9D50;
	[sflag:s29] =	ssyncadd.s32 $0xFFFFB1E0  }
0x1c1: {  	v3 =	vld [tilespmem:s4+$0xFFFFFFD0]  }
0x1c2: {  	v4 =	vld [tilespmem:s4+$0x40]  }
0x1c3: {  	s6 =	simm.s32 $0x50;
	v5 =	vld [tilespmem:s4+$0x0]  }
0x1c4: {  	v6 =	vld [tilespmem:s6+$0x0]  }
0x1c5: {  	v8 =	vld [tilespmem:s4+$0x10]  }
0x1c6: {  	v7 =	vld [tilespmem:s6+$0x40]  }
0x1c7: {  	v12 =	vld [tilespmem:s6+$0xFFFFFFD0]  }
0x1c8: {  	v9 =	vld [tilespmem:s4+$0x20]  }
0x1c9: {  	v11 =	vld [tilespmem:s4+$0xFFFFFFE0];
	_ =	sdelay $0x1  }
0x1ca: {  	v10 =	vld [tilespmem:s6+$0x20];
	v13 =	vand.u32 $0x7FFFFFFF, v8;
	v14 =	vand.u32 $0x7FFFFFFF, v4;
	v4 =	vsub.f32 v7, v4  }
0x1cb: {  	v15 =	vld [tilespmem:s4+$0xFFFFFFC0];
	v12 =	vsub.f32 v12, v3;
	v17 =	vtrunc.f32 v13;
	v7 =	vtrunc.f32 v14  }
0x1cc: {  	v16 =	vld [tilespmem:s4+$0xFFFFFFB0];
	v13 =	vand.u32 $0x7FFFFFFF, v5;
	v5 =	vsub.f32 v6, v5;
	v6 =	vand.u32 $0x7FFFFFFF, v9  }
0x1cd: {  	v14 =	vand.u32 $0x7FFFFFFF, v11;
	v13 =	vtrunc.f32 v13;
	v6 =	vtrunc.f32 v6  }
0x1ce: {  	s5 =	simm.s32 $0x0;
	v19 =	vand.u32 $0x7FFFFFFF, v3;
	v7 =	vcvt.f32.s32 v7;
	v14 =	vtrunc.f32 v14  }
0x1cf: {  	s7 =	sand.u32 $0x7FE0, s5;
	v9 =	vsub.f32 v10, v9;
	v18 =	vmul.f32 v4, v4;
	v3 =	vmul.f32 v12, v12  }
0x1d0: {  	v21 =	vld [tilespmem:s7+$0x9D80];
	v4 =	vand.u32 $0x7FFFFFFF, v15;
	v17 =	vcvt.f32.s32 v17;
	v13 =	vcvt.f32.s32 v13  }
0x1d1: {  	v10 =	vld [tilespmem:s6+$0xFFFFFFC0];
	v20 =	vmul.f32 v5, v5;
	v5 =	vand.u32 $0x7FFFFFFF, v16;
	v4 =	vtrunc.f32 v4  }
0x1d2: {  	v24 =	vld [tilespmem:s6+$0x10];
	v6 =	vcvt.f32.s32 v6;
	v25 =	vcvt.f32.s32 v14;
	v7 =	vshll.u32 v7, $0x4  }
0x1d3: {  	v14 =	vtrunc.f32 v19;
	v12 =	vshll.u32 v13, $0x4;
	v13 =	vld [tilespmem:s6+$0xFFFFFFE0];
	v22 =	vor.u32 v1, v7  }
0x1d4: {  	v27 =	vld [tilespmem:s6+$0xFFFFFFB0];
	v4 =	vcvt.f32.s32 v4;
	v5 =	vtrunc.f32 v5  }
0x1d5: {  	v14 =	vcvt.f32.s32 v14;
	v7 =	vcvt.f32.s32 v5;
	v26 =	vor.u32 v1, v12;
	v12 =	vld [tilespmem:s7+$0x80]  }
0x1d6: {  	v23 =	vsub.f32 v10, v15;
	v4 =	vshll.u32 v4, $0x4;
	v10 =	vshll.u32 v6, $0x4;
	v6 =	vld [tilespmem:s6+$0xFFFFFFF0]  }
0x1d7: {  	v5 =	vor.u32 v1, v4;
	v4 =	vshll.u32 v7, $0x4;
	v7 =	vld [tilespmem:s4+$0xFFFFFFF0];
	v10 =	vor.u32 v1, v10  }
0x1d8: {  	v15 =	vmul.f32 v9, v9;
	v19 =	vsub.f32 v13, v11;
	v13 =	vand.u32 $0x7FFFFFFF, v21;
	[tilespmem:v22+s30+$0x0] =	vst.idx.add.f32.msk $0xffff, v18  }
0x1d9: {  	v4 =	vor.u32 v1, v4;
	v11 =	vsub.f32 v24, v8;
	v8 =	vtrunc.f32 v13;
	[tilespmem:v22+s31+$0x0] =	vst.idx.add.f32.msk $0xffff, v2  }
0x1da: {  	v9 =	vmul.f32 v23, v23;
	v13 =	vsub.f32 v27, v16;
	[tilespmem:v26+s30+$0x0] =	vst.idx.add.f32.msk $0xffff, v20;
	v18 =	vcvt.f32.s32 v8  }
0x1db: {  	s6 =	simm.s32 $0xF0;
	v16 =	vsub.f32 v12, v21;
	v12 =	vshll.u32 v25, $0x4;
	v8 =	vmul.f32 v19, v19;
	[tilespmem:v26+s31+$0x0] =	vst.idx.add.f32.msk $0xffff, v2  }
.LBB2_12:
0x1dc: {  	s5 =	sadd.s32 $0xA0, s5;
	v14 =	vshll.u32 v14, $0x4;
	[tilespmem:v10+s30+$0x0] =	vst.idx.add.f32.msk $0xffff, v15;
	v15 =	vshll.u32 v18, $0x4;
	s4 =	sadd.s32 $0xA0, s4  }
0x1dd: {  	v16 =	vmul.f32 v16, v16;
	v18 =	vld [tilespmem:s6+$0xFFFFFFC0];
	s7 =	sand.u32 $0x7FE0, s5;
	p0 =	slt.u32 s5, $0x4D80;
	v14 =	vor.u32 v1, v14;
	v15 =	vor.u32 v1, v15  }
0x1de: {  	v13 =	vmul.f32 v13, v13;
	v17 =	vshll.u32 v17, $0x4;
	[tilespmem:v10+s31+$0x0] =	vst.idx.add.f32.msk $0xffff, v2  }
0x1df: {  	v10 =	vor.u32 v1, v17;
	v19 =	vld [tilespmem:s4+$0xFFFFFFB0]  }
0x1e0: {  	v17 =	vld [tilespmem:s4+$0xFFFFFFC0]  }
0x1e1: {  	v20 =	vld [tilespmem:s4+$0xFFFFFFD0]  }
0x1e2: {  	v11 =	vmul.f32 v11, v11;
	[tilespmem:v15+s30+$0x0] =	vst.idx.add.f32.msk $0xffff, v16  }
0x1e3: {  	[tilespmem:v15+s31+$0x0] =	vst.idx.add.f32.msk $0xffff, v2  }
0x1e4: {  	[tilespmem:v10+s30+$0x0] =	vst.idx.add.f32.msk $0xffff, v11  }
0x1e5: {  	v11 =	vld [tilespmem:s4+$0x40]  }
0x1e6: {  	[tilespmem:v10+s31+$0x0] =	vst.idx.add.f32.msk $0xffff, v2  }
0x1e7: {  	v12 =	vor.u32 v1, v12;
	v10 =	vld [tilespmem:s4+$0xFFFFFFE0]  }
0x1e8: {  	v16 =	vand.u32 $0x7FFFFFFF, v7;
	v15 =	vld [tilespmem:s4+$0x0]  }
0x1e9: {  	v16 =	vtrunc.f32 v16;
	v21 =	vld [tilespmem:s6+$0x0]  }
0x1ea: {  	v16 =	vcvt.f32.s32 v16;
	v22 =	vld [tilespmem:s6+$0x20]  }
0x1eb: {  	[tilespmem:v5+s30+$0x0] =	vst.idx.add.f32.msk $0xffff, v9  }
0x1ec: {  	v16 =	vshll.u32 v16, $0x4;
	v9 =	vld [tilespmem:s6+$0x40]  }
0x1ed: {  	v16 =	vor.u32 v1, v16;
	v23 =	vld [tilespmem:s4+$0x10]  }
0x1ee: {  	v6 =	vsub.f32 v6, v7;
	v24 =	vld [tilespmem:s6+$0xFFFFFFD0]  }
0x1ef: {  	v7 =	vld [tilespmem:s4+$0x20]  }
0x1f0: {  	[tilespmem:v5+s31+$0x0] =	vst.idx.add.f32.msk $0xffff, v2;
	v5 =	vmul.f32 v6, v6  }
0x1f1: {  	[tilespmem:v12+s30+$0x0] =	vst.idx.add.f32.msk $0xffff, v8  }
0x1f2: {  	v8 =	vand.u32 $0x7FFFFFFF, v11;
	v9 =	vsub.f32 v9, v11;
	v6 =	vand.u32 $0x7FFFFFFF, v23;
	[tilespmem:v16+s30+$0x0] =	vst.idx.add.f32.msk $0xffff, v5  }
0x1f3: {  	v5 =	vtrunc.f32 v8;
	v25 =	vtrunc.f32 v6;
	[tilespmem:v12+s31+$0x0] =	vst.idx.add.f32.msk $0xffff, v2  }
0x1f4: {  	v8 =	vsub.f32 v21, v15;
	v6 =	vand.u32 $0x7FFFFFFF, v15;
	v11 =	vand.u32 $0x7FFFFFFF, v7;
	[tilespmem:v16+s31+$0x0] =	vst.idx.add.f32.msk $0xffff, v2  }
0x1f5: {  	v6 =	vtrunc.f32 v6;
	v7 =	vsub.f32 v22, v7;
	v11 =	vtrunc.f32 v11;
	[tilespmem:v4+s30+$0x0] =	vst.idx.add.f32.msk $0xffff, v13  }
0x1f6: {  	v12 =	vand.u32 $0x7FFFFFFF, v10;
	v5 =	vcvt.f32.s32 v5;
	v6 =	vcvt.f32.s32 v6;
	[tilespmem:v14+s30+$0x0] =	vst.idx.add.f32.msk $0xffff, v3  }
0x1f7: {  	v9 =	vmul.f32 v9, v9;
	v12 =	vtrunc.f32 v12;
	v3 =	vsub.f32 v24, v20;
	[tilespmem:v14+s31+$0x0] =	vst.idx.add.f32.msk $0xffff, v2  }
0x1f8: {  	v13 =	vand.u32 $0x7FFFFFFF, v17;
	v5 =	vshll.u32 v5, $0x4;
	v14 =	vand.u32 $0x7FFFFFFF, v20;
	[tilespmem:v4+s31+$0x0] =	vst.idx.add.f32.msk $0xffff, v2  }
0x1f9: {  	v8 =	vmul.f32 v8, v8;
	v3 =	vmul.f32 v3, v3;
	v4 =	vshll.u32 v6, $0x4;
	v16 =	vld [tilespmem:s7+$0x9D80]  }
0x1fa: {  	v13 =	vtrunc.f32 v13;
	v21 =	vor.u32 v1, v5;
	v6 =	vand.u32 $0x7FFFFFFF, v19;
	v20 =	vld [tilespmem:s6+$0xFFFFFFE0]  }
0x1fb: {  	v11 =	vcvt.f32.s32 v11;
	v5 =	vcvt.f32.s32 v13;
	v13 =	vsub.f32 v18, v17;
	v17 =	vld [tilespmem:s6+$0x10]  }
0x1fc: {  	v12 =	vcvt.f32.s32 v12;
	v6 =	vtrunc.f32 v6;
	v22 =	vor.u32 v1, v4;
	v24 =	vld [tilespmem:s7+$0x80]  }
0x1fd: {  	v11 =	vshll.u32 v11, $0x4;
	v5 =	vshll.u32 v5, $0x4;
	v4 =	vcvt.f32.s32 v6;
	v18 =	vld [tilespmem:s6+$0xFFFFFFB0]  }
0x1fe: {  	v15 =	vmul.f32 v7, v7;
	v14 =	vtrunc.f32 v14;
	v5 =	vor.u32 v1, v5;
	v6 =	vld [tilespmem:s6+$0xFFFFFFF0]  }
.Ltmp5:
0x1ff: {  	v4 =	vshll.u32 v4, $0x4;
	v20 =	vsub.f32 v20, v10;
	v7 =	vld [tilespmem:s4+$0xFFFFFFF0];
	v10 =	vor.u32 v1, v11;
	(pc) =	sbr.rel @p0 .LBB2_12-.Ltmp5, $4  }
0x200: {  	v14 =	vcvt.f32.s32 v14;
	v4 =	vor.u32 v1, v4;
	v26 =	vand.u32 $0x7FFFFFFF, v16;
	[tilespmem:v21+s30+$0x0] =	vst.idx.add.f32.msk $0xffff, v9  }
0x201: {  	v9 =	vmul.f32 v13, v13;
	v11 =	vsub.f32 v17, v23;
	v17 =	vtrunc.f32 v26;
	[tilespmem:v21+s31+$0x0] =	vst.idx.add.f32.msk $0xffff, v2  }
0x202: {  	v16 =	vsub.f32 v24, v16;
	v13 =	vsub.f32 v18, v19;
	[tilespmem:v22+s30+$0x0] =	vst.idx.add.f32.msk $0xffff, v8;
	v18 =	vcvt.f32.s32 v17  }
0x203: {  	v12 =	vshll.u32 v12, $0x4;
	s6 =	sadd.s32 $0xA0, s6;
	v8 =	vmul.f32 v20, v20;
	v17 =	vcvt.f32.s32 v25;
	[tilespmem:v22+s31+$0x0] =	vst.idx.add.f32.msk $0xffff, v2  }
0x204: {  	_ =	sdelay $0x2  }
0x205: {  	v18 =	vshll.u32 v18, $0x4;
	v12 =	vor.u32 v1, v12  }
0x206: {  	[tilespmem:v10+s30+$0x0] =	vst.idx.add.f32.msk $0xffff, v15;
	v18 =	vor.u32 v1, v18  }
0x207: {  	v19 =	vand.u32 $0x7FFFFFFF, v7;
	[tilespmem:v5+s30+$0x0] =	vst.idx.add.f32.msk $0xffff, v9  }
0x208: {  	v15 =	vmul.f32 v16, v16;
	v6 =	vsub.f32 v6, v7;
	v17 =	vshll.u32 v17, $0x4;
	[tilespmem:v10+s31+$0x0] =	vst.idx.add.f32.msk $0xffff, v2  }
0x209: {  	v7 =	vshll.u32 v14, $0x4;
	v16 =	vtrunc.f32 v19;
	[tilespmem:v5+s31+$0x0] =	vst.idx.add.f32.msk $0xffff, v2;
	v17 =	vor.u32 v1, v17  }
0x20a: {  	v10 =	vcvt.f32.s32 v16;
	v5 =	vmul.f32 v6, v6;
	v6 =	vor.u32 v1, v7;
	[tilespmem:v12+s30+$0x0] =	vst.idx.add.f32.msk $0xffff, v8  }
0x20b: {  	[tilespmem:v18+s30+$0x0] =	vst.idx.add.f32.msk $0xffff, v15  }
0x20c: {  	v11 =	vmul.f32 v11, v11;
	v10 =	vshll.u32 v10, $0x4;
	[tilespmem:v12+s31+$0x0] =	vst.idx.add.f32.msk $0xffff, v2  }
0x20d: {  	v10 =	vor.u32 v1, v10;
	[tilespmem:v18+s31+$0x0] =	vst.idx.add.f32.msk $0xffff, v2  }
0x20e: {  	[tilespmem:v17+s30+$0x0] =	vst.idx.add.f32.msk $0xffff, v11  }
0x20f: {  	[tilespmem:v6+s30+$0x0] =	vst.idx.add.f32.msk $0xffff, v3  }
0x210: {  	[tilespmem:v17+s31+$0x0] =	vst.idx.add.f32.msk $0xffff, v2  }
0x211: {  	[tilespmem:v6+s31+$0x0] =	vst.idx.add.f32.msk $0xffff, v2  }
0x212: {  	[tilespmem:v10+s30+$0x0] =	vst.idx.add.f32.msk $0xffff, v5;
	v5 =	vmul.f32 v13, v13  }
0x213: {  	[tilespmem:v10+s31+$0x0] =	vst.idx.add.f32.msk $0xffff, v2  }
0x214: {  	[tilespmem:v4+s30+$0x0] =	vst.idx.add.f32.msk $0xffff, v5  }
0x215: {  	[tilespmem:v4+s31+$0x0] =	vst.idx.add.f32.msk $0xffff, v2  }
0x216: {  	s4 =	rddreg [dreg:$0xe]  }
0x217: {  	[tilespmem:s1], [sflag:$0x1] =	stream.linear.gather [hbm4b:s4+s1], $0x4E20, $0x38;
	[tilespmem:$0x14200] =	vst v63  }
0x218: {  	s7 =	rddreg [dreg:$0xf]  }
0x219: {  	[tilespmem:s25], [sflag:$0x1] =	stream.linear.gather [hbm4b:s7+s1], $0x4E20, $0x38;
	[tilespmem:$0x14200] =	vst v63  }
0x21a: {  	_ =	swait.ge [sflag:s0], $0x4E20  }
0x21b: {  	[sflag:s0] =	ssyncset.done $0x0  }
0x21c: {  	[sflag:s0] =	ssyncadd.s32 $0xFFFFB1E0  }
0x21d: {  	_ =	swait.ge [sflag:s0], $0x4E20  }
0x21e: {  	[sflag:s0] =	ssyncset.done $0x0  }
0x21f: {  	s4 =	simm.s32 $0xEBD0;
	[sflag:s0] =	ssyncadd.s32 $0xFFFFB1E0  }
0x220: {  	v3 =	vld [tilespmem:s4+$0xFFFFFFD0]  }
0x221: {  	v4 =	vld [tilespmem:s4+$0x40]  }
0x222: {  	s6 =	simm.s32 $0x4ED0;
	v5 =	vld [tilespmem:s4+$0x0]  }
0x223: {  	v6 =	vld [tilespmem:s6+$0x0]  }
0x224: {  	v8 =	vld [tilespmem:s4+$0x10]  }
0x225: {  	v7 =	vld [tilespmem:s6+$0x40]  }
0x226: {  	v12 =	vld [tilespmem:s6+$0xFFFFFFD0]  }
0x227: {  	v9 =	vld [tilespmem:s4+$0x20]  }
0x228: {  	v11 =	vld [tilespmem:s4+$0xFFFFFFE0];
	_ =	sdelay $0x1  }
0x229: {  	v10 =	vld [tilespmem:s6+$0x20];
	v13 =	vand.u32 $0x7FFFFFFF, v8;
	v14 =	vand.u32 $0x7FFFFFFF, v4;
	v4 =	vsub.f32 v7, v4  }
0x22a: {  	v15 =	vld [tilespmem:s4+$0xFFFFFFC0];
	v12 =	vsub.f32 v12, v3;
	v17 =	vtrunc.f32 v13;
	v7 =	vtrunc.f32 v14  }
0x22b: {  	v16 =	vld [tilespmem:s4+$0xFFFFFFB0];
	v13 =	vand.u32 $0x7FFFFFFF, v5;
	v5 =	vsub.f32 v6, v5;
	v6 =	vand.u32 $0x7FFFFFFF, v9  }
0x22c: {  	v14 =	vand.u32 $0x7FFFFFFF, v11;
	v13 =	vtrunc.f32 v13;
	v6 =	vtrunc.f32 v6  }
0x22d: {  	s5 =	simm.s32 $0x0;
	v19 =	vand.u32 $0x7FFFFFFF, v3;
	v7 =	vcvt.f32.s32 v7;
	v14 =	vtrunc.f32 v14  }
0x22e: {  	s7 =	sand.u32 $0x7FE0, s5;
	v9 =	vsub.f32 v10, v9;
	v18 =	vmul.f32 v4, v4;
	v3 =	vmul.f32 v12, v12  }
0x22f: {  	v21 =	vld [tilespmem:s7+$0xEC00];
	v4 =	vand.u32 $0x7FFFFFFF, v15;
	v17 =	vcvt.f32.s32 v17;
	v13 =	vcvt.f32.s32 v13  }
0x230: {  	v10 =	vld [tilespmem:s6+$0xFFFFFFC0];
	v20 =	vmul.f32 v5, v5;
	v5 =	vand.u32 $0x7FFFFFFF, v16;
	v4 =	vtrunc.f32 v4  }
0x231: {  	v24 =	vld [tilespmem:s6+$0x10];
	v6 =	vcvt.f32.s32 v6;
	v25 =	vcvt.f32.s32 v14;
	v7 =	vshll.u32 v7, $0x4  }
0x232: {  	v14 =	vtrunc.f32 v19;
	v12 =	vshll.u32 v13, $0x4;
	v13 =	vld [tilespmem:s6+$0xFFFFFFE0];
	v22 =	vor.u32 v1, v7  }
0x233: {  	v27 =	vld [tilespmem:s6+$0xFFFFFFB0];
	v4 =	vcvt.f32.s32 v4;
	v5 =	vtrunc.f32 v5  }
0x234: {  	v14 =	vcvt.f32.s32 v14;
	v7 =	vcvt.f32.s32 v5;
	v26 =	vor.u32 v1, v12;
	v12 =	vld [tilespmem:s7+$0x4F00]  }
0x235: {  	v23 =	vsub.f32 v10, v15;
	v4 =	vshll.u32 v4, $0x4;
	v10 =	vshll.u32 v6, $0x4;
	v6 =	vld [tilespmem:s6+$0xFFFFFFF0]  }
0x236: {  	v5 =	vor.u32 v1, v4;
	v4 =	vshll.u32 v7, $0x4;
	v7 =	vld [tilespmem:s4+$0xFFFFFFF0];
	v10 =	vor.u32 v1, v10  }
0x237: {  	v15 =	vmul.f32 v9, v9;
	v19 =	vsub.f32 v13, v11;
	v13 =	vand.u32 $0x7FFFFFFF, v21;
	[tilespmem:v22+s30+$0x0] =	vst.idx.add.f32.msk $0xffff, v18  }
0x238: {  	v4 =	vor.u32 v1, v4;
	v11 =	vsub.f32 v24, v8;
	v8 =	vtrunc.f32 v13;
	[tilespmem:v22+s31+$0x0] =	vst.idx.add.f32.msk $0xffff, v2  }
0x239: {  	v9 =	vmul.f32 v23, v23;
	v13 =	vsub.f32 v27, v16;
	[tilespmem:v26+s30+$0x0] =	vst.idx.add.f32.msk $0xffff, v20;
	v18 =	vcvt.f32.s32 v8  }
0x23a: {  	s6 =	simm.s32 $0x4F70;
	v16 =	vsub.f32 v12, v21;
	v12 =	vshll.u32 v25, $0x4;
	v8 =	vmul.f32 v19, v19;
	[tilespmem:v26+s31+$0x0] =	vst.idx.add.f32.msk $0xffff, v2  }
.LBB2_14:
0x23b: {  	s5 =	sadd.s32 $0xA0, s5;
	v14 =	vshll.u32 v14, $0x4;
	[tilespmem:v10+s30+$0x0] =	vst.idx.add.f32.msk $0xffff, v15;
	v15 =	vshll.u32 v18, $0x4;
	s4 =	sadd.s32 $0xA0, s4  }
0x23c: {  	v16 =	vmul.f32 v16, v16;
	v18 =	vld [tilespmem:s6+$0xFFFFFFC0];
	s7 =	sand.u32 $0x7FE0, s5;
	p0 =	slt.u32 s5, $0x4D80;
	v14 =	vor.u32 v1, v14;
	v15 =	vor.u32 v1, v15  }
0x23d: {  	v13 =	vmul.f32 v13, v13;
	v17 =	vshll.u32 v17, $0x4;
	[tilespmem:v10+s31+$0x0] =	vst.idx.add.f32.msk $0xffff, v2  }
0x23e: {  	v10 =	vor.u32 v1, v17;
	v19 =	vld [tilespmem:s4+$0xFFFFFFB0]  }
0x23f: {  	v17 =	vld [tilespmem:s4+$0xFFFFFFC0]  }
0x240: {  	v20 =	vld [tilespmem:s4+$0xFFFFFFD0]  }
0x241: {  	v11 =	vmul.f32 v11, v11;
	[tilespmem:v15+s30+$0x0] =	vst.idx.add.f32.msk $0xffff, v16  }
0x242: {  	[tilespmem:v15+s31+$0x0] =	vst.idx.add.f32.msk $0xffff, v2  }
0x243: {  	[tilespmem:v10+s30+$0x0] =	vst.idx.add.f32.msk $0xffff, v11  }
0x244: {  	v11 =	vld [tilespmem:s4+$0x40]  }
0x245: {  	[tilespmem:v10+s31+$0x0] =	vst.idx.add.f32.msk $0xffff, v2  }
0x246: {  	v12 =	vor.u32 v1, v12;
	v10 =	vld [tilespmem:s4+$0xFFFFFFE0]  }
0x247: {  	v16 =	vand.u32 $0x7FFFFFFF, v7;
	v15 =	vld [tilespmem:s4+$0x0]  }
0x248: {  	v16 =	vtrunc.f32 v16;
	v21 =	vld [tilespmem:s6+$0x0]  }
0x249: {  	v16 =	vcvt.f32.s32 v16;
	v22 =	vld [tilespmem:s6+$0x20]  }
0x24a: {  	[tilespmem:v5+s30+$0x0] =	vst.idx.add.f32.msk $0xffff, v9  }
0x24b: {  	v16 =	vshll.u32 v16, $0x4;
	v9 =	vld [tilespmem:s6+$0x40]  }
0x24c: {  	v16 =	vor.u32 v1, v16;
	v23 =	vld [tilespmem:s4+$0x10]  }
0x24d: {  	v6 =	vsub.f32 v6, v7;
	v24 =	vld [tilespmem:s6+$0xFFFFFFD0]  }
0x24e: {  	v7 =	vld [tilespmem:s4+$0x20]  }
0x24f: {  	[tilespmem:v5+s31+$0x0] =	vst.idx.add.f32.msk $0xffff, v2;
	v5 =	vmul.f32 v6, v6  }
0x250: {  	[tilespmem:v12+s30+$0x0] =	vst.idx.add.f32.msk $0xffff, v8  }
0x251: {  	v8 =	vand.u32 $0x7FFFFFFF, v11;
	v9 =	vsub.f32 v9, v11;
	v6 =	vand.u32 $0x7FFFFFFF, v23;
	[tilespmem:v16+s30+$0x0] =	vst.idx.add.f32.msk $0xffff, v5  }
0x252: {  	v5 =	vtrunc.f32 v8;
	v25 =	vtrunc.f32 v6;
	[tilespmem:v12+s31+$0x0] =	vst.idx.add.f32.msk $0xffff, v2  }
0x253: {  	v8 =	vsub.f32 v21, v15;
	v6 =	vand.u32 $0x7FFFFFFF, v15;
	v11 =	vand.u32 $0x7FFFFFFF, v7;
	[tilespmem:v16+s31+$0x0] =	vst.idx.add.f32.msk $0xffff, v2  }
0x254: {  	v6 =	vtrunc.f32 v6;
	v7 =	vsub.f32 v22, v7;
	v11 =	vtrunc.f32 v11;
	[tilespmem:v4+s30+$0x0] =	vst.idx.add.f32.msk $0xffff, v13  }
0x255: {  	v12 =	vand.u32 $0x7FFFFFFF, v10;
	v5 =	vcvt.f32.s32 v5;
	v6 =	vcvt.f32.s32 v6;
	[tilespmem:v14+s30+$0x0] =	vst.idx.add.f32.msk $0xffff, v3  }
0x256: {  	v9 =	vmul.f32 v9, v9;
	v12 =	vtrunc.f32 v12;
	v3 =	vsub.f32 v24, v20;
	[tilespmem:v14+s31+$0x0] =	vst.idx.add.f32.msk $0xffff, v2  }
0x257: {  	v13 =	vand.u32 $0x7FFFFFFF, v17;
	v5 =	vshll.u32 v5, $0x4;
	v14 =	vand.u32 $0x7FFFFFFF, v20;
	[tilespmem:v4+s31+$0x0] =	vst.idx.add.f32.msk $0xffff, v2  }
0x258: {  	v8 =	vmul.f32 v8, v8;
	v3 =	vmul.f32 v3, v3;
	v4 =	vshll.u32 v6, $0x4;
	v16 =	vld [tilespmem:s7+$0xEC00]  }
0x259: {  	v13 =	vtrunc.f32 v13;
	v21 =	vor.u32 v1, v5;
	v6 =	vand.u32 $0x7FFFFFFF, v19;
	v20 =	vld [tilespmem:s6+$0xFFFFFFE0]  }
0x25a: {  	v11 =	vcvt.f32.s32 v11;
	v5 =	vcvt.f32.s32 v13;
	v13 =	vsub.f32 v18, v17;
	v17 =	vld [tilespmem:s6+$0x10]  }
0x25b: {  	v12 =	vcvt.f32.s32 v12;
	v6 =	vtrunc.f32 v6;
	v22 =	vor.u32 v1, v4;
	v24 =	vld [tilespmem:s7+$0x4F00]  }
0x25c: {  	v11 =	vshll.u32 v11, $0x4;
	v5 =	vshll.u32 v5, $0x4;
	v4 =	vcvt.f32.s32 v6;
	v18 =	vld [tilespmem:s6+$0xFFFFFFB0]  }
0x25d: {  	v15 =	vmul.f32 v7, v7;
	v14 =	vtrunc.f32 v14;
	v5 =	vor.u32 v1, v5;
	v6 =	vld [tilespmem:s6+$0xFFFFFFF0]  }
.Ltmp6:
0x25e: {  	v4 =	vshll.u32 v4, $0x4;
	v20 =	vsub.f32 v20, v10;
	v7 =	vld [tilespmem:s4+$0xFFFFFFF0];
	v10 =	vor.u32 v1, v11;
	(pc) =	sbr.rel @p0 .LBB2_14-.Ltmp6, $4  }
0x25f: {  	v14 =	vcvt.f32.s32 v14;
	v4 =	vor.u32 v1, v4;
	v26 =	vand.u32 $0x7FFFFFFF, v16;
	[tilespmem:v21+s30+$0x0] =	vst.idx.add.f32.msk $0xffff, v9  }
0x260: {  	v9 =	vmul.f32 v13, v13;
	v11 =	vsub.f32 v17, v23;
	v17 =	vtrunc.f32 v26;
	[tilespmem:v21+s31+$0x0] =	vst.idx.add.f32.msk $0xffff, v2  }
0x261: {  	v16 =	vsub.f32 v24, v16;
	v13 =	vsub.f32 v18, v19;
	[tilespmem:v22+s30+$0x0] =	vst.idx.add.f32.msk $0xffff, v8;
	v18 =	vcvt.f32.s32 v17  }
0x262: {  	v12 =	vshll.u32 v12, $0x4;
	s6 =	sadd.s32 $0xA0, s6;
	v8 =	vmul.f32 v20, v20;
	v17 =	vcvt.f32.s32 v25;
	[tilespmem:v22+s31+$0x0] =	vst.idx.add.f32.msk $0xffff, v2  }
0x263: {  	_ =	sdelay $0x2  }
0x264: {  	v18 =	vshll.u32 v18, $0x4;
	v12 =	vor.u32 v1, v12  }
0x265: {  	[tilespmem:v10+s30+$0x0] =	vst.idx.add.f32.msk $0xffff, v15;
	v18 =	vor.u32 v1, v18  }
0x266: {  	v19 =	vand.u32 $0x7FFFFFFF, v7;
	[tilespmem:v5+s30+$0x0] =	vst.idx.add.f32.msk $0xffff, v9  }
0x267: {  	v15 =	vmul.f32 v16, v16;
	v6 =	vsub.f32 v6, v7;
	v17 =	vshll.u32 v17, $0x4;
	[tilespmem:v10+s31+$0x0] =	vst.idx.add.f32.msk $0xffff, v2  }
0x268: {  	v7 =	vshll.u32 v14, $0x4;
	v16 =	vtrunc.f32 v19;
	[tilespmem:v5+s31+$0x0] =	vst.idx.add.f32.msk $0xffff, v2;
	v17 =	vor.u32 v1, v17  }
0x269: {  	v10 =	vcvt.f32.s32 v16;
	v5 =	vmul.f32 v6, v6;
	v6 =	vor.u32 v1, v7;
	[tilespmem:v12+s30+$0x0] =	vst.idx.add.f32.msk $0xffff, v8  }
0x26a: {  	[tilespmem:v18+s30+$0x0] =	vst.idx.add.f32.msk $0xffff, v15  }
0x26b: {  	v11 =	vmul.f32 v11, v11;
	v10 =	vshll.u32 v10, $0x4;
	[tilespmem:v12+s31+$0x0] =	vst.idx.add.f32.msk $0xffff, v2  }
0x26c: {  	v10 =	vor.u32 v1, v10;
	[tilespmem:v18+s31+$0x0] =	vst.idx.add.f32.msk $0xffff, v2  }
0x26d: {  	[tilespmem:v17+s30+$0x0] =	vst.idx.add.f32.msk $0xffff, v11  }
0x26e: {  	[tilespmem:v6+s30+$0x0] =	vst.idx.add.f32.msk $0xffff, v3  }
0x26f: {  	[tilespmem:v17+s31+$0x0] =	vst.idx.add.f32.msk $0xffff, v2  }
0x270: {  	[tilespmem:v6+s31+$0x0] =	vst.idx.add.f32.msk $0xffff, v2  }
0x271: {  	[tilespmem:v10+s30+$0x0] =	vst.idx.add.f32.msk $0xffff, v5;
	v5 =	vmul.f32 v13, v13  }
0x272: {  	[tilespmem:v10+s31+$0x0] =	vst.idx.add.f32.msk $0xffff, v2  }
0x273: {  	[tilespmem:v4+s30+$0x0] =	vst.idx.add.f32.msk $0xffff, v5  }
0x274: {  	[tilespmem:v4+s31+$0x0] =	vst.idx.add.f32.msk $0xffff, v2  }
0x275: {  	s4 =	rddreg [dreg:$0x10]  }
0x276: {  	[tilespmem:s26], [sflag:$0x2] =	stream.linear.gather [hbm4b:s4+s1], $0x4E20, $0x38;
	[tilespmem:$0x14200] =	vst v63  }
0x277: {  	s7 =	rddreg [dreg:$0x11]  }
0x278: {  	[tilespmem:s28], [sflag:$0x2] =	stream.linear.gather [hbm4b:s7+s1], $0x4E20, $0x38;
	[tilespmem:$0x14200] =	vst v63  }
0x279: {  	_ =	swait.ge [sflag:s29], $0x4E20  }
0x27a: {  	[sflag:s29] =	ssyncset.done $0x0  }
0x27b: {  	[sflag:s29] =	ssyncadd.s32 $0xFFFFB1E0  }
0x27c: {  	_ =	swait.ge [sflag:s29], $0x4E20  }
0x27d: {  	[sflag:s29] =	ssyncset.done $0x0  }
0x27e: {  	s4 =	simm.s32 $0x9D50;
	[sflag:s29] =	ssyncadd.s32 $0xFFFFB1E0  }
0x27f: {  	v3 =	vld [tilespmem:s4+$0xFFFFFFD0]  }
0x280: {  	v4 =	vld [tilespmem:s4+$0x40]  }
0x281: {  	s6 =	simm.s32 $0x50;
	v5 =	vld [tilespmem:s4+$0x0]  }
0x282: {  	v6 =	vld [tilespmem:s6+$0x0]  }
0x283: {  	v8 =	vld [tilespmem:s4+$0x10]  }
0x284: {  	v7 =	vld [tilespmem:s6+$0x40]  }
0x285: {  	v12 =	vld [tilespmem:s6+$0xFFFFFFD0]  }
0x286: {  	v9 =	vld [tilespmem:s4+$0x20]  }
0x287: {  	v11 =	vld [tilespmem:s4+$0xFFFFFFE0];
	_ =	sdelay $0x1  }
0x288: {  	v10 =	vld [tilespmem:s6+$0x20];
	v13 =	vand.u32 $0x7FFFFFFF, v8;
	v14 =	vand.u32 $0x7FFFFFFF, v4;
	v4 =	vsub.f32 v7, v4  }
0x289: {  	v15 =	vld [tilespmem:s4+$0xFFFFFFC0];
	v12 =	vsub.f32 v12, v3;
	v17 =	vtrunc.f32 v13;
	v7 =	vtrunc.f32 v14  }
0x28a: {  	v16 =	vld [tilespmem:s4+$0xFFFFFFB0];
	v13 =	vand.u32 $0x7FFFFFFF, v5;
	v5 =	vsub.f32 v6, v5;
	v6 =	vand.u32 $0x7FFFFFFF, v9  }
0x28b: {  	v14 =	vand.u32 $0x7FFFFFFF, v11;
	v13 =	vtrunc.f32 v13;
	v6 =	vtrunc.f32 v6  }
0x28c: {  	s5 =	simm.s32 $0x0;
	v19 =	vand.u32 $0x7FFFFFFF, v3;
	v7 =	vcvt.f32.s32 v7;
	v14 =	vtrunc.f32 v14  }
0x28d: {  	s7 =	sand.u32 $0x7FE0, s5;
	v9 =	vsub.f32 v10, v9;
	v18 =	vmul.f32 v4, v4;
	v3 =	vmul.f32 v12, v12  }
0x28e: {  	v21 =	vld [tilespmem:s7+$0x9D80];
	v4 =	vand.u32 $0x7FFFFFFF, v15;
	v17 =	vcvt.f32.s32 v17;
	v13 =	vcvt.f32.s32 v13  }
0x28f: {  	v10 =	vld [tilespmem:s6+$0xFFFFFFC0];
	v20 =	vmul.f32 v5, v5;
	v5 =	vand.u32 $0x7FFFFFFF, v16;
	v4 =	vtrunc.f32 v4  }
0x290: {  	v24 =	vld [tilespmem:s6+$0x10];
	v6 =	vcvt.f32.s32 v6;
	v25 =	vcvt.f32.s32 v14;
	v7 =	vshll.u32 v7, $0x4  }
0x291: {  	v14 =	vtrunc.f32 v19;
	v12 =	vshll.u32 v13, $0x4;
	v13 =	vld [tilespmem:s6+$0xFFFFFFE0];
	v22 =	vor.u32 v1, v7  }
0x292: {  	v27 =	vld [tilespmem:s6+$0xFFFFFFB0];
	v4 =	vcvt.f32.s32 v4;
	v5 =	vtrunc.f32 v5  }
0x293: {  	v14 =	vcvt.f32.s32 v14;
	v7 =	vcvt.f32.s32 v5;
	v26 =	vor.u32 v1, v12;
	v12 =	vld [tilespmem:s7+$0x80]  }
0x294: {  	v23 =	vsub.f32 v10, v15;
	v4 =	vshll.u32 v4, $0x4;
	v10 =	vshll.u32 v6, $0x4;
	v6 =	vld [tilespmem:s6+$0xFFFFFFF0]  }
0x295: {  	v5 =	vor.u32 v1, v4;
	v4 =	vshll.u32 v7, $0x4;
	v7 =	vld [tilespmem:s4+$0xFFFFFFF0];
	v10 =	vor.u32 v1, v10  }
0x296: {  	v15 =	vmul.f32 v9, v9;
	v19 =	vsub.f32 v13, v11;
	v13 =	vand.u32 $0x7FFFFFFF, v21;
	[tilespmem:v22+s30+$0x0] =	vst.idx.add.f32.msk $0xffff, v18  }
0x297: {  	v4 =	vor.u32 v1, v4;
	v11 =	vsub.f32 v24, v8;
	v8 =	vtrunc.f32 v13;
	[tilespmem:v22+s31+$0x0] =	vst.idx.add.f32.msk $0xffff, v2  }
0x298: {  	v9 =	vmul.f32 v23, v23;
	v13 =	vsub.f32 v27, v16;
	[tilespmem:v26+s30+$0x0] =	vst.idx.add.f32.msk $0xffff, v20;
	v18 =	vcvt.f32.s32 v8  }
0x299: {  	s6 =	simm.s32 $0xF0;
	v16 =	vsub.f32 v12, v21;
	v12 =	vshll.u32 v25, $0x4;
	v8 =	vmul.f32 v19, v19;
	[tilespmem:v26+s31+$0x0] =	vst.idx.add.f32.msk $0xffff, v2  }
.LBB2_16:
0x29a: {  	s5 =	sadd.s32 $0xA0, s5;
	v14 =	vshll.u32 v14, $0x4;
	[tilespmem:v10+s30+$0x0] =	vst.idx.add.f32.msk $0xffff, v15;
	v15 =	vshll.u32 v18, $0x4;
	s4 =	sadd.s32 $0xA0, s4  }
0x29b: {  	v16 =	vmul.f32 v16, v16;
	v18 =	vld [tilespmem:s6+$0xFFFFFFC0];
	s7 =	sand.u32 $0x7FE0, s5;
	p0 =	slt.u32 s5, $0x4D80;
	v14 =	vor.u32 v1, v14;
	v15 =	vor.u32 v1, v15  }
0x29c: {  	v13 =	vmul.f32 v13, v13;
	v17 =	vshll.u32 v17, $0x4;
	[tilespmem:v10+s31+$0x0] =	vst.idx.add.f32.msk $0xffff, v2  }
0x29d: {  	v10 =	vor.u32 v1, v17;
	v19 =	vld [tilespmem:s4+$0xFFFFFFB0]  }
0x29e: {  	v17 =	vld [tilespmem:s4+$0xFFFFFFC0]  }
0x29f: {  	v20 =	vld [tilespmem:s4+$0xFFFFFFD0]  }
0x2a0: {  	v11 =	vmul.f32 v11, v11;
	[tilespmem:v15+s30+$0x0] =	vst.idx.add.f32.msk $0xffff, v16  }
0x2a1: {  	[tilespmem:v15+s31+$0x0] =	vst.idx.add.f32.msk $0xffff, v2  }
0x2a2: {  	[tilespmem:v10+s30+$0x0] =	vst.idx.add.f32.msk $0xffff, v11  }
0x2a3: {  	v11 =	vld [tilespmem:s4+$0x40]  }
0x2a4: {  	[tilespmem:v10+s31+$0x0] =	vst.idx.add.f32.msk $0xffff, v2  }
0x2a5: {  	v12 =	vor.u32 v1, v12;
	v10 =	vld [tilespmem:s4+$0xFFFFFFE0]  }
0x2a6: {  	v16 =	vand.u32 $0x7FFFFFFF, v7;
	v15 =	vld [tilespmem:s4+$0x0]  }
0x2a7: {  	v16 =	vtrunc.f32 v16;
	v21 =	vld [tilespmem:s6+$0x0]  }
0x2a8: {  	v16 =	vcvt.f32.s32 v16;
	v22 =	vld [tilespmem:s6+$0x20]  }
0x2a9: {  	[tilespmem:v5+s30+$0x0] =	vst.idx.add.f32.msk $0xffff, v9  }
0x2aa: {  	v16 =	vshll.u32 v16, $0x4;
	v9 =	vld [tilespmem:s6+$0x40]  }
0x2ab: {  	v16 =	vor.u32 v1, v16;
	v23 =	vld [tilespmem:s4+$0x10]  }
0x2ac: {  	v6 =	vsub.f32 v6, v7;
	v24 =	vld [tilespmem:s6+$0xFFFFFFD0]  }
0x2ad: {  	v7 =	vld [tilespmem:s4+$0x20]  }
0x2ae: {  	[tilespmem:v5+s31+$0x0] =	vst.idx.add.f32.msk $0xffff, v2;
	v5 =	vmul.f32 v6, v6  }
0x2af: {  	[tilespmem:v12+s30+$0x0] =	vst.idx.add.f32.msk $0xffff, v8  }
0x2b0: {  	v8 =	vand.u32 $0x7FFFFFFF, v11;
	v9 =	vsub.f32 v9, v11;
	v6 =	vand.u32 $0x7FFFFFFF, v23;
	[tilespmem:v16+s30+$0x0] =	vst.idx.add.f32.msk $0xffff, v5  }
0x2b1: {  	v5 =	vtrunc.f32 v8;
	v25 =	vtrunc.f32 v6;
	[tilespmem:v12+s31+$0x0] =	vst.idx.add.f32.msk $0xffff, v2  }
0x2b2: {  	v8 =	vsub.f32 v21, v15;
	v6 =	vand.u32 $0x7FFFFFFF, v15;
	v11 =	vand.u32 $0x7FFFFFFF, v7;
	[tilespmem:v16+s31+$0x0] =	vst.idx.add.f32.msk $0xffff, v2  }
0x2b3: {  	v6 =	vtrunc.f32 v6;
	v7 =	vsub.f32 v22, v7;
	v11 =	vtrunc.f32 v11;
	[tilespmem:v4+s30+$0x0] =	vst.idx.add.f32.msk $0xffff, v13  }
0x2b4: {  	v12 =	vand.u32 $0x7FFFFFFF, v10;
	v5 =	vcvt.f32.s32 v5;
	v6 =	vcvt.f32.s32 v6;
	[tilespmem:v14+s30+$0x0] =	vst.idx.add.f32.msk $0xffff, v3  }
0x2b5: {  	v9 =	vmul.f32 v9, v9;
	v12 =	vtrunc.f32 v12;
	v3 =	vsub.f32 v24, v20;
	[tilespmem:v14+s31+$0x0] =	vst.idx.add.f32.msk $0xffff, v2  }
0x2b6: {  	v13 =	vand.u32 $0x7FFFFFFF, v17;
	v5 =	vshll.u32 v5, $0x4;
	v14 =	vand.u32 $0x7FFFFFFF, v20;
	[tilespmem:v4+s31+$0x0] =	vst.idx.add.f32.msk $0xffff, v2  }
0x2b7: {  	v8 =	vmul.f32 v8, v8;
	v3 =	vmul.f32 v3, v3;
	v4 =	vshll.u32 v6, $0x4;
	v16 =	vld [tilespmem:s7+$0x9D80]  }
0x2b8: {  	v13 =	vtrunc.f32 v13;
	v21 =	vor.u32 v1, v5;
	v6 =	vand.u32 $0x7FFFFFFF, v19;
	v20 =	vld [tilespmem:s6+$0xFFFFFFE0]  }
0x2b9: {  	v11 =	vcvt.f32.s32 v11;
	v5 =	vcvt.f32.s32 v13;
	v13 =	vsub.f32 v18, v17;
	v17 =	vld [tilespmem:s6+$0x10]  }
0x2ba: {  	v12 =	vcvt.f32.s32 v12;
	v6 =	vtrunc.f32 v6;
	v22 =	vor.u32 v1, v4;
	v24 =	vld [tilespmem:s7+$0x80]  }
0x2bb: {  	v11 =	vshll.u32 v11, $0x4;
	v5 =	vshll.u32 v5, $0x4;
	v4 =	vcvt.f32.s32 v6;
	v18 =	vld [tilespmem:s6+$0xFFFFFFB0]  }
0x2bc: {  	v15 =	vmul.f32 v7, v7;
	v14 =	vtrunc.f32 v14;
	v5 =	vor.u32 v1, v5;
	v6 =	vld [tilespmem:s6+$0xFFFFFFF0]  }
.Ltmp7:
0x2bd: {  	v4 =	vshll.u32 v4, $0x4;
	v20 =	vsub.f32 v20, v10;
	v7 =	vld [tilespmem:s4+$0xFFFFFFF0];
	v10 =	vor.u32 v1, v11;
	(pc) =	sbr.rel @p0 .LBB2_16-.Ltmp7, $4  }
0x2be: {  	v14 =	vcvt.f32.s32 v14;
	v4 =	vor.u32 v1, v4;
	v26 =	vand.u32 $0x7FFFFFFF, v16;
	[tilespmem:v21+s30+$0x0] =	vst.idx.add.f32.msk $0xffff, v9  }
0x2bf: {  	v9 =	vmul.f32 v13, v13;
	v11 =	vsub.f32 v17, v23;
	v17 =	vtrunc.f32 v26;
	[tilespmem:v21+s31+$0x0] =	vst.idx.add.f32.msk $0xffff, v2  }
0x2c0: {  	v16 =	vsub.f32 v24, v16;
	v13 =	vsub.f32 v18, v19;
	[tilespmem:v22+s30+$0x0] =	vst.idx.add.f32.msk $0xffff, v8;
	v18 =	vcvt.f32.s32 v17  }
0x2c1: {  	v12 =	vshll.u32 v12, $0x4;
	s6 =	sadd.s32 $0xA0, s6;
	v8 =	vmul.f32 v20, v20;
	v17 =	vcvt.f32.s32 v25;
	[tilespmem:v22+s31+$0x0] =	vst.idx.add.f32.msk $0xffff, v2  }
0x2c2: {  	_ =	sdelay $0x2  }
0x2c3: {  	v18 =	vshll.u32 v18, $0x4;
	v12 =	vor.u32 v1, v12  }
0x2c4: {  	[tilespmem:v10+s30+$0x0] =	vst.idx.add.f32.msk $0xffff, v15;
	v18 =	vor.u32 v1, v18  }
0x2c5: {  	v19 =	vand.u32 $0x7FFFFFFF, v7;
	[tilespmem:v5+s30+$0x0] =	vst.idx.add.f32.msk $0xffff, v9  }
0x2c6: {  	v15 =	vmul.f32 v16, v16;
	v6 =	vsub.f32 v6, v7;
	v17 =	vshll.u32 v17, $0x4;
	[tilespmem:v10+s31+$0x0] =	vst.idx.add.f32.msk $0xffff, v2  }
0x2c7: {  	v7 =	vshll.u32 v14, $0x4;
	v16 =	vtrunc.f32 v19;
	[tilespmem:v5+s31+$0x0] =	vst.idx.add.f32.msk $0xffff, v2;
	v17 =	vor.u32 v1, v17  }
0x2c8: {  	v10 =	vcvt.f32.s32 v16;
	v5 =	vmul.f32 v6, v6;
	v6 =	vor.u32 v1, v7;
	[tilespmem:v12+s30+$0x0] =	vst.idx.add.f32.msk $0xffff, v8  }
0x2c9: {  	[tilespmem:v18+s30+$0x0] =	vst.idx.add.f32.msk $0xffff, v15  }
0x2ca: {  	v11 =	vmul.f32 v11, v11;
	v10 =	vshll.u32 v10, $0x4;
	[tilespmem:v12+s31+$0x0] =	vst.idx.add.f32.msk $0xffff, v2  }
0x2cb: {  	v10 =	vor.u32 v1, v10;
	[tilespmem:v18+s31+$0x0] =	vst.idx.add.f32.msk $0xffff, v2  }
0x2cc: {  	[tilespmem:v17+s30+$0x0] =	vst.idx.add.f32.msk $0xffff, v11  }
0x2cd: {  	[tilespmem:v6+s30+$0x0] =	vst.idx.add.f32.msk $0xffff, v3  }
0x2ce: {  	[tilespmem:v17+s31+$0x0] =	vst.idx.add.f32.msk $0xffff, v2  }
0x2cf: {  	[tilespmem:v6+s31+$0x0] =	vst.idx.add.f32.msk $0xffff, v2  }
0x2d0: {  	[tilespmem:v10+s30+$0x0] =	vst.idx.add.f32.msk $0xffff, v5;
	v5 =	vmul.f32 v13, v13  }
0x2d1: {  	[tilespmem:v10+s31+$0x0] =	vst.idx.add.f32.msk $0xffff, v2  }
0x2d2: {  	[tilespmem:v4+s30+$0x0] =	vst.idx.add.f32.msk $0xffff, v5  }
0x2d3: {  	[tilespmem:v4+s31+$0x0] =	vst.idx.add.f32.msk $0xffff, v2  }
0x2d4: {  	s4 =	rddreg [dreg:$0x12]  }
0x2d5: {  	[tilespmem:s1], [sflag:$0x1] =	stream.linear.gather [hbm4b:s4+s1], $0x4E20, $0x38;
	[tilespmem:$0x14200] =	vst v63  }
0x2d6: {  	s7 =	rddreg [dreg:$0x13]  }
0x2d7: {  	[tilespmem:s25], [sflag:$0x1] =	stream.linear.gather [hbm4b:s7+s1], $0x4E20, $0x38;
	[tilespmem:$0x14200] =	vst v63  }
0x2d8: {  	_ =	swait.ge [sflag:s0], $0x4E20  }
0x2d9: {  	[sflag:s0] =	ssyncset.done $0x0  }
0x2da: {  	[sflag:s0] =	ssyncadd.s32 $0xFFFFB1E0  }
0x2db: {  	_ =	swait.ge [sflag:s0], $0x4E20  }
0x2dc: {  	[sflag:s0] =	ssyncset.done $0x0  }
0x2dd: {  	s4 =	simm.s32 $0xEBD0;
	[sflag:s0] =	ssyncadd.s32 $0xFFFFB1E0  }
0x2de: {  	v3 =	vld [tilespmem:s4+$0xFFFFFFD0]  }
0x2df: {  	v4 =	vld [tilespmem:s4+$0x40]  }
0x2e0: {  	s6 =	simm.s32 $0x4ED0;
	v5 =	vld [tilespmem:s4+$0x0]  }
0x2e1: {  	v6 =	vld [tilespmem:s6+$0x0]  }
0x2e2: {  	v8 =	vld [tilespmem:s4+$0x10]  }
0x2e3: {  	v7 =	vld [tilespmem:s6+$0x40]  }
0x2e4: {  	v12 =	vld [tilespmem:s6+$0xFFFFFFD0]  }
0x2e5: {  	v9 =	vld [tilespmem:s4+$0x20]  }
0x2e6: {  	v11 =	vld [tilespmem:s4+$0xFFFFFFE0];
	_ =	sdelay $0x1  }
0x2e7: {  	v10 =	vld [tilespmem:s6+$0x20];
	v13 =	vand.u32 $0x7FFFFFFF, v8;
	v14 =	vand.u32 $0x7FFFFFFF, v4;
	v4 =	vsub.f32 v7, v4  }
0x2e8: {  	v15 =	vld [tilespmem:s4+$0xFFFFFFC0];
	v12 =	vsub.f32 v12, v3;
	v17 =	vtrunc.f32 v13;
	v7 =	vtrunc.f32 v14  }
0x2e9: {  	v16 =	vld [tilespmem:s4+$0xFFFFFFB0];
	v13 =	vand.u32 $0x7FFFFFFF, v5;
	v5 =	vsub.f32 v6, v5;
	v6 =	vand.u32 $0x7FFFFFFF, v9  }
0x2ea: {  	v14 =	vand.u32 $0x7FFFFFFF, v11;
	v13 =	vtrunc.f32 v13;
	v6 =	vtrunc.f32 v6  }
0x2eb: {  	s5 =	simm.s32 $0x0;
	v19 =	vand.u32 $0x7FFFFFFF, v3;
	v7 =	vcvt.f32.s32 v7;
	v14 =	vtrunc.f32 v14  }
0x2ec: {  	s7 =	sand.u32 $0x7FE0, s5;
	v9 =	vsub.f32 v10, v9;
	v18 =	vmul.f32 v4, v4;
	v3 =	vmul.f32 v12, v12  }
0x2ed: {  	v21 =	vld [tilespmem:s7+$0xEC00];
	v4 =	vand.u32 $0x7FFFFFFF, v15;
	v17 =	vcvt.f32.s32 v17;
	v13 =	vcvt.f32.s32 v13  }
0x2ee: {  	v10 =	vld [tilespmem:s6+$0xFFFFFFC0];
	v20 =	vmul.f32 v5, v5;
	v5 =	vand.u32 $0x7FFFFFFF, v16;
	v4 =	vtrunc.f32 v4  }
0x2ef: {  	v24 =	vld [tilespmem:s6+$0x10];
	v6 =	vcvt.f32.s32 v6;
	v25 =	vcvt.f32.s32 v14;
	v7 =	vshll.u32 v7, $0x4  }
0x2f0: {  	v14 =	vtrunc.f32 v19;
	v12 =	vshll.u32 v13, $0x4;
	v13 =	vld [tilespmem:s6+$0xFFFFFFE0];
	v22 =	vor.u32 v1, v7  }
0x2f1: {  	v27 =	vld [tilespmem:s6+$0xFFFFFFB0];
	v4 =	vcvt.f32.s32 v4;
	v5 =	vtrunc.f32 v5  }
0x2f2: {  	v14 =	vcvt.f32.s32 v14;
	v7 =	vcvt.f32.s32 v5;
	v26 =	vor.u32 v1, v12;
	v12 =	vld [tilespmem:s7+$0x4F00]  }
0x2f3: {  	v23 =	vsub.f32 v10, v15;
	v4 =	vshll.u32 v4, $0x4;
	v10 =	vshll.u32 v6, $0x4;
	v6 =	vld [tilespmem:s6+$0xFFFFFFF0]  }
0x2f4: {  	v5 =	vor.u32 v1, v4;
	v4 =	vshll.u32 v7, $0x4;
	v7 =	vld [tilespmem:s4+$0xFFFFFFF0];
	v10 =	vor.u32 v1, v10  }
0x2f5: {  	v15 =	vmul.f32 v9, v9;
	v19 =	vsub.f32 v13, v11;
	v13 =	vand.u32 $0x7FFFFFFF, v21;
	[tilespmem:v22+s30+$0x0] =	vst.idx.add.f32.msk $0xffff, v18  }
0x2f6: {  	v4 =	vor.u32 v1, v4;
	v11 =	vsub.f32 v24, v8;
	v8 =	vtrunc.f32 v13;
	[tilespmem:v22+s31+$0x0] =	vst.idx.add.f32.msk $0xffff, v2  }
0x2f7: {  	v9 =	vmul.f32 v23, v23;
	v13 =	vsub.f32 v27, v16;
	[tilespmem:v26+s30+$0x0] =	vst.idx.add.f32.msk $0xffff, v20;
	v18 =	vcvt.f32.s32 v8  }
0x2f8: {  	s6 =	simm.s32 $0x4F70;
	v16 =	vsub.f32 v12, v21;
	v12 =	vshll.u32 v25, $0x4;
	v8 =	vmul.f32 v19, v19;
	[tilespmem:v26+s31+$0x0] =	vst.idx.add.f32.msk $0xffff, v2  }
.LBB2_18:
0x2f9: {  	s5 =	sadd.s32 $0xA0, s5;
	v14 =	vshll.u32 v14, $0x4;
	[tilespmem:v10+s30+$0x0] =	vst.idx.add.f32.msk $0xffff, v15;
	v15 =	vshll.u32 v18, $0x4;
	s4 =	sadd.s32 $0xA0, s4  }
0x2fa: {  	v16 =	vmul.f32 v16, v16;
	v18 =	vld [tilespmem:s6+$0xFFFFFFC0];
	s7 =	sand.u32 $0x7FE0, s5;
	p0 =	slt.u32 s5, $0x4D80;
	v14 =	vor.u32 v1, v14;
	v15 =	vor.u32 v1, v15  }
0x2fb: {  	v13 =	vmul.f32 v13, v13;
	v17 =	vshll.u32 v17, $0x4;
	[tilespmem:v10+s31+$0x0] =	vst.idx.add.f32.msk $0xffff, v2  }
0x2fc: {  	v10 =	vor.u32 v1, v17;
	v19 =	vld [tilespmem:s4+$0xFFFFFFB0]  }
0x2fd: {  	v17 =	vld [tilespmem:s4+$0xFFFFFFC0]  }
0x2fe: {  	v20 =	vld [tilespmem:s4+$0xFFFFFFD0]  }
0x2ff: {  	v11 =	vmul.f32 v11, v11;
	[tilespmem:v15+s30+$0x0] =	vst.idx.add.f32.msk $0xffff, v16  }
0x300: {  	[tilespmem:v15+s31+$0x0] =	vst.idx.add.f32.msk $0xffff, v2  }
0x301: {  	[tilespmem:v10+s30+$0x0] =	vst.idx.add.f32.msk $0xffff, v11  }
0x302: {  	v11 =	vld [tilespmem:s4+$0x40]  }
0x303: {  	[tilespmem:v10+s31+$0x0] =	vst.idx.add.f32.msk $0xffff, v2  }
0x304: {  	v12 =	vor.u32 v1, v12;
	v10 =	vld [tilespmem:s4+$0xFFFFFFE0]  }
0x305: {  	v16 =	vand.u32 $0x7FFFFFFF, v7;
	v15 =	vld [tilespmem:s4+$0x0]  }
0x306: {  	v16 =	vtrunc.f32 v16;
	v21 =	vld [tilespmem:s6+$0x0]  }
0x307: {  	v16 =	vcvt.f32.s32 v16;
	v22 =	vld [tilespmem:s6+$0x20]  }
0x308: {  	[tilespmem:v5+s30+$0x0] =	vst.idx.add.f32.msk $0xffff, v9  }
0x309: {  	v16 =	vshll.u32 v16, $0x4;
	v9 =	vld [tilespmem:s6+$0x40]  }
0x30a: {  	v16 =	vor.u32 v1, v16;
	v23 =	vld [tilespmem:s4+$0x10]  }
0x30b: {  	v6 =	vsub.f32 v6, v7;
	v24 =	vld [tilespmem:s6+$0xFFFFFFD0]  }
0x30c: {  	v7 =	vld [tilespmem:s4+$0x20]  }
0x30d: {  	[tilespmem:v5+s31+$0x0] =	vst.idx.add.f32.msk $0xffff, v2;
	v5 =	vmul.f32 v6, v6  }
0x30e: {  	[tilespmem:v12+s30+$0x0] =	vst.idx.add.f32.msk $0xffff, v8  }
0x30f: {  	v8 =	vand.u32 $0x7FFFFFFF, v11;
	v9 =	vsub.f32 v9, v11;
	v6 =	vand.u32 $0x7FFFFFFF, v23;
	[tilespmem:v16+s30+$0x0] =	vst.idx.add.f32.msk $0xffff, v5  }
0x310: {  	v5 =	vtrunc.f32 v8;
	v25 =	vtrunc.f32 v6;
	[tilespmem:v12+s31+$0x0] =	vst.idx.add.f32.msk $0xffff, v2  }
0x311: {  	v8 =	vsub.f32 v21, v15;
	v6 =	vand.u32 $0x7FFFFFFF, v15;
	v11 =	vand.u32 $0x7FFFFFFF, v7;
	[tilespmem:v16+s31+$0x0] =	vst.idx.add.f32.msk $0xffff, v2  }
0x312: {  	v6 =	vtrunc.f32 v6;
	v7 =	vsub.f32 v22, v7;
	v11 =	vtrunc.f32 v11;
	[tilespmem:v4+s30+$0x0] =	vst.idx.add.f32.msk $0xffff, v13  }
0x313: {  	v12 =	vand.u32 $0x7FFFFFFF, v10;
	v5 =	vcvt.f32.s32 v5;
	v6 =	vcvt.f32.s32 v6;
	[tilespmem:v14+s30+$0x0] =	vst.idx.add.f32.msk $0xffff, v3  }
0x314: {  	v9 =	vmul.f32 v9, v9;
	v12 =	vtrunc.f32 v12;
	v3 =	vsub.f32 v24, v20;
	[tilespmem:v14+s31+$0x0] =	vst.idx.add.f32.msk $0xffff, v2  }
0x315: {  	v13 =	vand.u32 $0x7FFFFFFF, v17;
	v5 =	vshll.u32 v5, $0x4;
	v14 =	vand.u32 $0x7FFFFFFF, v20;
	[tilespmem:v4+s31+$0x0] =	vst.idx.add.f32.msk $0xffff, v2  }
0x316: {  	v8 =	vmul.f32 v8, v8;
	v3 =	vmul.f32 v3, v3;
	v4 =	vshll.u32 v6, $0x4;
	v16 =	vld [tilespmem:s7+$0xEC00]  }
0x317: {  	v13 =	vtrunc.f32 v13;
	v21 =	vor.u32 v1, v5;
	v6 =	vand.u32 $0x7FFFFFFF, v19;
	v20 =	vld [tilespmem:s6+$0xFFFFFFE0]  }
0x318: {  	v11 =	vcvt.f32.s32 v11;
	v5 =	vcvt.f32.s32 v13;
	v13 =	vsub.f32 v18, v17;
	v17 =	vld [tilespmem:s6+$0x10]  }
0x319: {  	v12 =	vcvt.f32.s32 v12;
	v6 =	vtrunc.f32 v6;
	v22 =	vor.u32 v1, v4;
	v24 =	vld [tilespmem:s7+$0x4F00]  }
0x31a: {  	v11 =	vshll.u32 v11, $0x4;
	v5 =	vshll.u32 v5, $0x4;
	v4 =	vcvt.f32.s32 v6;
	v18 =	vld [tilespmem:s6+$0xFFFFFFB0]  }
0x31b: {  	v15 =	vmul.f32 v7, v7;
	v14 =	vtrunc.f32 v14;
	v5 =	vor.u32 v1, v5;
	v6 =	vld [tilespmem:s6+$0xFFFFFFF0]  }
.Ltmp8:
0x31c: {  	v4 =	vshll.u32 v4, $0x4;
	v20 =	vsub.f32 v20, v10;
	v7 =	vld [tilespmem:s4+$0xFFFFFFF0];
	v10 =	vor.u32 v1, v11;
	(pc) =	sbr.rel @p0 .LBB2_18-.Ltmp8, $4  }
0x31d: {  	v14 =	vcvt.f32.s32 v14;
	v4 =	vor.u32 v1, v4;
	v26 =	vand.u32 $0x7FFFFFFF, v16;
	[tilespmem:v21+s30+$0x0] =	vst.idx.add.f32.msk $0xffff, v9  }
0x31e: {  	v9 =	vmul.f32 v13, v13;
	v11 =	vsub.f32 v17, v23;
	v17 =	vtrunc.f32 v26;
	[tilespmem:v21+s31+$0x0] =	vst.idx.add.f32.msk $0xffff, v2  }
0x31f: {  	v16 =	vsub.f32 v24, v16;
	v13 =	vsub.f32 v18, v19;
	[tilespmem:v22+s30+$0x0] =	vst.idx.add.f32.msk $0xffff, v8;
	v18 =	vcvt.f32.s32 v17  }
0x320: {  	v12 =	vshll.u32 v12, $0x4;
	s6 =	sadd.s32 $0xA0, s6;
	v8 =	vmul.f32 v20, v20;
	v17 =	vcvt.f32.s32 v25;
	[tilespmem:v22+s31+$0x0] =	vst.idx.add.f32.msk $0xffff, v2  }
0x321: {  	_ =	sdelay $0x2  }
0x322: {  	v18 =	vshll.u32 v18, $0x4;
	v12 =	vor.u32 v1, v12  }
0x323: {  	[tilespmem:v10+s30+$0x0] =	vst.idx.add.f32.msk $0xffff, v15;
	v18 =	vor.u32 v1, v18  }
0x324: {  	v19 =	vand.u32 $0x7FFFFFFF, v7;
	[tilespmem:v5+s30+$0x0] =	vst.idx.add.f32.msk $0xffff, v9  }
0x325: {  	v15 =	vmul.f32 v16, v16;
	v6 =	vsub.f32 v6, v7;
	v17 =	vshll.u32 v17, $0x4;
	[tilespmem:v10+s31+$0x0] =	vst.idx.add.f32.msk $0xffff, v2  }
0x326: {  	v7 =	vshll.u32 v14, $0x4;
	v16 =	vtrunc.f32 v19;
	[tilespmem:v5+s31+$0x0] =	vst.idx.add.f32.msk $0xffff, v2;
	v17 =	vor.u32 v1, v17  }
0x327: {  	v10 =	vcvt.f32.s32 v16;
	v5 =	vmul.f32 v6, v6;
	v6 =	vor.u32 v1, v7;
	[tilespmem:v12+s30+$0x0] =	vst.idx.add.f32.msk $0xffff, v8  }
0x328: {  	[tilespmem:v18+s30+$0x0] =	vst.idx.add.f32.msk $0xffff, v15  }
0x329: {  	v11 =	vmul.f32 v11, v11;
	v10 =	vshll.u32 v10, $0x4;
	[tilespmem:v12+s31+$0x0] =	vst.idx.add.f32.msk $0xffff, v2  }
0x32a: {  	v10 =	vor.u32 v1, v10;
	[tilespmem:v18+s31+$0x0] =	vst.idx.add.f32.msk $0xffff, v2  }
0x32b: {  	[tilespmem:v17+s30+$0x0] =	vst.idx.add.f32.msk $0xffff, v11  }
0x32c: {  	[tilespmem:v6+s30+$0x0] =	vst.idx.add.f32.msk $0xffff, v3  }
0x32d: {  	[tilespmem:v17+s31+$0x0] =	vst.idx.add.f32.msk $0xffff, v2  }
0x32e: {  	[tilespmem:v6+s31+$0x0] =	vst.idx.add.f32.msk $0xffff, v2  }
0x32f: {  	[tilespmem:v10+s30+$0x0] =	vst.idx.add.f32.msk $0xffff, v5;
	v5 =	vmul.f32 v13, v13  }
0x330: {  	[tilespmem:v10+s31+$0x0] =	vst.idx.add.f32.msk $0xffff, v2  }
0x331: {  	[tilespmem:v4+s30+$0x0] =	vst.idx.add.f32.msk $0xffff, v5  }
0x332: {  	[tilespmem:v4+s31+$0x0] =	vst.idx.add.f32.msk $0xffff, v2  }
0x333: {  	s4 =	rddreg [dreg:$0x14]  }
0x334: {  	[tilespmem:s26], [sflag:$0x2] =	stream.linear.gather [hbm4b:s4+s1], $0x4E20, $0x38;
	[tilespmem:$0x14200] =	vst v63  }
0x335: {  	s7 =	rddreg [dreg:$0x15]  }
0x336: {  	[tilespmem:s28], [sflag:$0x2] =	stream.linear.gather [hbm4b:s7+s1], $0x4E20, $0x38;
	[tilespmem:$0x14200] =	vst v63  }
0x337: {  	_ =	swait.ge [sflag:s29], $0x4E20  }
0x338: {  	[sflag:s29] =	ssyncset.done $0x0  }
0x339: {  	[sflag:s29] =	ssyncadd.s32 $0xFFFFB1E0  }
0x33a: {  	_ =	swait.ge [sflag:s29], $0x4E20  }
0x33b: {  	[sflag:s29] =	ssyncset.done $0x0  }
0x33c: {  	s4 =	simm.s32 $0x9D50;
	[sflag:s29] =	ssyncadd.s32 $0xFFFFB1E0  }
0x33d: {  	v3 =	vld [tilespmem:s4+$0xFFFFFFD0]  }
0x33e: {  	v4 =	vld [tilespmem:s4+$0x40]  }
0x33f: {  	s6 =	simm.s32 $0x50;
	v5 =	vld [tilespmem:s4+$0x0]  }
0x340: {  	v6 =	vld [tilespmem:s6+$0x0]  }
0x341: {  	v8 =	vld [tilespmem:s4+$0x10]  }
0x342: {  	v7 =	vld [tilespmem:s6+$0x40]  }
0x343: {  	v12 =	vld [tilespmem:s6+$0xFFFFFFD0]  }
0x344: {  	v9 =	vld [tilespmem:s4+$0x20]  }
0x345: {  	v11 =	vld [tilespmem:s4+$0xFFFFFFE0];
	_ =	sdelay $0x1  }
0x346: {  	v10 =	vld [tilespmem:s6+$0x20];
	v13 =	vand.u32 $0x7FFFFFFF, v8;
	v14 =	vand.u32 $0x7FFFFFFF, v4;
	v4 =	vsub.f32 v7, v4  }
0x347: {  	v15 =	vld [tilespmem:s4+$0xFFFFFFC0];
	v12 =	vsub.f32 v12, v3;
	v17 =	vtrunc.f32 v13;
	v7 =	vtrunc.f32 v14  }
0x348: {  	v16 =	vld [tilespmem:s4+$0xFFFFFFB0];
	v13 =	vand.u32 $0x7FFFFFFF, v5;
	v5 =	vsub.f32 v6, v5;
	v6 =	vand.u32 $0x7FFFFFFF, v9  }
0x349: {  	v14 =	vand.u32 $0x7FFFFFFF, v11;
	v13 =	vtrunc.f32 v13;
	v6 =	vtrunc.f32 v6  }
0x34a: {  	s5 =	simm.s32 $0x0;
	v19 =	vand.u32 $0x7FFFFFFF, v3;
	v7 =	vcvt.f32.s32 v7;
	v14 =	vtrunc.f32 v14  }
0x34b: {  	s7 =	sand.u32 $0x7FE0, s5;
	v9 =	vsub.f32 v10, v9;
	v18 =	vmul.f32 v4, v4;
	v3 =	vmul.f32 v12, v12  }
0x34c: {  	v21 =	vld [tilespmem:s7+$0x9D80];
	v4 =	vand.u32 $0x7FFFFFFF, v15;
	v17 =	vcvt.f32.s32 v17;
	v13 =	vcvt.f32.s32 v13  }
0x34d: {  	v10 =	vld [tilespmem:s6+$0xFFFFFFC0];
	v20 =	vmul.f32 v5, v5;
	v5 =	vand.u32 $0x7FFFFFFF, v16;
	v4 =	vtrunc.f32 v4  }
0x34e: {  	v24 =	vld [tilespmem:s6+$0x10];
	v6 =	vcvt.f32.s32 v6;
	v25 =	vcvt.f32.s32 v14;
	v7 =	vshll.u32 v7, $0x4  }
0x34f: {  	v14 =	vtrunc.f32 v19;
	v12 =	vshll.u32 v13, $0x4;
	v13 =	vld [tilespmem:s6+$0xFFFFFFE0];
	v22 =	vor.u32 v1, v7  }
0x350: {  	v27 =	vld [tilespmem:s6+$0xFFFFFFB0];
	v4 =	vcvt.f32.s32 v4;
	v5 =	vtrunc.f32 v5  }
0x351: {  	v14 =	vcvt.f32.s32 v14;
	v7 =	vcvt.f32.s32 v5;
	v26 =	vor.u32 v1, v12;
	v12 =	vld [tilespmem:s7+$0x80]  }
0x352: {  	v23 =	vsub.f32 v10, v15;
	v4 =	vshll.u32 v4, $0x4;
	v10 =	vshll.u32 v6, $0x4;
	v6 =	vld [tilespmem:s6+$0xFFFFFFF0]  }
0x353: {  	v5 =	vor.u32 v1, v4;
	v4 =	vshll.u32 v7, $0x4;
	v7 =	vld [tilespmem:s4+$0xFFFFFFF0];
	v10 =	vor.u32 v1, v10  }
0x354: {  	v15 =	vmul.f32 v9, v9;
	v19 =	vsub.f32 v13, v11;
	v13 =	vand.u32 $0x7FFFFFFF, v21;
	[tilespmem:v22+s30+$0x0] =	vst.idx.add.f32.msk $0xffff, v18  }
0x355: {  	v4 =	vor.u32 v1, v4;
	v11 =	vsub.f32 v24, v8;
	v8 =	vtrunc.f32 v13;
	[tilespmem:v22+s31+$0x0] =	vst.idx.add.f32.msk $0xffff, v2  }
0x356: {  	v9 =	vmul.f32 v23, v23;
	v13 =	vsub.f32 v27, v16;
	[tilespmem:v26+s30+$0x0] =	vst.idx.add.f32.msk $0xffff, v20;
	v18 =	vcvt.f32.s32 v8  }
0x357: {  	s6 =	simm.s32 $0xF0;
	v16 =	vsub.f32 v12, v21;
	v12 =	vshll.u32 v25, $0x4;
	v8 =	vmul.f32 v19, v19;
	[tilespmem:v26+s31+$0x0] =	vst.idx.add.f32.msk $0xffff, v2  }
.LBB2_20:
0x358: {  	s5 =	sadd.s32 $0xA0, s5;
	v14 =	vshll.u32 v14, $0x4;
	[tilespmem:v10+s30+$0x0] =	vst.idx.add.f32.msk $0xffff, v15;
	v15 =	vshll.u32 v18, $0x4;
	s4 =	sadd.s32 $0xA0, s4  }
0x359: {  	v16 =	vmul.f32 v16, v16;
	v18 =	vld [tilespmem:s6+$0xFFFFFFC0];
	s7 =	sand.u32 $0x7FE0, s5;
	p0 =	slt.u32 s5, $0x4D80;
	v14 =	vor.u32 v1, v14;
	v15 =	vor.u32 v1, v15  }
0x35a: {  	v13 =	vmul.f32 v13, v13;
	v17 =	vshll.u32 v17, $0x4;
	[tilespmem:v10+s31+$0x0] =	vst.idx.add.f32.msk $0xffff, v2  }
0x35b: {  	v10 =	vor.u32 v1, v17;
	v19 =	vld [tilespmem:s4+$0xFFFFFFB0]  }
0x35c: {  	v17 =	vld [tilespmem:s4+$0xFFFFFFC0]  }
0x35d: {  	v20 =	vld [tilespmem:s4+$0xFFFFFFD0]  }
0x35e: {  	v11 =	vmul.f32 v11, v11;
	[tilespmem:v15+s30+$0x0] =	vst.idx.add.f32.msk $0xffff, v16  }
0x35f: {  	[tilespmem:v15+s31+$0x0] =	vst.idx.add.f32.msk $0xffff, v2  }
0x360: {  	[tilespmem:v10+s30+$0x0] =	vst.idx.add.f32.msk $0xffff, v11  }
0x361: {  	v11 =	vld [tilespmem:s4+$0x40]  }
0x362: {  	[tilespmem:v10+s31+$0x0] =	vst.idx.add.f32.msk $0xffff, v2  }
0x363: {  	v12 =	vor.u32 v1, v12;
	v10 =	vld [tilespmem:s4+$0xFFFFFFE0]  }
0x364: {  	v16 =	vand.u32 $0x7FFFFFFF, v7;
	v15 =	vld [tilespmem:s4+$0x0]  }
0x365: {  	v16 =	vtrunc.f32 v16;
	v21 =	vld [tilespmem:s6+$0x0]  }
0x366: {  	v16 =	vcvt.f32.s32 v16;
	v22 =	vld [tilespmem:s6+$0x20]  }
0x367: {  	[tilespmem:v5+s30+$0x0] =	vst.idx.add.f32.msk $0xffff, v9  }
0x368: {  	v16 =	vshll.u32 v16, $0x4;
	v9 =	vld [tilespmem:s6+$0x40]  }
0x369: {  	v16 =	vor.u32 v1, v16;
	v23 =	vld [tilespmem:s4+$0x10]  }
0x36a: {  	v6 =	vsub.f32 v6, v7;
	v24 =	vld [tilespmem:s6+$0xFFFFFFD0]  }
0x36b: {  	v7 =	vld [tilespmem:s4+$0x20]  }
0x36c: {  	[tilespmem:v5+s31+$0x0] =	vst.idx.add.f32.msk $0xffff, v2;
	v5 =	vmul.f32 v6, v6  }
0x36d: {  	[tilespmem:v12+s30+$0x0] =	vst.idx.add.f32.msk $0xffff, v8  }
0x36e: {  	v8 =	vand.u32 $0x7FFFFFFF, v11;
	v9 =	vsub.f32 v9, v11;
	v6 =	vand.u32 $0x7FFFFFFF, v23;
	[tilespmem:v16+s30+$0x0] =	vst.idx.add.f32.msk $0xffff, v5  }
0x36f: {  	v5 =	vtrunc.f32 v8;
	v25 =	vtrunc.f32 v6;
	[tilespmem:v12+s31+$0x0] =	vst.idx.add.f32.msk $0xffff, v2  }
0x370: {  	v8 =	vsub.f32 v21, v15;
	v6 =	vand.u32 $0x7FFFFFFF, v15;
	v11 =	vand.u32 $0x7FFFFFFF, v7;
	[tilespmem:v16+s31+$0x0] =	vst.idx.add.f32.msk $0xffff, v2  }
0x371: {  	v6 =	vtrunc.f32 v6;
	v7 =	vsub.f32 v22, v7;
	v11 =	vtrunc.f32 v11;
	[tilespmem:v4+s30+$0x0] =	vst.idx.add.f32.msk $0xffff, v13  }
0x372: {  	v12 =	vand.u32 $0x7FFFFFFF, v10;
	v5 =	vcvt.f32.s32 v5;
	v6 =	vcvt.f32.s32 v6;
	[tilespmem:v14+s30+$0x0] =	vst.idx.add.f32.msk $0xffff, v3  }
0x373: {  	v9 =	vmul.f32 v9, v9;
	v12 =	vtrunc.f32 v12;
	v3 =	vsub.f32 v24, v20;
	[tilespmem:v14+s31+$0x0] =	vst.idx.add.f32.msk $0xffff, v2  }
0x374: {  	v13 =	vand.u32 $0x7FFFFFFF, v17;
	v5 =	vshll.u32 v5, $0x4;
	v14 =	vand.u32 $0x7FFFFFFF, v20;
	[tilespmem:v4+s31+$0x0] =	vst.idx.add.f32.msk $0xffff, v2  }
0x375: {  	v8 =	vmul.f32 v8, v8;
	v3 =	vmul.f32 v3, v3;
	v4 =	vshll.u32 v6, $0x4;
	v16 =	vld [tilespmem:s7+$0x9D80]  }
0x376: {  	v13 =	vtrunc.f32 v13;
	v21 =	vor.u32 v1, v5;
	v6 =	vand.u32 $0x7FFFFFFF, v19;
	v20 =	vld [tilespmem:s6+$0xFFFFFFE0]  }
0x377: {  	v11 =	vcvt.f32.s32 v11;
	v5 =	vcvt.f32.s32 v13;
	v13 =	vsub.f32 v18, v17;
	v17 =	vld [tilespmem:s6+$0x10]  }
0x378: {  	v12 =	vcvt.f32.s32 v12;
	v6 =	vtrunc.f32 v6;
	v22 =	vor.u32 v1, v4;
	v24 =	vld [tilespmem:s7+$0x80]  }
0x379: {  	v11 =	vshll.u32 v11, $0x4;
	v5 =	vshll.u32 v5, $0x4;
	v4 =	vcvt.f32.s32 v6;
	v18 =	vld [tilespmem:s6+$0xFFFFFFB0]  }
0x37a: {  	v15 =	vmul.f32 v7, v7;
	v14 =	vtrunc.f32 v14;
	v5 =	vor.u32 v1, v5;
	v6 =	vld [tilespmem:s6+$0xFFFFFFF0]  }
.Ltmp9:
0x37b: {  	v4 =	vshll.u32 v4, $0x4;
	v20 =	vsub.f32 v20, v10;
	v7 =	vld [tilespmem:s4+$0xFFFFFFF0];
	v10 =	vor.u32 v1, v11;
	(pc) =	sbr.rel @p0 .LBB2_20-.Ltmp9, $4  }
0x37c: {  	v14 =	vcvt.f32.s32 v14;
	v4 =	vor.u32 v1, v4;
	v26 =	vand.u32 $0x7FFFFFFF, v16;
	[tilespmem:v21+s30+$0x0] =	vst.idx.add.f32.msk $0xffff, v9  }
0x37d: {  	v9 =	vmul.f32 v13, v13;
	v11 =	vsub.f32 v17, v23;
	v17 =	vtrunc.f32 v26;
	[tilespmem:v21+s31+$0x0] =	vst.idx.add.f32.msk $0xffff, v2  }
0x37e: {  	v16 =	vsub.f32 v24, v16;
	v13 =	vsub.f32 v18, v19;
	[tilespmem:v22+s30+$0x0] =	vst.idx.add.f32.msk $0xffff, v8;
	v18 =	vcvt.f32.s32 v17  }
0x37f: {  	v12 =	vshll.u32 v12, $0x4;
	s6 =	sadd.s32 $0xA0, s6;
	v8 =	vmul.f32 v20, v20;
	v17 =	vcvt.f32.s32 v25;
	[tilespmem:v22+s31+$0x0] =	vst.idx.add.f32.msk $0xffff, v2  }
0x380: {  	_ =	sdelay $0x2  }
0x381: {  	v18 =	vshll.u32 v18, $0x4;
	v12 =	vor.u32 v1, v12  }
0x382: {  	[tilespmem:v10+s30+$0x0] =	vst.idx.add.f32.msk $0xffff, v15;
	v18 =	vor.u32 v1, v18  }
0x383: {  	v19 =	vand.u32 $0x7FFFFFFF, v7;
	[tilespmem:v5+s30+$0x0] =	vst.idx.add.f32.msk $0xffff, v9  }
0x384: {  	v15 =	vmul.f32 v16, v16;
	v6 =	vsub.f32 v6, v7;
	v17 =	vshll.u32 v17, $0x4;
	[tilespmem:v10+s31+$0x0] =	vst.idx.add.f32.msk $0xffff, v2  }
0x385: {  	v7 =	vshll.u32 v14, $0x4;
	v16 =	vtrunc.f32 v19;
	[tilespmem:v5+s31+$0x0] =	vst.idx.add.f32.msk $0xffff, v2;
	v17 =	vor.u32 v1, v17  }
0x386: {  	v10 =	vcvt.f32.s32 v16;
	v5 =	vmul.f32 v6, v6;
	v6 =	vor.u32 v1, v7;
	[tilespmem:v12+s30+$0x0] =	vst.idx.add.f32.msk $0xffff, v8  }
0x387: {  	[tilespmem:v18+s30+$0x0] =	vst.idx.add.f32.msk $0xffff, v15  }
0x388: {  	v11 =	vmul.f32 v11, v11;
	v10 =	vshll.u32 v10, $0x4;
	[tilespmem:v12+s31+$0x0] =	vst.idx.add.f32.msk $0xffff, v2  }
0x389: {  	v10 =	vor.u32 v1, v10;
	[tilespmem:v18+s31+$0x0] =	vst.idx.add.f32.msk $0xffff, v2  }
0x38a: {  	[tilespmem:v17+s30+$0x0] =	vst.idx.add.f32.msk $0xffff, v11  }
0x38b: {  	[tilespmem:v6+s30+$0x0] =	vst.idx.add.f32.msk $0xffff, v3  }
0x38c: {  	[tilespmem:v17+s31+$0x0] =	vst.idx.add.f32.msk $0xffff, v2  }
0x38d: {  	[tilespmem:v6+s31+$0x0] =	vst.idx.add.f32.msk $0xffff, v2  }
0x38e: {  	[tilespmem:v10+s30+$0x0] =	vst.idx.add.f32.msk $0xffff, v5;
	v5 =	vmul.f32 v13, v13  }
0x38f: {  	[tilespmem:v10+s31+$0x0] =	vst.idx.add.f32.msk $0xffff, v2  }
0x390: {  	[tilespmem:v4+s30+$0x0] =	vst.idx.add.f32.msk $0xffff, v5  }
0x391: {  	[tilespmem:v4+s31+$0x0] =	vst.idx.add.f32.msk $0xffff, v2  }
0x392: {  	s4 =	rddreg [dreg:$0x16]  }
0x393: {  	[tilespmem:s1], [sflag:$0x1] =	stream.linear.gather [hbm4b:s4+s1], $0x4E20, $0x38;
	[tilespmem:$0x14200] =	vst v63  }
0x394: {  	s7 =	rddreg [dreg:$0x17]  }
0x395: {  	[tilespmem:s25], [sflag:$0x1] =	stream.linear.gather [hbm4b:s7+s1], $0x4E20, $0x38;
	[tilespmem:$0x14200] =	vst v63  }
0x396: {  	_ =	swait.ge [sflag:s0], $0x4E20  }
0x397: {  	[sflag:s0] =	ssyncset.done $0x0  }
0x398: {  	[sflag:s0] =	ssyncadd.s32 $0xFFFFB1E0  }
0x399: {  	_ =	swait.ge [sflag:s0], $0x4E20  }
0x39a: {  	[sflag:s0] =	ssyncset.done $0x0  }
0x39b: {  	s4 =	simm.s32 $0xEBD0;
	[sflag:s0] =	ssyncadd.s32 $0xFFFFB1E0  }
0x39c: {  	v3 =	vld [tilespmem:s4+$0xFFFFFFD0]  }
0x39d: {  	v4 =	vld [tilespmem:s4+$0x40]  }
0x39e: {  	s6 =	simm.s32 $0x4ED0;
	v5 =	vld [tilespmem:s4+$0x0]  }
0x39f: {  	v6 =	vld [tilespmem:s6+$0x0]  }
0x3a0: {  	v8 =	vld [tilespmem:s4+$0x10]  }
0x3a1: {  	v7 =	vld [tilespmem:s6+$0x40]  }
0x3a2: {  	v12 =	vld [tilespmem:s6+$0xFFFFFFD0]  }
0x3a3: {  	v9 =	vld [tilespmem:s4+$0x20]  }
0x3a4: {  	v11 =	vld [tilespmem:s4+$0xFFFFFFE0];
	_ =	sdelay $0x1  }
0x3a5: {  	v10 =	vld [tilespmem:s6+$0x20];
	v13 =	vand.u32 $0x7FFFFFFF, v8;
	v14 =	vand.u32 $0x7FFFFFFF, v4;
	v4 =	vsub.f32 v7, v4  }
0x3a6: {  	v15 =	vld [tilespmem:s4+$0xFFFFFFC0];
	v12 =	vsub.f32 v12, v3;
	v17 =	vtrunc.f32 v13;
	v7 =	vtrunc.f32 v14  }
0x3a7: {  	v16 =	vld [tilespmem:s4+$0xFFFFFFB0];
	v13 =	vand.u32 $0x7FFFFFFF, v5;
	v5 =	vsub.f32 v6, v5;
	v6 =	vand.u32 $0x7FFFFFFF, v9  }
0x3a8: {  	v14 =	vand.u32 $0x7FFFFFFF, v11;
	v13 =	vtrunc.f32 v13;
	v6 =	vtrunc.f32 v6  }
0x3a9: {  	s5 =	simm.s32 $0x0;
	v19 =	vand.u32 $0x7FFFFFFF, v3;
	v7 =	vcvt.f32.s32 v7;
	v14 =	vtrunc.f32 v14  }
0x3aa: {  	s7 =	sand.u32 $0x7FE0, s5;
	v9 =	vsub.f32 v10, v9;
	v18 =	vmul.f32 v4, v4;
	v3 =	vmul.f32 v12, v12  }
0x3ab: {  	v21 =	vld [tilespmem:s7+$0xEC00];
	v4 =	vand.u32 $0x7FFFFFFF, v15;
	v17 =	vcvt.f32.s32 v17;
	v13 =	vcvt.f32.s32 v13  }
0x3ac: {  	v10 =	vld [tilespmem:s6+$0xFFFFFFC0];
	v20 =	vmul.f32 v5, v5;
	v5 =	vand.u32 $0x7FFFFFFF, v16;
	v4 =	vtrunc.f32 v4  }
0x3ad: {  	v24 =	vld [tilespmem:s6+$0x10];
	v6 =	vcvt.f32.s32 v6;
	v25 =	vcvt.f32.s32 v14;
	v7 =	vshll.u32 v7, $0x4  }
0x3ae: {  	v14 =	vtrunc.f32 v19;
	v12 =	vshll.u32 v13, $0x4;
	v13 =	vld [tilespmem:s6+$0xFFFFFFE0];
	v22 =	vor.u32 v1, v7  }
0x3af: {  	v27 =	vld [tilespmem:s6+$0xFFFFFFB0];
	v4 =	vcvt.f32.s32 v4;
	v5 =	vtrunc.f32 v5  }
0x3b0: {  	v14 =	vcvt.f32.s32 v14;
	v7 =	vcvt.f32.s32 v5;
	v26 =	vor.u32 v1, v12;
	v12 =	vld [tilespmem:s7+$0x4F00]  }
0x3b1: {  	v23 =	vsub.f32 v10, v15;
	v4 =	vshll.u32 v4, $0x4;
	v10 =	vshll.u32 v6, $0x4;
	v6 =	vld [tilespmem:s6+$0xFFFFFFF0]  }
0x3b2: {  	v5 =	vor.u32 v1, v4;
	v4 =	vshll.u32 v7, $0x4;
	v7 =	vld [tilespmem:s4+$0xFFFFFFF0];
	v10 =	vor.u32 v1, v10  }
0x3b3: {  	v15 =	vmul.f32 v9, v9;
	v19 =	vsub.f32 v13, v11;
	v13 =	vand.u32 $0x7FFFFFFF, v21;
	[tilespmem:v22+s30+$0x0] =	vst.idx.add.f32.msk $0xffff, v18  }
0x3b4: {  	v4 =	vor.u32 v1, v4;
	v11 =	vsub.f32 v24, v8;
	v8 =	vtrunc.f32 v13;
	[tilespmem:v22+s31+$0x0] =	vst.idx.add.f32.msk $0xffff, v2  }
0x3b5: {  	v9 =	vmul.f32 v23, v23;
	v13 =	vsub.f32 v27, v16;
	[tilespmem:v26+s30+$0x0] =	vst.idx.add.f32.msk $0xffff, v20;
	v18 =	vcvt.f32.s32 v8  }
0x3b6: {  	s6 =	simm.s32 $0x4F70;
	v16 =	vsub.f32 v12, v21;
	v12 =	vshll.u32 v25, $0x4;
	v8 =	vmul.f32 v19, v19;
	[tilespmem:v26+s31+$0x0] =	vst.idx.add.f32.msk $0xffff, v2  }
.LBB2_22:
0x3b7: {  	s5 =	sadd.s32 $0xA0, s5;
	v14 =	vshll.u32 v14, $0x4;
	[tilespmem:v10+s30+$0x0] =	vst.idx.add.f32.msk $0xffff, v15;
	v15 =	vshll.u32 v18, $0x4;
	s4 =	sadd.s32 $0xA0, s4  }
0x3b8: {  	v16 =	vmul.f32 v16, v16;
	v18 =	vld [tilespmem:s6+$0xFFFFFFC0];
	s7 =	sand.u32 $0x7FE0, s5;
	p0 =	slt.u32 s5, $0x4D80;
	v14 =	vor.u32 v1, v14;
	v15 =	vor.u32 v1, v15  }
0x3b9: {  	v13 =	vmul.f32 v13, v13;
	v17 =	vshll.u32 v17, $0x4;
	[tilespmem:v10+s31+$0x0] =	vst.idx.add.f32.msk $0xffff, v2  }
0x3ba: {  	v10 =	vor.u32 v1, v17;
	v19 =	vld [tilespmem:s4+$0xFFFFFFB0]  }
0x3bb: {  	v17 =	vld [tilespmem:s4+$0xFFFFFFC0]  }
0x3bc: {  	v20 =	vld [tilespmem:s4+$0xFFFFFFD0]  }
0x3bd: {  	v11 =	vmul.f32 v11, v11;
	[tilespmem:v15+s30+$0x0] =	vst.idx.add.f32.msk $0xffff, v16  }
0x3be: {  	[tilespmem:v15+s31+$0x0] =	vst.idx.add.f32.msk $0xffff, v2  }
0x3bf: {  	[tilespmem:v10+s30+$0x0] =	vst.idx.add.f32.msk $0xffff, v11  }
0x3c0: {  	v11 =	vld [tilespmem:s4+$0x40]  }
0x3c1: {  	[tilespmem:v10+s31+$0x0] =	vst.idx.add.f32.msk $0xffff, v2  }
0x3c2: {  	v12 =	vor.u32 v1, v12;
	v10 =	vld [tilespmem:s4+$0xFFFFFFE0]  }
0x3c3: {  	v16 =	vand.u32 $0x7FFFFFFF, v7;
	v15 =	vld [tilespmem:s4+$0x0]  }
0x3c4: {  	v16 =	vtrunc.f32 v16;
	v21 =	vld [tilespmem:s6+$0x0]  }
0x3c5: {  	v16 =	vcvt.f32.s32 v16;
	v22 =	vld [tilespmem:s6+$0x20]  }
0x3c6: {  	[tilespmem:v5+s30+$0x0] =	vst.idx.add.f32.msk $0xffff, v9  }
0x3c7: {  	v16 =	vshll.u32 v16, $0x4;
	v9 =	vld [tilespmem:s6+$0x40]  }
0x3c8: {  	v16 =	vor.u32 v1, v16;
	v23 =	vld [tilespmem:s4+$0x10]  }
0x3c9: {  	v6 =	vsub.f32 v6, v7;
	v24 =	vld [tilespmem:s6+$0xFFFFFFD0]  }
0x3ca: {  	v7 =	vld [tilespmem:s4+$0x20]  }
0x3cb: {  	[tilespmem:v5+s31+$0x0] =	vst.idx.add.f32.msk $0xffff, v2;
	v5 =	vmul.f32 v6, v6  }
0x3cc: {  	[tilespmem:v12+s30+$0x0] =	vst.idx.add.f32.msk $0xffff, v8  }
0x3cd: {  	v8 =	vand.u32 $0x7FFFFFFF, v11;
	v9 =	vsub.f32 v9, v11;
	v6 =	vand.u32 $0x7FFFFFFF, v23;
	[tilespmem:v16+s30+$0x0] =	vst.idx.add.f32.msk $0xffff, v5  }
0x3ce: {  	v5 =	vtrunc.f32 v8;
	v25 =	vtrunc.f32 v6;
	[tilespmem:v12+s31+$0x0] =	vst.idx.add.f32.msk $0xffff, v2  }
0x3cf: {  	v8 =	vsub.f32 v21, v15;
	v6 =	vand.u32 $0x7FFFFFFF, v15;
	v11 =	vand.u32 $0x7FFFFFFF, v7;
	[tilespmem:v16+s31+$0x0] =	vst.idx.add.f32.msk $0xffff, v2  }
0x3d0: {  	v6 =	vtrunc.f32 v6;
	v7 =	vsub.f32 v22, v7;
	v11 =	vtrunc.f32 v11;
	[tilespmem:v4+s30+$0x0] =	vst.idx.add.f32.msk $0xffff, v13  }
0x3d1: {  	v12 =	vand.u32 $0x7FFFFFFF, v10;
	v5 =	vcvt.f32.s32 v5;
	v6 =	vcvt.f32.s32 v6;
	[tilespmem:v14+s30+$0x0] =	vst.idx.add.f32.msk $0xffff, v3  }
0x3d2: {  	v9 =	vmul.f32 v9, v9;
	v12 =	vtrunc.f32 v12;
	v3 =	vsub.f32 v24, v20;
	[tilespmem:v14+s31+$0x0] =	vst.idx.add.f32.msk $0xffff, v2  }
0x3d3: {  	v13 =	vand.u32 $0x7FFFFFFF, v17;
	v5 =	vshll.u32 v5, $0x4;
	v14 =	vand.u32 $0x7FFFFFFF, v20;
	[tilespmem:v4+s31+$0x0] =	vst.idx.add.f32.msk $0xffff, v2  }
0x3d4: {  	v8 =	vmul.f32 v8, v8;
	v3 =	vmul.f32 v3, v3;
	v4 =	vshll.u32 v6, $0x4;
	v16 =	vld [tilespmem:s7+$0xEC00]  }
0x3d5: {  	v13 =	vtrunc.f32 v13;
	v21 =	vor.u32 v1, v5;
	v6 =	vand.u32 $0x7FFFFFFF, v19;
	v20 =	vld [tilespmem:s6+$0xFFFFFFE0]  }
0x3d6: {  	v11 =	vcvt.f32.s32 v11;
	v5 =	vcvt.f32.s32 v13;
	v13 =	vsub.f32 v18, v17;
	v17 =	vld [tilespmem:s6+$0x10]  }
0x3d7: {  	v12 =	vcvt.f32.s32 v12;
	v6 =	vtrunc.f32 v6;
	v22 =	vor.u32 v1, v4;
	v24 =	vld [tilespmem:s7+$0x4F00]  }
0x3d8: {  	v11 =	vshll.u32 v11, $0x4;
	v5 =	vshll.u32 v5, $0x4;
	v4 =	vcvt.f32.s32 v6;
	v18 =	vld [tilespmem:s6+$0xFFFFFFB0]  }
0x3d9: {  	v15 =	vmul.f32 v7, v7;
	v14 =	vtrunc.f32 v14;
	v5 =	vor.u32 v1, v5;
	v6 =	vld [tilespmem:s6+$0xFFFFFFF0]  }
.Ltmp10:
0x3da: {  	v4 =	vshll.u32 v4, $0x4;
	v20 =	vsub.f32 v20, v10;
	v7 =	vld [tilespmem:s4+$0xFFFFFFF0];
	v10 =	vor.u32 v1, v11;
	(pc) =	sbr.rel @p0 .LBB2_22-.Ltmp10, $4  }
0x3db: {  	v14 =	vcvt.f32.s32 v14;
	v4 =	vor.u32 v1, v4;
	v26 =	vand.u32 $0x7FFFFFFF, v16;
	[tilespmem:v21+s30+$0x0] =	vst.idx.add.f32.msk $0xffff, v9  }
0x3dc: {  	v9 =	vmul.f32 v13, v13;
	v11 =	vsub.f32 v17, v23;
	v17 =	vtrunc.f32 v26;
	[tilespmem:v21+s31+$0x0] =	vst.idx.add.f32.msk $0xffff, v2  }
0x3dd: {  	v16 =	vsub.f32 v24, v16;
	v13 =	vsub.f32 v18, v19;
	[tilespmem:v22+s30+$0x0] =	vst.idx.add.f32.msk $0xffff, v8;
	v18 =	vcvt.f32.s32 v17  }
0x3de: {  	v12 =	vshll.u32 v12, $0x4;
	s6 =	sadd.s32 $0xA0, s6;
	v8 =	vmul.f32 v20, v20;
	v17 =	vcvt.f32.s32 v25;
	[tilespmem:v22+s31+$0x0] =	vst.idx.add.f32.msk $0xffff, v2  }
0x3df: {  	_ =	sdelay $0x2  }
0x3e0: {  	v18 =	vshll.u32 v18, $0x4;
	v12 =	vor.u32 v1, v12  }
0x3e1: {  	[tilespmem:v10+s30+$0x0] =	vst.idx.add.f32.msk $0xffff, v15;
	v18 =	vor.u32 v1, v18  }
0x3e2: {  	v19 =	vand.u32 $0x7FFFFFFF, v7;
	[tilespmem:v5+s30+$0x0] =	vst.idx.add.f32.msk $0xffff, v9  }
0x3e3: {  	v15 =	vmul.f32 v16, v16;
	v6 =	vsub.f32 v6, v7;
	v17 =	vshll.u32 v17, $0x4;
	[tilespmem:v10+s31+$0x0] =	vst.idx.add.f32.msk $0xffff, v2  }
0x3e4: {  	v7 =	vshll.u32 v14, $0x4;
	v16 =	vtrunc.f32 v19;
	[tilespmem:v5+s31+$0x0] =	vst.idx.add.f32.msk $0xffff, v2;
	v17 =	vor.u32 v1, v17  }
0x3e5: {  	v10 =	vcvt.f32.s32 v16;
	v5 =	vmul.f32 v6, v6;
	v6 =	vor.u32 v1, v7;
	[tilespmem:v12+s30+$0x0] =	vst.idx.add.f32.msk $0xffff, v8  }
0x3e6: {  	[tilespmem:v18+s30+$0x0] =	vst.idx.add.f32.msk $0xffff, v15  }
0x3e7: {  	v11 =	vmul.f32 v11, v11;
	v10 =	vshll.u32 v10, $0x4;
	[tilespmem:v12+s31+$0x0] =	vst.idx.add.f32.msk $0xffff, v2  }
0x3e8: {  	v10 =	vor.u32 v1, v10;
	[tilespmem:v18+s31+$0x0] =	vst.idx.add.f32.msk $0xffff, v2  }
0x3e9: {  	[tilespmem:v17+s30+$0x0] =	vst.idx.add.f32.msk $0xffff, v11  }
0x3ea: {  	[tilespmem:v6+s30+$0x0] =	vst.idx.add.f32.msk $0xffff, v3  }
0x3eb: {  	[tilespmem:v17+s31+$0x0] =	vst.idx.add.f32.msk $0xffff, v2  }
0x3ec: {  	[tilespmem:v6+s31+$0x0] =	vst.idx.add.f32.msk $0xffff, v2  }
0x3ed: {  	[tilespmem:v10+s30+$0x0] =	vst.idx.add.f32.msk $0xffff, v5;
	v5 =	vmul.f32 v13, v13  }
0x3ee: {  	[tilespmem:v10+s31+$0x0] =	vst.idx.add.f32.msk $0xffff, v2  }
0x3ef: {  	[tilespmem:v4+s30+$0x0] =	vst.idx.add.f32.msk $0xffff, v5  }
0x3f0: {  	[tilespmem:v4+s31+$0x0] =	vst.idx.add.f32.msk $0xffff, v2  }
0x3f1: {  	s4 =	rddreg [dreg:$0x18]  }
0x3f2: {  	[tilespmem:s26], [sflag:$0x2] =	stream.linear.gather [hbm4b:s4+s1], $0x4E20, $0x38;
	[tilespmem:$0x14200] =	vst v63  }
0x3f3: {  	s7 =	rddreg [dreg:$0x19]  }
0x3f4: {  	[tilespmem:s28], [sflag:$0x2] =	stream.linear.gather [hbm4b:s7+s1], $0x4E20, $0x38;
	[tilespmem:$0x14200] =	vst v63  }
0x3f5: {  	_ =	swait.ge [sflag:s29], $0x4E20  }
0x3f6: {  	[sflag:s29] =	ssyncset.done $0x0  }
0x3f7: {  	[sflag:s29] =	ssyncadd.s32 $0xFFFFB1E0  }
0x3f8: {  	_ =	swait.ge [sflag:s29], $0x4E20  }
0x3f9: {  	[sflag:s29] =	ssyncset.done $0x0  }
0x3fa: {  	s4 =	simm.s32 $0x9D50;
	[sflag:s29] =	ssyncadd.s32 $0xFFFFB1E0  }
0x3fb: {  	v3 =	vld [tilespmem:s4+$0xFFFFFFD0]  }
0x3fc: {  	v4 =	vld [tilespmem:s4+$0x40]  }
0x3fd: {  	s6 =	simm.s32 $0x50;
	v5 =	vld [tilespmem:s4+$0x0]  }
0x3fe: {  	v6 =	vld [tilespmem:s6+$0x0]  }
0x3ff: {  	v8 =	vld [tilespmem:s4+$0x10]  }
0x400: {  	v7 =	vld [tilespmem:s6+$0x40]  }
0x401: {  	v12 =	vld [tilespmem:s6+$0xFFFFFFD0]  }
0x402: {  	v9 =	vld [tilespmem:s4+$0x20]  }
0x403: {  	v11 =	vld [tilespmem:s4+$0xFFFFFFE0];
	_ =	sdelay $0x1  }
0x404: {  	v10 =	vld [tilespmem:s6+$0x20];
	v13 =	vand.u32 $0x7FFFFFFF, v8;
	v14 =	vand.u32 $0x7FFFFFFF, v4;
	v4 =	vsub.f32 v7, v4  }
0x405: {  	v15 =	vld [tilespmem:s4+$0xFFFFFFC0];
	v12 =	vsub.f32 v12, v3;
	v17 =	vtrunc.f32 v13;
	v7 =	vtrunc.f32 v14  }
0x406: {  	v16 =	vld [tilespmem:s4+$0xFFFFFFB0];
	v13 =	vand.u32 $0x7FFFFFFF, v5;
	v5 =	vsub.f32 v6, v5;
	v6 =	vand.u32 $0x7FFFFFFF, v9  }
0x407: {  	v14 =	vand.u32 $0x7FFFFFFF, v11;
	v13 =	vtrunc.f32 v13;
	v6 =	vtrunc.f32 v6  }
0x408: {  	s5 =	simm.s32 $0x0;
	v19 =	vand.u32 $0x7FFFFFFF, v3;
	v7 =	vcvt.f32.s32 v7;
	v14 =	vtrunc.f32 v14  }
0x409: {  	s7 =	sand.u32 $0x7FE0, s5;
	v9 =	vsub.f32 v10, v9;
	v18 =	vmul.f32 v4, v4;
	v3 =	vmul.f32 v12, v12  }
0x40a: {  	v21 =	vld [tilespmem:s7+$0x9D80];
	v4 =	vand.u32 $0x7FFFFFFF, v15;
	v17 =	vcvt.f32.s32 v17;
	v13 =	vcvt.f32.s32 v13  }
0x40b: {  	v10 =	vld [tilespmem:s6+$0xFFFFFFC0];
	v20 =	vmul.f32 v5, v5;
	v5 =	vand.u32 $0x7FFFFFFF, v16;
	v4 =	vtrunc.f32 v4  }
0x40c: {  	v24 =	vld [tilespmem:s6+$0x10];
	v6 =	vcvt.f32.s32 v6;
	v25 =	vcvt.f32.s32 v14;
	v7 =	vshll.u32 v7, $0x4  }
0x40d: {  	v14 =	vtrunc.f32 v19;
	v12 =	vshll.u32 v13, $0x4;
	v13 =	vld [tilespmem:s6+$0xFFFFFFE0];
	v22 =	vor.u32 v1, v7  }
0x40e: {  	v27 =	vld [tilespmem:s6+$0xFFFFFFB0];
	v4 =	vcvt.f32.s32 v4;
	v5 =	vtrunc.f32 v5  }
0x40f: {  	v14 =	vcvt.f32.s32 v14;
	v7 =	vcvt.f32.s32 v5;
	v26 =	vor.u32 v1, v12;
	v12 =	vld [tilespmem:s7+$0x80]  }
0x410: {  	v23 =	vsub.f32 v10, v15;
	v4 =	vshll.u32 v4, $0x4;
	v10 =	vshll.u32 v6, $0x4;
	v6 =	vld [tilespmem:s6+$0xFFFFFFF0]  }
0x411: {  	v5 =	vor.u32 v1, v4;
	v4 =	vshll.u32 v7, $0x4;
	v7 =	vld [tilespmem:s4+$0xFFFFFFF0];
	v10 =	vor.u32 v1, v10  }
0x412: {  	v15 =	vmul.f32 v9, v9;
	v19 =	vsub.f32 v13, v11;
	v13 =	vand.u32 $0x7FFFFFFF, v21;
	[tilespmem:v22+s30+$0x0] =	vst.idx.add.f32.msk $0xffff, v18  }
0x413: {  	v4 =	vor.u32 v1, v4;
	v11 =	vsub.f32 v24, v8;
	v8 =	vtrunc.f32 v13;
	[tilespmem:v22+s31+$0x0] =	vst.idx.add.f32.msk $0xffff, v2  }
0x414: {  	v9 =	vmul.f32 v23, v23;
	v13 =	vsub.f32 v27, v16;
	[tilespmem:v26+s30+$0x0] =	vst.idx.add.f32.msk $0xffff, v20;
	v18 =	vcvt.f32.s32 v8  }
0x415: {  	s6 =	simm.s32 $0xF0;
	v16 =	vsub.f32 v12, v21;
	v12 =	vshll.u32 v25, $0x4;
	v8 =	vmul.f32 v19, v19;
	[tilespmem:v26+s31+$0x0] =	vst.idx.add.f32.msk $0xffff, v2  }
.LBB2_24:
0x416: {  	s5 =	sadd.s32 $0xA0, s5;
	v14 =	vshll.u32 v14, $0x4;
	[tilespmem:v10+s30+$0x0] =	vst.idx.add.f32.msk $0xffff, v15;
	v15 =	vshll.u32 v18, $0x4;
	s4 =	sadd.s32 $0xA0, s4  }
0x417: {  	v16 =	vmul.f32 v16, v16;
	v18 =	vld [tilespmem:s6+$0xFFFFFFC0];
	s7 =	sand.u32 $0x7FE0, s5;
	p0 =	slt.u32 s5, $0x4D80;
	v14 =	vor.u32 v1, v14;
	v15 =	vor.u32 v1, v15  }
0x418: {  	v13 =	vmul.f32 v13, v13;
	v17 =	vshll.u32 v17, $0x4;
	[tilespmem:v10+s31+$0x0] =	vst.idx.add.f32.msk $0xffff, v2  }
0x419: {  	v10 =	vor.u32 v1, v17;
	v19 =	vld [tilespmem:s4+$0xFFFFFFB0]  }
0x41a: {  	v17 =	vld [tilespmem:s4+$0xFFFFFFC0]  }
0x41b: {  	v20 =	vld [tilespmem:s4+$0xFFFFFFD0]  }
0x41c: {  	v11 =	vmul.f32 v11, v11;
	[tilespmem:v15+s30+$0x0] =	vst.idx.add.f32.msk $0xffff, v16  }
0x41d: {  	[tilespmem:v15+s31+$0x0] =	vst.idx.add.f32.msk $0xffff, v2  }
0x41e: {  	[tilespmem:v10+s30+$0x0] =	vst.idx.add.f32.msk $0xffff, v11  }
0x41f: {  	v11 =	vld [tilespmem:s4+$0x40]  }
0x420: {  	[tilespmem:v10+s31+$0x0] =	vst.idx.add.f32.msk $0xffff, v2  }
0x421: {  	v12 =	vor.u32 v1, v12;
	v10 =	vld [tilespmem:s4+$0xFFFFFFE0]  }
0x422: {  	v16 =	vand.u32 $0x7FFFFFFF, v7;
	v15 =	vld [tilespmem:s4+$0x0]  }
0x423: {  	v16 =	vtrunc.f32 v16;
	v21 =	vld [tilespmem:s6+$0x0]  }
0x424: {  	v16 =	vcvt.f32.s32 v16;
	v22 =	vld [tilespmem:s6+$0x20]  }
0x425: {  	[tilespmem:v5+s30+$0x0] =	vst.idx.add.f32.msk $0xffff, v9  }
0x426: {  	v16 =	vshll.u32 v16, $0x4;
	v9 =	vld [tilespmem:s6+$0x40]  }
0x427: {  	v16 =	vor.u32 v1, v16;
	v23 =	vld [tilespmem:s4+$0x10]  }
0x428: {  	v6 =	vsub.f32 v6, v7;
	v24 =	vld [tilespmem:s6+$0xFFFFFFD0]  }
0x429: {  	v7 =	vld [tilespmem:s4+$0x20]  }
0x42a: {  	[tilespmem:v5+s31+$0x0] =	vst.idx.add.f32.msk $0xffff, v2;
	v5 =	vmul.f32 v6, v6  }
0x42b: {  	[tilespmem:v12+s30+$0x0] =	vst.idx.add.f32.msk $0xffff, v8  }
0x42c: {  	v8 =	vand.u32 $0x7FFFFFFF, v11;
	v9 =	vsub.f32 v9, v11;
	v6 =	vand.u32 $0x7FFFFFFF, v23;
	[tilespmem:v16+s30+$0x0] =	vst.idx.add.f32.msk $0xffff, v5  }
0x42d: {  	v5 =	vtrunc.f32 v8;
	v25 =	vtrunc.f32 v6;
	[tilespmem:v12+s31+$0x0] =	vst.idx.add.f32.msk $0xffff, v2  }
0x42e: {  	v8 =	vsub.f32 v21, v15;
	v6 =	vand.u32 $0x7FFFFFFF, v15;
	v11 =	vand.u32 $0x7FFFFFFF, v7;
	[tilespmem:v16+s31+$0x0] =	vst.idx.add.f32.msk $0xffff, v2  }
0x42f: {  	v6 =	vtrunc.f32 v6;
	v7 =	vsub.f32 v22, v7;
	v11 =	vtrunc.f32 v11;
	[tilespmem:v4+s30+$0x0] =	vst.idx.add.f32.msk $0xffff, v13  }
0x430: {  	v12 =	vand.u32 $0x7FFFFFFF, v10;
	v5 =	vcvt.f32.s32 v5;
	v6 =	vcvt.f32.s32 v6;
	[tilespmem:v14+s30+$0x0] =	vst.idx.add.f32.msk $0xffff, v3  }
0x431: {  	v9 =	vmul.f32 v9, v9;
	v12 =	vtrunc.f32 v12;
	v3 =	vsub.f32 v24, v20;
	[tilespmem:v14+s31+$0x0] =	vst.idx.add.f32.msk $0xffff, v2  }
0x432: {  	v13 =	vand.u32 $0x7FFFFFFF, v17;
	v5 =	vshll.u32 v5, $0x4;
	v14 =	vand.u32 $0x7FFFFFFF, v20;
	[tilespmem:v4+s31+$0x0] =	vst.idx.add.f32.msk $0xffff, v2  }
0x433: {  	v8 =	vmul.f32 v8, v8;
	v3 =	vmul.f32 v3, v3;
	v4 =	vshll.u32 v6, $0x4;
	v16 =	vld [tilespmem:s7+$0x9D80]  }
0x434: {  	v13 =	vtrunc.f32 v13;
	v21 =	vor.u32 v1, v5;
	v6 =	vand.u32 $0x7FFFFFFF, v19;
	v20 =	vld [tilespmem:s6+$0xFFFFFFE0]  }
0x435: {  	v11 =	vcvt.f32.s32 v11;
	v5 =	vcvt.f32.s32 v13;
	v13 =	vsub.f32 v18, v17;
	v17 =	vld [tilespmem:s6+$0x10]  }
0x436: {  	v12 =	vcvt.f32.s32 v12;
	v6 =	vtrunc.f32 v6;
	v22 =	vor.u32 v1, v4;
	v24 =	vld [tilespmem:s7+$0x80]  }
0x437: {  	v11 =	vshll.u32 v11, $0x4;
	v5 =	vshll.u32 v5, $0x4;
	v4 =	vcvt.f32.s32 v6;
	v18 =	vld [tilespmem:s6+$0xFFFFFFB0]  }
0x438: {  	v15 =	vmul.f32 v7, v7;
	v14 =	vtrunc.f32 v14;
	v5 =	vor.u32 v1, v5;
	v6 =	vld [tilespmem:s6+$0xFFFFFFF0]  }
.Ltmp11:
0x439: {  	v4 =	vshll.u32 v4, $0x4;
	v20 =	vsub.f32 v20, v10;
	v7 =	vld [tilespmem:s4+$0xFFFFFFF0];
	v10 =	vor.u32 v1, v11;
	(pc) =	sbr.rel @p0 .LBB2_24-.Ltmp11, $4  }
0x43a: {  	v14 =	vcvt.f32.s32 v14;
	v4 =	vor.u32 v1, v4;
	v26 =	vand.u32 $0x7FFFFFFF, v16;
	[tilespmem:v21+s30+$0x0] =	vst.idx.add.f32.msk $0xffff, v9  }
0x43b: {  	v9 =	vmul.f32 v13, v13;
	v11 =	vsub.f32 v17, v23;
	v17 =	vtrunc.f32 v26;
	[tilespmem:v21+s31+$0x0] =	vst.idx.add.f32.msk $0xffff, v2  }
0x43c: {  	v16 =	vsub.f32 v24, v16;
	v13 =	vsub.f32 v18, v19;
	[tilespmem:v22+s30+$0x0] =	vst.idx.add.f32.msk $0xffff, v8;
	v18 =	vcvt.f32.s32 v17  }
0x43d: {  	v12 =	vshll.u32 v12, $0x4;
	s6 =	sadd.s32 $0xA0, s6;
	v8 =	vmul.f32 v20, v20;
	v17 =	vcvt.f32.s32 v25;
	[tilespmem:v22+s31+$0x0] =	vst.idx.add.f32.msk $0xffff, v2  }
0x43e: {  	_ =	sdelay $0x2  }
0x43f: {  	v18 =	vshll.u32 v18, $0x4;
	v12 =	vor.u32 v1, v12  }
0x440: {  	[tilespmem:v10+s30+$0x0] =	vst.idx.add.f32.msk $0xffff, v15;
	v18 =	vor.u32 v1, v18  }
0x441: {  	v19 =	vand.u32 $0x7FFFFFFF, v7;
	[tilespmem:v5+s30+$0x0] =	vst.idx.add.f32.msk $0xffff, v9  }
0x442: {  	v15 =	vmul.f32 v16, v16;
	v6 =	vsub.f32 v6, v7;
	v17 =	vshll.u32 v17, $0x4;
	[tilespmem:v10+s31+$0x0] =	vst.idx.add.f32.msk $0xffff, v2  }
0x443: {  	v7 =	vshll.u32 v14, $0x4;
	v16 =	vtrunc.f32 v19;
	[tilespmem:v5+s31+$0x0] =	vst.idx.add.f32.msk $0xffff, v2;
	v17 =	vor.u32 v1, v17  }
0x444: {  	v10 =	vcvt.f32.s32 v16;
	v5 =	vmul.f32 v6, v6;
	v6 =	vor.u32 v1, v7;
	[tilespmem:v12+s30+$0x0] =	vst.idx.add.f32.msk $0xffff, v8  }
0x445: {  	[tilespmem:v18+s30+$0x0] =	vst.idx.add.f32.msk $0xffff, v15  }
0x446: {  	v11 =	vmul.f32 v11, v11;
	v10 =	vshll.u32 v10, $0x4;
	[tilespmem:v12+s31+$0x0] =	vst.idx.add.f32.msk $0xffff, v2  }
0x447: {  	v10 =	vor.u32 v1, v10;
	[tilespmem:v18+s31+$0x0] =	vst.idx.add.f32.msk $0xffff, v2  }
0x448: {  	[tilespmem:v17+s30+$0x0] =	vst.idx.add.f32.msk $0xffff, v11  }
0x449: {  	[tilespmem:v6+s30+$0x0] =	vst.idx.add.f32.msk $0xffff, v3  }
0x44a: {  	[tilespmem:v17+s31+$0x0] =	vst.idx.add.f32.msk $0xffff, v2  }
0x44b: {  	[tilespmem:v6+s31+$0x0] =	vst.idx.add.f32.msk $0xffff, v2  }
0x44c: {  	[tilespmem:v10+s30+$0x0] =	vst.idx.add.f32.msk $0xffff, v5;
	v5 =	vmul.f32 v13, v13  }
0x44d: {  	[tilespmem:v10+s31+$0x0] =	vst.idx.add.f32.msk $0xffff, v2  }
0x44e: {  	[tilespmem:v4+s30+$0x0] =	vst.idx.add.f32.msk $0xffff, v5  }
0x44f: {  	[tilespmem:v4+s31+$0x0] =	vst.idx.add.f32.msk $0xffff, v2  }
0x450: {  	s4 =	rddreg [dreg:$0x1a]  }
0x451: {  	[tilespmem:s1], [sflag:$0x1] =	stream.linear.gather [hbm4b:s4+s1], $0x4E20, $0x38;
	[tilespmem:$0x14200] =	vst v63  }
0x452: {  	s7 =	rddreg [dreg:$0x1b]  }
0x453: {  	[tilespmem:s25], [sflag:$0x1] =	stream.linear.gather [hbm4b:s7+s1], $0x4E20, $0x38;
	[tilespmem:$0x14200] =	vst v63  }
0x454: {  	_ =	swait.ge [sflag:s0], $0x4E20  }
0x455: {  	[sflag:s0] =	ssyncset.done $0x0  }
0x456: {  	[sflag:s0] =	ssyncadd.s32 $0xFFFFB1E0  }
0x457: {  	_ =	swait.ge [sflag:s0], $0x4E20  }
0x458: {  	[sflag:s0] =	ssyncset.done $0x0  }
0x459: {  	s4 =	simm.s32 $0xEBD0;
	[sflag:s0] =	ssyncadd.s32 $0xFFFFB1E0  }
0x45a: {  	v3 =	vld [tilespmem:s4+$0xFFFFFFD0]  }
0x45b: {  	v4 =	vld [tilespmem:s4+$0x40]  }
0x45c: {  	s6 =	simm.s32 $0x4ED0;
	v5 =	vld [tilespmem:s4+$0x0]  }
0x45d: {  	v6 =	vld [tilespmem:s6+$0x0]  }
0x45e: {  	v8 =	vld [tilespmem:s4+$0x10]  }
0x45f: {  	v7 =	vld [tilespmem:s6+$0x40]  }
0x460: {  	v12 =	vld [tilespmem:s6+$0xFFFFFFD0]  }
0x461: {  	v9 =	vld [tilespmem:s4+$0x20]  }
0x462: {  	v11 =	vld [tilespmem:s4+$0xFFFFFFE0];
	_ =	sdelay $0x1  }
0x463: {  	v10 =	vld [tilespmem:s6+$0x20];
	v13 =	vand.u32 $0x7FFFFFFF, v8;
	v14 =	vand.u32 $0x7FFFFFFF, v4;
	v4 =	vsub.f32 v7, v4  }
0x464: {  	v15 =	vld [tilespmem:s4+$0xFFFFFFC0];
	v12 =	vsub.f32 v12, v3;
	v17 =	vtrunc.f32 v13;
	v7 =	vtrunc.f32 v14  }
0x465: {  	v16 =	vld [tilespmem:s4+$0xFFFFFFB0];
	v13 =	vand.u32 $0x7FFFFFFF, v5;
	v5 =	vsub.f32 v6, v5;
	v6 =	vand.u32 $0x7FFFFFFF, v9  }
0x466: {  	v14 =	vand.u32 $0x7FFFFFFF, v11;
	v13 =	vtrunc.f32 v13;
	v6 =	vtrunc.f32 v6  }
0x467: {  	s5 =	simm.s32 $0x0;
	v19 =	vand.u32 $0x7FFFFFFF, v3;
	v7 =	vcvt.f32.s32 v7;
	v14 =	vtrunc.f32 v14  }
0x468: {  	s7 =	sand.u32 $0x7FE0, s5;
	v9 =	vsub.f32 v10, v9;
	v18 =	vmul.f32 v4, v4;
	v3 =	vmul.f32 v12, v12  }
0x469: {  	v21 =	vld [tilespmem:s7+$0xEC00];
	v4 =	vand.u32 $0x7FFFFFFF, v15;
	v17 =	vcvt.f32.s32 v17;
	v13 =	vcvt.f32.s32 v13  }
0x46a: {  	v10 =	vld [tilespmem:s6+$0xFFFFFFC0];
	v20 =	vmul.f32 v5, v5;
	v5 =	vand.u32 $0x7FFFFFFF, v16;
	v4 =	vtrunc.f32 v4  }
0x46b: {  	v24 =	vld [tilespmem:s6+$0x10];
	v6 =	vcvt.f32.s32 v6;
	v25 =	vcvt.f32.s32 v14;
	v7 =	vshll.u32 v7, $0x4  }
0x46c: {  	v14 =	vtrunc.f32 v19;
	v12 =	vshll.u32 v13, $0x4;
	v13 =	vld [tilespmem:s6+$0xFFFFFFE0];
	v22 =	vor.u32 v1, v7  }
0x46d: {  	v27 =	vld [tilespmem:s6+$0xFFFFFFB0];
	v4 =	vcvt.f32.s32 v4;
	v5 =	vtrunc.f32 v5  }
0x46e: {  	v14 =	vcvt.f32.s32 v14;
	v7 =	vcvt.f32.s32 v5;
	v26 =	vor.u32 v1, v12;
	v12 =	vld [tilespmem:s7+$0x4F00]  }
0x46f: {  	v23 =	vsub.f32 v10, v15;
	v4 =	vshll.u32 v4, $0x4;
	v10 =	vshll.u32 v6, $0x4;
	v6 =	vld [tilespmem:s6+$0xFFFFFFF0]  }
0x470: {  	v5 =	vor.u32 v1, v4;
	v4 =	vshll.u32 v7, $0x4;
	v7 =	vld [tilespmem:s4+$0xFFFFFFF0];
	v10 =	vor.u32 v1, v10  }
0x471: {  	v15 =	vmul.f32 v9, v9;
	v19 =	vsub.f32 v13, v11;
	v13 =	vand.u32 $0x7FFFFFFF, v21;
	[tilespmem:v22+s30+$0x0] =	vst.idx.add.f32.msk $0xffff, v18  }
0x472: {  	v4 =	vor.u32 v1, v4;
	v11 =	vsub.f32 v24, v8;
	v8 =	vtrunc.f32 v13;
	[tilespmem:v22+s31+$0x0] =	vst.idx.add.f32.msk $0xffff, v2  }
0x473: {  	v9 =	vmul.f32 v23, v23;
	v13 =	vsub.f32 v27, v16;
	[tilespmem:v26+s30+$0x0] =	vst.idx.add.f32.msk $0xffff, v20;
	v18 =	vcvt.f32.s32 v8  }
0x474: {  	s6 =	simm.s32 $0x4F70;
	v16 =	vsub.f32 v12, v21;
	v12 =	vshll.u32 v25, $0x4;
	v8 =	vmul.f32 v19, v19;
	[tilespmem:v26+s31+$0x0] =	vst.idx.add.f32.msk $0xffff, v2  }
.LBB2_26:
0x475: {  	s5 =	sadd.s32 $0xA0, s5;
	v14 =	vshll.u32 v14, $0x4;
	[tilespmem:v10+s30+$0x0] =	vst.idx.add.f32.msk $0xffff, v15;
	v15 =	vshll.u32 v18, $0x4;
	s4 =	sadd.s32 $0xA0, s4  }
0x476: {  	v16 =	vmul.f32 v16, v16;
	v18 =	vld [tilespmem:s6+$0xFFFFFFC0];
	s7 =	sand.u32 $0x7FE0, s5;
	p0 =	slt.u32 s5, $0x4D80;
	v14 =	vor.u32 v1, v14;
	v15 =	vor.u32 v1, v15  }
0x477: {  	v13 =	vmul.f32 v13, v13;
	v17 =	vshll.u32 v17, $0x4;
	[tilespmem:v10+s31+$0x0] =	vst.idx.add.f32.msk $0xffff, v2  }
0x478: {  	v10 =	vor.u32 v1, v17;
	v19 =	vld [tilespmem:s4+$0xFFFFFFB0]  }
0x479: {  	v17 =	vld [tilespmem:s4+$0xFFFFFFC0]  }
0x47a: {  	v20 =	vld [tilespmem:s4+$0xFFFFFFD0]  }
0x47b: {  	v11 =	vmul.f32 v11, v11;
	[tilespmem:v15+s30+$0x0] =	vst.idx.add.f32.msk $0xffff, v16  }
0x47c: {  	[tilespmem:v15+s31+$0x0] =	vst.idx.add.f32.msk $0xffff, v2  }
0x47d: {  	[tilespmem:v10+s30+$0x0] =	vst.idx.add.f32.msk $0xffff, v11  }
0x47e: {  	v11 =	vld [tilespmem:s4+$0x40]  }
0x47f: {  	[tilespmem:v10+s31+$0x0] =	vst.idx.add.f32.msk $0xffff, v2  }
0x480: {  	v12 =	vor.u32 v1, v12;
	v10 =	vld [tilespmem:s4+$0xFFFFFFE0]  }
0x481: {  	v16 =	vand.u32 $0x7FFFFFFF, v7;
	v15 =	vld [tilespmem:s4+$0x0]  }
0x482: {  	v16 =	vtrunc.f32 v16;
	v21 =	vld [tilespmem:s6+$0x0]  }
0x483: {  	v16 =	vcvt.f32.s32 v16;
	v22 =	vld [tilespmem:s6+$0x20]  }
0x484: {  	[tilespmem:v5+s30+$0x0] =	vst.idx.add.f32.msk $0xffff, v9  }
0x485: {  	v16 =	vshll.u32 v16, $0x4;
	v9 =	vld [tilespmem:s6+$0x40]  }
0x486: {  	v16 =	vor.u32 v1, v16;
	v23 =	vld [tilespmem:s4+$0x10]  }
0x487: {  	v6 =	vsub.f32 v6, v7;
	v24 =	vld [tilespmem:s6+$0xFFFFFFD0]  }
0x488: {  	v7 =	vld [tilespmem:s4+$0x20]  }
0x489: {  	[tilespmem:v5+s31+$0x0] =	vst.idx.add.f32.msk $0xffff, v2;
	v5 =	vmul.f32 v6, v6  }
0x48a: {  	[tilespmem:v12+s30+$0x0] =	vst.idx.add.f32.msk $0xffff, v8  }
0x48b: {  	v8 =	vand.u32 $0x7FFFFFFF, v11;
	v9 =	vsub.f32 v9, v11;
	v6 =	vand.u32 $0x7FFFFFFF, v23;
	[tilespmem:v16+s30+$0x0] =	vst.idx.add.f32.msk $0xffff, v5  }
0x48c: {  	v5 =	vtrunc.f32 v8;
	v25 =	vtrunc.f32 v6;
	[tilespmem:v12+s31+$0x0] =	vst.idx.add.f32.msk $0xffff, v2  }
0x48d: {  	v8 =	vsub.f32 v21, v15;
	v6 =	vand.u32 $0x7FFFFFFF, v15;
	v11 =	vand.u32 $0x7FFFFFFF, v7;
	[tilespmem:v16+s31+$0x0] =	vst.idx.add.f32.msk $0xffff, v2  }
0x48e: {  	v6 =	vtrunc.f32 v6;
	v7 =	vsub.f32 v22, v7;
	v11 =	vtrunc.f32 v11;
	[tilespmem:v4+s30+$0x0] =	vst.idx.add.f32.msk $0xffff, v13  }
0x48f: {  	v12 =	vand.u32 $0x7FFFFFFF, v10;
	v5 =	vcvt.f32.s32 v5;
	v6 =	vcvt.f32.s32 v6;
	[tilespmem:v14+s30+$0x0] =	vst.idx.add.f32.msk $0xffff, v3  }
0x490: {  	v9 =	vmul.f32 v9, v9;
	v12 =	vtrunc.f32 v12;
	v3 =	vsub.f32 v24, v20;
	[tilespmem:v14+s31+$0x0] =	vst.idx.add.f32.msk $0xffff, v2  }
0x491: {  	v13 =	vand.u32 $0x7FFFFFFF, v17;
	v5 =	vshll.u32 v5, $0x4;
	v14 =	vand.u32 $0x7FFFFFFF, v20;
	[tilespmem:v4+s31+$0x0] =	vst.idx.add.f32.msk $0xffff, v2  }
0x492: {  	v8 =	vmul.f32 v8, v8;
	v3 =	vmul.f32 v3, v3;
	v4 =	vshll.u32 v6, $0x4;
	v16 =	vld [tilespmem:s7+$0xEC00]  }
0x493: {  	v13 =	vtrunc.f32 v13;
	v21 =	vor.u32 v1, v5;
	v6 =	vand.u32 $0x7FFFFFFF, v19;
	v20 =	vld [tilespmem:s6+$0xFFFFFFE0]  }
0x494: {  	v11 =	vcvt.f32.s32 v11;
	v5 =	vcvt.f32.s32 v13;
	v13 =	vsub.f32 v18, v17;
	v17 =	vld [tilespmem:s6+$0x10]  }
0x495: {  	v12 =	vcvt.f32.s32 v12;
	v6 =	vtrunc.f32 v6;
	v22 =	vor.u32 v1, v4;
	v24 =	vld [tilespmem:s7+$0x4F00]  }
0x496: {  	v11 =	vshll.u32 v11, $0x4;
	v5 =	vshll.u32 v5, $0x4;
	v4 =	vcvt.f32.s32 v6;
	v18 =	vld [tilespmem:s6+$0xFFFFFFB0]  }
0x497: {  	v15 =	vmul.f32 v7, v7;
	v14 =	vtrunc.f32 v14;
	v5 =	vor.u32 v1, v5;
	v6 =	vld [tilespmem:s6+$0xFFFFFFF0]  }
.Ltmp12:
0x498: {  	v4 =	vshll.u32 v4, $0x4;
	v20 =	vsub.f32 v20, v10;
	v7 =	vld [tilespmem:s4+$0xFFFFFFF0];
	v10 =	vor.u32 v1, v11;
	(pc) =	sbr.rel @p0 .LBB2_26-.Ltmp12, $4  }
0x499: {  	v14 =	vcvt.f32.s32 v14;
	v4 =	vor.u32 v1, v4;
	v26 =	vand.u32 $0x7FFFFFFF, v16;
	[tilespmem:v21+s30+$0x0] =	vst.idx.add.f32.msk $0xffff, v9  }
0x49a: {  	v9 =	vmul.f32 v13, v13;
	v11 =	vsub.f32 v17, v23;
	v17 =	vtrunc.f32 v26;
	[tilespmem:v21+s31+$0x0] =	vst.idx.add.f32.msk $0xffff, v2  }
0x49b: {  	v16 =	vsub.f32 v24, v16;
	v13 =	vsub.f32 v18, v19;
	[tilespmem:v22+s30+$0x0] =	vst.idx.add.f32.msk $0xffff, v8;
	v18 =	vcvt.f32.s32 v17  }
0x49c: {  	v12 =	vshll.u32 v12, $0x4;
	s6 =	sadd.s32 $0xA0, s6;
	v8 =	vmul.f32 v20, v20;
	v17 =	vcvt.f32.s32 v25;
	[tilespmem:v22+s31+$0x0] =	vst.idx.add.f32.msk $0xffff, v2  }
0x49d: {  	_ =	sdelay $0x2  }
0x49e: {  	v18 =	vshll.u32 v18, $0x4;
	v12 =	vor.u32 v1, v12  }
0x49f: {  	[tilespmem:v10+s30+$0x0] =	vst.idx.add.f32.msk $0xffff, v15;
	v18 =	vor.u32 v1, v18  }
0x4a0: {  	v19 =	vand.u32 $0x7FFFFFFF, v7;
	[tilespmem:v5+s30+$0x0] =	vst.idx.add.f32.msk $0xffff, v9  }
0x4a1: {  	v15 =	vmul.f32 v16, v16;
	v6 =	vsub.f32 v6, v7;
	v17 =	vshll.u32 v17, $0x4;
	[tilespmem:v10+s31+$0x0] =	vst.idx.add.f32.msk $0xffff, v2  }
0x4a2: {  	v7 =	vshll.u32 v14, $0x4;
	v16 =	vtrunc.f32 v19;
	[tilespmem:v5+s31+$0x0] =	vst.idx.add.f32.msk $0xffff, v2;
	v17 =	vor.u32 v1, v17  }
0x4a3: {  	v10 =	vcvt.f32.s32 v16;
	v5 =	vmul.f32 v6, v6;
	v6 =	vor.u32 v1, v7;
	[tilespmem:v12+s30+$0x0] =	vst.idx.add.f32.msk $0xffff, v8  }
0x4a4: {  	[tilespmem:v18+s30+$0x0] =	vst.idx.add.f32.msk $0xffff, v15  }
0x4a5: {  	v11 =	vmul.f32 v11, v11;
	v10 =	vshll.u32 v10, $0x4;
	[tilespmem:v12+s31+$0x0] =	vst.idx.add.f32.msk $0xffff, v2  }
0x4a6: {  	v10 =	vor.u32 v1, v10;
	[tilespmem:v18+s31+$0x0] =	vst.idx.add.f32.msk $0xffff, v2  }
0x4a7: {  	[tilespmem:v17+s30+$0x0] =	vst.idx.add.f32.msk $0xffff, v11  }
0x4a8: {  	[tilespmem:v6+s30+$0x0] =	vst.idx.add.f32.msk $0xffff, v3  }
0x4a9: {  	[tilespmem:v17+s31+$0x0] =	vst.idx.add.f32.msk $0xffff, v2  }
0x4aa: {  	[tilespmem:v6+s31+$0x0] =	vst.idx.add.f32.msk $0xffff, v2  }
0x4ab: {  	[tilespmem:v10+s30+$0x0] =	vst.idx.add.f32.msk $0xffff, v5;
	v5 =	vmul.f32 v13, v13  }
0x4ac: {  	[tilespmem:v10+s31+$0x0] =	vst.idx.add.f32.msk $0xffff, v2  }
0x4ad: {  	[tilespmem:v4+s30+$0x0] =	vst.idx.add.f32.msk $0xffff, v5  }
0x4ae: {  	[tilespmem:v4+s31+$0x0] =	vst.idx.add.f32.msk $0xffff, v2  }
0x4af: {  	s4 =	rddreg [dreg:$0x1c]  }
0x4b0: {  	[tilespmem:s26], [sflag:$0x2] =	stream.linear.gather [hbm4b:s4+s1], $0x4E20, $0x38;
	[tilespmem:$0x14200] =	vst v63  }
0x4b1: {  	s7 =	rddreg [dreg:$0x1d]  }
0x4b2: {  	[tilespmem:s28], [sflag:$0x2] =	stream.linear.gather [hbm4b:s7+s1], $0x4E20, $0x38;
	[tilespmem:$0x14200] =	vst v63  }
0x4b3: {  	_ =	swait.ge [sflag:s29], $0x4E20  }
0x4b4: {  	[sflag:s29] =	ssyncset.done $0x0  }
0x4b5: {  	[sflag:s29] =	ssyncadd.s32 $0xFFFFB1E0  }
0x4b6: {  	_ =	swait.ge [sflag:s29], $0x4E20  }
0x4b7: {  	[sflag:s29] =	ssyncset.done $0x0  }
0x4b8: {  	s4 =	simm.s32 $0x9D50;
	[sflag:s29] =	ssyncadd.s32 $0xFFFFB1E0  }
0x4b9: {  	v3 =	vld [tilespmem:s4+$0xFFFFFFD0]  }
0x4ba: {  	v4 =	vld [tilespmem:s4+$0x40]  }
0x4bb: {  	s6 =	simm.s32 $0x50;
	v5 =	vld [tilespmem:s4+$0x0]  }
0x4bc: {  	v6 =	vld [tilespmem:s6+$0x0]  }
0x4bd: {  	v8 =	vld [tilespmem:s4+$0x10]  }
0x4be: {  	v7 =	vld [tilespmem:s6+$0x40]  }
0x4bf: {  	v12 =	vld [tilespmem:s6+$0xFFFFFFD0]  }
0x4c0: {  	v9 =	vld [tilespmem:s4+$0x20]  }
0x4c1: {  	v11 =	vld [tilespmem:s4+$0xFFFFFFE0];
	_ =	sdelay $0x1  }
0x4c2: {  	v10 =	vld [tilespmem:s6+$0x20];
	v13 =	vand.u32 $0x7FFFFFFF, v8;
	v14 =	vand.u32 $0x7FFFFFFF, v4;
	v4 =	vsub.f32 v7, v4  }
0x4c3: {  	v15 =	vld [tilespmem:s4+$0xFFFFFFC0];
	v12 =	vsub.f32 v12, v3;
	v17 =	vtrunc.f32 v13;
	v7 =	vtrunc.f32 v14  }
0x4c4: {  	v16 =	vld [tilespmem:s4+$0xFFFFFFB0];
	v13 =	vand.u32 $0x7FFFFFFF, v5;
	v5 =	vsub.f32 v6, v5;
	v6 =	vand.u32 $0x7FFFFFFF, v9  }
0x4c5: {  	v14 =	vand.u32 $0x7FFFFFFF, v11;
	v13 =	vtrunc.f32 v13;
	v6 =	vtrunc.f32 v6  }
0x4c6: {  	s5 =	simm.s32 $0x0;
	v19 =	vand.u32 $0x7FFFFFFF, v3;
	v7 =	vcvt.f32.s32 v7;
	v14 =	vtrunc.f32 v14  }
0x4c7: {  	s7 =	sand.u32 $0x7FE0, s5;
	v9 =	vsub.f32 v10, v9;
	v18 =	vmul.f32 v4, v4;
	v3 =	vmul.f32 v12, v12  }
0x4c8: {  	v21 =	vld [tilespmem:s7+$0x9D80];
	v4 =	vand.u32 $0x7FFFFFFF, v15;
	v17 =	vcvt.f32.s32 v17;
	v13 =	vcvt.f32.s32 v13  }
0x4c9: {  	v10 =	vld [tilespmem:s6+$0xFFFFFFC0];
	v20 =	vmul.f32 v5, v5;
	v5 =	vand.u32 $0x7FFFFFFF, v16;
	v4 =	vtrunc.f32 v4  }
0x4ca: {  	v24 =	vld [tilespmem:s6+$0x10];
	v6 =	vcvt.f32.s32 v6;
	v25 =	vcvt.f32.s32 v14;
	v7 =	vshll.u32 v7, $0x4  }
0x4cb: {  	v14 =	vtrunc.f32 v19;
	v12 =	vshll.u32 v13, $0x4;
	v13 =	vld [tilespmem:s6+$0xFFFFFFE0];
	v22 =	vor.u32 v1, v7  }
0x4cc: {  	v27 =	vld [tilespmem:s6+$0xFFFFFFB0];
	v4 =	vcvt.f32.s32 v4;
	v5 =	vtrunc.f32 v5  }
0x4cd: {  	v14 =	vcvt.f32.s32 v14;
	v7 =	vcvt.f32.s32 v5;
	v26 =	vor.u32 v1, v12;
	v12 =	vld [tilespmem:s7+$0x80]  }
0x4ce: {  	v23 =	vsub.f32 v10, v15;
	v4 =	vshll.u32 v4, $0x4;
	v10 =	vshll.u32 v6, $0x4;
	v6 =	vld [tilespmem:s6+$0xFFFFFFF0]  }
0x4cf: {  	v5 =	vor.u32 v1, v4;
	v4 =	vshll.u32 v7, $0x4;
	v7 =	vld [tilespmem:s4+$0xFFFFFFF0];
	v10 =	vor.u32 v1, v10  }
0x4d0: {  	v15 =	vmul.f32 v9, v9;
	v19 =	vsub.f32 v13, v11;
	v13 =	vand.u32 $0x7FFFFFFF, v21;
	[tilespmem:v22+s30+$0x0] =	vst.idx.add.f32.msk $0xffff, v18  }
0x4d1: {  	v4 =	vor.u32 v1, v4;
	v11 =	vsub.f32 v24, v8;
	v8 =	vtrunc.f32 v13;
	[tilespmem:v22+s31+$0x0] =	vst.idx.add.f32.msk $0xffff, v2  }
0x4d2: {  	v9 =	vmul.f32 v23, v23;
	v13 =	vsub.f32 v27, v16;
	[tilespmem:v26+s30+$0x0] =	vst.idx.add.f32.msk $0xffff, v20;
	v18 =	vcvt.f32.s32 v8  }
0x4d3: {  	s6 =	simm.s32 $0xF0;
	v16 =	vsub.f32 v12, v21;
	v12 =	vshll.u32 v25, $0x4;
	v8 =	vmul.f32 v19, v19;
	[tilespmem:v26+s31+$0x0] =	vst.idx.add.f32.msk $0xffff, v2  }
.LBB2_28:
0x4d4: {  	s5 =	sadd.s32 $0xA0, s5;
	v14 =	vshll.u32 v14, $0x4;
	[tilespmem:v10+s30+$0x0] =	vst.idx.add.f32.msk $0xffff, v15;
	v15 =	vshll.u32 v18, $0x4;
	s4 =	sadd.s32 $0xA0, s4  }
0x4d5: {  	v16 =	vmul.f32 v16, v16;
	v18 =	vld [tilespmem:s6+$0xFFFFFFC0];
	s7 =	sand.u32 $0x7FE0, s5;
	p0 =	slt.u32 s5, $0x4D80;
	v14 =	vor.u32 v1, v14;
	v15 =	vor.u32 v1, v15  }
0x4d6: {  	v13 =	vmul.f32 v13, v13;
	v17 =	vshll.u32 v17, $0x4;
	[tilespmem:v10+s31+$0x0] =	vst.idx.add.f32.msk $0xffff, v2  }
0x4d7: {  	v10 =	vor.u32 v1, v17;
	v19 =	vld [tilespmem:s4+$0xFFFFFFB0]  }
0x4d8: {  	v17 =	vld [tilespmem:s4+$0xFFFFFFC0]  }
0x4d9: {  	v20 =	vld [tilespmem:s4+$0xFFFFFFD0]  }
0x4da: {  	v11 =	vmul.f32 v11, v11;
	[tilespmem:v15+s30+$0x0] =	vst.idx.add.f32.msk $0xffff, v16  }
0x4db: {  	[tilespmem:v15+s31+$0x0] =	vst.idx.add.f32.msk $0xffff, v2  }
0x4dc: {  	[tilespmem:v10+s30+$0x0] =	vst.idx.add.f32.msk $0xffff, v11  }
0x4dd: {  	v11 =	vld [tilespmem:s4+$0x40]  }
0x4de: {  	[tilespmem:v10+s31+$0x0] =	vst.idx.add.f32.msk $0xffff, v2  }
0x4df: {  	v12 =	vor.u32 v1, v12;
	v10 =	vld [tilespmem:s4+$0xFFFFFFE0]  }
0x4e0: {  	v16 =	vand.u32 $0x7FFFFFFF, v7;
	v15 =	vld [tilespmem:s4+$0x0]  }
0x4e1: {  	v16 =	vtrunc.f32 v16;
	v21 =	vld [tilespmem:s6+$0x0]  }
0x4e2: {  	v16 =	vcvt.f32.s32 v16;
	v22 =	vld [tilespmem:s6+$0x20]  }
0x4e3: {  	[tilespmem:v5+s30+$0x0] =	vst.idx.add.f32.msk $0xffff, v9  }
0x4e4: {  	v16 =	vshll.u32 v16, $0x4;
	v9 =	vld [tilespmem:s6+$0x40]  }
0x4e5: {  	v16 =	vor.u32 v1, v16;
	v23 =	vld [tilespmem:s4+$0x10]  }
0x4e6: {  	v6 =	vsub.f32 v6, v7;
	v24 =	vld [tilespmem:s6+$0xFFFFFFD0]  }
0x4e7: {  	v7 =	vld [tilespmem:s4+$0x20]  }
0x4e8: {  	[tilespmem:v5+s31+$0x0] =	vst.idx.add.f32.msk $0xffff, v2;
	v5 =	vmul.f32 v6, v6  }
0x4e9: {  	[tilespmem:v12+s30+$0x0] =	vst.idx.add.f32.msk $0xffff, v8  }
0x4ea: {  	v8 =	vand.u32 $0x7FFFFFFF, v11;
	v9 =	vsub.f32 v9, v11;
	v6 =	vand.u32 $0x7FFFFFFF, v23;
	[tilespmem:v16+s30+$0x0] =	vst.idx.add.f32.msk $0xffff, v5  }
0x4eb: {  	v5 =	vtrunc.f32 v8;
	v25 =	vtrunc.f32 v6;
	[tilespmem:v12+s31+$0x0] =	vst.idx.add.f32.msk $0xffff, v2  }
0x4ec: {  	v8 =	vsub.f32 v21, v15;
	v6 =	vand.u32 $0x7FFFFFFF, v15;
	v11 =	vand.u32 $0x7FFFFFFF, v7;
	[tilespmem:v16+s31+$0x0] =	vst.idx.add.f32.msk $0xffff, v2  }
0x4ed: {  	v6 =	vtrunc.f32 v6;
	v7 =	vsub.f32 v22, v7;
	v11 =	vtrunc.f32 v11;
	[tilespmem:v4+s30+$0x0] =	vst.idx.add.f32.msk $0xffff, v13  }
0x4ee: {  	v12 =	vand.u32 $0x7FFFFFFF, v10;
	v5 =	vcvt.f32.s32 v5;
	v6 =	vcvt.f32.s32 v6;
	[tilespmem:v14+s30+$0x0] =	vst.idx.add.f32.msk $0xffff, v3  }
0x4ef: {  	v9 =	vmul.f32 v9, v9;
	v12 =	vtrunc.f32 v12;
	v3 =	vsub.f32 v24, v20;
	[tilespmem:v14+s31+$0x0] =	vst.idx.add.f32.msk $0xffff, v2  }
0x4f0: {  	v13 =	vand.u32 $0x7FFFFFFF, v17;
	v5 =	vshll.u32 v5, $0x4;
	v14 =	vand.u32 $0x7FFFFFFF, v20;
	[tilespmem:v4+s31+$0x0] =	vst.idx.add.f32.msk $0xffff, v2  }
0x4f1: {  	v8 =	vmul.f32 v8, v8;
	v3 =	vmul.f32 v3, v3;
	v4 =	vshll.u32 v6, $0x4;
	v16 =	vld [tilespmem:s7+$0x9D80]  }
0x4f2: {  	v13 =	vtrunc.f32 v13;
	v21 =	vor.u32 v1, v5;
	v6 =	vand.u32 $0x7FFFFFFF, v19;
	v20 =	vld [tilespmem:s6+$0xFFFFFFE0]  }
0x4f3: {  	v11 =	vcvt.f32.s32 v11;
	v5 =	vcvt.f32.s32 v13;
	v13 =	vsub.f32 v18, v17;
	v17 =	vld [tilespmem:s6+$0x10]  }
0x4f4: {  	v12 =	vcvt.f32.s32 v12;
	v6 =	vtrunc.f32 v6;
	v22 =	vor.u32 v1, v4;
	v24 =	vld [tilespmem:s7+$0x80]  }
0x4f5: {  	v11 =	vshll.u32 v11, $0x4;
	v5 =	vshll.u32 v5, $0x4;
	v4 =	vcvt.f32.s32 v6;
	v18 =	vld [tilespmem:s6+$0xFFFFFFB0]  }
0x4f6: {  	v15 =	vmul.f32 v7, v7;
	v14 =	vtrunc.f32 v14;
	v5 =	vor.u32 v1, v5;
	v6 =	vld [tilespmem:s6+$0xFFFFFFF0]  }
.Ltmp13:
0x4f7: {  	v4 =	vshll.u32 v4, $0x4;
	v20 =	vsub.f32 v20, v10;
	v7 =	vld [tilespmem:s4+$0xFFFFFFF0];
	v10 =	vor.u32 v1, v11;
	(pc) =	sbr.rel @p0 .LBB2_28-.Ltmp13, $4  }
0x4f8: {  	v14 =	vcvt.f32.s32 v14;
	v4 =	vor.u32 v1, v4;
	v26 =	vand.u32 $0x7FFFFFFF, v16;
	[tilespmem:v21+s30+$0x0] =	vst.idx.add.f32.msk $0xffff, v9  }
0x4f9: {  	v9 =	vmul.f32 v13, v13;
	v11 =	vsub.f32 v17, v23;
	v17 =	vtrunc.f32 v26;
	[tilespmem:v21+s31+$0x0] =	vst.idx.add.f32.msk $0xffff, v2  }
0x4fa: {  	v16 =	vsub.f32 v24, v16;
	v13 =	vsub.f32 v18, v19;
	[tilespmem:v22+s30+$0x0] =	vst.idx.add.f32.msk $0xffff, v8;
	v18 =	vcvt.f32.s32 v17  }
0x4fb: {  	v12 =	vshll.u32 v12, $0x4;
	s6 =	sadd.s32 $0xA0, s6;
	v8 =	vmul.f32 v20, v20;
	v17 =	vcvt.f32.s32 v25;
	[tilespmem:v22+s31+$0x0] =	vst.idx.add.f32.msk $0xffff, v2  }
0x4fc: {  	_ =	sdelay $0x2  }
0x4fd: {  	v18 =	vshll.u32 v18, $0x4;
	v12 =	vor.u32 v1, v12  }
0x4fe: {  	[tilespmem:v10+s30+$0x0] =	vst.idx.add.f32.msk $0xffff, v15;
	v18 =	vor.u32 v1, v18  }
0x4ff: {  	v19 =	vand.u32 $0x7FFFFFFF, v7;
	[tilespmem:v5+s30+$0x0] =	vst.idx.add.f32.msk $0xffff, v9  }
0x500: {  	v15 =	vmul.f32 v16, v16;
	v6 =	vsub.f32 v6, v7;
	v17 =	vshll.u32 v17, $0x4;
	[tilespmem:v10+s31+$0x0] =	vst.idx.add.f32.msk $0xffff, v2  }
0x501: {  	v7 =	vshll.u32 v14, $0x4;
	v16 =	vtrunc.f32 v19;
	[tilespmem:v5+s31+$0x0] =	vst.idx.add.f32.msk $0xffff, v2;
	v17 =	vor.u32 v1, v17  }
0x502: {  	v10 =	vcvt.f32.s32 v16;
	v5 =	vmul.f32 v6, v6;
	v6 =	vor.u32 v1, v7;
	[tilespmem:v12+s30+$0x0] =	vst.idx.add.f32.msk $0xffff, v8  }
0x503: {  	[tilespmem:v18+s30+$0x0] =	vst.idx.add.f32.msk $0xffff, v15  }
0x504: {  	v11 =	vmul.f32 v11, v11;
	v10 =	vshll.u32 v10, $0x4;
	[tilespmem:v12+s31+$0x0] =	vst.idx.add.f32.msk $0xffff, v2  }
0x505: {  	v10 =	vor.u32 v1, v10;
	[tilespmem:v18+s31+$0x0] =	vst.idx.add.f32.msk $0xffff, v2  }
0x506: {  	[tilespmem:v17+s30+$0x0] =	vst.idx.add.f32.msk $0xffff, v11  }
0x507: {  	[tilespmem:v6+s30+$0x0] =	vst.idx.add.f32.msk $0xffff, v3  }
0x508: {  	[tilespmem:v17+s31+$0x0] =	vst.idx.add.f32.msk $0xffff, v2  }
0x509: {  	[tilespmem:v6+s31+$0x0] =	vst.idx.add.f32.msk $0xffff, v2  }
0x50a: {  	[tilespmem:v10+s30+$0x0] =	vst.idx.add.f32.msk $0xffff, v5;
	v5 =	vmul.f32 v13, v13  }
0x50b: {  	[tilespmem:v10+s31+$0x0] =	vst.idx.add.f32.msk $0xffff, v2  }
0x50c: {  	[tilespmem:v4+s30+$0x0] =	vst.idx.add.f32.msk $0xffff, v5  }
0x50d: {  	[tilespmem:v4+s31+$0x0] =	vst.idx.add.f32.msk $0xffff, v2  }
0x50e: {  	s4 =	rddreg [dreg:$0x1e]  }
0x50f: {  	[tilespmem:s1], [sflag:$0x1] =	stream.linear.gather [hbm4b:s4+s1], $0x4E20, $0x38;
	[tilespmem:$0x14200] =	vst v63  }
0x510: {  	s7 =	rddreg [dreg:$0x1f]  }
0x511: {  	[tilespmem:s25], [sflag:$0x1] =	stream.linear.gather [hbm4b:s7+s1], $0x4E20, $0x38;
	[tilespmem:$0x14200] =	vst v63  }
0x512: {  	_ =	swait.ge [sflag:s0], $0x4E20  }
0x513: {  	[sflag:s0] =	ssyncset.done $0x0  }
0x514: {  	[sflag:s0] =	ssyncadd.s32 $0xFFFFB1E0  }
0x515: {  	_ =	swait.ge [sflag:s0], $0x4E20  }
0x516: {  	[sflag:s0] =	ssyncset.done $0x0  }
0x517: {  	s4 =	simm.s32 $0xEBD0;
	[sflag:s0] =	ssyncadd.s32 $0xFFFFB1E0  }
0x518: {  	v3 =	vld [tilespmem:s4+$0xFFFFFFD0]  }
0x519: {  	v4 =	vld [tilespmem:s4+$0x40]  }
0x51a: {  	s6 =	simm.s32 $0x4ED0;
	v5 =	vld [tilespmem:s4+$0x0]  }
0x51b: {  	v6 =	vld [tilespmem:s6+$0x0]  }
0x51c: {  	v8 =	vld [tilespmem:s4+$0x10]  }
0x51d: {  	v7 =	vld [tilespmem:s6+$0x40]  }
0x51e: {  	v12 =	vld [tilespmem:s6+$0xFFFFFFD0]  }
0x51f: {  	v9 =	vld [tilespmem:s4+$0x20]  }
0x520: {  	v11 =	vld [tilespmem:s4+$0xFFFFFFE0];
	_ =	sdelay $0x1  }
0x521: {  	v10 =	vld [tilespmem:s6+$0x20];
	v13 =	vand.u32 $0x7FFFFFFF, v8;
	v14 =	vand.u32 $0x7FFFFFFF, v4;
	v4 =	vsub.f32 v7, v4  }
0x522: {  	v15 =	vld [tilespmem:s4+$0xFFFFFFC0];
	v12 =	vsub.f32 v12, v3;
	v17 =	vtrunc.f32 v13;
	v7 =	vtrunc.f32 v14  }
0x523: {  	v16 =	vld [tilespmem:s4+$0xFFFFFFB0];
	v13 =	vand.u32 $0x7FFFFFFF, v5;
	v5 =	vsub.f32 v6, v5;
	v6 =	vand.u32 $0x7FFFFFFF, v9  }
0x524: {  	v14 =	vand.u32 $0x7FFFFFFF, v11;
	v13 =	vtrunc.f32 v13;
	v6 =	vtrunc.f32 v6  }
0x525: {  	s5 =	simm.s32 $0x0;
	v19 =	vand.u32 $0x7FFFFFFF, v3;
	v7 =	vcvt.f32.s32 v7;
	v14 =	vtrunc.f32 v14  }
0x526: {  	s7 =	sand.u32 $0x7FE0, s5;
	v9 =	vsub.f32 v10, v9;
	v18 =	vmul.f32 v4, v4;
	v3 =	vmul.f32 v12, v12  }
0x527: {  	v21 =	vld [tilespmem:s7+$0xEC00];
	v4 =	vand.u32 $0x7FFFFFFF, v15;
	v17 =	vcvt.f32.s32 v17;
	v13 =	vcvt.f32.s32 v13  }
0x528: {  	v10 =	vld [tilespmem:s6+$0xFFFFFFC0];
	v20 =	vmul.f32 v5, v5;
	v5 =	vand.u32 $0x7FFFFFFF, v16;
	v4 =	vtrunc.f32 v4  }
0x529: {  	v24 =	vld [tilespmem:s6+$0x10];
	v6 =	vcvt.f32.s32 v6;
	v25 =	vcvt.f32.s32 v14;
	v7 =	vshll.u32 v7, $0x4  }
0x52a: {  	v14 =	vtrunc.f32 v19;
	v12 =	vshll.u32 v13, $0x4;
	v13 =	vld [tilespmem:s6+$0xFFFFFFE0];
	v22 =	vor.u32 v1, v7  }
0x52b: {  	v27 =	vld [tilespmem:s6+$0xFFFFFFB0];
	v4 =	vcvt.f32.s32 v4;
	v5 =	vtrunc.f32 v5  }
0x52c: {  	v14 =	vcvt.f32.s32 v14;
	v7 =	vcvt.f32.s32 v5;
	v26 =	vor.u32 v1, v12;
	v12 =	vld [tilespmem:s7+$0x4F00]  }
0x52d: {  	v23 =	vsub.f32 v10, v15;
	v4 =	vshll.u32 v4, $0x4;
	v10 =	vshll.u32 v6, $0x4;
	v6 =	vld [tilespmem:s6+$0xFFFFFFF0]  }
0x52e: {  	v5 =	vor.u32 v1, v4;
	v4 =	vshll.u32 v7, $0x4;
	v7 =	vld [tilespmem:s4+$0xFFFFFFF0];
	v10 =	vor.u32 v1, v10  }
0x52f: {  	v15 =	vmul.f32 v9, v9;
	v19 =	vsub.f32 v13, v11;
	v13 =	vand.u32 $0x7FFFFFFF, v21;
	[tilespmem:v22+s30+$0x0] =	vst.idx.add.f32.msk $0xffff, v18  }
0x530: {  	v4 =	vor.u32 v1, v4;
	v11 =	vsub.f32 v24, v8;
	v8 =	vtrunc.f32 v13;
	[tilespmem:v22+s31+$0x0] =	vst.idx.add.f32.msk $0xffff, v2  }
0x531: {  	v9 =	vmul.f32 v23, v23;
	v13 =	vsub.f32 v27, v16;
	[tilespmem:v26+s30+$0x0] =	vst.idx.add.f32.msk $0xffff, v20;
	v18 =	vcvt.f32.s32 v8  }
0x532: {  	s6 =	simm.s32 $0x4F70;
	v16 =	vsub.f32 v12, v21;
	v12 =	vshll.u32 v25, $0x4;
	v8 =	vmul.f32 v19, v19;
	[tilespmem:v26+s31+$0x0] =	vst.idx.add.f32.msk $0xffff, v2  }
.LBB2_30:
0x533: {  	s5 =	sadd.s32 $0xA0, s5;
	v14 =	vshll.u32 v14, $0x4;
	[tilespmem:v10+s30+$0x0] =	vst.idx.add.f32.msk $0xffff, v15;
	v15 =	vshll.u32 v18, $0x4;
	s4 =	sadd.s32 $0xA0, s4  }
0x534: {  	v16 =	vmul.f32 v16, v16;
	v18 =	vld [tilespmem:s6+$0xFFFFFFC0];
	s7 =	sand.u32 $0x7FE0, s5;
	p0 =	slt.u32 s5, $0x4D80;
	v14 =	vor.u32 v1, v14;
	v15 =	vor.u32 v1, v15  }
0x535: {  	v13 =	vmul.f32 v13, v13;
	v17 =	vshll.u32 v17, $0x4;
	[tilespmem:v10+s31+$0x0] =	vst.idx.add.f32.msk $0xffff, v2  }
0x536: {  	v10 =	vor.u32 v1, v17;
	v19 =	vld [tilespmem:s4+$0xFFFFFFB0]  }
0x537: {  	v17 =	vld [tilespmem:s4+$0xFFFFFFC0]  }
0x538: {  	v20 =	vld [tilespmem:s4+$0xFFFFFFD0]  }
0x539: {  	v11 =	vmul.f32 v11, v11;
	[tilespmem:v15+s30+$0x0] =	vst.idx.add.f32.msk $0xffff, v16  }
0x53a: {  	[tilespmem:v15+s31+$0x0] =	vst.idx.add.f32.msk $0xffff, v2  }
0x53b: {  	[tilespmem:v10+s30+$0x0] =	vst.idx.add.f32.msk $0xffff, v11  }
0x53c: {  	v11 =	vld [tilespmem:s4+$0x40]  }
0x53d: {  	[tilespmem:v10+s31+$0x0] =	vst.idx.add.f32.msk $0xffff, v2  }
0x53e: {  	v12 =	vor.u32 v1, v12;
	v10 =	vld [tilespmem:s4+$0xFFFFFFE0]  }
0x53f: {  	v16 =	vand.u32 $0x7FFFFFFF, v7;
	v15 =	vld [tilespmem:s4+$0x0]  }
0x540: {  	v16 =	vtrunc.f32 v16;
	v21 =	vld [tilespmem:s6+$0x0]  }
0x541: {  	v16 =	vcvt.f32.s32 v16;
	v22 =	vld [tilespmem:s6+$0x20]  }
0x542: {  	[tilespmem:v5+s30+$0x0] =	vst.idx.add.f32.msk $0xffff, v9  }
0x543: {  	v16 =	vshll.u32 v16, $0x4;
	v9 =	vld [tilespmem:s6+$0x40]  }
0x544: {  	v16 =	vor.u32 v1, v16;
	v23 =	vld [tilespmem:s4+$0x10]  }
0x545: {  	v6 =	vsub.f32 v6, v7;
	v24 =	vld [tilespmem:s6+$0xFFFFFFD0]  }
0x546: {  	v7 =	vld [tilespmem:s4+$0x20]  }
0x547: {  	[tilespmem:v5+s31+$0x0] =	vst.idx.add.f32.msk $0xffff, v2;
	v5 =	vmul.f32 v6, v6  }
0x548: {  	[tilespmem:v12+s30+$0x0] =	vst.idx.add.f32.msk $0xffff, v8  }
0x549: {  	v8 =	vand.u32 $0x7FFFFFFF, v11;
	v9 =	vsub.f32 v9, v11;
	v6 =	vand.u32 $0x7FFFFFFF, v23;
	[tilespmem:v16+s30+$0x0] =	vst.idx.add.f32.msk $0xffff, v5  }
0x54a: {  	v5 =	vtrunc.f32 v8;
	v25 =	vtrunc.f32 v6;
	[tilespmem:v12+s31+$0x0] =	vst.idx.add.f32.msk $0xffff, v2  }
0x54b: {  	v8 =	vsub.f32 v21, v15;
	v6 =	vand.u32 $0x7FFFFFFF, v15;
	v11 =	vand.u32 $0x7FFFFFFF, v7;
	[tilespmem:v16+s31+$0x0] =	vst.idx.add.f32.msk $0xffff, v2  }
0x54c: {  	v6 =	vtrunc.f32 v6;
	v7 =	vsub.f32 v22, v7;
	v11 =	vtrunc.f32 v11;
	[tilespmem:v4+s30+$0x0] =	vst.idx.add.f32.msk $0xffff, v13  }
0x54d: {  	v12 =	vand.u32 $0x7FFFFFFF, v10;
	v5 =	vcvt.f32.s32 v5;
	v6 =	vcvt.f32.s32 v6;
	[tilespmem:v14+s30+$0x0] =	vst.idx.add.f32.msk $0xffff, v3  }
0x54e: {  	v9 =	vmul.f32 v9, v9;
	v12 =	vtrunc.f32 v12;
	v3 =	vsub.f32 v24, v20;
	[tilespmem:v14+s31+$0x0] =	vst.idx.add.f32.msk $0xffff, v2  }
0x54f: {  	v13 =	vand.u32 $0x7FFFFFFF, v17;
	v5 =	vshll.u32 v5, $0x4;
	v14 =	vand.u32 $0x7FFFFFFF, v20;
	[tilespmem:v4+s31+$0x0] =	vst.idx.add.f32.msk $0xffff, v2  }
0x550: {  	v8 =	vmul.f32 v8, v8;
	v3 =	vmul.f32 v3, v3;
	v4 =	vshll.u32 v6, $0x4;
	v16 =	vld [tilespmem:s7+$0xEC00]  }
0x551: {  	v13 =	vtrunc.f32 v13;
	v21 =	vor.u32 v1, v5;
	v6 =	vand.u32 $0x7FFFFFFF, v19;
	v20 =	vld [tilespmem:s6+$0xFFFFFFE0]  }
0x552: {  	v11 =	vcvt.f32.s32 v11;
	v5 =	vcvt.f32.s32 v13;
	v13 =	vsub.f32 v18, v17;
	v17 =	vld [tilespmem:s6+$0x10]  }
0x553: {  	v12 =	vcvt.f32.s32 v12;
	v6 =	vtrunc.f32 v6;
	v22 =	vor.u32 v1, v4;
	v24 =	vld [tilespmem:s7+$0x4F00]  }
0x554: {  	v11 =	vshll.u32 v11, $0x4;
	v5 =	vshll.u32 v5, $0x4;
	v4 =	vcvt.f32.s32 v6;
	v18 =	vld [tilespmem:s6+$0xFFFFFFB0]  }
0x555: {  	v15 =	vmul.f32 v7, v7;
	v14 =	vtrunc.f32 v14;
	v5 =	vor.u32 v1, v5;
	v6 =	vld [tilespmem:s6+$0xFFFFFFF0]  }
.Ltmp14:
0x556: {  	v4 =	vshll.u32 v4, $0x4;
	v20 =	vsub.f32 v20, v10;
	v7 =	vld [tilespmem:s4+$0xFFFFFFF0];
	v10 =	vor.u32 v1, v11;
	(pc) =	sbr.rel @p0 .LBB2_30-.Ltmp14, $4  }
0x557: {  	v14 =	vcvt.f32.s32 v14;
	v4 =	vor.u32 v1, v4;
	v26 =	vand.u32 $0x7FFFFFFF, v16;
	[tilespmem:v21+s30+$0x0] =	vst.idx.add.f32.msk $0xffff, v9  }
0x558: {  	v9 =	vmul.f32 v13, v13;
	v11 =	vsub.f32 v17, v23;
	v17 =	vtrunc.f32 v26;
	[tilespmem:v21+s31+$0x0] =	vst.idx.add.f32.msk $0xffff, v2  }
0x559: {  	v16 =	vsub.f32 v24, v16;
	v13 =	vsub.f32 v18, v19;
	[tilespmem:v22+s30+$0x0] =	vst.idx.add.f32.msk $0xffff, v8;
	v18 =	vcvt.f32.s32 v17  }
0x55a: {  	v12 =	vshll.u32 v12, $0x4;
	s6 =	sadd.s32 $0xA0, s6;
	v8 =	vmul.f32 v20, v20;
	v17 =	vcvt.f32.s32 v25;
	[tilespmem:v22+s31+$0x0] =	vst.idx.add.f32.msk $0xffff, v2  }
0x55b: {  	_ =	sdelay $0x2  }
0x55c: {  	v18 =	vshll.u32 v18, $0x4;
	v12 =	vor.u32 v1, v12  }
0x55d: {  	[tilespmem:v10+s30+$0x0] =	vst.idx.add.f32.msk $0xffff, v15;
	v18 =	vor.u32 v1, v18  }
0x55e: {  	v19 =	vand.u32 $0x7FFFFFFF, v7;
	[tilespmem:v5+s30+$0x0] =	vst.idx.add.f32.msk $0xffff, v9  }
0x55f: {  	v15 =	vmul.f32 v16, v16;
	v6 =	vsub.f32 v6, v7;
	v17 =	vshll.u32 v17, $0x4;
	[tilespmem:v10+s31+$0x0] =	vst.idx.add.f32.msk $0xffff, v2  }
0x560: {  	v7 =	vshll.u32 v14, $0x4;
	v16 =	vtrunc.f32 v19;
	[tilespmem:v5+s31+$0x0] =	vst.idx.add.f32.msk $0xffff, v2;
	v17 =	vor.u32 v1, v17  }
0x561: {  	v10 =	vcvt.f32.s32 v16;
	v5 =	vmul.f32 v6, v6;
	v6 =	vor.u32 v1, v7;
	[tilespmem:v12+s30+$0x0] =	vst.idx.add.f32.msk $0xffff, v8  }
0x562: {  	[tilespmem:v18+s30+$0x0] =	vst.idx.add.f32.msk $0xffff, v15  }
0x563: {  	v11 =	vmul.f32 v11, v11;
	v10 =	vshll.u32 v10, $0x4;
	[tilespmem:v12+s31+$0x0] =	vst.idx.add.f32.msk $0xffff, v2  }
0x564: {  	v10 =	vor.u32 v1, v10;
	[tilespmem:v18+s31+$0x0] =	vst.idx.add.f32.msk $0xffff, v2  }
0x565: {  	[tilespmem:v17+s30+$0x0] =	vst.idx.add.f32.msk $0xffff, v11  }
0x566: {  	[tilespmem:v6+s30+$0x0] =	vst.idx.add.f32.msk $0xffff, v3  }
0x567: {  	[tilespmem:v17+s31+$0x0] =	vst.idx.add.f32.msk $0xffff, v2  }
0x568: {  	[tilespmem:v6+s31+$0x0] =	vst.idx.add.f32.msk $0xffff, v2  }
0x569: {  	[tilespmem:v10+s30+$0x0] =	vst.idx.add.f32.msk $0xffff, v5;
	v5 =	vmul.f32 v13, v13  }
0x56a: {  	[tilespmem:v10+s31+$0x0] =	vst.idx.add.f32.msk $0xffff, v2  }
0x56b: {  	[tilespmem:v4+s30+$0x0] =	vst.idx.add.f32.msk $0xffff, v5  }
0x56c: {  	[tilespmem:v4+s31+$0x0] =	vst.idx.add.f32.msk $0xffff, v2  }
0x56d: {  	s4 =	sld [smem:$0x7F6];
	_ =	sdelay $0x1  }
0x56e: {  	s7 =	sld [smem:$0x7F7]  }
0x56f: {  	[tilespmem:s26], [sflag:$0x2] =	stream.linear.gather [hbm4b:s4+s1], $0x4E20, $0x38;
	[tilespmem:$0x14200] =	vst v63  }
0x570: {  	_ = 	snop  }
0x571: {  	[tilespmem:s28], [sflag:$0x2] =	stream.linear.gather [hbm4b:s7+s1], $0x4E20, $0x38;
	[tilespmem:$0x14200] =	vst v63  }
0x572: {  	_ =	swait.ge [sflag:s29], $0x4E20  }
0x573: {  	[sflag:s29] =	ssyncset.done $0x0  }
0x574: {  	[sflag:s29] =	ssyncadd.s32 $0xFFFFB1E0  }
0x575: {  	_ =	swait.ge [sflag:s29], $0x4E20  }
0x576: {  	[sflag:s29] =	ssyncset.done $0x0  }
0x577: {  	s4 =	simm.s32 $0x9D50;
	[sflag:s29] =	ssyncadd.s32 $0xFFFFB1E0  }
0x578: {  	v3 =	vld [tilespmem:s4+$0xFFFFFFD0]  }
0x579: {  	v4 =	vld [tilespmem:s4+$0x40]  }
0x57a: {  	s6 =	simm.s32 $0x50;
	v5 =	vld [tilespmem:s4+$0x0]  }
0x57b: {  	v6 =	vld [tilespmem:s6+$0x0]  }
0x57c: {  	v8 =	vld [tilespmem:s4+$0x10]  }
0x57d: {  	v7 =	vld [tilespmem:s6+$0x40]  }
0x57e: {  	v12 =	vld [tilespmem:s6+$0xFFFFFFD0]  }
0x57f: {  	v9 =	vld [tilespmem:s4+$0x20]  }
0x580: {  	v11 =	vld [tilespmem:s4+$0xFFFFFFE0];
	_ =	sdelay $0x1  }
0x581: {  	v10 =	vld [tilespmem:s6+$0x20];
	v13 =	vand.u32 $0x7FFFFFFF, v8;
	v14 =	vand.u32 $0x7FFFFFFF, v4;
	v4 =	vsub.f32 v7, v4  }
0x582: {  	v15 =	vld [tilespmem:s4+$0xFFFFFFC0];
	v12 =	vsub.f32 v12, v3;
	v17 =	vtrunc.f32 v13;
	v7 =	vtrunc.f32 v14  }
0x583: {  	v16 =	vld [tilespmem:s4+$0xFFFFFFB0];
	v13 =	vand.u32 $0x7FFFFFFF, v5;
	v5 =	vsub.f32 v6, v5;
	v6 =	vand.u32 $0x7FFFFFFF, v9  }
0x584: {  	v14 =	vand.u32 $0x7FFFFFFF, v11;
	v13 =	vtrunc.f32 v13;
	v6 =	vtrunc.f32 v6  }
0x585: {  	s5 =	simm.s32 $0x0;
	v19 =	vand.u32 $0x7FFFFFFF, v3;
	v7 =	vcvt.f32.s32 v7;
	v14 =	vtrunc.f32 v14  }
0x586: {  	s7 =	sand.u32 $0x7FE0, s5;
	v9 =	vsub.f32 v10, v9;
	v18 =	vmul.f32 v4, v4;
	v3 =	vmul.f32 v12, v12  }
0x587: {  	v21 =	vld [tilespmem:s7+$0x9D80];
	v4 =	vand.u32 $0x7FFFFFFF, v15;
	v17 =	vcvt.f32.s32 v17;
	v13 =	vcvt.f32.s32 v13  }
0x588: {  	v10 =	vld [tilespmem:s6+$0xFFFFFFC0];
	v20 =	vmul.f32 v5, v5;
	v5 =	vand.u32 $0x7FFFFFFF, v16;
	v4 =	vtrunc.f32 v4  }
0x589: {  	v24 =	vld [tilespmem:s6+$0x10];
	v6 =	vcvt.f32.s32 v6;
	v25 =	vcvt.f32.s32 v14;
	v7 =	vshll.u32 v7, $0x4  }
0x58a: {  	v14 =	vtrunc.f32 v19;
	v12 =	vshll.u32 v13, $0x4;
	v13 =	vld [tilespmem:s6+$0xFFFFFFE0];
	v22 =	vor.u32 v1, v7  }
0x58b: {  	v27 =	vld [tilespmem:s6+$0xFFFFFFB0];
	v4 =	vcvt.f32.s32 v4;
	v5 =	vtrunc.f32 v5  }
0x58c: {  	v14 =	vcvt.f32.s32 v14;
	v7 =	vcvt.f32.s32 v5;
	v26 =	vor.u32 v1, v12;
	v12 =	vld [tilespmem:s7+$0x80]  }
0x58d: {  	v23 =	vsub.f32 v10, v15;
	v4 =	vshll.u32 v4, $0x4;
	v10 =	vshll.u32 v6, $0x4;
	v6 =	vld [tilespmem:s6+$0xFFFFFFF0]  }
0x58e: {  	v5 =	vor.u32 v1, v4;
	v4 =	vshll.u32 v7, $0x4;
	v7 =	vld [tilespmem:s4+$0xFFFFFFF0];
	v10 =	vor.u32 v1, v10  }
0x58f: {  	v15 =	vmul.f32 v9, v9;
	v19 =	vsub.f32 v13, v11;
	v13 =	vand.u32 $0x7FFFFFFF, v21;
	[tilespmem:v22+s30+$0x0] =	vst.idx.add.f32.msk $0xffff, v18  }
0x590: {  	v4 =	vor.u32 v1, v4;
	v11 =	vsub.f32 v24, v8;
	v8 =	vtrunc.f32 v13;
	[tilespmem:v22+s31+$0x0] =	vst.idx.add.f32.msk $0xffff, v2  }
0x591: {  	v9 =	vmul.f32 v23, v23;
	v13 =	vsub.f32 v27, v16;
	[tilespmem:v26+s30+$0x0] =	vst.idx.add.f32.msk $0xffff, v20;
	v18 =	vcvt.f32.s32 v8  }
0x592: {  	s6 =	simm.s32 $0xF0;
	v16 =	vsub.f32 v12, v21;
	v12 =	vshll.u32 v25, $0x4;
	v8 =	vmul.f32 v19, v19;
	[tilespmem:v26+s31+$0x0] =	vst.idx.add.f32.msk $0xffff, v2  }
.LBB2_32:
0x593: {  	s5 =	sadd.s32 $0xA0, s5;
	v14 =	vshll.u32 v14, $0x4;
	[tilespmem:v10+s30+$0x0] =	vst.idx.add.f32.msk $0xffff, v15;
	v15 =	vshll.u32 v18, $0x4;
	s4 =	sadd.s32 $0xA0, s4  }
0x594: {  	v16 =	vmul.f32 v16, v16;
	v18 =	vld [tilespmem:s6+$0xFFFFFFC0];
	s7 =	sand.u32 $0x7FE0, s5;
	p0 =	slt.u32 s5, $0x4D80;
	v14 =	vor.u32 v1, v14;
	v15 =	vor.u32 v1, v15  }
0x595: {  	v13 =	vmul.f32 v13, v13;
	v17 =	vshll.u32 v17, $0x4;
	[tilespmem:v10+s31+$0x0] =	vst.idx.add.f32.msk $0xffff, v2  }
0x596: {  	v10 =	vor.u32 v1, v17;
	v19 =	vld [tilespmem:s4+$0xFFFFFFB0]  }
0x597: {  	v17 =	vld [tilespmem:s4+$0xFFFFFFC0]  }
0x598: {  	v20 =	vld [tilespmem:s4+$0xFFFFFFD0]  }
0x599: {  	v11 =	vmul.f32 v11, v11;
	[tilespmem:v15+s30+$0x0] =	vst.idx.add.f32.msk $0xffff, v16  }
0x59a: {  	[tilespmem:v15+s31+$0x0] =	vst.idx.add.f32.msk $0xffff, v2  }
0x59b: {  	[tilespmem:v10+s30+$0x0] =	vst.idx.add.f32.msk $0xffff, v11  }
0x59c: {  	v11 =	vld [tilespmem:s4+$0x40]  }
0x59d: {  	[tilespmem:v10+s31+$0x0] =	vst.idx.add.f32.msk $0xffff, v2  }
0x59e: {  	v12 =	vor.u32 v1, v12;
	v10 =	vld [tilespmem:s4+$0xFFFFFFE0]  }
0x59f: {  	v16 =	vand.u32 $0x7FFFFFFF, v7;
	v15 =	vld [tilespmem:s4+$0x0]  }
0x5a0: {  	v16 =	vtrunc.f32 v16;
	v21 =	vld [tilespmem:s6+$0x0]  }
0x5a1: {  	v16 =	vcvt.f32.s32 v16;
	v22 =	vld [tilespmem:s6+$0x20]  }
0x5a2: {  	[tilespmem:v5+s30+$0x0] =	vst.idx.add.f32.msk $0xffff, v9  }
0x5a3: {  	v16 =	vshll.u32 v16, $0x4;
	v9 =	vld [tilespmem:s6+$0x40]  }
0x5a4: {  	v16 =	vor.u32 v1, v16;
	v23 =	vld [tilespmem:s4+$0x10]  }
0x5a5: {  	v6 =	vsub.f32 v6, v7;
	v24 =	vld [tilespmem:s6+$0xFFFFFFD0]  }
0x5a6: {  	v7 =	vld [tilespmem:s4+$0x20]  }
0x5a7: {  	[tilespmem:v5+s31+$0x0] =	vst.idx.add.f32.msk $0xffff, v2;
	v5 =	vmul.f32 v6, v6  }
0x5a8: {  	[tilespmem:v12+s30+$0x0] =	vst.idx.add.f32.msk $0xffff, v8  }
0x5a9: {  	v8 =	vand.u32 $0x7FFFFFFF, v11;
	v9 =	vsub.f32 v9, v11;
	v6 =	vand.u32 $0x7FFFFFFF, v23;
	[tilespmem:v16+s30+$0x0] =	vst.idx.add.f32.msk $0xffff, v5  }
0x5aa: {  	v5 =	vtrunc.f32 v8;
	v25 =	vtrunc.f32 v6;
	[tilespmem:v12+s31+$0x0] =	vst.idx.add.f32.msk $0xffff, v2  }
0x5ab: {  	v8 =	vsub.f32 v21, v15;
	v6 =	vand.u32 $0x7FFFFFFF, v15;
	v11 =	vand.u32 $0x7FFFFFFF, v7;
	[tilespmem:v16+s31+$0x0] =	vst.idx.add.f32.msk $0xffff, v2  }
0x5ac: {  	v6 =	vtrunc.f32 v6;
	v7 =	vsub.f32 v22, v7;
	v11 =	vtrunc.f32 v11;
	[tilespmem:v4+s30+$0x0] =	vst.idx.add.f32.msk $0xffff, v13  }
0x5ad: {  	v12 =	vand.u32 $0x7FFFFFFF, v10;
	v5 =	vcvt.f32.s32 v5;
	v6 =	vcvt.f32.s32 v6;
	[tilespmem:v14+s30+$0x0] =	vst.idx.add.f32.msk $0xffff, v3  }
0x5ae: {  	v9 =	vmul.f32 v9, v9;
	v12 =	vtrunc.f32 v12;
	v3 =	vsub.f32 v24, v20;
	[tilespmem:v14+s31+$0x0] =	vst.idx.add.f32.msk $0xffff, v2  }
0x5af: {  	v13 =	vand.u32 $0x7FFFFFFF, v17;
	v5 =	vshll.u32 v5, $0x4;
	v14 =	vand.u32 $0x7FFFFFFF, v20;
	[tilespmem:v4+s31+$0x0] =	vst.idx.add.f32.msk $0xffff, v2  }
0x5b0: {  	v8 =	vmul.f32 v8, v8;
	v3 =	vmul.f32 v3, v3;
	v4 =	vshll.u32 v6, $0x4;
	v16 =	vld [tilespmem:s7+$0x9D80]  }
0x5b1: {  	v13 =	vtrunc.f32 v13;
	v21 =	vor.u32 v1, v5;
	v6 =	vand.u32 $0x7FFFFFFF, v19;
	v20 =	vld [tilespmem:s6+$0xFFFFFFE0]  }
0x5b2: {  	v11 =	vcvt.f32.s32 v11;
	v5 =	vcvt.f32.s32 v13;
	v13 =	vsub.f32 v18, v17;
	v17 =	vld [tilespmem:s6+$0x10]  }
0x5b3: {  	v12 =	vcvt.f32.s32 v12;
	v6 =	vtrunc.f32 v6;
	v22 =	vor.u32 v1, v4;
	v24 =	vld [tilespmem:s7+$0x80]  }
0x5b4: {  	v11 =	vshll.u32 v11, $0x4;
	v5 =	vshll.u32 v5, $0x4;
	v4 =	vcvt.f32.s32 v6;
	v18 =	vld [tilespmem:s6+$0xFFFFFFB0]  }
0x5b5: {  	v15 =	vmul.f32 v7, v7;
	v14 =	vtrunc.f32 v14;
	v5 =	vor.u32 v1, v5;
	v6 =	vld [tilespmem:s6+$0xFFFFFFF0]  }
.Ltmp15:
0x5b6: {  	v4 =	vshll.u32 v4, $0x4;
	v20 =	vsub.f32 v20, v10;
	v7 =	vld [tilespmem:s4+$0xFFFFFFF0];
	v10 =	vor.u32 v1, v11;
	(pc) =	sbr.rel @p0 .LBB2_32-.Ltmp15, $4  }
0x5b7: {  	v14 =	vcvt.f32.s32 v14;
	v4 =	vor.u32 v1, v4;
	v26 =	vand.u32 $0x7FFFFFFF, v16;
	[tilespmem:v21+s30+$0x0] =	vst.idx.add.f32.msk $0xffff, v9  }
0x5b8: {  	v9 =	vmul.f32 v13, v13;
	v11 =	vsub.f32 v17, v23;
	v17 =	vtrunc.f32 v26;
	[tilespmem:v21+s31+$0x0] =	vst.idx.add.f32.msk $0xffff, v2  }
0x5b9: {  	v16 =	vsub.f32 v24, v16;
	v13 =	vsub.f32 v18, v19;
	[tilespmem:v22+s30+$0x0] =	vst.idx.add.f32.msk $0xffff, v8;
	v18 =	vcvt.f32.s32 v17  }
0x5ba: {  	v12 =	vshll.u32 v12, $0x4;
	s6 =	sadd.s32 $0xA0, s6;
	v8 =	vmul.f32 v20, v20;
	v17 =	vcvt.f32.s32 v25;
	[tilespmem:v22+s31+$0x0] =	vst.idx.add.f32.msk $0xffff, v2  }
0x5bb: {  	_ =	sdelay $0x2  }
0x5bc: {  	v18 =	vshll.u32 v18, $0x4;
	v12 =	vor.u32 v1, v12  }
0x5bd: {  	[tilespmem:v10+s30+$0x0] =	vst.idx.add.f32.msk $0xffff, v15;
	v18 =	vor.u32 v1, v18  }
0x5be: {  	v19 =	vand.u32 $0x7FFFFFFF, v7;
	[tilespmem:v5+s30+$0x0] =	vst.idx.add.f32.msk $0xffff, v9  }
0x5bf: {  	v15 =	vmul.f32 v16, v16;
	v6 =	vsub.f32 v6, v7;
	v17 =	vshll.u32 v17, $0x4;
	[tilespmem:v10+s31+$0x0] =	vst.idx.add.f32.msk $0xffff, v2  }
0x5c0: {  	v7 =	vshll.u32 v14, $0x4;
	v16 =	vtrunc.f32 v19;
	[tilespmem:v5+s31+$0x0] =	vst.idx.add.f32.msk $0xffff, v2;
	v17 =	vor.u32 v1, v17  }
0x5c1: {  	v10 =	vcvt.f32.s32 v16;
	v5 =	vmul.f32 v6, v6;
	v6 =	vor.u32 v1, v7;
	[tilespmem:v12+s30+$0x0] =	vst.idx.add.f32.msk $0xffff, v8  }
0x5c2: {  	[tilespmem:v18+s30+$0x0] =	vst.idx.add.f32.msk $0xffff, v15  }
0x5c3: {  	v11 =	vmul.f32 v11, v11;
	v10 =	vshll.u32 v10, $0x4;
	[tilespmem:v12+s31+$0x0] =	vst.idx.add.f32.msk $0xffff, v2  }
0x5c4: {  	v10 =	vor.u32 v1, v10;
	[tilespmem:v18+s31+$0x0] =	vst.idx.add.f32.msk $0xffff, v2  }
0x5c5: {  	[tilespmem:v17+s30+$0x0] =	vst.idx.add.f32.msk $0xffff, v11  }
0x5c6: {  	[tilespmem:v6+s30+$0x0] =	vst.idx.add.f32.msk $0xffff, v3  }
0x5c7: {  	[tilespmem:v17+s31+$0x0] =	vst.idx.add.f32.msk $0xffff, v2  }
0x5c8: {  	[tilespmem:v6+s31+$0x0] =	vst.idx.add.f32.msk $0xffff, v2  }
0x5c9: {  	[tilespmem:v10+s30+$0x0] =	vst.idx.add.f32.msk $0xffff, v5;
	v5 =	vmul.f32 v13, v13  }
0x5ca: {  	[tilespmem:v10+s31+$0x0] =	vst.idx.add.f32.msk $0xffff, v2  }
0x5cb: {  	[tilespmem:v4+s30+$0x0] =	vst.idx.add.f32.msk $0xffff, v5  }
0x5cc: {  	[tilespmem:v4+s31+$0x0] =	vst.idx.add.f32.msk $0xffff, v2  }
0x5cd: {  	s4 =	sld [smem:$0x7F8];
	_ =	sdelay $0x1  }
0x5ce: {  	s7 =	sld [smem:$0x7F9]  }
0x5cf: {  	[tilespmem:s1], [sflag:$0x1] =	stream.linear.gather [hbm4b:s4+s1], $0x4E20, $0x38;
	[tilespmem:$0x14200] =	vst v63  }
0x5d0: {  	_ = 	snop  }
0x5d1: {  	[tilespmem:s25], [sflag:$0x1] =	stream.linear.gather [hbm4b:s7+s1], $0x4E20, $0x38;
	[tilespmem:$0x14200] =	vst v63  }
0x5d2: {  	_ =	swait.ge [sflag:s0], $0x4E20  }
0x5d3: {  	[sflag:s0] =	ssyncset.done $0x0  }
0x5d4: {  	[sflag:s0] =	ssyncadd.s32 $0xFFFFB1E0  }
0x5d5: {  	_ =	swait.ge [sflag:s0], $0x4E20  }
0x5d6: {  	[sflag:s0] =	ssyncset.done $0x0  }
0x5d7: {  	s4 =	simm.s32 $0xEBD0;
	[sflag:s0] =	ssyncadd.s32 $0xFFFFB1E0  }
0x5d8: {  	v3 =	vld [tilespmem:s4+$0xFFFFFFD0]  }
0x5d9: {  	v4 =	vld [tilespmem:s4+$0x40]  }
0x5da: {  	s6 =	simm.s32 $0x4ED0;
	v5 =	vld [tilespmem:s4+$0x0]  }
0x5db: {  	v6 =	vld [tilespmem:s6+$0x0]  }
0x5dc: {  	v8 =	vld [tilespmem:s4+$0x10]  }
0x5dd: {  	v7 =	vld [tilespmem:s6+$0x40]  }
0x5de: {  	v12 =	vld [tilespmem:s6+$0xFFFFFFD0]  }
0x5df: {  	v9 =	vld [tilespmem:s4+$0x20]  }
0x5e0: {  	v11 =	vld [tilespmem:s4+$0xFFFFFFE0];
	_ =	sdelay $0x1  }
0x5e1: {  	v10 =	vld [tilespmem:s6+$0x20];
	v13 =	vand.u32 $0x7FFFFFFF, v8;
	v14 =	vand.u32 $0x7FFFFFFF, v4;
	v4 =	vsub.f32 v7, v4  }
0x5e2: {  	v15 =	vld [tilespmem:s4+$0xFFFFFFC0];
	v12 =	vsub.f32 v12, v3;
	v17 =	vtrunc.f32 v13;
	v7 =	vtrunc.f32 v14  }
0x5e3: {  	v16 =	vld [tilespmem:s4+$0xFFFFFFB0];
	v13 =	vand.u32 $0x7FFFFFFF, v5;
	v5 =	vsub.f32 v6, v5;
	v6 =	vand.u32 $0x7FFFFFFF, v9  }
0x5e4: {  	v14 =	vand.u32 $0x7FFFFFFF, v11;
	v13 =	vtrunc.f32 v13;
	v6 =	vtrunc.f32 v6  }
0x5e5: {  	s5 =	simm.s32 $0x0;
	v19 =	vand.u32 $0x7FFFFFFF, v3;
	v7 =	vcvt.f32.s32 v7;
	v14 =	vtrunc.f32 v14  }
0x5e6: {  	s7 =	sand.u32 $0x7FE0, s5;
	v9 =	vsub.f32 v10, v9;
	v18 =	vmul.f32 v4, v4;
	v3 =	vmul.f32 v12, v12  }
0x5e7: {  	v21 =	vld [tilespmem:s7+$0xEC00];
	v4 =	vand.u32 $0x7FFFFFFF, v15;
	v17 =	vcvt.f32.s32 v17;
	v13 =	vcvt.f32.s32 v13  }
0x5e8: {  	v10 =	vld [tilespmem:s6+$0xFFFFFFC0];
	v20 =	vmul.f32 v5, v5;
	v5 =	vand.u32 $0x7FFFFFFF, v16;
	v4 =	vtrunc.f32 v4  }
0x5e9: {  	v24 =	vld [tilespmem:s6+$0x10];
	v6 =	vcvt.f32.s32 v6;
	v25 =	vcvt.f32.s32 v14;
	v7 =	vshll.u32 v7, $0x4  }
0x5ea: {  	v14 =	vtrunc.f32 v19;
	v12 =	vshll.u32 v13, $0x4;
	v13 =	vld [tilespmem:s6+$0xFFFFFFE0];
	v22 =	vor.u32 v1, v7  }
0x5eb: {  	v27 =	vld [tilespmem:s6+$0xFFFFFFB0];
	v4 =	vcvt.f32.s32 v4;
	v5 =	vtrunc.f32 v5  }
0x5ec: {  	v14 =	vcvt.f32.s32 v14;
	v7 =	vcvt.f32.s32 v5;
	v26 =	vor.u32 v1, v12;
	v12 =	vld [tilespmem:s7+$0x4F00]  }
0x5ed: {  	v23 =	vsub.f32 v10, v15;
	v4 =	vshll.u32 v4, $0x4;
	v10 =	vshll.u32 v6, $0x4;
	v6 =	vld [tilespmem:s6+$0xFFFFFFF0]  }
0x5ee: {  	v5 =	vor.u32 v1, v4;
	v4 =	vshll.u32 v7, $0x4;
	v7 =	vld [tilespmem:s4+$0xFFFFFFF0];
	v10 =	vor.u32 v1, v10  }
0x5ef: {  	v15 =	vmul.f32 v9, v9;
	v19 =	vsub.f32 v13, v11;
	v13 =	vand.u32 $0x7FFFFFFF, v21;
	[tilespmem:v22+s30+$0x0] =	vst.idx.add.f32.msk $0xffff, v18  }
0x5f0: {  	v4 =	vor.u32 v1, v4;
	v11 =	vsub.f32 v24, v8;
	v8 =	vtrunc.f32 v13;
	[tilespmem:v22+s31+$0x0] =	vst.idx.add.f32.msk $0xffff, v2  }
0x5f1: {  	v9 =	vmul.f32 v23, v23;
	v13 =	vsub.f32 v27, v16;
	[tilespmem:v26+s30+$0x0] =	vst.idx.add.f32.msk $0xffff, v20;
	v18 =	vcvt.f32.s32 v8  }
0x5f2: {  	s6 =	simm.s32 $0x4F70;
	v16 =	vsub.f32 v12, v21;
	v12 =	vshll.u32 v25, $0x4;
	v8 =	vmul.f32 v19, v19;
	[tilespmem:v26+s31+$0x0] =	vst.idx.add.f32.msk $0xffff, v2  }
.LBB2_34:
0x5f3: {  	s5 =	sadd.s32 $0xA0, s5;
	v14 =	vshll.u32 v14, $0x4;
	[tilespmem:v10+s30+$0x0] =	vst.idx.add.f32.msk $0xffff, v15;
	v15 =	vshll.u32 v18, $0x4;
	s4 =	sadd.s32 $0xA0, s4  }
0x5f4: {  	v16 =	vmul.f32 v16, v16;
	v18 =	vld [tilespmem:s6+$0xFFFFFFC0];
	s7 =	sand.u32 $0x7FE0, s5;
	p0 =	slt.u32 s5, $0x4D80;
	v14 =	vor.u32 v1, v14;
	v15 =	vor.u32 v1, v15  }
0x5f5: {  	v13 =	vmul.f32 v13, v13;
	v17 =	vshll.u32 v17, $0x4;
	[tilespmem:v10+s31+$0x0] =	vst.idx.add.f32.msk $0xffff, v2  }
0x5f6: {  	v10 =	vor.u32 v1, v17;
	v19 =	vld [tilespmem:s4+$0xFFFFFFB0]  }
0x5f7: {  	v17 =	vld [tilespmem:s4+$0xFFFFFFC0]  }
0x5f8: {  	v20 =	vld [tilespmem:s4+$0xFFFFFFD0]  }
0x5f9: {  	v11 =	vmul.f32 v11, v11;
	[tilespmem:v15+s30+$0x0] =	vst.idx.add.f32.msk $0xffff, v16  }
0x5fa: {  	[tilespmem:v15+s31+$0x0] =	vst.idx.add.f32.msk $0xffff, v2  }
0x5fb: {  	[tilespmem:v10+s30+$0x0] =	vst.idx.add.f32.msk $0xffff, v11  }
0x5fc: {  	v11 =	vld [tilespmem:s4+$0x40]  }
0x5fd: {  	[tilespmem:v10+s31+$0x0] =	vst.idx.add.f32.msk $0xffff, v2  }
0x5fe: {  	v12 =	vor.u32 v1, v12;
	v10 =	vld [tilespmem:s4+$0xFFFFFFE0]  }
0x5ff: {  	v16 =	vand.u32 $0x7FFFFFFF, v7;
	v15 =	vld [tilespmem:s4+$0x0]  }
0x600: {  	v16 =	vtrunc.f32 v16;
	v21 =	vld [tilespmem:s6+$0x0]  }
0x601: {  	v16 =	vcvt.f32.s32 v16;
	v22 =	vld [tilespmem:s6+$0x20]  }
0x602: {  	[tilespmem:v5+s30+$0x0] =	vst.idx.add.f32.msk $0xffff, v9  }
0x603: {  	v16 =	vshll.u32 v16, $0x4;
	v9 =	vld [tilespmem:s6+$0x40]  }
0x604: {  	v16 =	vor.u32 v1, v16;
	v23 =	vld [tilespmem:s4+$0x10]  }
0x605: {  	v6 =	vsub.f32 v6, v7;
	v24 =	vld [tilespmem:s6+$0xFFFFFFD0]  }
0x606: {  	v7 =	vld [tilespmem:s4+$0x20]  }
0x607: {  	[tilespmem:v5+s31+$0x0] =	vst.idx.add.f32.msk $0xffff, v2;
	v5 =	vmul.f32 v6, v6  }
0x608: {  	[tilespmem:v12+s30+$0x0] =	vst.idx.add.f32.msk $0xffff, v8  }
0x609: {  	v8 =	vand.u32 $0x7FFFFFFF, v11;
	v9 =	vsub.f32 v9, v11;
	v6 =	vand.u32 $0x7FFFFFFF, v23;
	[tilespmem:v16+s30+$0x0] =	vst.idx.add.f32.msk $0xffff, v5  }
0x60a: {  	v5 =	vtrunc.f32 v8;
	v25 =	vtrunc.f32 v6;
	[tilespmem:v12+s31+$0x0] =	vst.idx.add.f32.msk $0xffff, v2  }
0x60b: {  	v8 =	vsub.f32 v21, v15;
	v6 =	vand.u32 $0x7FFFFFFF, v15;
	v11 =	vand.u32 $0x7FFFFFFF, v7;
	[tilespmem:v16+s31+$0x0] =	vst.idx.add.f32.msk $0xffff, v2  }
0x60c: {  	v6 =	vtrunc.f32 v6;
	v7 =	vsub.f32 v22, v7;
	v11 =	vtrunc.f32 v11;
	[tilespmem:v4+s30+$0x0] =	vst.idx.add.f32.msk $0xffff, v13  }
0x60d: {  	v12 =	vand.u32 $0x7FFFFFFF, v10;
	v5 =	vcvt.f32.s32 v5;
	v6 =	vcvt.f32.s32 v6;
	[tilespmem:v14+s30+$0x0] =	vst.idx.add.f32.msk $0xffff, v3  }
0x60e: {  	v9 =	vmul.f32 v9, v9;
	v12 =	vtrunc.f32 v12;
	v3 =	vsub.f32 v24, v20;
	[tilespmem:v14+s31+$0x0] =	vst.idx.add.f32.msk $0xffff, v2  }
0x60f: {  	v13 =	vand.u32 $0x7FFFFFFF, v17;
	v5 =	vshll.u32 v5, $0x4;
	v14 =	vand.u32 $0x7FFFFFFF, v20;
	[tilespmem:v4+s31+$0x0] =	vst.idx.add.f32.msk $0xffff, v2  }
0x610: {  	v8 =	vmul.f32 v8, v8;
	v3 =	vmul.f32 v3, v3;
	v4 =	vshll.u32 v6, $0x4;
	v16 =	vld [tilespmem:s7+$0xEC00]  }
0x611: {  	v13 =	vtrunc.f32 v13;
	v21 =	vor.u32 v1, v5;
	v6 =	vand.u32 $0x7FFFFFFF, v19;
	v20 =	vld [tilespmem:s6+$0xFFFFFFE0]  }
0x612: {  	v11 =	vcvt.f32.s32 v11;
	v5 =	vcvt.f32.s32 v13;
	v13 =	vsub.f32 v18, v17;
	v17 =	vld [tilespmem:s6+$0x10]  }
0x613: {  	v12 =	vcvt.f32.s32 v12;
	v6 =	vtrunc.f32 v6;
	v22 =	vor.u32 v1, v4;
	v24 =	vld [tilespmem:s7+$0x4F00]  }
0x614: {  	v11 =	vshll.u32 v11, $0x4;
	v5 =	vshll.u32 v5, $0x4;
	v4 =	vcvt.f32.s32 v6;
	v18 =	vld [tilespmem:s6+$0xFFFFFFB0]  }
0x615: {  	v15 =	vmul.f32 v7, v7;
	v14 =	vtrunc.f32 v14;
	v5 =	vor.u32 v1, v5;
	v6 =	vld [tilespmem:s6+$0xFFFFFFF0]  }
.Ltmp16:
0x616: {  	v4 =	vshll.u32 v4, $0x4;
	v20 =	vsub.f32 v20, v10;
	v7 =	vld [tilespmem:s4+$0xFFFFFFF0];
	v10 =	vor.u32 v1, v11;
	(pc) =	sbr.rel @p0 .LBB2_34-.Ltmp16, $4  }
0x617: {  	v14 =	vcvt.f32.s32 v14;
	v4 =	vor.u32 v1, v4;
	v26 =	vand.u32 $0x7FFFFFFF, v16;
	[tilespmem:v21+s30+$0x0] =	vst.idx.add.f32.msk $0xffff, v9  }
0x618: {  	v9 =	vmul.f32 v13, v13;
	v11 =	vsub.f32 v17, v23;
	v17 =	vtrunc.f32 v26;
	[tilespmem:v21+s31+$0x0] =	vst.idx.add.f32.msk $0xffff, v2  }
0x619: {  	v16 =	vsub.f32 v24, v16;
	v13 =	vsub.f32 v18, v19;
	[tilespmem:v22+s30+$0x0] =	vst.idx.add.f32.msk $0xffff, v8;
	v18 =	vcvt.f32.s32 v17  }
0x61a: {  	v12 =	vshll.u32 v12, $0x4;
	s6 =	sadd.s32 $0xA0, s6;
	v8 =	vmul.f32 v20, v20;
	v17 =	vcvt.f32.s32 v25;
	[tilespmem:v22+s31+$0x0] =	vst.idx.add.f32.msk $0xffff, v2  }
0x61b: {  	_ =	sdelay $0x2  }
0x61c: {  	v18 =	vshll.u32 v18, $0x4;
	v12 =	vor.u32 v1, v12  }
0x61d: {  	[tilespmem:v10+s30+$0x0] =	vst.idx.add.f32.msk $0xffff, v15;
	v18 =	vor.u32 v1, v18  }
0x61e: {  	v19 =	vand.u32 $0x7FFFFFFF, v7;
	[tilespmem:v5+s30+$0x0] =	vst.idx.add.f32.msk $0xffff, v9  }
0x61f: {  	v15 =	vmul.f32 v16, v16;
	v6 =	vsub.f32 v6, v7;
	v17 =	vshll.u32 v17, $0x4;
	[tilespmem:v10+s31+$0x0] =	vst.idx.add.f32.msk $0xffff, v2  }
0x620: {  	v7 =	vshll.u32 v14, $0x4;
	v16 =	vtrunc.f32 v19;
	[tilespmem:v5+s31+$0x0] =	vst.idx.add.f32.msk $0xffff, v2;
	v17 =	vor.u32 v1, v17  }
0x621: {  	v10 =	vcvt.f32.s32 v16;
	v5 =	vmul.f32 v6, v6;
	v6 =	vor.u32 v1, v7;
	[tilespmem:v12+s30+$0x0] =	vst.idx.add.f32.msk $0xffff, v8  }
0x622: {  	[tilespmem:v18+s30+$0x0] =	vst.idx.add.f32.msk $0xffff, v15  }
0x623: {  	v11 =	vmul.f32 v11, v11;
	v10 =	vshll.u32 v10, $0x4;
	[tilespmem:v12+s31+$0x0] =	vst.idx.add.f32.msk $0xffff, v2  }
0x624: {  	v10 =	vor.u32 v1, v10;
	[tilespmem:v18+s31+$0x0] =	vst.idx.add.f32.msk $0xffff, v2  }
0x625: {  	[tilespmem:v17+s30+$0x0] =	vst.idx.add.f32.msk $0xffff, v11  }
0x626: {  	[tilespmem:v6+s30+$0x0] =	vst.idx.add.f32.msk $0xffff, v3  }
0x627: {  	[tilespmem:v17+s31+$0x0] =	vst.idx.add.f32.msk $0xffff, v2  }
0x628: {  	[tilespmem:v6+s31+$0x0] =	vst.idx.add.f32.msk $0xffff, v2  }
0x629: {  	[tilespmem:v10+s30+$0x0] =	vst.idx.add.f32.msk $0xffff, v5;
	v5 =	vmul.f32 v13, v13  }
0x62a: {  	[tilespmem:v10+s31+$0x0] =	vst.idx.add.f32.msk $0xffff, v2  }
0x62b: {  	[tilespmem:v4+s30+$0x0] =	vst.idx.add.f32.msk $0xffff, v5  }
0x62c: {  	[tilespmem:v4+s31+$0x0] =	vst.idx.add.f32.msk $0xffff, v2  }
0x62d: {  	s4 =	sld [smem:$0x7FA];
	_ =	sdelay $0x1  }
0x62e: {  	s7 =	sld [smem:$0x7FB]  }
0x62f: {  	[tilespmem:s26], [sflag:$0x2] =	stream.linear.gather [hbm4b:s4+s1], $0x4E20, $0x38;
	[tilespmem:$0x14200] =	vst v63  }
0x630: {  	_ = 	snop  }
0x631: {  	[tilespmem:s28], [sflag:$0x2] =	stream.linear.gather [hbm4b:s7+s1], $0x4E20, $0x38;
	[tilespmem:$0x14200] =	vst v63  }
0x632: {  	_ =	swait.ge [sflag:s29], $0x4E20  }
0x633: {  	[sflag:s29] =	ssyncset.done $0x0  }
0x634: {  	[sflag:s29] =	ssyncadd.s32 $0xFFFFB1E0  }
0x635: {  	_ =	swait.ge [sflag:s29], $0x4E20  }
0x636: {  	[sflag:s29] =	ssyncset.done $0x0  }
0x637: {  	s4 =	simm.s32 $0x9D50;
	[sflag:s29] =	ssyncadd.s32 $0xFFFFB1E0  }
0x638: {  	v3 =	vld [tilespmem:s4+$0xFFFFFFD0]  }
0x639: {  	v4 =	vld [tilespmem:s4+$0x40]  }
0x63a: {  	s6 =	simm.s32 $0x50;
	v5 =	vld [tilespmem:s4+$0x0]  }
0x63b: {  	v6 =	vld [tilespmem:s6+$0x0]  }
0x63c: {  	v8 =	vld [tilespmem:s4+$0x10]  }
0x63d: {  	v7 =	vld [tilespmem:s6+$0x40]  }
0x63e: {  	v12 =	vld [tilespmem:s6+$0xFFFFFFD0]  }
0x63f: {  	v9 =	vld [tilespmem:s4+$0x20]  }
0x640: {  	v11 =	vld [tilespmem:s4+$0xFFFFFFE0];
	_ =	sdelay $0x1  }
0x641: {  	v10 =	vld [tilespmem:s6+$0x20];
	v13 =	vand.u32 $0x7FFFFFFF, v8;
	v14 =	vand.u32 $0x7FFFFFFF, v4;
	v4 =	vsub.f32 v7, v4  }
0x642: {  	v15 =	vld [tilespmem:s4+$0xFFFFFFC0];
	v12 =	vsub.f32 v12, v3;
	v17 =	vtrunc.f32 v13;
	v7 =	vtrunc.f32 v14  }
0x643: {  	v16 =	vld [tilespmem:s4+$0xFFFFFFB0];
	v13 =	vand.u32 $0x7FFFFFFF, v5;
	v5 =	vsub.f32 v6, v5;
	v6 =	vand.u32 $0x7FFFFFFF, v9  }
0x644: {  	v14 =	vand.u32 $0x7FFFFFFF, v11;
	v13 =	vtrunc.f32 v13;
	v6 =	vtrunc.f32 v6  }
0x645: {  	s5 =	simm.s32 $0x0;
	v19 =	vand.u32 $0x7FFFFFFF, v3;
	v7 =	vcvt.f32.s32 v7;
	v14 =	vtrunc.f32 v14  }
0x646: {  	s7 =	sand.u32 $0x7FE0, s5;
	v9 =	vsub.f32 v10, v9;
	v18 =	vmul.f32 v4, v4;
	v3 =	vmul.f32 v12, v12  }
0x647: {  	v21 =	vld [tilespmem:s7+$0x9D80];
	v4 =	vand.u32 $0x7FFFFFFF, v15;
	v17 =	vcvt.f32.s32 v17;
	v13 =	vcvt.f32.s32 v13  }
0x648: {  	v10 =	vld [tilespmem:s6+$0xFFFFFFC0];
	v20 =	vmul.f32 v5, v5;
	v5 =	vand.u32 $0x7FFFFFFF, v16;
	v4 =	vtrunc.f32 v4  }
0x649: {  	v24 =	vld [tilespmem:s6+$0x10];
	v6 =	vcvt.f32.s32 v6;
	v25 =	vcvt.f32.s32 v14;
	v7 =	vshll.u32 v7, $0x4  }
0x64a: {  	v14 =	vtrunc.f32 v19;
	v12 =	vshll.u32 v13, $0x4;
	v13 =	vld [tilespmem:s6+$0xFFFFFFE0];
	v22 =	vor.u32 v1, v7  }
0x64b: {  	v27 =	vld [tilespmem:s6+$0xFFFFFFB0];
	v4 =	vcvt.f32.s32 v4;
	v5 =	vtrunc.f32 v5  }
0x64c: {  	v14 =	vcvt.f32.s32 v14;
	v7 =	vcvt.f32.s32 v5;
	v26 =	vor.u32 v1, v12;
	v12 =	vld [tilespmem:s7+$0x80]  }
0x64d: {  	v23 =	vsub.f32 v10, v15;
	v4 =	vshll.u32 v4, $0x4;
	v10 =	vshll.u32 v6, $0x4;
	v6 =	vld [tilespmem:s6+$0xFFFFFFF0]  }
0x64e: {  	v5 =	vor.u32 v1, v4;
	v4 =	vshll.u32 v7, $0x4;
	v7 =	vld [tilespmem:s4+$0xFFFFFFF0];
	v10 =	vor.u32 v1, v10  }
0x64f: {  	v15 =	vmul.f32 v9, v9;
	v19 =	vsub.f32 v13, v11;
	v13 =	vand.u32 $0x7FFFFFFF, v21;
	[tilespmem:v22+s30+$0x0] =	vst.idx.add.f32.msk $0xffff, v18  }
0x650: {  	v4 =	vor.u32 v1, v4;
	v11 =	vsub.f32 v24, v8;
	v8 =	vtrunc.f32 v13;
	[tilespmem:v22+s31+$0x0] =	vst.idx.add.f32.msk $0xffff, v2  }
0x651: {  	v9 =	vmul.f32 v23, v23;
	v13 =	vsub.f32 v27, v16;
	[tilespmem:v26+s30+$0x0] =	vst.idx.add.f32.msk $0xffff, v20;
	v18 =	vcvt.f32.s32 v8  }
0x652: {  	s6 =	simm.s32 $0xF0;
	v16 =	vsub.f32 v12, v21;
	v12 =	vshll.u32 v25, $0x4;
	v8 =	vmul.f32 v19, v19;
	[tilespmem:v26+s31+$0x0] =	vst.idx.add.f32.msk $0xffff, v2  }
.LBB2_36:
0x653: {  	s5 =	sadd.s32 $0xA0, s5;
	v14 =	vshll.u32 v14, $0x4;
	[tilespmem:v10+s30+$0x0] =	vst.idx.add.f32.msk $0xffff, v15;
	v15 =	vshll.u32 v18, $0x4;
	s4 =	sadd.s32 $0xA0, s4  }
0x654: {  	v16 =	vmul.f32 v16, v16;
	v18 =	vld [tilespmem:s6+$0xFFFFFFC0];
	s7 =	sand.u32 $0x7FE0, s5;
	p0 =	slt.u32 s5, $0x4D80;
	v14 =	vor.u32 v1, v14;
	v15 =	vor.u32 v1, v15  }
0x655: {  	v13 =	vmul.f32 v13, v13;
	v17 =	vshll.u32 v17, $0x4;
	[tilespmem:v10+s31+$0x0] =	vst.idx.add.f32.msk $0xffff, v2  }
0x656: {  	v10 =	vor.u32 v1, v17;
	v19 =	vld [tilespmem:s4+$0xFFFFFFB0]  }
0x657: {  	v17 =	vld [tilespmem:s4+$0xFFFFFFC0]  }
0x658: {  	v20 =	vld [tilespmem:s4+$0xFFFFFFD0]  }
0x659: {  	v11 =	vmul.f32 v11, v11;
	[tilespmem:v15+s30+$0x0] =	vst.idx.add.f32.msk $0xffff, v16  }
0x65a: {  	[tilespmem:v15+s31+$0x0] =	vst.idx.add.f32.msk $0xffff, v2  }
0x65b: {  	[tilespmem:v10+s30+$0x0] =	vst.idx.add.f32.msk $0xffff, v11  }
0x65c: {  	v11 =	vld [tilespmem:s4+$0x40]  }
0x65d: {  	[tilespmem:v10+s31+$0x0] =	vst.idx.add.f32.msk $0xffff, v2  }
0x65e: {  	v12 =	vor.u32 v1, v12;
	v10 =	vld [tilespmem:s4+$0xFFFFFFE0]  }
0x65f: {  	v16 =	vand.u32 $0x7FFFFFFF, v7;
	v15 =	vld [tilespmem:s4+$0x0]  }
0x660: {  	v16 =	vtrunc.f32 v16;
	v21 =	vld [tilespmem:s6+$0x0]  }
0x661: {  	v16 =	vcvt.f32.s32 v16;
	v22 =	vld [tilespmem:s6+$0x20]  }
0x662: {  	[tilespmem:v5+s30+$0x0] =	vst.idx.add.f32.msk $0xffff, v9  }
0x663: {  	v16 =	vshll.u32 v16, $0x4;
	v9 =	vld [tilespmem:s6+$0x40]  }
0x664: {  	v16 =	vor.u32 v1, v16;
	v23 =	vld [tilespmem:s4+$0x10]  }
0x665: {  	v6 =	vsub.f32 v6, v7;
	v24 =	vld [tilespmem:s6+$0xFFFFFFD0]  }
0x666: {  	v7 =	vld [tilespmem:s4+$0x20]  }
0x667: {  	[tilespmem:v5+s31+$0x0] =	vst.idx.add.f32.msk $0xffff, v2;
	v5 =	vmul.f32 v6, v6  }
0x668: {  	[tilespmem:v12+s30+$0x0] =	vst.idx.add.f32.msk $0xffff, v8  }
0x669: {  	v8 =	vand.u32 $0x7FFFFFFF, v11;
	v9 =	vsub.f32 v9, v11;
	v6 =	vand.u32 $0x7FFFFFFF, v23;
	[tilespmem:v16+s30+$0x0] =	vst.idx.add.f32.msk $0xffff, v5  }
0x66a: {  	v5 =	vtrunc.f32 v8;
	v25 =	vtrunc.f32 v6;
	[tilespmem:v12+s31+$0x0] =	vst.idx.add.f32.msk $0xffff, v2  }
0x66b: {  	v8 =	vsub.f32 v21, v15;
	v6 =	vand.u32 $0x7FFFFFFF, v15;
	v11 =	vand.u32 $0x7FFFFFFF, v7;
	[tilespmem:v16+s31+$0x0] =	vst.idx.add.f32.msk $0xffff, v2  }
0x66c: {  	v6 =	vtrunc.f32 v6;
	v7 =	vsub.f32 v22, v7;
	v11 =	vtrunc.f32 v11;
	[tilespmem:v4+s30+$0x0] =	vst.idx.add.f32.msk $0xffff, v13  }
0x66d: {  	v12 =	vand.u32 $0x7FFFFFFF, v10;
	v5 =	vcvt.f32.s32 v5;
	v6 =	vcvt.f32.s32 v6;
	[tilespmem:v14+s30+$0x0] =	vst.idx.add.f32.msk $0xffff, v3  }
0x66e: {  	v9 =	vmul.f32 v9, v9;
	v12 =	vtrunc.f32 v12;
	v3 =	vsub.f32 v24, v20;
	[tilespmem:v14+s31+$0x0] =	vst.idx.add.f32.msk $0xffff, v2  }
0x66f: {  	v13 =	vand.u32 $0x7FFFFFFF, v17;
	v5 =	vshll.u32 v5, $0x4;
	v14 =	vand.u32 $0x7FFFFFFF, v20;
	[tilespmem:v4+s31+$0x0] =	vst.idx.add.f32.msk $0xffff, v2  }
0x670: {  	v8 =	vmul.f32 v8, v8;
	v3 =	vmul.f32 v3, v3;
	v4 =	vshll.u32 v6, $0x4;
	v16 =	vld [tilespmem:s7+$0x9D80]  }
0x671: {  	v13 =	vtrunc.f32 v13;
	v21 =	vor.u32 v1, v5;
	v6 =	vand.u32 $0x7FFFFFFF, v19;
	v20 =	vld [tilespmem:s6+$0xFFFFFFE0]  }
0x672: {  	v11 =	vcvt.f32.s32 v11;
	v5 =	vcvt.f32.s32 v13;
	v13 =	vsub.f32 v18, v17;
	v17 =	vld [tilespmem:s6+$0x10]  }
0x673: {  	v12 =	vcvt.f32.s32 v12;
	v6 =	vtrunc.f32 v6;
	v22 =	vor.u32 v1, v4;
	v24 =	vld [tilespmem:s7+$0x80]  }
0x674: {  	v11 =	vshll.u32 v11, $0x4;
	v5 =	vshll.u32 v5, $0x4;
	v4 =	vcvt.f32.s32 v6;
	v18 =	vld [tilespmem:s6+$0xFFFFFFB0]  }
0x675: {  	v15 =	vmul.f32 v7, v7;
	v14 =	vtrunc.f32 v14;
	v5 =	vor.u32 v1, v5;
	v6 =	vld [tilespmem:s6+$0xFFFFFFF0]  }
.Ltmp17:
0x676: {  	v4 =	vshll.u32 v4, $0x4;
	v20 =	vsub.f32 v20, v10;
	v7 =	vld [tilespmem:s4+$0xFFFFFFF0];
	v10 =	vor.u32 v1, v11;
	(pc) =	sbr.rel @p0 .LBB2_36-.Ltmp17, $4  }
0x677: {  	v14 =	vcvt.f32.s32 v14;
	v4 =	vor.u32 v1, v4;
	v26 =	vand.u32 $0x7FFFFFFF, v16;
	[tilespmem:v21+s30+$0x0] =	vst.idx.add.f32.msk $0xffff, v9  }
0x678: {  	v9 =	vmul.f32 v13, v13;
	v11 =	vsub.f32 v17, v23;
	v17 =	vtrunc.f32 v26;
	[tilespmem:v21+s31+$0x0] =	vst.idx.add.f32.msk $0xffff, v2  }
0x679: {  	v16 =	vsub.f32 v24, v16;
	v13 =	vsub.f32 v18, v19;
	[tilespmem:v22+s30+$0x0] =	vst.idx.add.f32.msk $0xffff, v8;
	v18 =	vcvt.f32.s32 v17  }
0x67a: {  	v12 =	vshll.u32 v12, $0x4;
	s6 =	sadd.s32 $0xA0, s6;
	v8 =	vmul.f32 v20, v20;
	v17 =	vcvt.f32.s32 v25;
	[tilespmem:v22+s31+$0x0] =	vst.idx.add.f32.msk $0xffff, v2  }
0x67b: {  	_ =	sdelay $0x2  }
0x67c: {  	v18 =	vshll.u32 v18, $0x4;
	v12 =	vor.u32 v1, v12  }
0x67d: {  	[tilespmem:v10+s30+$0x0] =	vst.idx.add.f32.msk $0xffff, v15;
	v18 =	vor.u32 v1, v18  }
0x67e: {  	v19 =	vand.u32 $0x7FFFFFFF, v7;
	[tilespmem:v5+s30+$0x0] =	vst.idx.add.f32.msk $0xffff, v9  }
0x67f: {  	v15 =	vmul.f32 v16, v16;
	v6 =	vsub.f32 v6, v7;
	v17 =	vshll.u32 v17, $0x4;
	[tilespmem:v10+s31+$0x0] =	vst.idx.add.f32.msk $0xffff, v2  }
0x680: {  	v7 =	vshll.u32 v14, $0x4;
	v16 =	vtrunc.f32 v19;
	[tilespmem:v5+s31+$0x0] =	vst.idx.add.f32.msk $0xffff, v2;
	v17 =	vor.u32 v1, v17  }
0x681: {  	v10 =	vcvt.f32.s32 v16;
	v5 =	vmul.f32 v6, v6;
	v6 =	vor.u32 v1, v7;
	[tilespmem:v12+s30+$0x0] =	vst.idx.add.f32.msk $0xffff, v8  }
0x682: {  	[tilespmem:v18+s30+$0x0] =	vst.idx.add.f32.msk $0xffff, v15  }
0x683: {  	v11 =	vmul.f32 v11, v11;
	v10 =	vshll.u32 v10, $0x4;
	[tilespmem:v12+s31+$0x0] =	vst.idx.add.f32.msk $0xffff, v2  }
0x684: {  	v10 =	vor.u32 v1, v10;
	[tilespmem:v18+s31+$0x0] =	vst.idx.add.f32.msk $0xffff, v2  }
0x685: {  	[tilespmem:v17+s30+$0x0] =	vst.idx.add.f32.msk $0xffff, v11  }
0x686: {  	[tilespmem:v6+s30+$0x0] =	vst.idx.add.f32.msk $0xffff, v3  }
0x687: {  	[tilespmem:v17+s31+$0x0] =	vst.idx.add.f32.msk $0xffff, v2  }
0x688: {  	[tilespmem:v6+s31+$0x0] =	vst.idx.add.f32.msk $0xffff, v2  }
0x689: {  	[tilespmem:v10+s30+$0x0] =	vst.idx.add.f32.msk $0xffff, v5;
	v5 =	vmul.f32 v13, v13  }
0x68a: {  	[tilespmem:v10+s31+$0x0] =	vst.idx.add.f32.msk $0xffff, v2  }
0x68b: {  	[tilespmem:v4+s30+$0x0] =	vst.idx.add.f32.msk $0xffff, v5  }
0x68c: {  	[tilespmem:v4+s31+$0x0] =	vst.idx.add.f32.msk $0xffff, v2  }
0x68d: {  	s4 =	sld [smem:$0x7FC];
	_ =	sdelay $0x1  }
0x68e: {  	s7 =	sld [smem:$0x7FD]  }
0x68f: {  	[tilespmem:s1], [sflag:$0x1] =	stream.linear.gather [hbm4b:s4+s1], $0x4E20, $0x38;
	[tilespmem:$0x14200] =	vst v63  }
0x690: {  	_ = 	snop  }
0x691: {  	[tilespmem:s25], [sflag:$0x1] =	stream.linear.gather [hbm4b:s7+s1], $0x4E20, $0x38;
	[tilespmem:$0x14200] =	vst v63  }
0x692: {  	_ =	swait.ge [sflag:s0], $0x4E20  }
0x693: {  	[sflag:s0] =	ssyncset.done $0x0  }
0x694: {  	[sflag:s0] =	ssyncadd.s32 $0xFFFFB1E0  }
0x695: {  	_ =	swait.ge [sflag:s0], $0x4E20  }
0x696: {  	[sflag:s0] =	ssyncset.done $0x0  }
0x697: {  	s4 =	simm.s32 $0xEBD0;
	[sflag:s0] =	ssyncadd.s32 $0xFFFFB1E0  }
0x698: {  	v3 =	vld [tilespmem:s4+$0xFFFFFFD0]  }
0x699: {  	v4 =	vld [tilespmem:s4+$0x40]  }
0x69a: {  	s6 =	simm.s32 $0x4ED0;
	v5 =	vld [tilespmem:s4+$0x0]  }
0x69b: {  	v6 =	vld [tilespmem:s6+$0x0]  }
0x69c: {  	v8 =	vld [tilespmem:s4+$0x10]  }
0x69d: {  	v7 =	vld [tilespmem:s6+$0x40]  }
0x69e: {  	v12 =	vld [tilespmem:s6+$0xFFFFFFD0]  }
0x69f: {  	v9 =	vld [tilespmem:s4+$0x20]  }
0x6a0: {  	v11 =	vld [tilespmem:s4+$0xFFFFFFE0];
	_ =	sdelay $0x1  }
0x6a1: {  	v10 =	vld [tilespmem:s6+$0x20];
	v13 =	vand.u32 $0x7FFFFFFF, v8;
	v14 =	vand.u32 $0x7FFFFFFF, v4;
	v4 =	vsub.f32 v7, v4  }
0x6a2: {  	v15 =	vld [tilespmem:s4+$0xFFFFFFC0];
	v12 =	vsub.f32 v12, v3;
	v17 =	vtrunc.f32 v13;
	v7 =	vtrunc.f32 v14  }
0x6a3: {  	v16 =	vld [tilespmem:s4+$0xFFFFFFB0];
	v13 =	vand.u32 $0x7FFFFFFF, v5;
	v5 =	vsub.f32 v6, v5;
	v6 =	vand.u32 $0x7FFFFFFF, v9  }
0x6a4: {  	v14 =	vand.u32 $0x7FFFFFFF, v11;
	v13 =	vtrunc.f32 v13;
	v6 =	vtrunc.f32 v6  }
0x6a5: {  	s5 =	simm.s32 $0x0;
	v19 =	vand.u32 $0x7FFFFFFF, v3;
	v7 =	vcvt.f32.s32 v7;
	v14 =	vtrunc.f32 v14  }
0x6a6: {  	s7 =	sand.u32 $0x7FE0, s5;
	v9 =	vsub.f32 v10, v9;
	v18 =	vmul.f32 v4, v4;
	v3 =	vmul.f32 v12, v12  }
0x6a7: {  	v21 =	vld [tilespmem:s7+$0xEC00];
	v4 =	vand.u32 $0x7FFFFFFF, v15;
	v17 =	vcvt.f32.s32 v17;
	v13 =	vcvt.f32.s32 v13  }
0x6a8: {  	v10 =	vld [tilespmem:s6+$0xFFFFFFC0];
	v20 =	vmul.f32 v5, v5;
	v5 =	vand.u32 $0x7FFFFFFF, v16;
	v4 =	vtrunc.f32 v4  }
0x6a9: {  	v24 =	vld [tilespmem:s6+$0x10];
	v6 =	vcvt.f32.s32 v6;
	v25 =	vcvt.f32.s32 v14;
	v7 =	vshll.u32 v7, $0x4  }
0x6aa: {  	v14 =	vtrunc.f32 v19;
	v12 =	vshll.u32 v13, $0x4;
	v13 =	vld [tilespmem:s6+$0xFFFFFFE0];
	v22 =	vor.u32 v1, v7  }
0x6ab: {  	v27 =	vld [tilespmem:s6+$0xFFFFFFB0];
	v4 =	vcvt.f32.s32 v4;
	v5 =	vtrunc.f32 v5  }
0x6ac: {  	v14 =	vcvt.f32.s32 v14;
	v7 =	vcvt.f32.s32 v5;
	v26 =	vor.u32 v1, v12;
	v12 =	vld [tilespmem:s7+$0x4F00]  }
0x6ad: {  	v23 =	vsub.f32 v10, v15;
	v4 =	vshll.u32 v4, $0x4;
	v10 =	vshll.u32 v6, $0x4;
	v6 =	vld [tilespmem:s6+$0xFFFFFFF0]  }
0x6ae: {  	v5 =	vor.u32 v1, v4;
	v4 =	vshll.u32 v7, $0x4;
	v7 =	vld [tilespmem:s4+$0xFFFFFFF0];
	v10 =	vor.u32 v1, v10  }
0x6af: {  	v15 =	vmul.f32 v9, v9;
	v19 =	vsub.f32 v13, v11;
	v13 =	vand.u32 $0x7FFFFFFF, v21;
	[tilespmem:v22+s30+$0x0] =	vst.idx.add.f32.msk $0xffff, v18  }
0x6b0: {  	v4 =	vor.u32 v1, v4;
	v11 =	vsub.f32 v24, v8;
	v8 =	vtrunc.f32 v13;
	[tilespmem:v22+s31+$0x0] =	vst.idx.add.f32.msk $0xffff, v2  }
0x6b1: {  	v9 =	vmul.f32 v23, v23;
	v13 =	vsub.f32 v27, v16;
	[tilespmem:v26+s30+$0x0] =	vst.idx.add.f32.msk $0xffff, v20;
	v18 =	vcvt.f32.s32 v8  }
0x6b2: {  	s6 =	simm.s32 $0x4F70;
	v16 =	vsub.f32 v12, v21;
	v12 =	vshll.u32 v25, $0x4;
	v8 =	vmul.f32 v19, v19;
	[tilespmem:v26+s31+$0x0] =	vst.idx.add.f32.msk $0xffff, v2  }
.LBB2_38:
0x6b3: {  	s5 =	sadd.s32 $0xA0, s5;
	v14 =	vshll.u32 v14, $0x4;
	[tilespmem:v10+s30+$0x0] =	vst.idx.add.f32.msk $0xffff, v15;
	v15 =	vshll.u32 v18, $0x4;
	s4 =	sadd.s32 $0xA0, s4  }
0x6b4: {  	v16 =	vmul.f32 v16, v16;
	v18 =	vld [tilespmem:s6+$0xFFFFFFC0];
	s7 =	sand.u32 $0x7FE0, s5;
	p0 =	slt.u32 s5, $0x4D80;
	v14 =	vor.u32 v1, v14;
	v15 =	vor.u32 v1, v15  }
0x6b5: {  	v13 =	vmul.f32 v13, v13;
	v17 =	vshll.u32 v17, $0x4;
	[tilespmem:v10+s31+$0x0] =	vst.idx.add.f32.msk $0xffff, v2  }
0x6b6: {  	v10 =	vor.u32 v1, v17;
	v19 =	vld [tilespmem:s4+$0xFFFFFFB0]  }
0x6b7: {  	v17 =	vld [tilespmem:s4+$0xFFFFFFC0]  }
0x6b8: {  	v20 =	vld [tilespmem:s4+$0xFFFFFFD0]  }
0x6b9: {  	v11 =	vmul.f32 v11, v11;
	[tilespmem:v15+s30+$0x0] =	vst.idx.add.f32.msk $0xffff, v16  }
0x6ba: {  	[tilespmem:v15+s31+$0x0] =	vst.idx.add.f32.msk $0xffff, v2  }
0x6bb: {  	[tilespmem:v10+s30+$0x0] =	vst.idx.add.f32.msk $0xffff, v11  }
0x6bc: {  	v11 =	vld [tilespmem:s4+$0x40]  }
0x6bd: {  	[tilespmem:v10+s31+$0x0] =	vst.idx.add.f32.msk $0xffff, v2  }
0x6be: {  	v12 =	vor.u32 v1, v12;
	v10 =	vld [tilespmem:s4+$0xFFFFFFE0]  }
0x6bf: {  	v16 =	vand.u32 $0x7FFFFFFF, v7;
	v15 =	vld [tilespmem:s4+$0x0]  }
0x6c0: {  	v16 =	vtrunc.f32 v16;
	v21 =	vld [tilespmem:s6+$0x0]  }
0x6c1: {  	v16 =	vcvt.f32.s32 v16;
	v22 =	vld [tilespmem:s6+$0x20]  }
0x6c2: {  	[tilespmem:v5+s30+$0x0] =	vst.idx.add.f32.msk $0xffff, v9  }
0x6c3: {  	v16 =	vshll.u32 v16, $0x4;
	v9 =	vld [tilespmem:s6+$0x40]  }
0x6c4: {  	v16 =	vor.u32 v1, v16;
	v23 =	vld [tilespmem:s4+$0x10]  }
0x6c5: {  	v6 =	vsub.f32 v6, v7;
	v24 =	vld [tilespmem:s6+$0xFFFFFFD0]  }
0x6c6: {  	v7 =	vld [tilespmem:s4+$0x20]  }
0x6c7: {  	[tilespmem:v5+s31+$0x0] =	vst.idx.add.f32.msk $0xffff, v2;
	v5 =	vmul.f32 v6, v6  }
0x6c8: {  	[tilespmem:v12+s30+$0x0] =	vst.idx.add.f32.msk $0xffff, v8  }
0x6c9: {  	v8 =	vand.u32 $0x7FFFFFFF, v11;
	v9 =	vsub.f32 v9, v11;
	v6 =	vand.u32 $0x7FFFFFFF, v23;
	[tilespmem:v16+s30+$0x0] =	vst.idx.add.f32.msk $0xffff, v5  }
0x6ca: {  	v5 =	vtrunc.f32 v8;
	v25 =	vtrunc.f32 v6;
	[tilespmem:v12+s31+$0x0] =	vst.idx.add.f32.msk $0xffff, v2  }
0x6cb: {  	v8 =	vsub.f32 v21, v15;
	v6 =	vand.u32 $0x7FFFFFFF, v15;
	v11 =	vand.u32 $0x7FFFFFFF, v7;
	[tilespmem:v16+s31+$0x0] =	vst.idx.add.f32.msk $0xffff, v2  }
0x6cc: {  	v6 =	vtrunc.f32 v6;
	v7 =	vsub.f32 v22, v7;
	v11 =	vtrunc.f32 v11;
	[tilespmem:v4+s30+$0x0] =	vst.idx.add.f32.msk $0xffff, v13  }
0x6cd: {  	v12 =	vand.u32 $0x7FFFFFFF, v10;
	v5 =	vcvt.f32.s32 v5;
	v6 =	vcvt.f32.s32 v6;
	[tilespmem:v14+s30+$0x0] =	vst.idx.add.f32.msk $0xffff, v3  }
0x6ce: {  	v9 =	vmul.f32 v9, v9;
	v12 =	vtrunc.f32 v12;
	v3 =	vsub.f32 v24, v20;
	[tilespmem:v14+s31+$0x0] =	vst.idx.add.f32.msk $0xffff, v2  }
0x6cf: {  	v13 =	vand.u32 $0x7FFFFFFF, v17;
	v5 =	vshll.u32 v5, $0x4;
	v14 =	vand.u32 $0x7FFFFFFF, v20;
	[tilespmem:v4+s31+$0x0] =	vst.idx.add.f32.msk $0xffff, v2  }
0x6d0: {  	v8 =	vmul.f32 v8, v8;
	v3 =	vmul.f32 v3, v3;
	v4 =	vshll.u32 v6, $0x4;
	v16 =	vld [tilespmem:s7+$0xEC00]  }
0x6d1: {  	v13 =	vtrunc.f32 v13;
	v21 =	vor.u32 v1, v5;
	v6 =	vand.u32 $0x7FFFFFFF, v19;
	v20 =	vld [tilespmem:s6+$0xFFFFFFE0]  }
0x6d2: {  	v11 =	vcvt.f32.s32 v11;
	v5 =	vcvt.f32.s32 v13;
	v13 =	vsub.f32 v18, v17;
	v17 =	vld [tilespmem:s6+$0x10]  }
0x6d3: {  	v12 =	vcvt.f32.s32 v12;
	v6 =	vtrunc.f32 v6;
	v22 =	vor.u32 v1, v4;
	v24 =	vld [tilespmem:s7+$0x4F00]  }
0x6d4: {  	v11 =	vshll.u32 v11, $0x4;
	v5 =	vshll.u32 v5, $0x4;
	v4 =	vcvt.f32.s32 v6;
	v18 =	vld [tilespmem:s6+$0xFFFFFFB0]  }
0x6d5: {  	v15 =	vmul.f32 v7, v7;
	v14 =	vtrunc.f32 v14;
	v5 =	vor.u32 v1, v5;
	v6 =	vld [tilespmem:s6+$0xFFFFFFF0]  }
.Ltmp18:
0x6d6: {  	v4 =	vshll.u32 v4, $0x4;
	v20 =	vsub.f32 v20, v10;
	v7 =	vld [tilespmem:s4+$0xFFFFFFF0];
	v10 =	vor.u32 v1, v11;
	(pc) =	sbr.rel @p0 .LBB2_38-.Ltmp18, $4  }
0x6d7: {  	v14 =	vcvt.f32.s32 v14;
	v4 =	vor.u32 v1, v4;
	v26 =	vand.u32 $0x7FFFFFFF, v16;
	[tilespmem:v21+s30+$0x0] =	vst.idx.add.f32.msk $0xffff, v9  }
0x6d8: {  	v9 =	vmul.f32 v13, v13;
	v11 =	vsub.f32 v17, v23;
	v17 =	vtrunc.f32 v26;
	[tilespmem:v21+s31+$0x0] =	vst.idx.add.f32.msk $0xffff, v2  }
0x6d9: {  	v16 =	vsub.f32 v24, v16;
	v13 =	vsub.f32 v18, v19;
	[tilespmem:v22+s30+$0x0] =	vst.idx.add.f32.msk $0xffff, v8;
	v18 =	vcvt.f32.s32 v17  }
0x6da: {  	v12 =	vshll.u32 v12, $0x4;
	s6 =	sadd.s32 $0xA0, s6;
	v8 =	vmul.f32 v20, v20;
	v17 =	vcvt.f32.s32 v25;
	[tilespmem:v22+s31+$0x0] =	vst.idx.add.f32.msk $0xffff, v2  }
0x6db: {  	_ =	sdelay $0x2  }
0x6dc: {  	v18 =	vshll.u32 v18, $0x4;
	v12 =	vor.u32 v1, v12  }
0x6dd: {  	[tilespmem:v10+s30+$0x0] =	vst.idx.add.f32.msk $0xffff, v15;
	v18 =	vor.u32 v1, v18  }
0x6de: {  	v19 =	vand.u32 $0x7FFFFFFF, v7;
	[tilespmem:v5+s30+$0x0] =	vst.idx.add.f32.msk $0xffff, v9  }
0x6df: {  	v15 =	vmul.f32 v16, v16;
	v6 =	vsub.f32 v6, v7;
	v17 =	vshll.u32 v17, $0x4;
	[tilespmem:v10+s31+$0x0] =	vst.idx.add.f32.msk $0xffff, v2  }
0x6e0: {  	v7 =	vshll.u32 v14, $0x4;
	v16 =	vtrunc.f32 v19;
	[tilespmem:v5+s31+$0x0] =	vst.idx.add.f32.msk $0xffff, v2;
	v17 =	vor.u32 v1, v17  }
0x6e1: {  	v10 =	vcvt.f32.s32 v16;
	v5 =	vmul.f32 v6, v6;
	v6 =	vor.u32 v1, v7;
	[tilespmem:v12+s30+$0x0] =	vst.idx.add.f32.msk $0xffff, v8  }
0x6e2: {  	[tilespmem:v18+s30+$0x0] =	vst.idx.add.f32.msk $0xffff, v15  }
0x6e3: {  	v11 =	vmul.f32 v11, v11;
	v10 =	vshll.u32 v10, $0x4;
	[tilespmem:v12+s31+$0x0] =	vst.idx.add.f32.msk $0xffff, v2  }
0x6e4: {  	v10 =	vor.u32 v1, v10;
	[tilespmem:v18+s31+$0x0] =	vst.idx.add.f32.msk $0xffff, v2  }
0x6e5: {  	[tilespmem:v17+s30+$0x0] =	vst.idx.add.f32.msk $0xffff, v11  }
0x6e6: {  	[tilespmem:v6+s30+$0x0] =	vst.idx.add.f32.msk $0xffff, v3  }
0x6e7: {  	[tilespmem:v17+s31+$0x0] =	vst.idx.add.f32.msk $0xffff, v2  }
0x6e8: {  	[tilespmem:v6+s31+$0x0] =	vst.idx.add.f32.msk $0xffff, v2  }
0x6e9: {  	[tilespmem:v10+s30+$0x0] =	vst.idx.add.f32.msk $0xffff, v5;
	v5 =	vmul.f32 v13, v13  }
0x6ea: {  	[tilespmem:v10+s31+$0x0] =	vst.idx.add.f32.msk $0xffff, v2  }
0x6eb: {  	[tilespmem:v4+s30+$0x0] =	vst.idx.add.f32.msk $0xffff, v5  }
0x6ec: {  	[tilespmem:v4+s31+$0x0] =	vst.idx.add.f32.msk $0xffff, v2  }
0x6ed: {  	[tilespmem:s26], [sflag:$0x2] =	stream.linear.gather [hbm4b:s8+s1], $0x4E20, $0x38;
	[tilespmem:$0x14200] =	vst v63  }
0x6ee: {  	_ = 	snop  }
0x6ef: {  	[tilespmem:s28], [sflag:$0x2] =	stream.linear.gather [hbm4b:s9+s1], $0x4E20, $0x38;
	[tilespmem:$0x14200] =	vst v63  }
0x6f0: {  	_ =	swait.ge [sflag:s29], $0x4E20  }
0x6f1: {  	[sflag:s29] =	ssyncset.done $0x0  }
0x6f2: {  	[sflag:s29] =	ssyncadd.s32 $0xFFFFB1E0  }
0x6f3: {  	_ =	swait.ge [sflag:s29], $0x4E20  }
0x6f4: {  	[sflag:s29] =	ssyncset.done $0x0  }
0x6f5: {  	s4 =	simm.s32 $0x9D50;
	[sflag:s29] =	ssyncadd.s32 $0xFFFFB1E0  }
0x6f6: {  	v3 =	vld [tilespmem:s4+$0xFFFFFFD0]  }
0x6f7: {  	v4 =	vld [tilespmem:s4+$0x40]  }
0x6f8: {  	s6 =	simm.s32 $0x50;
	v5 =	vld [tilespmem:s4+$0x0]  }
0x6f9: {  	v6 =	vld [tilespmem:s6+$0x0]  }
0x6fa: {  	v8 =	vld [tilespmem:s4+$0x10]  }
0x6fb: {  	v7 =	vld [tilespmem:s6+$0x40]  }
0x6fc: {  	v12 =	vld [tilespmem:s6+$0xFFFFFFD0]  }
0x6fd: {  	v9 =	vld [tilespmem:s4+$0x20]  }
0x6fe: {  	v11 =	vld [tilespmem:s4+$0xFFFFFFE0];
	_ =	sdelay $0x1  }
0x6ff: {  	v10 =	vld [tilespmem:s6+$0x20];
	v13 =	vand.u32 $0x7FFFFFFF, v8;
	v14 =	vand.u32 $0x7FFFFFFF, v4;
	v4 =	vsub.f32 v7, v4  }
0x700: {  	v15 =	vld [tilespmem:s4+$0xFFFFFFC0];
	v12 =	vsub.f32 v12, v3;
	v17 =	vtrunc.f32 v13;
	v7 =	vtrunc.f32 v14  }
0x701: {  	v16 =	vld [tilespmem:s4+$0xFFFFFFB0];
	v13 =	vand.u32 $0x7FFFFFFF, v5;
	v5 =	vsub.f32 v6, v5;
	v6 =	vand.u32 $0x7FFFFFFF, v9  }
0x702: {  	v14 =	vand.u32 $0x7FFFFFFF, v11;
	v13 =	vtrunc.f32 v13;
	v6 =	vtrunc.f32 v6  }
0x703: {  	s5 =	simm.s32 $0x0;
	v19 =	vand.u32 $0x7FFFFFFF, v3;
	v7 =	vcvt.f32.s32 v7;
	v14 =	vtrunc.f32 v14  }
0x704: {  	s7 =	sand.u32 $0x7FE0, s5;
	v9 =	vsub.f32 v10, v9;
	v18 =	vmul.f32 v4, v4;
	v3 =	vmul.f32 v12, v12  }
0x705: {  	v21 =	vld [tilespmem:s7+$0x9D80];
	v4 =	vand.u32 $0x7FFFFFFF, v15;
	v17 =	vcvt.f32.s32 v17;
	v13 =	vcvt.f32.s32 v13  }
0x706: {  	v10 =	vld [tilespmem:s6+$0xFFFFFFC0];
	v20 =	vmul.f32 v5, v5;
	v5 =	vand.u32 $0x7FFFFFFF, v16;
	v4 =	vtrunc.f32 v4  }
0x707: {  	v24 =	vld [tilespmem:s6+$0x10];
	v6 =	vcvt.f32.s32 v6;
	v25 =	vcvt.f32.s32 v14;
	v7 =	vshll.u32 v7, $0x4  }
0x708: {  	v14 =	vtrunc.f32 v19;
	v12 =	vshll.u32 v13, $0x4;
	v13 =	vld [tilespmem:s6+$0xFFFFFFE0];
	v22 =	vor.u32 v1, v7  }
0x709: {  	v27 =	vld [tilespmem:s6+$0xFFFFFFB0];
	v4 =	vcvt.f32.s32 v4;
	v5 =	vtrunc.f32 v5  }
0x70a: {  	v14 =	vcvt.f32.s32 v14;
	v7 =	vcvt.f32.s32 v5;
	v26 =	vor.u32 v1, v12;
	v12 =	vld [tilespmem:s7+$0x80]  }
0x70b: {  	v23 =	vsub.f32 v10, v15;
	v4 =	vshll.u32 v4, $0x4;
	v10 =	vshll.u32 v6, $0x4;
	v6 =	vld [tilespmem:s6+$0xFFFFFFF0]  }
0x70c: {  	v5 =	vor.u32 v1, v4;
	v4 =	vshll.u32 v7, $0x4;
	v7 =	vld [tilespmem:s4+$0xFFFFFFF0];
	v10 =	vor.u32 v1, v10  }
0x70d: {  	v15 =	vmul.f32 v9, v9;
	v19 =	vsub.f32 v13, v11;
	v13 =	vand.u32 $0x7FFFFFFF, v21;
	[tilespmem:v22+s30+$0x0] =	vst.idx.add.f32.msk $0xffff, v18  }
0x70e: {  	v4 =	vor.u32 v1, v4;
	v11 =	vsub.f32 v24, v8;
	v8 =	vtrunc.f32 v13;
	[tilespmem:v22+s31+$0x0] =	vst.idx.add.f32.msk $0xffff, v2  }
0x70f: {  	v9 =	vmul.f32 v23, v23;
	v13 =	vsub.f32 v27, v16;
	[tilespmem:v26+s30+$0x0] =	vst.idx.add.f32.msk $0xffff, v20;
	v18 =	vcvt.f32.s32 v8  }
0x710: {  	s6 =	simm.s32 $0xF0;
	v16 =	vsub.f32 v12, v21;
	v12 =	vshll.u32 v25, $0x4;
	v8 =	vmul.f32 v19, v19;
	[tilespmem:v26+s31+$0x0] =	vst.idx.add.f32.msk $0xffff, v2  }
.LBB2_40:
0x711: {  	s5 =	sadd.s32 $0xA0, s5;
	v14 =	vshll.u32 v14, $0x4;
	[tilespmem:v10+s30+$0x0] =	vst.idx.add.f32.msk $0xffff, v15;
	v15 =	vshll.u32 v18, $0x4;
	s4 =	sadd.s32 $0xA0, s4  }
0x712: {  	v16 =	vmul.f32 v16, v16;
	v18 =	vld [tilespmem:s6+$0xFFFFFFC0];
	s7 =	sand.u32 $0x7FE0, s5;
	p0 =	slt.u32 s5, $0x4D80;
	v14 =	vor.u32 v1, v14;
	v15 =	vor.u32 v1, v15  }
0x713: {  	v13 =	vmul.f32 v13, v13;
	v17 =	vshll.u32 v17, $0x4;
	[tilespmem:v10+s31+$0x0] =	vst.idx.add.f32.msk $0xffff, v2  }
0x714: {  	v10 =	vor.u32 v1, v17;
	v19 =	vld [tilespmem:s4+$0xFFFFFFB0]  }
0x715: {  	v17 =	vld [tilespmem:s4+$0xFFFFFFC0]  }
0x716: {  	v20 =	vld [tilespmem:s4+$0xFFFFFFD0]  }
0x717: {  	v11 =	vmul.f32 v11, v11;
	[tilespmem:v15+s30+$0x0] =	vst.idx.add.f32.msk $0xffff, v16  }
0x718: {  	[tilespmem:v15+s31+$0x0] =	vst.idx.add.f32.msk $0xffff, v2  }
0x719: {  	[tilespmem:v10+s30+$0x0] =	vst.idx.add.f32.msk $0xffff, v11  }
0x71a: {  	v11 =	vld [tilespmem:s4+$0x40]  }
0x71b: {  	[tilespmem:v10+s31+$0x0] =	vst.idx.add.f32.msk $0xffff, v2  }
0x71c: {  	v12 =	vor.u32 v1, v12;
	v10 =	vld [tilespmem:s4+$0xFFFFFFE0]  }
0x71d: {  	v16 =	vand.u32 $0x7FFFFFFF, v7;
	v15 =	vld [tilespmem:s4+$0x0]  }
0x71e: {  	v16 =	vtrunc.f32 v16;
	v21 =	vld [tilespmem:s6+$0x0]  }
0x71f: {  	v16 =	vcvt.f32.s32 v16;
	v22 =	vld [tilespmem:s6+$0x20]  }
0x720: {  	[tilespmem:v5+s30+$0x0] =	vst.idx.add.f32.msk $0xffff, v9  }
0x721: {  	v16 =	vshll.u32 v16, $0x4;
	v9 =	vld [tilespmem:s6+$0x40]  }
0x722: {  	v16 =	vor.u32 v1, v16;
	v23 =	vld [tilespmem:s4+$0x10]  }
0x723: {  	v6 =	vsub.f32 v6, v7;
	v24 =	vld [tilespmem:s6+$0xFFFFFFD0]  }
0x724: {  	v7 =	vld [tilespmem:s4+$0x20]  }
0x725: {  	[tilespmem:v5+s31+$0x0] =	vst.idx.add.f32.msk $0xffff, v2;
	v5 =	vmul.f32 v6, v6  }
0x726: {  	[tilespmem:v12+s30+$0x0] =	vst.idx.add.f32.msk $0xffff, v8  }
0x727: {  	v8 =	vand.u32 $0x7FFFFFFF, v11;
	v9 =	vsub.f32 v9, v11;
	v6 =	vand.u32 $0x7FFFFFFF, v23;
	[tilespmem:v16+s30+$0x0] =	vst.idx.add.f32.msk $0xffff, v5  }
0x728: {  	v5 =	vtrunc.f32 v8;
	v25 =	vtrunc.f32 v6;
	[tilespmem:v12+s31+$0x0] =	vst.idx.add.f32.msk $0xffff, v2  }
0x729: {  	v8 =	vsub.f32 v21, v15;
	v6 =	vand.u32 $0x7FFFFFFF, v15;
	v11 =	vand.u32 $0x7FFFFFFF, v7;
	[tilespmem:v16+s31+$0x0] =	vst.idx.add.f32.msk $0xffff, v2  }
0x72a: {  	v6 =	vtrunc.f32 v6;
	v7 =	vsub.f32 v22, v7;
	v11 =	vtrunc.f32 v11;
	[tilespmem:v4+s30+$0x0] =	vst.idx.add.f32.msk $0xffff, v13  }
0x72b: {  	v12 =	vand.u32 $0x7FFFFFFF, v10;
	v5 =	vcvt.f32.s32 v5;
	v6 =	vcvt.f32.s32 v6;
	[tilespmem:v14+s30+$0x0] =	vst.idx.add.f32.msk $0xffff, v3  }
0x72c: {  	v9 =	vmul.f32 v9, v9;
	v12 =	vtrunc.f32 v12;
	v3 =	vsub.f32 v24, v20;
	[tilespmem:v14+s31+$0x0] =	vst.idx.add.f32.msk $0xffff, v2  }
0x72d: {  	v13 =	vand.u32 $0x7FFFFFFF, v17;
	v5 =	vshll.u32 v5, $0x4;
	v14 =	vand.u32 $0x7FFFFFFF, v20;
	[tilespmem:v4+s31+$0x0] =	vst.idx.add.f32.msk $0xffff, v2  }
0x72e: {  	v8 =	vmul.f32 v8, v8;
	v3 =	vmul.f32 v3, v3;
	v4 =	vshll.u32 v6, $0x4;
	v16 =	vld [tilespmem:s7+$0x9D80]  }
0x72f: {  	v13 =	vtrunc.f32 v13;
	v21 =	vor.u32 v1, v5;
	v6 =	vand.u32 $0x7FFFFFFF, v19;
	v20 =	vld [tilespmem:s6+$0xFFFFFFE0]  }
0x730: {  	v11 =	vcvt.f32.s32 v11;
	v5 =	vcvt.f32.s32 v13;
	v13 =	vsub.f32 v18, v17;
	v17 =	vld [tilespmem:s6+$0x10]  }
0x731: {  	v12 =	vcvt.f32.s32 v12;
	v6 =	vtrunc.f32 v6;
	v22 =	vor.u32 v1, v4;
	v24 =	vld [tilespmem:s7+$0x80]  }
0x732: {  	v11 =	vshll.u32 v11, $0x4;
	v5 =	vshll.u32 v5, $0x4;
	v4 =	vcvt.f32.s32 v6;
	v18 =	vld [tilespmem:s6+$0xFFFFFFB0]  }
0x733: {  	v15 =	vmul.f32 v7, v7;
	v14 =	vtrunc.f32 v14;
	v5 =	vor.u32 v1, v5;
	v6 =	vld [tilespmem:s6+$0xFFFFFFF0]  }
.Ltmp19:
0x734: {  	v4 =	vshll.u32 v4, $0x4;
	v20 =	vsub.f32 v20, v10;
	v7 =	vld [tilespmem:s4+$0xFFFFFFF0];
	v10 =	vor.u32 v1, v11;
	(pc) =	sbr.rel @p0 .LBB2_40-.Ltmp19, $4  }
0x735: {  	v14 =	vcvt.f32.s32 v14;
	v4 =	vor.u32 v1, v4;
	v26 =	vand.u32 $0x7FFFFFFF, v16;
	[tilespmem:v21+s30+$0x0] =	vst.idx.add.f32.msk $0xffff, v9  }
0x736: {  	v9 =	vmul.f32 v13, v13;
	v11 =	vsub.f32 v17, v23;
	v17 =	vtrunc.f32 v26;
	[tilespmem:v21+s31+$0x0] =	vst.idx.add.f32.msk $0xffff, v2  }
0x737: {  	v16 =	vsub.f32 v24, v16;
	v13 =	vsub.f32 v18, v19;
	[tilespmem:v22+s30+$0x0] =	vst.idx.add.f32.msk $0xffff, v8;
	v18 =	vcvt.f32.s32 v17  }
0x738: {  	v12 =	vshll.u32 v12, $0x4;
	s6 =	sadd.s32 $0xA0, s6;
	v8 =	vmul.f32 v20, v20;
	v17 =	vcvt.f32.s32 v25;
	[tilespmem:v22+s31+$0x0] =	vst.idx.add.f32.msk $0xffff, v2  }
0x739: {  	_ =	sdelay $0x2  }
0x73a: {  	v18 =	vshll.u32 v18, $0x4;
	v12 =	vor.u32 v1, v12  }
0x73b: {  	[tilespmem:v10+s30+$0x0] =	vst.idx.add.f32.msk $0xffff, v15;
	v18 =	vor.u32 v1, v18  }
0x73c: {  	v19 =	vand.u32 $0x7FFFFFFF, v7;
	[tilespmem:v5+s30+$0x0] =	vst.idx.add.f32.msk $0xffff, v9  }
0x73d: {  	v15 =	vmul.f32 v16, v16;
	v6 =	vsub.f32 v6, v7;
	v17 =	vshll.u32 v17, $0x4;
	[tilespmem:v10+s31+$0x0] =	vst.idx.add.f32.msk $0xffff, v2  }
0x73e: {  	v7 =	vshll.u32 v14, $0x4;
	v16 =	vtrunc.f32 v19;
	[tilespmem:v5+s31+$0x0] =	vst.idx.add.f32.msk $0xffff, v2;
	v17 =	vor.u32 v1, v17  }
0x73f: {  	v10 =	vcvt.f32.s32 v16;
	v5 =	vmul.f32 v6, v6;
	v6 =	vor.u32 v1, v7;
	[tilespmem:v12+s30+$0x0] =	vst.idx.add.f32.msk $0xffff, v8  }
0x740: {  	[tilespmem:v18+s30+$0x0] =	vst.idx.add.f32.msk $0xffff, v15  }
0x741: {  	v11 =	vmul.f32 v11, v11;
	v10 =	vshll.u32 v10, $0x4;
	[tilespmem:v12+s31+$0x0] =	vst.idx.add.f32.msk $0xffff, v2  }
0x742: {  	v10 =	vor.u32 v1, v10;
	[tilespmem:v18+s31+$0x0] =	vst.idx.add.f32.msk $0xffff, v2  }
0x743: {  	[tilespmem:v17+s30+$0x0] =	vst.idx.add.f32.msk $0xffff, v11  }
0x744: {  	[tilespmem:v6+s30+$0x0] =	vst.idx.add.f32.msk $0xffff, v3  }
0x745: {  	[tilespmem:v17+s31+$0x0] =	vst.idx.add.f32.msk $0xffff, v2  }
0x746: {  	[tilespmem:v6+s31+$0x0] =	vst.idx.add.f32.msk $0xffff, v2  }
0x747: {  	[tilespmem:v10+s30+$0x0] =	vst.idx.add.f32.msk $0xffff, v5;
	v5 =	vmul.f32 v13, v13  }
0x748: {  	[tilespmem:v10+s31+$0x0] =	vst.idx.add.f32.msk $0xffff, v2  }
0x749: {  	[tilespmem:v4+s30+$0x0] =	vst.idx.add.f32.msk $0xffff, v5  }
0x74a: {  	[tilespmem:v4+s31+$0x0] =	vst.idx.add.f32.msk $0xffff, v2  }
0x74b: {  	[tilespmem:s1], [sflag:$0x1] =	stream.linear.gather [hbm4b:s10+s1], $0x4E20, $0x38;
	[tilespmem:$0x14200] =	vst v63  }
0x74c: {  	_ = 	snop  }
0x74d: {  	[tilespmem:s25], [sflag:$0x1] =	stream.linear.gather [hbm4b:s11+s1], $0x4E20, $0x38;
	[tilespmem:$0x14200] =	vst v63  }
0x74e: {  	_ =	swait.ge [sflag:s0], $0x4E20  }
0x74f: {  	[sflag:s0] =	ssyncset.done $0x0  }
0x750: {  	[sflag:s0] =	ssyncadd.s32 $0xFFFFB1E0  }
0x751: {  	_ =	swait.ge [sflag:s0], $0x4E20  }
0x752: {  	[sflag:s0] =	ssyncset.done $0x0  }
0x753: {  	s4 =	simm.s32 $0xEBD0;
	[sflag:s0] =	ssyncadd.s32 $0xFFFFB1E0  }
0x754: {  	v3 =	vld [tilespmem:s4+$0xFFFFFFD0]  }
0x755: {  	v4 =	vld [tilespmem:s4+$0x40]  }
0x756: {  	s6 =	simm.s32 $0x4ED0;
	v5 =	vld [tilespmem:s4+$0x0]  }
0x757: {  	v6 =	vld [tilespmem:s6+$0x0]  }
0x758: {  	v8 =	vld [tilespmem:s4+$0x10]  }
0x759: {  	v7 =	vld [tilespmem:s6+$0x40]  }
0x75a: {  	v12 =	vld [tilespmem:s6+$0xFFFFFFD0]  }
0x75b: {  	v9 =	vld [tilespmem:s4+$0x20]  }
0x75c: {  	v11 =	vld [tilespmem:s4+$0xFFFFFFE0];
	_ =	sdelay $0x1  }
0x75d: {  	v10 =	vld [tilespmem:s6+$0x20];
	v13 =	vand.u32 $0x7FFFFFFF, v8;
	v14 =	vand.u32 $0x7FFFFFFF, v4;
	v4 =	vsub.f32 v7, v4  }
0x75e: {  	v15 =	vld [tilespmem:s4+$0xFFFFFFC0];
	v12 =	vsub.f32 v12, v3;
	v17 =	vtrunc.f32 v13;
	v7 =	vtrunc.f32 v14  }
0x75f: {  	v16 =	vld [tilespmem:s4+$0xFFFFFFB0];
	v13 =	vand.u32 $0x7FFFFFFF, v5;
	v5 =	vsub.f32 v6, v5;
	v6 =	vand.u32 $0x7FFFFFFF, v9  }
0x760: {  	v14 =	vand.u32 $0x7FFFFFFF, v11;
	v13 =	vtrunc.f32 v13;
	v6 =	vtrunc.f32 v6  }
0x761: {  	s5 =	simm.s32 $0x0;
	v19 =	vand.u32 $0x7FFFFFFF, v3;
	v7 =	vcvt.f32.s32 v7;
	v14 =	vtrunc.f32 v14  }
0x762: {  	s7 =	sand.u32 $0x7FE0, s5;
	v9 =	vsub.f32 v10, v9;
	v18 =	vmul.f32 v4, v4;
	v3 =	vmul.f32 v12, v12  }
0x763: {  	v21 =	vld [tilespmem:s7+$0xEC00];
	v4 =	vand.u32 $0x7FFFFFFF, v15;
	v17 =	vcvt.f32.s32 v17;
	v13 =	vcvt.f32.s32 v13  }
0x764: {  	v10 =	vld [tilespmem:s6+$0xFFFFFFC0];
	v20 =	vmul.f32 v5, v5;
	v5 =	vand.u32 $0x7FFFFFFF, v16;
	v4 =	vtrunc.f32 v4  }
0x765: {  	v24 =	vld [tilespmem:s6+$0x10];
	v6 =	vcvt.f32.s32 v6;
	v25 =	vcvt.f32.s32 v14;
	v7 =	vshll.u32 v7, $0x4  }
0x766: {  	v14 =	vtrunc.f32 v19;
	v12 =	vshll.u32 v13, $0x4;
	v13 =	vld [tilespmem:s6+$0xFFFFFFE0];
	v22 =	vor.u32 v1, v7  }
0x767: {  	v27 =	vld [tilespmem:s6+$0xFFFFFFB0];
	v4 =	vcvt.f32.s32 v4;
	v5 =	vtrunc.f32 v5  }
0x768: {  	v14 =	vcvt.f32.s32 v14;
	v7 =	vcvt.f32.s32 v5;
	v26 =	vor.u32 v1, v12;
	v12 =	vld [tilespmem:s7+$0x4F00]  }
0x769: {  	v23 =	vsub.f32 v10, v15;
	v4 =	vshll.u32 v4, $0x4;
	v10 =	vshll.u32 v6, $0x4;
	v6 =	vld [tilespmem:s6+$0xFFFFFFF0]  }
0x76a: {  	v5 =	vor.u32 v1, v4;
	v4 =	vshll.u32 v7, $0x4;
	v7 =	vld [tilespmem:s4+$0xFFFFFFF0];
	v10 =	vor.u32 v1, v10  }
0x76b: {  	v15 =	vmul.f32 v9, v9;
	v19 =	vsub.f32 v13, v11;
	v13 =	vand.u32 $0x7FFFFFFF, v21;
	[tilespmem:v22+s30+$0x0] =	vst.idx.add.f32.msk $0xffff, v18  }
0x76c: {  	v4 =	vor.u32 v1, v4;
	v11 =	vsub.f32 v24, v8;
	v8 =	vtrunc.f32 v13;
	[tilespmem:v22+s31+$0x0] =	vst.idx.add.f32.msk $0xffff, v2  }
0x76d: {  	v9 =	vmul.f32 v23, v23;
	v13 =	vsub.f32 v27, v16;
	[tilespmem:v26+s30+$0x0] =	vst.idx.add.f32.msk $0xffff, v20;
	v18 =	vcvt.f32.s32 v8  }
0x76e: {  	s6 =	simm.s32 $0x4F70;
	v16 =	vsub.f32 v12, v21;
	v12 =	vshll.u32 v25, $0x4;
	v8 =	vmul.f32 v19, v19;
	[tilespmem:v26+s31+$0x0] =	vst.idx.add.f32.msk $0xffff, v2  }
.LBB2_42:
0x76f: {  	s5 =	sadd.s32 $0xA0, s5;
	v14 =	vshll.u32 v14, $0x4;
	[tilespmem:v10+s30+$0x0] =	vst.idx.add.f32.msk $0xffff, v15;
	v15 =	vshll.u32 v18, $0x4;
	s4 =	sadd.s32 $0xA0, s4  }
0x770: {  	v16 =	vmul.f32 v16, v16;
	v18 =	vld [tilespmem:s6+$0xFFFFFFC0];
	s7 =	sand.u32 $0x7FE0, s5;
	p0 =	slt.u32 s5, $0x4D80;
	v14 =	vor.u32 v1, v14;
	v15 =	vor.u32 v1, v15  }
0x771: {  	v13 =	vmul.f32 v13, v13;
	v17 =	vshll.u32 v17, $0x4;
	[tilespmem:v10+s31+$0x0] =	vst.idx.add.f32.msk $0xffff, v2  }
0x772: {  	v10 =	vor.u32 v1, v17;
	v19 =	vld [tilespmem:s4+$0xFFFFFFB0]  }
0x773: {  	v17 =	vld [tilespmem:s4+$0xFFFFFFC0]  }
0x774: {  	v20 =	vld [tilespmem:s4+$0xFFFFFFD0]  }
0x775: {  	v11 =	vmul.f32 v11, v11;
	[tilespmem:v15+s30+$0x0] =	vst.idx.add.f32.msk $0xffff, v16  }
0x776: {  	[tilespmem:v15+s31+$0x0] =	vst.idx.add.f32.msk $0xffff, v2  }
0x777: {  	[tilespmem:v10+s30+$0x0] =	vst.idx.add.f32.msk $0xffff, v11  }
0x778: {  	v11 =	vld [tilespmem:s4+$0x40]  }
0x779: {  	[tilespmem:v10+s31+$0x0] =	vst.idx.add.f32.msk $0xffff, v2  }
0x77a: {  	v12 =	vor.u32 v1, v12;
	v10 =	vld [tilespmem:s4+$0xFFFFFFE0]  }
0x77b: {  	v16 =	vand.u32 $0x7FFFFFFF, v7;
	v15 =	vld [tilespmem:s4+$0x0]  }
0x77c: {  	v16 =	vtrunc.f32 v16;
	v21 =	vld [tilespmem:s6+$0x0]  }
0x77d: {  	v16 =	vcvt.f32.s32 v16;
	v22 =	vld [tilespmem:s6+$0x20]  }
0x77e: {  	[tilespmem:v5+s30+$0x0] =	vst.idx.add.f32.msk $0xffff, v9  }
0x77f: {  	v16 =	vshll.u32 v16, $0x4;
	v9 =	vld [tilespmem:s6+$0x40]  }
0x780: {  	v16 =	vor.u32 v1, v16;
	v23 =	vld [tilespmem:s4+$0x10]  }
0x781: {  	v6 =	vsub.f32 v6, v7;
	v24 =	vld [tilespmem:s6+$0xFFFFFFD0]  }
0x782: {  	v7 =	vld [tilespmem:s4+$0x20]  }
0x783: {  	[tilespmem:v5+s31+$0x0] =	vst.idx.add.f32.msk $0xffff, v2;
	v5 =	vmul.f32 v6, v6  }
0x784: {  	[tilespmem:v12+s30+$0x0] =	vst.idx.add.f32.msk $0xffff, v8  }
0x785: {  	v8 =	vand.u32 $0x7FFFFFFF, v11;
	v9 =	vsub.f32 v9, v11;
	v6 =	vand.u32 $0x7FFFFFFF, v23;
	[tilespmem:v16+s30+$0x0] =	vst.idx.add.f32.msk $0xffff, v5  }
0x786: {  	v5 =	vtrunc.f32 v8;
	v25 =	vtrunc.f32 v6;
	[tilespmem:v12+s31+$0x0] =	vst.idx.add.f32.msk $0xffff, v2  }
0x787: {  	v8 =	vsub.f32 v21, v15;
	v6 =	vand.u32 $0x7FFFFFFF, v15;
	v11 =	vand.u32 $0x7FFFFFFF, v7;
	[tilespmem:v16+s31+$0x0] =	vst.idx.add.f32.msk $0xffff, v2  }
0x788: {  	v6 =	vtrunc.f32 v6;
	v7 =	vsub.f32 v22, v7;
	v11 =	vtrunc.f32 v11;
	[tilespmem:v4+s30+$0x0] =	vst.idx.add.f32.msk $0xffff, v13  }
0x789: {  	v12 =	vand.u32 $0x7FFFFFFF, v10;
	v5 =	vcvt.f32.s32 v5;
	v6 =	vcvt.f32.s32 v6;
	[tilespmem:v14+s30+$0x0] =	vst.idx.add.f32.msk $0xffff, v3  }
0x78a: {  	v9 =	vmul.f32 v9, v9;
	v12 =	vtrunc.f32 v12;
	v3 =	vsub.f32 v24, v20;
	[tilespmem:v14+s31+$0x0] =	vst.idx.add.f32.msk $0xffff, v2  }
0x78b: {  	v13 =	vand.u32 $0x7FFFFFFF, v17;
	v5 =	vshll.u32 v5, $0x4;
	v14 =	vand.u32 $0x7FFFFFFF, v20;
	[tilespmem:v4+s31+$0x0] =	vst.idx.add.f32.msk $0xffff, v2  }
0x78c: {  	v8 =	vmul.f32 v8, v8;
	v3 =	vmul.f32 v3, v3;
	v4 =	vshll.u32 v6, $0x4;
	v16 =	vld [tilespmem:s7+$0xEC00]  }
0x78d: {  	v13 =	vtrunc.f32 v13;
	v21 =	vor.u32 v1, v5;
	v6 =	vand.u32 $0x7FFFFFFF, v19;
	v20 =	vld [tilespmem:s6+$0xFFFFFFE0]  }
0x78e: {  	v11 =	vcvt.f32.s32 v11;
	v5 =	vcvt.f32.s32 v13;
	v13 =	vsub.f32 v18, v17;
	v17 =	vld [tilespmem:s6+$0x10]  }
0x78f: {  	v12 =	vcvt.f32.s32 v12;
	v6 =	vtrunc.f32 v6;
	v22 =	vor.u32 v1, v4;
	v24 =	vld [tilespmem:s7+$0x4F00]  }
0x790: {  	v11 =	vshll.u32 v11, $0x4;
	v5 =	vshll.u32 v5, $0x4;
	v4 =	vcvt.f32.s32 v6;
	v18 =	vld [tilespmem:s6+$0xFFFFFFB0]  }
0x791: {  	v15 =	vmul.f32 v7, v7;
	v14 =	vtrunc.f32 v14;
	v5 =	vor.u32 v1, v5;
	v6 =	vld [tilespmem:s6+$0xFFFFFFF0]  }
.Ltmp20:
0x792: {  	v4 =	vshll.u32 v4, $0x4;
	v20 =	vsub.f32 v20, v10;
	v7 =	vld [tilespmem:s4+$0xFFFFFFF0];
	v10 =	vor.u32 v1, v11;
	(pc) =	sbr.rel @p0 .LBB2_42-.Ltmp20, $4  }
0x793: {  	v14 =	vcvt.f32.s32 v14;
	v4 =	vor.u32 v1, v4;
	v26 =	vand.u32 $0x7FFFFFFF, v16;
	[tilespmem:v21+s30+$0x0] =	vst.idx.add.f32.msk $0xffff, v9  }
0x794: {  	v9 =	vmul.f32 v13, v13;
	v11 =	vsub.f32 v17, v23;
	v17 =	vtrunc.f32 v26;
	[tilespmem:v21+s31+$0x0] =	vst.idx.add.f32.msk $0xffff, v2  }
0x795: {  	v16 =	vsub.f32 v24, v16;
	v13 =	vsub.f32 v18, v19;
	[tilespmem:v22+s30+$0x0] =	vst.idx.add.f32.msk $0xffff, v8;
	v18 =	vcvt.f32.s32 v17  }
0x796: {  	v12 =	vshll.u32 v12, $0x4;
	s6 =	sadd.s32 $0xA0, s6;
	v8 =	vmul.f32 v20, v20;
	v17 =	vcvt.f32.s32 v25;
	[tilespmem:v22+s31+$0x0] =	vst.idx.add.f32.msk $0xffff, v2  }
0x797: {  	_ =	sdelay $0x2  }
0x798: {  	v18 =	vshll.u32 v18, $0x4;
	v12 =	vor.u32 v1, v12  }
0x799: {  	[tilespmem:v10+s30+$0x0] =	vst.idx.add.f32.msk $0xffff, v15;
	v18 =	vor.u32 v1, v18  }
0x79a: {  	v19 =	vand.u32 $0x7FFFFFFF, v7;
	[tilespmem:v5+s30+$0x0] =	vst.idx.add.f32.msk $0xffff, v9  }
0x79b: {  	v15 =	vmul.f32 v16, v16;
	v6 =	vsub.f32 v6, v7;
	v17 =	vshll.u32 v17, $0x4;
	[tilespmem:v10+s31+$0x0] =	vst.idx.add.f32.msk $0xffff, v2  }
0x79c: {  	v7 =	vshll.u32 v14, $0x4;
	v16 =	vtrunc.f32 v19;
	[tilespmem:v5+s31+$0x0] =	vst.idx.add.f32.msk $0xffff, v2;
	v17 =	vor.u32 v1, v17  }
0x79d: {  	v10 =	vcvt.f32.s32 v16;
	v5 =	vmul.f32 v6, v6;
	v6 =	vor.u32 v1, v7;
	[tilespmem:v12+s30+$0x0] =	vst.idx.add.f32.msk $0xffff, v8  }
0x79e: {  	[tilespmem:v18+s30+$0x0] =	vst.idx.add.f32.msk $0xffff, v15  }
0x79f: {  	v11 =	vmul.f32 v11, v11;
	v10 =	vshll.u32 v10, $0x4;
	[tilespmem:v12+s31+$0x0] =	vst.idx.add.f32.msk $0xffff, v2  }
0x7a0: {  	v10 =	vor.u32 v1, v10;
	[tilespmem:v18+s31+$0x0] =	vst.idx.add.f32.msk $0xffff, v2  }
0x7a1: {  	[tilespmem:v17+s30+$0x0] =	vst.idx.add.f32.msk $0xffff, v11  }
0x7a2: {  	[tilespmem:v6+s30+$0x0] =	vst.idx.add.f32.msk $0xffff, v3  }
0x7a3: {  	[tilespmem:v17+s31+$0x0] =	vst.idx.add.f32.msk $0xffff, v2  }
0x7a4: {  	[tilespmem:v6+s31+$0x0] =	vst.idx.add.f32.msk $0xffff, v2  }
0x7a5: {  	[tilespmem:v10+s30+$0x0] =	vst.idx.add.f32.msk $0xffff, v5;
	v5 =	vmul.f32 v13, v13  }
0x7a6: {  	[tilespmem:v10+s31+$0x0] =	vst.idx.add.f32.msk $0xffff, v2  }
0x7a7: {  	[tilespmem:v4+s30+$0x0] =	vst.idx.add.f32.msk $0xffff, v5  }
0x7a8: {  	[tilespmem:v4+s31+$0x0] =	vst.idx.add.f32.msk $0xffff, v2  }
0x7a9: {  	[tilespmem:s26], [sflag:$0x2] =	stream.linear.gather [hbm4b:s12+s1], $0x4E20, $0x38;
	[tilespmem:$0x14200] =	vst v63  }
0x7aa: {  	_ = 	snop  }
0x7ab: {  	[tilespmem:s28], [sflag:$0x2] =	stream.linear.gather [hbm4b:s13+s1], $0x4E20, $0x38;
	[tilespmem:$0x14200] =	vst v63  }
0x7ac: {  	_ =	swait.ge [sflag:s29], $0x4E20  }
0x7ad: {  	[sflag:s29] =	ssyncset.done $0x0  }
0x7ae: {  	[sflag:s29] =	ssyncadd.s32 $0xFFFFB1E0  }
0x7af: {  	_ =	swait.ge [sflag:s29], $0x4E20  }
0x7b0: {  	[sflag:s29] =	ssyncset.done $0x0  }
0x7b1: {  	s4 =	simm.s32 $0x9D50;
	[sflag:s29] =	ssyncadd.s32 $0xFFFFB1E0  }
0x7b2: {  	v3 =	vld [tilespmem:s4+$0xFFFFFFD0]  }
0x7b3: {  	v4 =	vld [tilespmem:s4+$0x40]  }
0x7b4: {  	s6 =	simm.s32 $0x50;
	v5 =	vld [tilespmem:s4+$0x0]  }
0x7b5: {  	v6 =	vld [tilespmem:s6+$0x0]  }
0x7b6: {  	v8 =	vld [tilespmem:s4+$0x10]  }
0x7b7: {  	v7 =	vld [tilespmem:s6+$0x40]  }
0x7b8: {  	v12 =	vld [tilespmem:s6+$0xFFFFFFD0]  }
0x7b9: {  	v9 =	vld [tilespmem:s4+$0x20]  }
0x7ba: {  	v11 =	vld [tilespmem:s4+$0xFFFFFFE0];
	_ =	sdelay $0x1  }
0x7bb: {  	v10 =	vld [tilespmem:s6+$0x20];
	v13 =	vand.u32 $0x7FFFFFFF, v8;
	v14 =	vand.u32 $0x7FFFFFFF, v4;
	v4 =	vsub.f32 v7, v4  }
0x7bc: {  	v15 =	vld [tilespmem:s4+$0xFFFFFFC0];
	v12 =	vsub.f32 v12, v3;
	v17 =	vtrunc.f32 v13;
	v7 =	vtrunc.f32 v14  }
0x7bd: {  	v16 =	vld [tilespmem:s4+$0xFFFFFFB0];
	v13 =	vand.u32 $0x7FFFFFFF, v5;
	v5 =	vsub.f32 v6, v5;
	v6 =	vand.u32 $0x7FFFFFFF, v9  }
0x7be: {  	v14 =	vand.u32 $0x7FFFFFFF, v11;
	v13 =	vtrunc.f32 v13;
	v6 =	vtrunc.f32 v6  }
0x7bf: {  	s5 =	simm.s32 $0x0;
	v19 =	vand.u32 $0x7FFFFFFF, v3;
	v7 =	vcvt.f32.s32 v7;
	v14 =	vtrunc.f32 v14  }
0x7c0: {  	s7 =	sand.u32 $0x7FE0, s5;
	v9 =	vsub.f32 v10, v9;
	v18 =	vmul.f32 v4, v4;
	v3 =	vmul.f32 v12, v12  }
0x7c1: {  	v21 =	vld [tilespmem:s7+$0x9D80];
	v4 =	vand.u32 $0x7FFFFFFF, v15;
	v17 =	vcvt.f32.s32 v17;
	v13 =	vcvt.f32.s32 v13  }
0x7c2: {  	v10 =	vld [tilespmem:s6+$0xFFFFFFC0];
	v20 =	vmul.f32 v5, v5;
	v5 =	vand.u32 $0x7FFFFFFF, v16;
	v4 =	vtrunc.f32 v4  }
0x7c3: {  	v24 =	vld [tilespmem:s6+$0x10];
	v6 =	vcvt.f32.s32 v6;
	v25 =	vcvt.f32.s32 v14;
	v7 =	vshll.u32 v7, $0x4  }
0x7c4: {  	v14 =	vtrunc.f32 v19;
	v12 =	vshll.u32 v13, $0x4;
	v13 =	vld [tilespmem:s6+$0xFFFFFFE0];
	v22 =	vor.u32 v1, v7  }
0x7c5: {  	v27 =	vld [tilespmem:s6+$0xFFFFFFB0];
	v4 =	vcvt.f32.s32 v4;
	v5 =	vtrunc.f32 v5  }
0x7c6: {  	v14 =	vcvt.f32.s32 v14;
	v7 =	vcvt.f32.s32 v5;
	v26 =	vor.u32 v1, v12;
	v12 =	vld [tilespmem:s7+$0x80]  }
0x7c7: {  	v23 =	vsub.f32 v10, v15;
	v4 =	vshll.u32 v4, $0x4;
	v10 =	vshll.u32 v6, $0x4;
	v6 =	vld [tilespmem:s6+$0xFFFFFFF0]  }
0x7c8: {  	v5 =	vor.u32 v1, v4;
	v4 =	vshll.u32 v7, $0x4;
	v7 =	vld [tilespmem:s4+$0xFFFFFFF0];
	v10 =	vor.u32 v1, v10  }
0x7c9: {  	v15 =	vmul.f32 v9, v9;
	v19 =	vsub.f32 v13, v11;
	v13 =	vand.u32 $0x7FFFFFFF, v21;
	[tilespmem:v22+s30+$0x0] =	vst.idx.add.f32.msk $0xffff, v18  }
0x7ca: {  	v4 =	vor.u32 v1, v4;
	v11 =	vsub.f32 v24, v8;
	v8 =	vtrunc.f32 v13;
	[tilespmem:v22+s31+$0x0] =	vst.idx.add.f32.msk $0xffff, v2  }
0x7cb: {  	v9 =	vmul.f32 v23, v23;
	v13 =	vsub.f32 v27, v16;
	[tilespmem:v26+s30+$0x0] =	vst.idx.add.f32.msk $0xffff, v20;
	v18 =	vcvt.f32.s32 v8  }
0x7cc: {  	s6 =	simm.s32 $0xF0;
	v16 =	vsub.f32 v12, v21;
	v12 =	vshll.u32 v25, $0x4;
	v8 =	vmul.f32 v19, v19;
	[tilespmem:v26+s31+$0x0] =	vst.idx.add.f32.msk $0xffff, v2  }
.LBB2_44:
0x7cd: {  	s5 =	sadd.s32 $0xA0, s5;
	v14 =	vshll.u32 v14, $0x4;
	[tilespmem:v10+s30+$0x0] =	vst.idx.add.f32.msk $0xffff, v15;
	v15 =	vshll.u32 v18, $0x4;
	s4 =	sadd.s32 $0xA0, s4  }
0x7ce: {  	v16 =	vmul.f32 v16, v16;
	v18 =	vld [tilespmem:s6+$0xFFFFFFC0];
	s7 =	sand.u32 $0x7FE0, s5;
	p0 =	slt.u32 s5, $0x4D80;
	v14 =	vor.u32 v1, v14;
	v15 =	vor.u32 v1, v15  }
0x7cf: {  	v13 =	vmul.f32 v13, v13;
	v17 =	vshll.u32 v17, $0x4;
	[tilespmem:v10+s31+$0x0] =	vst.idx.add.f32.msk $0xffff, v2  }
0x7d0: {  	v10 =	vor.u32 v1, v17;
	v19 =	vld [tilespmem:s4+$0xFFFFFFB0]  }
0x7d1: {  	v17 =	vld [tilespmem:s4+$0xFFFFFFC0]  }
0x7d2: {  	v20 =	vld [tilespmem:s4+$0xFFFFFFD0]  }
0x7d3: {  	v11 =	vmul.f32 v11, v11;
	[tilespmem:v15+s30+$0x0] =	vst.idx.add.f32.msk $0xffff, v16  }
0x7d4: {  	[tilespmem:v15+s31+$0x0] =	vst.idx.add.f32.msk $0xffff, v2  }
0x7d5: {  	[tilespmem:v10+s30+$0x0] =	vst.idx.add.f32.msk $0xffff, v11  }
0x7d6: {  	v11 =	vld [tilespmem:s4+$0x40]  }
0x7d7: {  	[tilespmem:v10+s31+$0x0] =	vst.idx.add.f32.msk $0xffff, v2  }
0x7d8: {  	v12 =	vor.u32 v1, v12;
	v10 =	vld [tilespmem:s4+$0xFFFFFFE0]  }
0x7d9: {  	v16 =	vand.u32 $0x7FFFFFFF, v7;
	v15 =	vld [tilespmem:s4+$0x0]  }
0x7da: {  	v16 =	vtrunc.f32 v16;
	v21 =	vld [tilespmem:s6+$0x0]  }
0x7db: {  	v16 =	vcvt.f32.s32 v16;
	v22 =	vld [tilespmem:s6+$0x20]  }
0x7dc: {  	[tilespmem:v5+s30+$0x0] =	vst.idx.add.f32.msk $0xffff, v9  }
0x7dd: {  	v16 =	vshll.u32 v16, $0x4;
	v9 =	vld [tilespmem:s6+$0x40]  }
0x7de: {  	v16 =	vor.u32 v1, v16;
	v23 =	vld [tilespmem:s4+$0x10]  }
0x7df: {  	v6 =	vsub.f32 v6, v7;
	v24 =	vld [tilespmem:s6+$0xFFFFFFD0]  }
0x7e0: {  	v7 =	vld [tilespmem:s4+$0x20]  }
0x7e1: {  	[tilespmem:v5+s31+$0x0] =	vst.idx.add.f32.msk $0xffff, v2;
	v5 =	vmul.f32 v6, v6  }
0x7e2: {  	[tilespmem:v12+s30+$0x0] =	vst.idx.add.f32.msk $0xffff, v8  }
0x7e3: {  	v8 =	vand.u32 $0x7FFFFFFF, v11;
	v9 =	vsub.f32 v9, v11;
	v6 =	vand.u32 $0x7FFFFFFF, v23;
	[tilespmem:v16+s30+$0x0] =	vst.idx.add.f32.msk $0xffff, v5  }
0x7e4: {  	v5 =	vtrunc.f32 v8;
	v25 =	vtrunc.f32 v6;
	[tilespmem:v12+s31+$0x0] =	vst.idx.add.f32.msk $0xffff, v2  }
0x7e5: {  	v8 =	vsub.f32 v21, v15;
	v6 =	vand.u32 $0x7FFFFFFF, v15;
	v11 =	vand.u32 $0x7FFFFFFF, v7;
	[tilespmem:v16+s31+$0x0] =	vst.idx.add.f32.msk $0xffff, v2  }
0x7e6: {  	v6 =	vtrunc.f32 v6;
	v7 =	vsub.f32 v22, v7;
	v11 =	vtrunc.f32 v11;
	[tilespmem:v4+s30+$0x0] =	vst.idx.add.f32.msk $0xffff, v13  }
0x7e7: {  	v12 =	vand.u32 $0x7FFFFFFF, v10;
	v5 =	vcvt.f32.s32 v5;
	v6 =	vcvt.f32.s32 v6;
	[tilespmem:v14+s30+$0x0] =	vst.idx.add.f32.msk $0xffff, v3  }
0x7e8: {  	v9 =	vmul.f32 v9, v9;
	v12 =	vtrunc.f32 v12;
	v3 =	vsub.f32 v24, v20;
	[tilespmem:v14+s31+$0x0] =	vst.idx.add.f32.msk $0xffff, v2  }
0x7e9: {  	v13 =	vand.u32 $0x7FFFFFFF, v17;
	v5 =	vshll.u32 v5, $0x4;
	v14 =	vand.u32 $0x7FFFFFFF, v20;
	[tilespmem:v4+s31+$0x0] =	vst.idx.add.f32.msk $0xffff, v2  }
0x7ea: {  	v8 =	vmul.f32 v8, v8;
	v3 =	vmul.f32 v3, v3;
	v4 =	vshll.u32 v6, $0x4;
	v16 =	vld [tilespmem:s7+$0x9D80]  }
0x7eb: {  	v13 =	vtrunc.f32 v13;
	v21 =	vor.u32 v1, v5;
	v6 =	vand.u32 $0x7FFFFFFF, v19;
	v20 =	vld [tilespmem:s6+$0xFFFFFFE0]  }
0x7ec: {  	v11 =	vcvt.f32.s32 v11;
	v5 =	vcvt.f32.s32 v13;
	v13 =	vsub.f32 v18, v17;
	v17 =	vld [tilespmem:s6+$0x10]  }
0x7ed: {  	v12 =	vcvt.f32.s32 v12;
	v6 =	vtrunc.f32 v6;
	v22 =	vor.u32 v1, v4;
	v24 =	vld [tilespmem:s7+$0x80]  }
0x7ee: {  	v11 =	vshll.u32 v11, $0x4;
	v5 =	vshll.u32 v5, $0x4;
	v4 =	vcvt.f32.s32 v6;
	v18 =	vld [tilespmem:s6+$0xFFFFFFB0]  }
0x7ef: {  	v15 =	vmul.f32 v7, v7;
	v14 =	vtrunc.f32 v14;
	v5 =	vor.u32 v1, v5;
	v6 =	vld [tilespmem:s6+$0xFFFFFFF0]  }
.Ltmp21:
0x7f0: {  	v4 =	vshll.u32 v4, $0x4;
	v20 =	vsub.f32 v20, v10;
	v7 =	vld [tilespmem:s4+$0xFFFFFFF0];
	v10 =	vor.u32 v1, v11;
	(pc) =	sbr.rel @p0 .LBB2_44-.Ltmp21, $4  }
0x7f1: {  	v14 =	vcvt.f32.s32 v14;
	v4 =	vor.u32 v1, v4;
	v26 =	vand.u32 $0x7FFFFFFF, v16;
	[tilespmem:v21+s30+$0x0] =	vst.idx.add.f32.msk $0xffff, v9  }
0x7f2: {  	v9 =	vmul.f32 v13, v13;
	v11 =	vsub.f32 v17, v23;
	v17 =	vtrunc.f32 v26;
	[tilespmem:v21+s31+$0x0] =	vst.idx.add.f32.msk $0xffff, v2  }
0x7f3: {  	v16 =	vsub.f32 v24, v16;
	v13 =	vsub.f32 v18, v19;
	[tilespmem:v22+s30+$0x0] =	vst.idx.add.f32.msk $0xffff, v8;
	v18 =	vcvt.f32.s32 v17  }
0x7f4: {  	v12 =	vshll.u32 v12, $0x4;
	s6 =	sadd.s32 $0xA0, s6;
	v8 =	vmul.f32 v20, v20;
	v17 =	vcvt.f32.s32 v25;
	[tilespmem:v22+s31+$0x0] =	vst.idx.add.f32.msk $0xffff, v2  }
0x7f5: {  	_ =	sdelay $0x2  }
0x7f6: {  	v18 =	vshll.u32 v18, $0x4;
	v12 =	vor.u32 v1, v12  }
0x7f7: {  	[tilespmem:v10+s30+$0x0] =	vst.idx.add.f32.msk $0xffff, v15;
	v18 =	vor.u32 v1, v18  }
0x7f8: {  	v19 =	vand.u32 $0x7FFFFFFF, v7;
	[tilespmem:v5+s30+$0x0] =	vst.idx.add.f32.msk $0xffff, v9  }
0x7f9: {  	v15 =	vmul.f32 v16, v16;
	v6 =	vsub.f32 v6, v7;
	v17 =	vshll.u32 v17, $0x4;
	[tilespmem:v10+s31+$0x0] =	vst.idx.add.f32.msk $0xffff, v2  }
0x7fa: {  	v7 =	vshll.u32 v14, $0x4;
	v16 =	vtrunc.f32 v19;
	[tilespmem:v5+s31+$0x0] =	vst.idx.add.f32.msk $0xffff, v2;
	v17 =	vor.u32 v1, v17  }
0x7fb: {  	v10 =	vcvt.f32.s32 v16;
	v5 =	vmul.f32 v6, v6;
	v6 =	vor.u32 v1, v7;
	[tilespmem:v12+s30+$0x0] =	vst.idx.add.f32.msk $0xffff, v8  }
0x7fc: {  	[tilespmem:v18+s30+$0x0] =	vst.idx.add.f32.msk $0xffff, v15  }
0x7fd: {  	v11 =	vmul.f32 v11, v11;
	v10 =	vshll.u32 v10, $0x4;
	[tilespmem:v12+s31+$0x0] =	vst.idx.add.f32.msk $0xffff, v2  }
0x7fe: {  	v10 =	vor.u32 v1, v10;
	[tilespmem:v18+s31+$0x0] =	vst.idx.add.f32.msk $0xffff, v2  }
0x7ff: {  	[tilespmem:v17+s30+$0x0] =	vst.idx.add.f32.msk $0xffff, v11  }
0x800: {  	[tilespmem:v6+s30+$0x0] =	vst.idx.add.f32.msk $0xffff, v3  }
0x801: {  	[tilespmem:v17+s31+$0x0] =	vst.idx.add.f32.msk $0xffff, v2  }
0x802: {  	[tilespmem:v6+s31+$0x0] =	vst.idx.add.f32.msk $0xffff, v2  }
0x803: {  	[tilespmem:v10+s30+$0x0] =	vst.idx.add.f32.msk $0xffff, v5;
	v5 =	vmul.f32 v13, v13  }
0x804: {  	[tilespmem:v10+s31+$0x0] =	vst.idx.add.f32.msk $0xffff, v2  }
0x805: {  	[tilespmem:v4+s30+$0x0] =	vst.idx.add.f32.msk $0xffff, v5  }
0x806: {  	[tilespmem:v4+s31+$0x0] =	vst.idx.add.f32.msk $0xffff, v2  }
0x807: {  	[tilespmem:s1], [sflag:$0x1] =	stream.linear.gather [hbm4b:s14+s1], $0x4E20, $0x38;
	[tilespmem:$0x14200] =	vst v63  }
0x808: {  	_ = 	snop  }
0x809: {  	[tilespmem:s25], [sflag:$0x1] =	stream.linear.gather [hbm4b:s15+s1], $0x4E20, $0x38;
	[tilespmem:$0x14200] =	vst v63  }
0x80a: {  	_ =	swait.ge [sflag:s0], $0x4E20  }
0x80b: {  	[sflag:s0] =	ssyncset.done $0x0  }
0x80c: {  	[sflag:s0] =	ssyncadd.s32 $0xFFFFB1E0  }
0x80d: {  	_ =	swait.ge [sflag:s0], $0x4E20  }
0x80e: {  	[sflag:s0] =	ssyncset.done $0x0  }
0x80f: {  	s4 =	simm.s32 $0xEBD0;
	[sflag:s0] =	ssyncadd.s32 $0xFFFFB1E0  }
0x810: {  	v3 =	vld [tilespmem:s4+$0xFFFFFFD0]  }
0x811: {  	v4 =	vld [tilespmem:s4+$0x40]  }
0x812: {  	s6 =	simm.s32 $0x4ED0;
	v5 =	vld [tilespmem:s4+$0x0]  }
0x813: {  	v6 =	vld [tilespmem:s6+$0x0]  }
0x814: {  	v8 =	vld [tilespmem:s4+$0x10]  }
0x815: {  	v7 =	vld [tilespmem:s6+$0x40]  }
0x816: {  	v12 =	vld [tilespmem:s6+$0xFFFFFFD0]  }
0x817: {  	v9 =	vld [tilespmem:s4+$0x20]  }
0x818: {  	v11 =	vld [tilespmem:s4+$0xFFFFFFE0];
	_ =	sdelay $0x1  }
0x819: {  	v10 =	vld [tilespmem:s6+$0x20];
	v13 =	vand.u32 $0x7FFFFFFF, v8;
	v14 =	vand.u32 $0x7FFFFFFF, v4;
	v4 =	vsub.f32 v7, v4  }
0x81a: {  	v15 =	vld [tilespmem:s4+$0xFFFFFFC0];
	v12 =	vsub.f32 v12, v3;
	v17 =	vtrunc.f32 v13;
	v7 =	vtrunc.f32 v14  }
0x81b: {  	v16 =	vld [tilespmem:s4+$0xFFFFFFB0];
	v13 =	vand.u32 $0x7FFFFFFF, v5;
	v5 =	vsub.f32 v6, v5;
	v6 =	vand.u32 $0x7FFFFFFF, v9  }
0x81c: {  	v14 =	vand.u32 $0x7FFFFFFF, v11;
	v13 =	vtrunc.f32 v13;
	v6 =	vtrunc.f32 v6  }
0x81d: {  	s5 =	simm.s32 $0x0;
	v19 =	vand.u32 $0x7FFFFFFF, v3;
	v7 =	vcvt.f32.s32 v7;
	v14 =	vtrunc.f32 v14  }
0x81e: {  	s7 =	sand.u32 $0x7FE0, s5;
	v9 =	vsub.f32 v10, v9;
	v18 =	vmul.f32 v4, v4;
	v3 =	vmul.f32 v12, v12  }
0x81f: {  	v21 =	vld [tilespmem:s7+$0xEC00];
	v4 =	vand.u32 $0x7FFFFFFF, v15;
	v17 =	vcvt.f32.s32 v17;
	v13 =	vcvt.f32.s32 v13  }
0x820: {  	v10 =	vld [tilespmem:s6+$0xFFFFFFC0];
	v20 =	vmul.f32 v5, v5;
	v5 =	vand.u32 $0x7FFFFFFF, v16;
	v4 =	vtrunc.f32 v4  }
0x821: {  	v24 =	vld [tilespmem:s6+$0x10];
	v6 =	vcvt.f32.s32 v6;
	v25 =	vcvt.f32.s32 v14;
	v7 =	vshll.u32 v7, $0x4  }
0x822: {  	v14 =	vtrunc.f32 v19;
	v12 =	vshll.u32 v13, $0x4;
	v13 =	vld [tilespmem:s6+$0xFFFFFFE0];
	v22 =	vor.u32 v1, v7  }
0x823: {  	v27 =	vld [tilespmem:s6+$0xFFFFFFB0];
	v4 =	vcvt.f32.s32 v4;
	v5 =	vtrunc.f32 v5  }
0x824: {  	v14 =	vcvt.f32.s32 v14;
	v7 =	vcvt.f32.s32 v5;
	v26 =	vor.u32 v1, v12;
	v12 =	vld [tilespmem:s7+$0x4F00]  }
0x825: {  	v23 =	vsub.f32 v10, v15;
	v4 =	vshll.u32 v4, $0x4;
	v10 =	vshll.u32 v6, $0x4;
	v6 =	vld [tilespmem:s6+$0xFFFFFFF0]  }
0x826: {  	v5 =	vor.u32 v1, v4;
	v4 =	vshll.u32 v7, $0x4;
	v7 =	vld [tilespmem:s4+$0xFFFFFFF0];
	v10 =	vor.u32 v1, v10  }
0x827: {  	v15 =	vmul.f32 v9, v9;
	v19 =	vsub.f32 v13, v11;
	v13 =	vand.u32 $0x7FFFFFFF, v21;
	[tilespmem:v22+s30+$0x0] =	vst.idx.add.f32.msk $0xffff, v18  }
0x828: {  	v4 =	vor.u32 v1, v4;
	v11 =	vsub.f32 v24, v8;
	v8 =	vtrunc.f32 v13;
	[tilespmem:v22+s31+$0x0] =	vst.idx.add.f32.msk $0xffff, v2  }
0x829: {  	v9 =	vmul.f32 v23, v23;
	v13 =	vsub.f32 v27, v16;
	[tilespmem:v26+s30+$0x0] =	vst.idx.add.f32.msk $0xffff, v20;
	v18 =	vcvt.f32.s32 v8  }
0x82a: {  	s6 =	simm.s32 $0x4F70;
	v16 =	vsub.f32 v12, v21;
	v12 =	vshll.u32 v25, $0x4;
	v8 =	vmul.f32 v19, v19;
	[tilespmem:v26+s31+$0x0] =	vst.idx.add.f32.msk $0xffff, v2  }
.LBB2_46:
0x82b: {  	s5 =	sadd.s32 $0xA0, s5;
	v14 =	vshll.u32 v14, $0x4;
	[tilespmem:v10+s30+$0x0] =	vst.idx.add.f32.msk $0xffff, v15;
	v15 =	vshll.u32 v18, $0x4;
	s4 =	sadd.s32 $0xA0, s4  }
0x82c: {  	v16 =	vmul.f32 v16, v16;
	v18 =	vld [tilespmem:s6+$0xFFFFFFC0];
	s7 =	sand.u32 $0x7FE0, s5;
	p0 =	slt.u32 s5, $0x4D80;
	v14 =	vor.u32 v1, v14;
	v15 =	vor.u32 v1, v15  }
0x82d: {  	v13 =	vmul.f32 v13, v13;
	v17 =	vshll.u32 v17, $0x4;
	[tilespmem:v10+s31+$0x0] =	vst.idx.add.f32.msk $0xffff, v2  }
0x82e: {  	v10 =	vor.u32 v1, v17;
	v19 =	vld [tilespmem:s4+$0xFFFFFFB0]  }
0x82f: {  	v17 =	vld [tilespmem:s4+$0xFFFFFFC0]  }
0x830: {  	v20 =	vld [tilespmem:s4+$0xFFFFFFD0]  }
0x831: {  	v11 =	vmul.f32 v11, v11;
	[tilespmem:v15+s30+$0x0] =	vst.idx.add.f32.msk $0xffff, v16  }
0x832: {  	[tilespmem:v15+s31+$0x0] =	vst.idx.add.f32.msk $0xffff, v2  }
0x833: {  	[tilespmem:v10+s30+$0x0] =	vst.idx.add.f32.msk $0xffff, v11  }
0x834: {  	v11 =	vld [tilespmem:s4+$0x40]  }
0x835: {  	[tilespmem:v10+s31+$0x0] =	vst.idx.add.f32.msk $0xffff, v2  }
0x836: {  	v12 =	vor.u32 v1, v12;
	v10 =	vld [tilespmem:s4+$0xFFFFFFE0]  }
0x837: {  	v16 =	vand.u32 $0x7FFFFFFF, v7;
	v15 =	vld [tilespmem:s4+$0x0]  }
0x838: {  	v16 =	vtrunc.f32 v16;
	v21 =	vld [tilespmem:s6+$0x0]  }
0x839: {  	v16 =	vcvt.f32.s32 v16;
	v22 =	vld [tilespmem:s6+$0x20]  }
0x83a: {  	[tilespmem:v5+s30+$0x0] =	vst.idx.add.f32.msk $0xffff, v9  }
0x83b: {  	v16 =	vshll.u32 v16, $0x4;
	v9 =	vld [tilespmem:s6+$0x40]  }
0x83c: {  	v16 =	vor.u32 v1, v16;
	v23 =	vld [tilespmem:s4+$0x10]  }
0x83d: {  	v6 =	vsub.f32 v6, v7;
	v24 =	vld [tilespmem:s6+$0xFFFFFFD0]  }
0x83e: {  	v7 =	vld [tilespmem:s4+$0x20]  }
0x83f: {  	[tilespmem:v5+s31+$0x0] =	vst.idx.add.f32.msk $0xffff, v2;
	v5 =	vmul.f32 v6, v6  }
0x840: {  	[tilespmem:v12+s30+$0x0] =	vst.idx.add.f32.msk $0xffff, v8  }
0x841: {  	v8 =	vand.u32 $0x7FFFFFFF, v11;
	v9 =	vsub.f32 v9, v11;
	v6 =	vand.u32 $0x7FFFFFFF, v23;
	[tilespmem:v16+s30+$0x0] =	vst.idx.add.f32.msk $0xffff, v5  }
0x842: {  	v5 =	vtrunc.f32 v8;
	v25 =	vtrunc.f32 v6;
	[tilespmem:v12+s31+$0x0] =	vst.idx.add.f32.msk $0xffff, v2  }
0x843: {  	v8 =	vsub.f32 v21, v15;
	v6 =	vand.u32 $0x7FFFFFFF, v15;
	v11 =	vand.u32 $0x7FFFFFFF, v7;
	[tilespmem:v16+s31+$0x0] =	vst.idx.add.f32.msk $0xffff, v2  }
0x844: {  	v6 =	vtrunc.f32 v6;
	v7 =	vsub.f32 v22, v7;
	v11 =	vtrunc.f32 v11;
	[tilespmem:v4+s30+$0x0] =	vst.idx.add.f32.msk $0xffff, v13  }
0x845: {  	v12 =	vand.u32 $0x7FFFFFFF, v10;
	v5 =	vcvt.f32.s32 v5;
	v6 =	vcvt.f32.s32 v6;
	[tilespmem:v14+s30+$0x0] =	vst.idx.add.f32.msk $0xffff, v3  }
0x846: {  	v9 =	vmul.f32 v9, v9;
	v12 =	vtrunc.f32 v12;
	v3 =	vsub.f32 v24, v20;
	[tilespmem:v14+s31+$0x0] =	vst.idx.add.f32.msk $0xffff, v2  }
0x847: {  	v13 =	vand.u32 $0x7FFFFFFF, v17;
	v5 =	vshll.u32 v5, $0x4;
	v14 =	vand.u32 $0x7FFFFFFF, v20;
	[tilespmem:v4+s31+$0x0] =	vst.idx.add.f32.msk $0xffff, v2  }
0x848: {  	v8 =	vmul.f32 v8, v8;
	v3 =	vmul.f32 v3, v3;
	v4 =	vshll.u32 v6, $0x4;
	v16 =	vld [tilespmem:s7+$0xEC00]  }
0x849: {  	v13 =	vtrunc.f32 v13;
	v21 =	vor.u32 v1, v5;
	v6 =	vand.u32 $0x7FFFFFFF, v19;
	v20 =	vld [tilespmem:s6+$0xFFFFFFE0]  }
0x84a: {  	v11 =	vcvt.f32.s32 v11;
	v5 =	vcvt.f32.s32 v13;
	v13 =	vsub.f32 v18, v17;
	v17 =	vld [tilespmem:s6+$0x10]  }
0x84b: {  	v12 =	vcvt.f32.s32 v12;
	v6 =	vtrunc.f32 v6;
	v22 =	vor.u32 v1, v4;
	v24 =	vld [tilespmem:s7+$0x4F00]  }
0x84c: {  	v11 =	vshll.u32 v11, $0x4;
	v5 =	vshll.u32 v5, $0x4;
	v4 =	vcvt.f32.s32 v6;
	v18 =	vld [tilespmem:s6+$0xFFFFFFB0]  }
0x84d: {  	v15 =	vmul.f32 v7, v7;
	v14 =	vtrunc.f32 v14;
	v5 =	vor.u32 v1, v5;
	v6 =	vld [tilespmem:s6+$0xFFFFFFF0]  }
.Ltmp22:
0x84e: {  	v4 =	vshll.u32 v4, $0x4;
	v20 =	vsub.f32 v20, v10;
	v7 =	vld [tilespmem:s4+$0xFFFFFFF0];
	v10 =	vor.u32 v1, v11;
	(pc) =	sbr.rel @p0 .LBB2_46-.Ltmp22, $4  }
0x84f: {  	v14 =	vcvt.f32.s32 v14;
	v4 =	vor.u32 v1, v4;
	v26 =	vand.u32 $0x7FFFFFFF, v16;
	[tilespmem:v21+s30+$0x0] =	vst.idx.add.f32.msk $0xffff, v9  }
0x850: {  	v9 =	vmul.f32 v13, v13;
	v11 =	vsub.f32 v17, v23;
	v17 =	vtrunc.f32 v26;
	[tilespmem:v21+s31+$0x0] =	vst.idx.add.f32.msk $0xffff, v2  }
0x851: {  	v16 =	vsub.f32 v24, v16;
	v13 =	vsub.f32 v18, v19;
	[tilespmem:v22+s30+$0x0] =	vst.idx.add.f32.msk $0xffff, v8;
	v18 =	vcvt.f32.s32 v17  }
0x852: {  	v12 =	vshll.u32 v12, $0x4;
	s6 =	sadd.s32 $0xA0, s6;
	v8 =	vmul.f32 v20, v20;
	v17 =	vcvt.f32.s32 v25;
	[tilespmem:v22+s31+$0x0] =	vst.idx.add.f32.msk $0xffff, v2  }
0x853: {  	_ =	sdelay $0x2  }
0x854: {  	v18 =	vshll.u32 v18, $0x4;
	v12 =	vor.u32 v1, v12  }
0x855: {  	[tilespmem:v10+s30+$0x0] =	vst.idx.add.f32.msk $0xffff, v15;
	v18 =	vor.u32 v1, v18  }
0x856: {  	v19 =	vand.u32 $0x7FFFFFFF, v7;
	[tilespmem:v5+s30+$0x0] =	vst.idx.add.f32.msk $0xffff, v9  }
0x857: {  	v15 =	vmul.f32 v16, v16;
	v6 =	vsub.f32 v6, v7;
	v17 =	vshll.u32 v17, $0x4;
	[tilespmem:v10+s31+$0x0] =	vst.idx.add.f32.msk $0xffff, v2  }
0x858: {  	v7 =	vshll.u32 v14, $0x4;
	v16 =	vtrunc.f32 v19;
	[tilespmem:v5+s31+$0x0] =	vst.idx.add.f32.msk $0xffff, v2;
	v17 =	vor.u32 v1, v17  }
0x859: {  	v10 =	vcvt.f32.s32 v16;
	v5 =	vmul.f32 v6, v6;
	v6 =	vor.u32 v1, v7;
	[tilespmem:v12+s30+$0x0] =	vst.idx.add.f32.msk $0xffff, v8  }
0x85a: {  	[tilespmem:v18+s30+$0x0] =	vst.idx.add.f32.msk $0xffff, v15  }
0x85b: {  	v11 =	vmul.f32 v11, v11;
	v10 =	vshll.u32 v10, $0x4;
	[tilespmem:v12+s31+$0x0] =	vst.idx.add.f32.msk $0xffff, v2  }
0x85c: {  	v10 =	vor.u32 v1, v10;
	[tilespmem:v18+s31+$0x0] =	vst.idx.add.f32.msk $0xffff, v2  }
0x85d: {  	[tilespmem:v17+s30+$0x0] =	vst.idx.add.f32.msk $0xffff, v11  }
0x85e: {  	[tilespmem:v6+s30+$0x0] =	vst.idx.add.f32.msk $0xffff, v3  }
0x85f: {  	[tilespmem:v17+s31+$0x0] =	vst.idx.add.f32.msk $0xffff, v2  }
0x860: {  	[tilespmem:v6+s31+$0x0] =	vst.idx.add.f32.msk $0xffff, v2  }
0x861: {  	[tilespmem:v10+s30+$0x0] =	vst.idx.add.f32.msk $0xffff, v5;
	v5 =	vmul.f32 v13, v13  }
0x862: {  	[tilespmem:v10+s31+$0x0] =	vst.idx.add.f32.msk $0xffff, v2  }
0x863: {  	[tilespmem:v4+s30+$0x0] =	vst.idx.add.f32.msk $0xffff, v5  }
0x864: {  	[tilespmem:v4+s31+$0x0] =	vst.idx.add.f32.msk $0xffff, v2  }
0x865: {  	[tilespmem:s26], [sflag:$0x2] =	stream.linear.gather [hbm4b:s16+s1], $0x4E20, $0x38;
	[tilespmem:$0x14200] =	vst v63  }
0x866: {  	_ = 	snop  }
0x867: {  	[tilespmem:s28], [sflag:$0x2] =	stream.linear.gather [hbm4b:s17+s1], $0x4E20, $0x38;
	[tilespmem:$0x14200] =	vst v63  }
0x868: {  	_ =	swait.ge [sflag:s29], $0x4E20  }
0x869: {  	[sflag:s29] =	ssyncset.done $0x0  }
0x86a: {  	[sflag:s29] =	ssyncadd.s32 $0xFFFFB1E0  }
0x86b: {  	_ =	swait.ge [sflag:s29], $0x4E20  }
0x86c: {  	[sflag:s29] =	ssyncset.done $0x0  }
0x86d: {  	s4 =	simm.s32 $0x9D50;
	[sflag:s29] =	ssyncadd.s32 $0xFFFFB1E0  }
0x86e: {  	v3 =	vld [tilespmem:s4+$0xFFFFFFD0]  }
0x86f: {  	v4 =	vld [tilespmem:s4+$0x40]  }
0x870: {  	s6 =	simm.s32 $0x50;
	v5 =	vld [tilespmem:s4+$0x0]  }
0x871: {  	v6 =	vld [tilespmem:s6+$0x0]  }
0x872: {  	v8 =	vld [tilespmem:s4+$0x10]  }
0x873: {  	v7 =	vld [tilespmem:s6+$0x40]  }
0x874: {  	v12 =	vld [tilespmem:s6+$0xFFFFFFD0]  }
0x875: {  	v9 =	vld [tilespmem:s4+$0x20]  }
0x876: {  	v11 =	vld [tilespmem:s4+$0xFFFFFFE0];
	_ =	sdelay $0x1  }
0x877: {  	v10 =	vld [tilespmem:s6+$0x20];
	v13 =	vand.u32 $0x7FFFFFFF, v8;
	v14 =	vand.u32 $0x7FFFFFFF, v4;
	v4 =	vsub.f32 v7, v4  }
0x878: {  	v15 =	vld [tilespmem:s4+$0xFFFFFFC0];
	v12 =	vsub.f32 v12, v3;
	v17 =	vtrunc.f32 v13;
	v7 =	vtrunc.f32 v14  }
0x879: {  	v16 =	vld [tilespmem:s4+$0xFFFFFFB0];
	v13 =	vand.u32 $0x7FFFFFFF, v5;
	v5 =	vsub.f32 v6, v5;
	v6 =	vand.u32 $0x7FFFFFFF, v9  }
0x87a: {  	v14 =	vand.u32 $0x7FFFFFFF, v11;
	v13 =	vtrunc.f32 v13;
	v6 =	vtrunc.f32 v6  }
0x87b: {  	s5 =	simm.s32 $0x0;
	v19 =	vand.u32 $0x7FFFFFFF, v3;
	v7 =	vcvt.f32.s32 v7;
	v14 =	vtrunc.f32 v14  }
0x87c: {  	s7 =	sand.u32 $0x7FE0, s5;
	v9 =	vsub.f32 v10, v9;
	v18 =	vmul.f32 v4, v4;
	v3 =	vmul.f32 v12, v12  }
0x87d: {  	v21 =	vld [tilespmem:s7+$0x9D80];
	v4 =	vand.u32 $0x7FFFFFFF, v15;
	v17 =	vcvt.f32.s32 v17;
	v13 =	vcvt.f32.s32 v13  }
0x87e: {  	v10 =	vld [tilespmem:s6+$0xFFFFFFC0];
	v20 =	vmul.f32 v5, v5;
	v5 =	vand.u32 $0x7FFFFFFF, v16;
	v4 =	vtrunc.f32 v4  }
0x87f: {  	v24 =	vld [tilespmem:s6+$0x10];
	v6 =	vcvt.f32.s32 v6;
	v25 =	vcvt.f32.s32 v14;
	v7 =	vshll.u32 v7, $0x4  }
0x880: {  	v14 =	vtrunc.f32 v19;
	v12 =	vshll.u32 v13, $0x4;
	v13 =	vld [tilespmem:s6+$0xFFFFFFE0];
	v22 =	vor.u32 v1, v7  }
0x881: {  	v27 =	vld [tilespmem:s6+$0xFFFFFFB0];
	v4 =	vcvt.f32.s32 v4;
	v5 =	vtrunc.f32 v5  }
0x882: {  	v14 =	vcvt.f32.s32 v14;
	v7 =	vcvt.f32.s32 v5;
	v26 =	vor.u32 v1, v12;
	v12 =	vld [tilespmem:s7+$0x80]  }
0x883: {  	v23 =	vsub.f32 v10, v15;
	v4 =	vshll.u32 v4, $0x4;
	v10 =	vshll.u32 v6, $0x4;
	v6 =	vld [tilespmem:s6+$0xFFFFFFF0]  }
0x884: {  	v5 =	vor.u32 v1, v4;
	v4 =	vshll.u32 v7, $0x4;
	v7 =	vld [tilespmem:s4+$0xFFFFFFF0];
	v10 =	vor.u32 v1, v10  }
0x885: {  	v15 =	vmul.f32 v9, v9;
	v19 =	vsub.f32 v13, v11;
	v13 =	vand.u32 $0x7FFFFFFF, v21;
	[tilespmem:v22+s30+$0x0] =	vst.idx.add.f32.msk $0xffff, v18  }
0x886: {  	v4 =	vor.u32 v1, v4;
	v11 =	vsub.f32 v24, v8;
	v8 =	vtrunc.f32 v13;
	[tilespmem:v22+s31+$0x0] =	vst.idx.add.f32.msk $0xffff, v2  }
0x887: {  	v9 =	vmul.f32 v23, v23;
	v13 =	vsub.f32 v27, v16;
	[tilespmem:v26+s30+$0x0] =	vst.idx.add.f32.msk $0xffff, v20;
	v18 =	vcvt.f32.s32 v8  }
0x888: {  	s6 =	simm.s32 $0xF0;
	v16 =	vsub.f32 v12, v21;
	v12 =	vshll.u32 v25, $0x4;
	v8 =	vmul.f32 v19, v19;
	[tilespmem:v26+s31+$0x0] =	vst.idx.add.f32.msk $0xffff, v2  }
.LBB2_48:
0x889: {  	s5 =	sadd.s32 $0xA0, s5;
	v14 =	vshll.u32 v14, $0x4;
	[tilespmem:v10+s30+$0x0] =	vst.idx.add.f32.msk $0xffff, v15;
	v15 =	vshll.u32 v18, $0x4;
	s4 =	sadd.s32 $0xA0, s4  }
0x88a: {  	v16 =	vmul.f32 v16, v16;
	v18 =	vld [tilespmem:s6+$0xFFFFFFC0];
	s7 =	sand.u32 $0x7FE0, s5;
	p0 =	slt.u32 s5, $0x4D80;
	v14 =	vor.u32 v1, v14;
	v15 =	vor.u32 v1, v15  }
0x88b: {  	v13 =	vmul.f32 v13, v13;
	v17 =	vshll.u32 v17, $0x4;
	[tilespmem:v10+s31+$0x0] =	vst.idx.add.f32.msk $0xffff, v2  }
0x88c: {  	v10 =	vor.u32 v1, v17;
	v19 =	vld [tilespmem:s4+$0xFFFFFFB0]  }
0x88d: {  	v17 =	vld [tilespmem:s4+$0xFFFFFFC0]  }
0x88e: {  	v20 =	vld [tilespmem:s4+$0xFFFFFFD0]  }
0x88f: {  	v11 =	vmul.f32 v11, v11;
	[tilespmem:v15+s30+$0x0] =	vst.idx.add.f32.msk $0xffff, v16  }
0x890: {  	[tilespmem:v15+s31+$0x0] =	vst.idx.add.f32.msk $0xffff, v2  }
0x891: {  	[tilespmem:v10+s30+$0x0] =	vst.idx.add.f32.msk $0xffff, v11  }
0x892: {  	v11 =	vld [tilespmem:s4+$0x40]  }
0x893: {  	[tilespmem:v10+s31+$0x0] =	vst.idx.add.f32.msk $0xffff, v2  }
0x894: {  	v12 =	vor.u32 v1, v12;
	v10 =	vld [tilespmem:s4+$0xFFFFFFE0]  }
0x895: {  	v16 =	vand.u32 $0x7FFFFFFF, v7;
	v15 =	vld [tilespmem:s4+$0x0]  }
0x896: {  	v16 =	vtrunc.f32 v16;
	v21 =	vld [tilespmem:s6+$0x0]  }
0x897: {  	v16 =	vcvt.f32.s32 v16;
	v22 =	vld [tilespmem:s6+$0x20]  }
0x898: {  	[tilespmem:v5+s30+$0x0] =	vst.idx.add.f32.msk $0xffff, v9  }
0x899: {  	v16 =	vshll.u32 v16, $0x4;
	v9 =	vld [tilespmem:s6+$0x40]  }
0x89a: {  	v16 =	vor.u32 v1, v16;
	v23 =	vld [tilespmem:s4+$0x10]  }
0x89b: {  	v6 =	vsub.f32 v6, v7;
	v24 =	vld [tilespmem:s6+$0xFFFFFFD0]  }
0x89c: {  	v7 =	vld [tilespmem:s4+$0x20]  }
0x89d: {  	[tilespmem:v5+s31+$0x0] =	vst.idx.add.f32.msk $0xffff, v2;
	v5 =	vmul.f32 v6, v6  }
0x89e: {  	[tilespmem:v12+s30+$0x0] =	vst.idx.add.f32.msk $0xffff, v8  }
0x89f: {  	v8 =	vand.u32 $0x7FFFFFFF, v11;
	v9 =	vsub.f32 v9, v11;
	v6 =	vand.u32 $0x7FFFFFFF, v23;
	[tilespmem:v16+s30+$0x0] =	vst.idx.add.f32.msk $0xffff, v5  }
0x8a0: {  	v5 =	vtrunc.f32 v8;
	v25 =	vtrunc.f32 v6;
	[tilespmem:v12+s31+$0x0] =	vst.idx.add.f32.msk $0xffff, v2  }
0x8a1: {  	v8 =	vsub.f32 v21, v15;
	v6 =	vand.u32 $0x7FFFFFFF, v15;
	v11 =	vand.u32 $0x7FFFFFFF, v7;
	[tilespmem:v16+s31+$0x0] =	vst.idx.add.f32.msk $0xffff, v2  }
0x8a2: {  	v6 =	vtrunc.f32 v6;
	v7 =	vsub.f32 v22, v7;
	v11 =	vtrunc.f32 v11;
	[tilespmem:v4+s30+$0x0] =	vst.idx.add.f32.msk $0xffff, v13  }
0x8a3: {  	v12 =	vand.u32 $0x7FFFFFFF, v10;
	v5 =	vcvt.f32.s32 v5;
	v6 =	vcvt.f32.s32 v6;
	[tilespmem:v14+s30+$0x0] =	vst.idx.add.f32.msk $0xffff, v3  }
0x8a4: {  	v9 =	vmul.f32 v9, v9;
	v12 =	vtrunc.f32 v12;
	v3 =	vsub.f32 v24, v20;
	[tilespmem:v14+s31+$0x0] =	vst.idx.add.f32.msk $0xffff, v2  }
0x8a5: {  	v13 =	vand.u32 $0x7FFFFFFF, v17;
	v5 =	vshll.u32 v5, $0x4;
	v14 =	vand.u32 $0x7FFFFFFF, v20;
	[tilespmem:v4+s31+$0x0] =	vst.idx.add.f32.msk $0xffff, v2  }
0x8a6: {  	v8 =	vmul.f32 v8, v8;
	v3 =	vmul.f32 v3, v3;
	v4 =	vshll.u32 v6, $0x4;
	v16 =	vld [tilespmem:s7+$0x9D80]  }
0x8a7: {  	v13 =	vtrunc.f32 v13;
	v21 =	vor.u32 v1, v5;
	v6 =	vand.u32 $0x7FFFFFFF, v19;
	v20 =	vld [tilespmem:s6+$0xFFFFFFE0]  }
0x8a8: {  	v11 =	vcvt.f32.s32 v11;
	v5 =	vcvt.f32.s32 v13;
	v13 =	vsub.f32 v18, v17;
	v17 =	vld [tilespmem:s6+$0x10]  }
0x8a9: {  	v12 =	vcvt.f32.s32 v12;
	v6 =	vtrunc.f32 v6;
	v22 =	vor.u32 v1, v4;
	v24 =	vld [tilespmem:s7+$0x80]  }
0x8aa: {  	v11 =	vshll.u32 v11, $0x4;
	v5 =	vshll.u32 v5, $0x4;
	v4 =	vcvt.f32.s32 v6;
	v18 =	vld [tilespmem:s6+$0xFFFFFFB0]  }
0x8ab: {  	v15 =	vmul.f32 v7, v7;
	v14 =	vtrunc.f32 v14;
	v5 =	vor.u32 v1, v5;
	v6 =	vld [tilespmem:s6+$0xFFFFFFF0]  }
.Ltmp23:
0x8ac: {  	v4 =	vshll.u32 v4, $0x4;
	v20 =	vsub.f32 v20, v10;
	v7 =	vld [tilespmem:s4+$0xFFFFFFF0];
	v10 =	vor.u32 v1, v11;
	(pc) =	sbr.rel @p0 .LBB2_48-.Ltmp23, $4  }
0x8ad: {  	v14 =	vcvt.f32.s32 v14;
	v4 =	vor.u32 v1, v4;
	v26 =	vand.u32 $0x7FFFFFFF, v16;
	[tilespmem:v21+s30+$0x0] =	vst.idx.add.f32.msk $0xffff, v9  }
0x8ae: {  	v9 =	vmul.f32 v13, v13;
	v11 =	vsub.f32 v17, v23;
	v17 =	vtrunc.f32 v26;
	[tilespmem:v21+s31+$0x0] =	vst.idx.add.f32.msk $0xffff, v2  }
0x8af: {  	v16 =	vsub.f32 v24, v16;
	v13 =	vsub.f32 v18, v19;
	[tilespmem:v22+s30+$0x0] =	vst.idx.add.f32.msk $0xffff, v8;
	v18 =	vcvt.f32.s32 v17  }
0x8b0: {  	v12 =	vshll.u32 v12, $0x4;
	s6 =	sadd.s32 $0xA0, s6;
	v8 =	vmul.f32 v20, v20;
	v17 =	vcvt.f32.s32 v25;
	[tilespmem:v22+s31+$0x0] =	vst.idx.add.f32.msk $0xffff, v2  }
0x8b1: {  	_ =	sdelay $0x2  }
0x8b2: {  	v18 =	vshll.u32 v18, $0x4;
	v12 =	vor.u32 v1, v12  }
0x8b3: {  	[tilespmem:v10+s30+$0x0] =	vst.idx.add.f32.msk $0xffff, v15;
	v18 =	vor.u32 v1, v18  }
0x8b4: {  	v19 =	vand.u32 $0x7FFFFFFF, v7;
	[tilespmem:v5+s30+$0x0] =	vst.idx.add.f32.msk $0xffff, v9  }
0x8b5: {  	v15 =	vmul.f32 v16, v16;
	v6 =	vsub.f32 v6, v7;
	v17 =	vshll.u32 v17, $0x4;
	[tilespmem:v10+s31+$0x0] =	vst.idx.add.f32.msk $0xffff, v2  }
0x8b6: {  	v7 =	vshll.u32 v14, $0x4;
	v16 =	vtrunc.f32 v19;
	[tilespmem:v5+s31+$0x0] =	vst.idx.add.f32.msk $0xffff, v2;
	v17 =	vor.u32 v1, v17  }
0x8b7: {  	v10 =	vcvt.f32.s32 v16;
	v5 =	vmul.f32 v6, v6;
	v6 =	vor.u32 v1, v7;
	[tilespmem:v12+s30+$0x0] =	vst.idx.add.f32.msk $0xffff, v8  }
0x8b8: {  	[tilespmem:v18+s30+$0x0] =	vst.idx.add.f32.msk $0xffff, v15  }
0x8b9: {  	v11 =	vmul.f32 v11, v11;
	v10 =	vshll.u32 v10, $0x4;
	[tilespmem:v12+s31+$0x0] =	vst.idx.add.f32.msk $0xffff, v2  }
0x8ba: {  	v10 =	vor.u32 v1, v10;
	[tilespmem:v18+s31+$0x0] =	vst.idx.add.f32.msk $0xffff, v2  }
0x8bb: {  	[tilespmem:v17+s30+$0x0] =	vst.idx.add.f32.msk $0xffff, v11  }
0x8bc: {  	[tilespmem:v6+s30+$0x0] =	vst.idx.add.f32.msk $0xffff, v3  }
0x8bd: {  	[tilespmem:v17+s31+$0x0] =	vst.idx.add.f32.msk $0xffff, v2  }
0x8be: {  	[tilespmem:v6+s31+$0x0] =	vst.idx.add.f32.msk $0xffff, v2  }
0x8bf: {  	[tilespmem:v10+s30+$0x0] =	vst.idx.add.f32.msk $0xffff, v5;
	v5 =	vmul.f32 v13, v13  }
0x8c0: {  	[tilespmem:v10+s31+$0x0] =	vst.idx.add.f32.msk $0xffff, v2  }
0x8c1: {  	[tilespmem:v4+s30+$0x0] =	vst.idx.add.f32.msk $0xffff, v5  }
0x8c2: {  	[tilespmem:v4+s31+$0x0] =	vst.idx.add.f32.msk $0xffff, v2  }
0x8c3: {  	[tilespmem:s1], [sflag:$0x1] =	stream.linear.gather [hbm4b:s20+s1], $0x4E20, $0x38;
	[tilespmem:$0x14200] =	vst v63  }
0x8c4: {  	_ = 	snop  }
0x8c5: {  	[tilespmem:s25], [sflag:$0x1] =	stream.linear.gather [hbm4b:s21+s1], $0x4E20, $0x38;
	[tilespmem:$0x14200] =	vst v63  }
0x8c6: {  	_ =	swait.ge [sflag:s0], $0x4E20  }
0x8c7: {  	[sflag:s0] =	ssyncset.done $0x0  }
0x8c8: {  	[sflag:s0] =	ssyncadd.s32 $0xFFFFB1E0  }
0x8c9: {  	_ =	swait.ge [sflag:s0], $0x4E20  }
0x8ca: {  	[sflag:s0] =	ssyncset.done $0x0  }
0x8cb: {  	s4 =	simm.s32 $0xEBD0;
	[sflag:s0] =	ssyncadd.s32 $0xFFFFB1E0  }
0x8cc: {  	v3 =	vld [tilespmem:s4+$0xFFFFFFD0]  }
0x8cd: {  	v4 =	vld [tilespmem:s4+$0x40]  }
0x8ce: {  	s6 =	simm.s32 $0x4ED0;
	v5 =	vld [tilespmem:s4+$0x0]  }
0x8cf: {  	v6 =	vld [tilespmem:s6+$0x0]  }
0x8d0: {  	v8 =	vld [tilespmem:s4+$0x10]  }
0x8d1: {  	v7 =	vld [tilespmem:s6+$0x40]  }
0x8d2: {  	v12 =	vld [tilespmem:s6+$0xFFFFFFD0]  }
0x8d3: {  	v9 =	vld [tilespmem:s4+$0x20]  }
0x8d4: {  	v11 =	vld [tilespmem:s4+$0xFFFFFFE0];
	_ =	sdelay $0x1  }
0x8d5: {  	v10 =	vld [tilespmem:s6+$0x20];
	v13 =	vand.u32 $0x7FFFFFFF, v8;
	v14 =	vand.u32 $0x7FFFFFFF, v4;
	v4 =	vsub.f32 v7, v4  }
0x8d6: {  	v15 =	vld [tilespmem:s4+$0xFFFFFFC0];
	v12 =	vsub.f32 v12, v3;
	v17 =	vtrunc.f32 v13;
	v7 =	vtrunc.f32 v14  }
0x8d7: {  	v16 =	vld [tilespmem:s4+$0xFFFFFFB0];
	v13 =	vand.u32 $0x7FFFFFFF, v5;
	v5 =	vsub.f32 v6, v5;
	v6 =	vand.u32 $0x7FFFFFFF, v9  }
0x8d8: {  	v14 =	vand.u32 $0x7FFFFFFF, v11;
	v13 =	vtrunc.f32 v13;
	v6 =	vtrunc.f32 v6  }
0x8d9: {  	s5 =	simm.s32 $0x0;
	v19 =	vand.u32 $0x7FFFFFFF, v3;
	v7 =	vcvt.f32.s32 v7;
	v14 =	vtrunc.f32 v14  }
0x8da: {  	s7 =	sand.u32 $0x7FE0, s5;
	v9 =	vsub.f32 v10, v9;
	v18 =	vmul.f32 v4, v4;
	v3 =	vmul.f32 v12, v12  }
0x8db: {  	v21 =	vld [tilespmem:s7+$0xEC00];
	v4 =	vand.u32 $0x7FFFFFFF, v15;
	v17 =	vcvt.f32.s32 v17;
	v13 =	vcvt.f32.s32 v13  }
0x8dc: {  	v10 =	vld [tilespmem:s6+$0xFFFFFFC0];
	v20 =	vmul.f32 v5, v5;
	v5 =	vand.u32 $0x7FFFFFFF, v16;
	v4 =	vtrunc.f32 v4  }
0x8dd: {  	v24 =	vld [tilespmem:s6+$0x10];
	v6 =	vcvt.f32.s32 v6;
	v25 =	vcvt.f32.s32 v14;
	v7 =	vshll.u32 v7, $0x4  }
0x8de: {  	v14 =	vtrunc.f32 v19;
	v12 =	vshll.u32 v13, $0x4;
	v13 =	vld [tilespmem:s6+$0xFFFFFFE0];
	v22 =	vor.u32 v1, v7  }
0x8df: {  	v27 =	vld [tilespmem:s6+$0xFFFFFFB0];
	v4 =	vcvt.f32.s32 v4;
	v5 =	vtrunc.f32 v5  }
0x8e0: {  	v14 =	vcvt.f32.s32 v14;
	v7 =	vcvt.f32.s32 v5;
	v26 =	vor.u32 v1, v12;
	v12 =	vld [tilespmem:s7+$0x4F00]  }
0x8e1: {  	v23 =	vsub.f32 v10, v15;
	v4 =	vshll.u32 v4, $0x4;
	v10 =	vshll.u32 v6, $0x4;
	v6 =	vld [tilespmem:s6+$0xFFFFFFF0]  }
0x8e2: {  	v5 =	vor.u32 v1, v4;
	v4 =	vshll.u32 v7, $0x4;
	v7 =	vld [tilespmem:s4+$0xFFFFFFF0];
	v10 =	vor.u32 v1, v10  }
0x8e3: {  	v15 =	vmul.f32 v9, v9;
	v19 =	vsub.f32 v13, v11;
	v13 =	vand.u32 $0x7FFFFFFF, v21;
	[tilespmem:v22+s30+$0x0] =	vst.idx.add.f32.msk $0xffff, v18  }
0x8e4: {  	v4 =	vor.u32 v1, v4;
	v11 =	vsub.f32 v24, v8;
	v8 =	vtrunc.f32 v13;
	[tilespmem:v22+s31+$0x0] =	vst.idx.add.f32.msk $0xffff, v2  }
0x8e5: {  	v9 =	vmul.f32 v23, v23;
	v13 =	vsub.f32 v27, v16;
	[tilespmem:v26+s30+$0x0] =	vst.idx.add.f32.msk $0xffff, v20;
	v18 =	vcvt.f32.s32 v8  }
0x8e6: {  	s6 =	simm.s32 $0x4F70;
	v16 =	vsub.f32 v12, v21;
	v12 =	vshll.u32 v25, $0x4;
	v8 =	vmul.f32 v19, v19;
	[tilespmem:v26+s31+$0x0] =	vst.idx.add.f32.msk $0xffff, v2  }
.LBB2_50:
0x8e7: {  	s5 =	sadd.s32 $0xA0, s5;
	v14 =	vshll.u32 v14, $0x4;
	[tilespmem:v10+s30+$0x0] =	vst.idx.add.f32.msk $0xffff, v15;
	v15 =	vshll.u32 v18, $0x4;
	s4 =	sadd.s32 $0xA0, s4  }
0x8e8: {  	v16 =	vmul.f32 v16, v16;
	v18 =	vld [tilespmem:s6+$0xFFFFFFC0];
	s7 =	sand.u32 $0x7FE0, s5;
	p0 =	slt.u32 s5, $0x4D80;
	v14 =	vor.u32 v1, v14;
	v15 =	vor.u32 v1, v15  }
0x8e9: {  	v13 =	vmul.f32 v13, v13;
	v17 =	vshll.u32 v17, $0x4;
	[tilespmem:v10+s31+$0x0] =	vst.idx.add.f32.msk $0xffff, v2  }
0x8ea: {  	v10 =	vor.u32 v1, v17;
	v19 =	vld [tilespmem:s4+$0xFFFFFFB0]  }
0x8eb: {  	v17 =	vld [tilespmem:s4+$0xFFFFFFC0]  }
0x8ec: {  	v20 =	vld [tilespmem:s4+$0xFFFFFFD0]  }
0x8ed: {  	v11 =	vmul.f32 v11, v11;
	[tilespmem:v15+s30+$0x0] =	vst.idx.add.f32.msk $0xffff, v16  }
0x8ee: {  	[tilespmem:v15+s31+$0x0] =	vst.idx.add.f32.msk $0xffff, v2  }
0x8ef: {  	[tilespmem:v10+s30+$0x0] =	vst.idx.add.f32.msk $0xffff, v11  }
0x8f0: {  	v11 =	vld [tilespmem:s4+$0x40]  }
0x8f1: {  	[tilespmem:v10+s31+$0x0] =	vst.idx.add.f32.msk $0xffff, v2  }
0x8f2: {  	v12 =	vor.u32 v1, v12;
	v10 =	vld [tilespmem:s4+$0xFFFFFFE0]  }
0x8f3: {  	v16 =	vand.u32 $0x7FFFFFFF, v7;
	v15 =	vld [tilespmem:s4+$0x0]  }
0x8f4: {  	v16 =	vtrunc.f32 v16;
	v21 =	vld [tilespmem:s6+$0x0]  }
0x8f5: {  	v16 =	vcvt.f32.s32 v16;
	v22 =	vld [tilespmem:s6+$0x20]  }
0x8f6: {  	[tilespmem:v5+s30+$0x0] =	vst.idx.add.f32.msk $0xffff, v9  }
0x8f7: {  	v16 =	vshll.u32 v16, $0x4;
	v9 =	vld [tilespmem:s6+$0x40]  }
0x8f8: {  	v16 =	vor.u32 v1, v16;
	v23 =	vld [tilespmem:s4+$0x10]  }
0x8f9: {  	v6 =	vsub.f32 v6, v7;
	v24 =	vld [tilespmem:s6+$0xFFFFFFD0]  }
0x8fa: {  	v7 =	vld [tilespmem:s4+$0x20]  }
0x8fb: {  	[tilespmem:v5+s31+$0x0] =	vst.idx.add.f32.msk $0xffff, v2;
	v5 =	vmul.f32 v6, v6  }
0x8fc: {  	[tilespmem:v12+s30+$0x0] =	vst.idx.add.f32.msk $0xffff, v8  }
0x8fd: {  	v8 =	vand.u32 $0x7FFFFFFF, v11;
	v9 =	vsub.f32 v9, v11;
	v6 =	vand.u32 $0x7FFFFFFF, v23;
	[tilespmem:v16+s30+$0x0] =	vst.idx.add.f32.msk $0xffff, v5  }
0x8fe: {  	v5 =	vtrunc.f32 v8;
	v25 =	vtrunc.f32 v6;
	[tilespmem:v12+s31+$0x0] =	vst.idx.add.f32.msk $0xffff, v2  }
0x8ff: {  	v8 =	vsub.f32 v21, v15;
	v6 =	vand.u32 $0x7FFFFFFF, v15;
	v11 =	vand.u32 $0x7FFFFFFF, v7;
	[tilespmem:v16+s31+$0x0] =	vst.idx.add.f32.msk $0xffff, v2  }
0x900: {  	v6 =	vtrunc.f32 v6;
	v7 =	vsub.f32 v22, v7;
	v11 =	vtrunc.f32 v11;
	[tilespmem:v4+s30+$0x0] =	vst.idx.add.f32.msk $0xffff, v13  }
0x901: {  	v12 =	vand.u32 $0x7FFFFFFF, v10;
	v5 =	vcvt.f32.s32 v5;
	v6 =	vcvt.f32.s32 v6;
	[tilespmem:v14+s30+$0x0] =	vst.idx.add.f32.msk $0xffff, v3  }
0x902: {  	v9 =	vmul.f32 v9, v9;
	v12 =	vtrunc.f32 v12;
	v3 =	vsub.f32 v24, v20;
	[tilespmem:v14+s31+$0x0] =	vst.idx.add.f32.msk $0xffff, v2  }
0x903: {  	v13 =	vand.u32 $0x7FFFFFFF, v17;
	v5 =	vshll.u32 v5, $0x4;
	v14 =	vand.u32 $0x7FFFFFFF, v20;
	[tilespmem:v4+s31+$0x0] =	vst.idx.add.f32.msk $0xffff, v2  }
0x904: {  	v8 =	vmul.f32 v8, v8;
	v3 =	vmul.f32 v3, v3;
	v4 =	vshll.u32 v6, $0x4;
	v16 =	vld [tilespmem:s7+$0xEC00]  }
0x905: {  	v13 =	vtrunc.f32 v13;
	v21 =	vor.u32 v1, v5;
	v6 =	vand.u32 $0x7FFFFFFF, v19;
	v20 =	vld [tilespmem:s6+$0xFFFFFFE0]  }
0x906: {  	v11 =	vcvt.f32.s32 v11;
	v5 =	vcvt.f32.s32 v13;
	v13 =	vsub.f32 v18, v17;
	v17 =	vld [tilespmem:s6+$0x10]  }
0x907: {  	v12 =	vcvt.f32.s32 v12;
	v6 =	vtrunc.f32 v6;
	v22 =	vor.u32 v1, v4;
	v24 =	vld [tilespmem:s7+$0x4F00]  }
0x908: {  	v11 =	vshll.u32 v11, $0x4;
	v5 =	vshll.u32 v5, $0x4;
	v4 =	vcvt.f32.s32 v6;
	v18 =	vld [tilespmem:s6+$0xFFFFFFB0]  }
0x909: {  	v15 =	vmul.f32 v7, v7;
	v14 =	vtrunc.f32 v14;
	v5 =	vor.u32 v1, v5;
	v6 =	vld [tilespmem:s6+$0xFFFFFFF0]  }
.Ltmp24:
0x90a: {  	v4 =	vshll.u32 v4, $0x4;
	v20 =	vsub.f32 v20, v10;
	v7 =	vld [tilespmem:s4+$0xFFFFFFF0];
	v10 =	vor.u32 v1, v11;
	(pc) =	sbr.rel @p0 .LBB2_50-.Ltmp24, $4  }
0x90b: {  	v14 =	vcvt.f32.s32 v14;
	v4 =	vor.u32 v1, v4;
	v26 =	vand.u32 $0x7FFFFFFF, v16;
	[tilespmem:v21+s30+$0x0] =	vst.idx.add.f32.msk $0xffff, v9  }
0x90c: {  	v9 =	vmul.f32 v13, v13;
	v11 =	vsub.f32 v17, v23;
	v17 =	vtrunc.f32 v26;
	[tilespmem:v21+s31+$0x0] =	vst.idx.add.f32.msk $0xffff, v2  }
0x90d: {  	v16 =	vsub.f32 v24, v16;
	v13 =	vsub.f32 v18, v19;
	[tilespmem:v22+s30+$0x0] =	vst.idx.add.f32.msk $0xffff, v8;
	v18 =	vcvt.f32.s32 v17  }
0x90e: {  	v12 =	vshll.u32 v12, $0x4;
	s6 =	sadd.s32 $0xA0, s6;
	v8 =	vmul.f32 v20, v20;
	v17 =	vcvt.f32.s32 v25;
	[tilespmem:v22+s31+$0x0] =	vst.idx.add.f32.msk $0xffff, v2  }
0x90f: {  	_ =	sdelay $0x2  }
0x910: {  	v18 =	vshll.u32 v18, $0x4;
	v12 =	vor.u32 v1, v12  }
0x911: {  	[tilespmem:v10+s30+$0x0] =	vst.idx.add.f32.msk $0xffff, v15;
	v18 =	vor.u32 v1, v18  }
0x912: {  	v19 =	vand.u32 $0x7FFFFFFF, v7;
	[tilespmem:v5+s30+$0x0] =	vst.idx.add.f32.msk $0xffff, v9  }
0x913: {  	v15 =	vmul.f32 v16, v16;
	v6 =	vsub.f32 v6, v7;
	v17 =	vshll.u32 v17, $0x4;
	[tilespmem:v10+s31+$0x0] =	vst.idx.add.f32.msk $0xffff, v2  }
0x914: {  	v7 =	vshll.u32 v14, $0x4;
	v16 =	vtrunc.f32 v19;
	[tilespmem:v5+s31+$0x0] =	vst.idx.add.f32.msk $0xffff, v2;
	v17 =	vor.u32 v1, v17  }
0x915: {  	v10 =	vcvt.f32.s32 v16;
	v5 =	vmul.f32 v6, v6;
	v6 =	vor.u32 v1, v7;
	[tilespmem:v12+s30+$0x0] =	vst.idx.add.f32.msk $0xffff, v8  }
0x916: {  	[tilespmem:v18+s30+$0x0] =	vst.idx.add.f32.msk $0xffff, v15  }
0x917: {  	v11 =	vmul.f32 v11, v11;
	v10 =	vshll.u32 v10, $0x4;
	[tilespmem:v12+s31+$0x0] =	vst.idx.add.f32.msk $0xffff, v2  }
0x918: {  	v10 =	vor.u32 v1, v10;
	[tilespmem:v18+s31+$0x0] =	vst.idx.add.f32.msk $0xffff, v2  }
0x919: {  	[tilespmem:v17+s30+$0x0] =	vst.idx.add.f32.msk $0xffff, v11  }
0x91a: {  	[tilespmem:v6+s30+$0x0] =	vst.idx.add.f32.msk $0xffff, v3  }
0x91b: {  	[tilespmem:v17+s31+$0x0] =	vst.idx.add.f32.msk $0xffff, v2  }
0x91c: {  	[tilespmem:v6+s31+$0x0] =	vst.idx.add.f32.msk $0xffff, v2  }
0x91d: {  	[tilespmem:v10+s30+$0x0] =	vst.idx.add.f32.msk $0xffff, v5;
	v5 =	vmul.f32 v13, v13  }
0x91e: {  	[tilespmem:v10+s31+$0x0] =	vst.idx.add.f32.msk $0xffff, v2  }
0x91f: {  	[tilespmem:v4+s30+$0x0] =	vst.idx.add.f32.msk $0xffff, v5  }
0x920: {  	[tilespmem:v4+s31+$0x0] =	vst.idx.add.f32.msk $0xffff, v2  }
0x921: {  	_ =	swait.ge [sflag:s29], $0x4E20  }
0x922: {  	[sflag:s29] =	ssyncset.done $0x0  }
0x923: {  	[sflag:s29] =	ssyncadd.s32 $0xFFFFB1E0  }
0x924: {  	_ =	swait.ge [sflag:s29], $0x4E20  }
0x925: {  	[sflag:s29] =	ssyncset.done $0x0  }
0x926: {  	s4 =	simm.s32 $0x9D50;
	[sflag:s29] =	ssyncadd.s32 $0xFFFFB1E0  }
0x927: {  	v3 =	vld [tilespmem:s4+$0xFFFFFFD0]  }
0x928: {  	v4 =	vld [tilespmem:s4+$0x40]  }
0x929: {  	s6 =	simm.s32 $0x50;
	v5 =	vld [tilespmem:s4+$0x0]  }
0x92a: {  	v6 =	vld [tilespmem:s6+$0x0]  }
0x92b: {  	v8 =	vld [tilespmem:s4+$0x10]  }
0x92c: {  	v7 =	vld [tilespmem:s6+$0x40]  }
0x92d: {  	v12 =	vld [tilespmem:s6+$0xFFFFFFD0]  }
0x92e: {  	v9 =	vld [tilespmem:s4+$0x20]  }
0x92f: {  	v11 =	vld [tilespmem:s4+$0xFFFFFFE0];
	_ =	sdelay $0x1  }
0x930: {  	v10 =	vld [tilespmem:s6+$0x20];
	v13 =	vand.u32 $0x7FFFFFFF, v8;
	v14 =	vand.u32 $0x7FFFFFFF, v4;
	v4 =	vsub.f32 v7, v4  }
0x931: {  	v15 =	vld [tilespmem:s4+$0xFFFFFFC0];
	v12 =	vsub.f32 v12, v3;
	v17 =	vtrunc.f32 v13;
	v7 =	vtrunc.f32 v14  }
0x932: {  	v16 =	vld [tilespmem:s4+$0xFFFFFFB0];
	v13 =	vand.u32 $0x7FFFFFFF, v5;
	v5 =	vsub.f32 v6, v5;
	v6 =	vand.u32 $0x7FFFFFFF, v9  }
0x933: {  	v14 =	vand.u32 $0x7FFFFFFF, v11;
	v13 =	vtrunc.f32 v13;
	v6 =	vtrunc.f32 v6  }
0x934: {  	s5 =	simm.s32 $0x0;
	v19 =	vand.u32 $0x7FFFFFFF, v3;
	v7 =	vcvt.f32.s32 v7;
	v14 =	vtrunc.f32 v14  }
0x935: {  	s7 =	sand.u32 $0x7FE0, s5;
	v9 =	vsub.f32 v10, v9;
	v18 =	vmul.f32 v4, v4;
	v3 =	vmul.f32 v12, v12  }
0x936: {  	v21 =	vld [tilespmem:s7+$0x9D80];
	v4 =	vand.u32 $0x7FFFFFFF, v15;
	v17 =	vcvt.f32.s32 v17;
	v13 =	vcvt.f32.s32 v13  }
0x937: {  	v10 =	vld [tilespmem:s6+$0xFFFFFFC0];
	v20 =	vmul.f32 v5, v5;
	v5 =	vand.u32 $0x7FFFFFFF, v16;
	v4 =	vtrunc.f32 v4  }
0x938: {  	v24 =	vld [tilespmem:s6+$0x10];
	v6 =	vcvt.f32.s32 v6;
	v25 =	vcvt.f32.s32 v14;
	v7 =	vshll.u32 v7, $0x4  }
0x939: {  	v14 =	vtrunc.f32 v19;
	v12 =	vshll.u32 v13, $0x4;
	v13 =	vld [tilespmem:s6+$0xFFFFFFE0];
	v22 =	vor.u32 v1, v7  }
0x93a: {  	v27 =	vld [tilespmem:s6+$0xFFFFFFB0];
	v4 =	vcvt.f32.s32 v4;
	v5 =	vtrunc.f32 v5  }
0x93b: {  	v14 =	vcvt.f32.s32 v14;
	v7 =	vcvt.f32.s32 v5;
	v26 =	vor.u32 v1, v12;
	v12 =	vld [tilespmem:s7+$0x80]  }
0x93c: {  	v23 =	vsub.f32 v10, v15;
	v4 =	vshll.u32 v4, $0x4;
	v10 =	vshll.u32 v6, $0x4;
	v6 =	vld [tilespmem:s6+$0xFFFFFFF0]  }
0x93d: {  	v5 =	vor.u32 v1, v4;
	v4 =	vshll.u32 v7, $0x4;
	v7 =	vld [tilespmem:s4+$0xFFFFFFF0];
	v10 =	vor.u32 v1, v10  }
0x93e: {  	v15 =	vmul.f32 v9, v9;
	v19 =	vsub.f32 v13, v11;
	v13 =	vand.u32 $0x7FFFFFFF, v21;
	[tilespmem:v22+s30+$0x0] =	vst.idx.add.f32.msk $0xffff, v18  }
0x93f: {  	v4 =	vor.u32 v1, v4;
	v11 =	vsub.f32 v24, v8;
	v8 =	vtrunc.f32 v13;
	[tilespmem:v22+s31+$0x0] =	vst.idx.add.f32.msk $0xffff, v2  }
0x940: {  	v9 =	vmul.f32 v23, v23;
	v13 =	vsub.f32 v27, v16;
	[tilespmem:v26+s30+$0x0] =	vst.idx.add.f32.msk $0xffff, v20;
	v18 =	vcvt.f32.s32 v8  }
0x941: {  	s6 =	simm.s32 $0xF0;
	v16 =	vsub.f32 v12, v21;
	v12 =	vshll.u32 v25, $0x4;
	v8 =	vmul.f32 v19, v19;
	[tilespmem:v26+s31+$0x0] =	vst.idx.add.f32.msk $0xffff, v2  }
.LBB2_52:
0x942: {  	s5 =	sadd.s32 $0xA0, s5;
	v14 =	vshll.u32 v14, $0x4;
	[tilespmem:v10+s30+$0x0] =	vst.idx.add.f32.msk $0xffff, v15;
	v15 =	vshll.u32 v18, $0x4;
	s4 =	sadd.s32 $0xA0, s4  }
0x943: {  	v16 =	vmul.f32 v16, v16;
	v18 =	vld [tilespmem:s6+$0xFFFFFFC0];
	s7 =	sand.u32 $0x7FE0, s5;
	p0 =	slt.u32 s5, $0x4D80;
	v14 =	vor.u32 v1, v14;
	v15 =	vor.u32 v1, v15  }
0x944: {  	v13 =	vmul.f32 v13, v13;
	v17 =	vshll.u32 v17, $0x4;
	[tilespmem:v10+s31+$0x0] =	vst.idx.add.f32.msk $0xffff, v2  }
0x945: {  	v10 =	vor.u32 v1, v17;
	v19 =	vld [tilespmem:s4+$0xFFFFFFB0]  }
0x946: {  	v17 =	vld [tilespmem:s4+$0xFFFFFFC0]  }
0x947: {  	v20 =	vld [tilespmem:s4+$0xFFFFFFD0]  }
0x948: {  	v11 =	vmul.f32 v11, v11;
	[tilespmem:v15+s30+$0x0] =	vst.idx.add.f32.msk $0xffff, v16  }
0x949: {  	[tilespmem:v15+s31+$0x0] =	vst.idx.add.f32.msk $0xffff, v2  }
0x94a: {  	[tilespmem:v10+s30+$0x0] =	vst.idx.add.f32.msk $0xffff, v11  }
0x94b: {  	v11 =	vld [tilespmem:s4+$0x40]  }
0x94c: {  	[tilespmem:v10+s31+$0x0] =	vst.idx.add.f32.msk $0xffff, v2  }
0x94d: {  	v12 =	vor.u32 v1, v12;
	v10 =	vld [tilespmem:s4+$0xFFFFFFE0]  }
0x94e: {  	v16 =	vand.u32 $0x7FFFFFFF, v7;
	v15 =	vld [tilespmem:s4+$0x0]  }
0x94f: {  	v16 =	vtrunc.f32 v16;
	v21 =	vld [tilespmem:s6+$0x0]  }
0x950: {  	v16 =	vcvt.f32.s32 v16;
	v22 =	vld [tilespmem:s6+$0x20]  }
0x951: {  	[tilespmem:v5+s30+$0x0] =	vst.idx.add.f32.msk $0xffff, v9  }
0x952: {  	v16 =	vshll.u32 v16, $0x4;
	v9 =	vld [tilespmem:s6+$0x40]  }
0x953: {  	v16 =	vor.u32 v1, v16;
	v23 =	vld [tilespmem:s4+$0x10]  }
0x954: {  	v6 =	vsub.f32 v6, v7;
	v24 =	vld [tilespmem:s6+$0xFFFFFFD0]  }
0x955: {  	v7 =	vld [tilespmem:s4+$0x20]  }
0x956: {  	[tilespmem:v5+s31+$0x0] =	vst.idx.add.f32.msk $0xffff, v2;
	v5 =	vmul.f32 v6, v6  }
0x957: {  	[tilespmem:v12+s30+$0x0] =	vst.idx.add.f32.msk $0xffff, v8  }
0x958: {  	v8 =	vand.u32 $0x7FFFFFFF, v11;
	v9 =	vsub.f32 v9, v11;
	v6 =	vand.u32 $0x7FFFFFFF, v23;
	[tilespmem:v16+s30+$0x0] =	vst.idx.add.f32.msk $0xffff, v5  }
0x959: {  	v5 =	vtrunc.f32 v8;
	v25 =	vtrunc.f32 v6;
	[tilespmem:v12+s31+$0x0] =	vst.idx.add.f32.msk $0xffff, v2  }
0x95a: {  	v8 =	vsub.f32 v21, v15;
	v6 =	vand.u32 $0x7FFFFFFF, v15;
	v11 =	vand.u32 $0x7FFFFFFF, v7;
	[tilespmem:v16+s31+$0x0] =	vst.idx.add.f32.msk $0xffff, v2  }
0x95b: {  	v6 =	vtrunc.f32 v6;
	v7 =	vsub.f32 v22, v7;
	v11 =	vtrunc.f32 v11;
	[tilespmem:v4+s30+$0x0] =	vst.idx.add.f32.msk $0xffff, v13  }
0x95c: {  	v12 =	vand.u32 $0x7FFFFFFF, v10;
	v5 =	vcvt.f32.s32 v5;
	v6 =	vcvt.f32.s32 v6;
	[tilespmem:v14+s30+$0x0] =	vst.idx.add.f32.msk $0xffff, v3  }
0x95d: {  	v9 =	vmul.f32 v9, v9;
	v12 =	vtrunc.f32 v12;
	v3 =	vsub.f32 v24, v20;
	[tilespmem:v14+s31+$0x0] =	vst.idx.add.f32.msk $0xffff, v2  }
0x95e: {  	v13 =	vand.u32 $0x7FFFFFFF, v17;
	v5 =	vshll.u32 v5, $0x4;
	v14 =	vand.u32 $0x7FFFFFFF, v20;
	[tilespmem:v4+s31+$0x0] =	vst.idx.add.f32.msk $0xffff, v2  }
0x95f: {  	v8 =	vmul.f32 v8, v8;
	v3 =	vmul.f32 v3, v3;
	v4 =	vshll.u32 v6, $0x4;
	v16 =	vld [tilespmem:s7+$0x9D80]  }
0x960: {  	v13 =	vtrunc.f32 v13;
	v21 =	vor.u32 v1, v5;
	v6 =	vand.u32 $0x7FFFFFFF, v19;
	v20 =	vld [tilespmem:s6+$0xFFFFFFE0]  }
0x961: {  	v11 =	vcvt.f32.s32 v11;
	v5 =	vcvt.f32.s32 v13;
	v13 =	vsub.f32 v18, v17;
	v17 =	vld [tilespmem:s6+$0x10]  }
0x962: {  	v12 =	vcvt.f32.s32 v12;
	v6 =	vtrunc.f32 v6;
	v22 =	vor.u32 v1, v4;
	v24 =	vld [tilespmem:s7+$0x80]  }
0x963: {  	v11 =	vshll.u32 v11, $0x4;
	v5 =	vshll.u32 v5, $0x4;
	v4 =	vcvt.f32.s32 v6;
	v18 =	vld [tilespmem:s6+$0xFFFFFFB0]  }
0x964: {  	v15 =	vmul.f32 v7, v7;
	v14 =	vtrunc.f32 v14;
	v5 =	vor.u32 v1, v5;
	v6 =	vld [tilespmem:s6+$0xFFFFFFF0]  }
.Ltmp25:
0x965: {  	v4 =	vshll.u32 v4, $0x4;
	v20 =	vsub.f32 v20, v10;
	v7 =	vld [tilespmem:s4+$0xFFFFFFF0];
	v10 =	vor.u32 v1, v11;
	(pc) =	sbr.rel @p0 .LBB2_52-.Ltmp25, $4  }
0x966: {  	v14 =	vcvt.f32.s32 v14;
	v4 =	vor.u32 v1, v4;
	v26 =	vand.u32 $0x7FFFFFFF, v16;
	[tilespmem:v21+s30+$0x0] =	vst.idx.add.f32.msk $0xffff, v9  }
0x967: {  	v9 =	vmul.f32 v13, v13;
	v11 =	vsub.f32 v17, v23;
	v17 =	vtrunc.f32 v26;
	[tilespmem:v21+s31+$0x0] =	vst.idx.add.f32.msk $0xffff, v2  }
0x968: {  	v16 =	vsub.f32 v24, v16;
	v13 =	vsub.f32 v18, v19;
	[tilespmem:v22+s30+$0x0] =	vst.idx.add.f32.msk $0xffff, v8;
	v18 =	vcvt.f32.s32 v17  }
0x969: {  	v12 =	vshll.u32 v12, $0x4;
	s6 =	sadd.s32 $0xA0, s6;
	v8 =	vmul.f32 v20, v20;
	v17 =	vcvt.f32.s32 v25;
	[tilespmem:v22+s31+$0x0] =	vst.idx.add.f32.msk $0xffff, v2  }
0x96a: {  	_ =	sdelay $0x3  }
0x96b: {  	[tilespmem:v10+s30+$0x0] =	vst.idx.add.f32.msk $0xffff, v15  }
0x96c: {  	v18 =	vshll.u32 v18, $0x4;
	v12 =	vor.u32 v1, v12;
	[tilespmem:v5+s30+$0x0] =	vst.idx.add.f32.msk $0xffff, v9  }
0x96d: {  	v63 =	vmul.f32 v13, v13;
	v18 =	vor.u32 v1, v18;
	[tilespmem:v10+s31+$0x0] =	vst.idx.add.f32.msk $0xffff, v2  }
0x96e: {  	v60 =	vshll.u32 v14, $0x4;
	[tilespmem:v5+s31+$0x0] =	vst.idx.add.f32.msk $0xffff, v2  }
0x96f: {  	v19 =	vand.u32 $0x7FFFFFFF, v7;
	v62 =	vor.u32 v1, v60;
	[tilespmem:v4+s30+$0x0] =	vst.idx.add.f32.msk $0xffff, v63  }
0x970: {  	v57 =	vmul.f32 v16, v16;
	v17 =	vshll.u32 v17, $0x4;
	v58 =	vtrunc.f32 v19;
	[tilespmem:v4+s31+$0x0] =	vst.idx.add.f32.msk $0xffff, v2  }
0x971: {  	v17 =	vor.u32 v1, v17;
	v59 =	vcvt.f32.s32 v58;
	[tilespmem:v12+s30+$0x0] =	vst.idx.add.f32.msk $0xffff, v8  }
0x972: {  	[tilespmem:v18+s30+$0x0] =	vst.idx.add.f32.msk $0xffff, v57  }
0x973: {  	v10 =	vshll.u32 v59, $0x4;
	[tilespmem:v12+s31+$0x0] =	vst.idx.add.f32.msk $0xffff, v2  }
0x974: {  	v11 =	vmul.f32 v11, v11;
	v10 =	vor.u32 v1, v10;
	[tilespmem:v62+s30+$0x0] =	vst.idx.add.f32.msk $0xffff, v3  }
0x975: {  	v6 =	vsub.f32 v6, v7;
	[tilespmem:v18+s31+$0x0] =	vst.idx.add.f32.msk $0xffff, v2  }
0x976: {  	[tilespmem:v17+s30+$0x0] =	vst.idx.add.f32.msk $0xffff, v11  }
0x977: {  	v61 =	vmul.f32 v6, v6;
	[tilespmem:v62+s31+$0x0] =	vst.idx.add.f32.msk $0xffff, v2  }
0x978: {  	[tilespmem:v17+s31+$0x0] =	vst.idx.add.f32.msk $0xffff, v2  }
0x979: {  	[tilespmem:v10+s30+$0x0] =	vst.idx.add.f32.msk $0xffff, v61  }
0x97a: {  	[tilespmem:v10+s31+$0x0] =	vst.idx.add.f32.msk $0xffff, v2  }
0x97b: {  	[hbm4b:s22+s1] =	stream.linear.scatter [tilespmem:s30], [sflag:$0x3], $0x400, $0x38;
	[tilespmem:$0x14200] =	vst v63  }
0x97c: {  	s3 =	sadd.s32 $0x1, s3;
	_ =	swait.ge [sflag:s2], $0x400  }
0x97d: {  	p0 =	sne.s32 s3, s24;
	[sflag:s2] =	ssyncset.done $0x0  }
.Ltmp26:
0x97e: {  	[sflag:s2] =	ssyncadd.s32 $0xFFFFFC00;
	(pc) =	sbr.rel @p0 .LBB2_1-.Ltmp26, $4  }
0x97f: {  	[hbm4b:s23+s1] =	stream.linear.scatter [tilespmem:s31], [sflag:$0x3], $0x400, $0x38;
	[tilespmem:$0x14200] =	vst v63  }
0x980: {  	_ =	swait.ge [sflag:s2], $0x400  }
0x981: {  	[sflag:s2] =	ssyncset.done $0x0  }
0x982: {  	[sflag:s2] =	ssyncadd.s32 $0xFFFFFC00  }
0x983: {  	_ =	sfence.sel $0x180000  }
0x984: {  	[bflag:$0x0] =	sbarrier.arrive $0xFFFF  }
0x985: {  	_ =	strace $0x90000047  }
0x986: {  	s0 =	stileid.u32;
	[bflag:$0x2] =	sbarrier.arrive $0xFFFF  }
0x987: {  	p0 =	sne.s32 s0, $0x0;
	s0 =	rddreg [dreg:$0x3]  }
0x988: {  	s0 =	sadd.s32 @!p0 $0x100000, s0  }
0x989: {  	[sflag:s0] =	ssyncadd.tile.s32 @!p0 $0x1;
	_ =	shalt  }
.Lfunc_end2:
_tile_overlayer_lowered:
.L_overlay_start_2:
0x98a: {  	(tag) =	ssettag $0x2  }
0x98b: {  	s0 =	rddreg [dreg:$0x0];
	s2 =	stileid.u32  }
0x98c: {  	s1 =	rddreg [dreg:$0x1];
	p0 =	sne.s32 s2, $0x0  }
0x98d: {  	s3 =	rddreg [dreg:$0x2];
	[bflag:$0x3] =	sbarrier.arrive $0xFFFF;
	s2 =	simm.s32 @!p0 $0x1C03  }
0x98e: {  	[timem:s3], [sflag:s2] =	dma.local @!p0 [hbm:s0], s1  }
0x98f: {  	s0 =	simm.s32 @!p0 $0x3  }
0x990: {  	_ =	swait.ge @!p0 [sflag:s0], s1  }
0x991: {  	s1 =	ssub.s32 @!p0 $0x0, s1;
	[sflag:s0] =	ssyncset.done @!p0 $0x0  }
0x992: {  	[sflag:s0] =	ssyncadd.s32 @!p0 s1  }
0x993: {  	[bflag:$0x3] =	sbarrier.arrive $0xFFFF  }
0x994: {  	_ =	shalt  }

</sc_bundles>
